<compile_context>
chip_gen: v7x
topology: tpu7x:2x2x1
jax: 0.10.2.dev20260603
libtpu: 0.0.44.dev20260713+nightly
codegen_flags: <defaults>
</compile_context>

<pallas_src>
import functools

import jax
import jax.numpy as jnp
from jax import lax
from jax.experimental import pallas as pl
from jax.experimental.pallas import tpu as pltpu
from jax.experimental.pallas import tpu_sc as plsc

B = 2
N = 10000
M = 10000
K = 4
D = 512
L = 16

NUM_CORES = 2
NUM_SUBCORES = 16
NW = NUM_CORES * NUM_SUBCORES

C = 16
CPB = M // C
CHUNKS = B * CPB
ITERS = -(-CHUNKS // NW)
IDX_W = K * C


def _unpool_body(xf, idxf, out,
                 idxd0, idxd1, idxa0, idxa1, g0, g1, shx, o0, o1,
                 sem_g0, sem_g1, sem_xi0, sem_xi1,
                 sem_xo0, sem_xo1, sem_o0, sem_o1, sem_i0, sem_i1):
  g = (g0, g1)
  idxd = (idxd0, idxd1)
  idxa = (idxa0, idxa1)
  o = (o0, o1)
  sem_g = (sem_g0, sem_g1)
  sem_xi = (sem_xi0, sem_xi1)
  sem_xo = (sem_xo0, sem_xo1)
  sem_o = (sem_o0, sem_o1)
  sem_i = (sem_i0, sem_i1)

  sid = lax.axis_index("s")
  w = sid * NUM_CORES + lax.axis_index("c")

  def chunk_coords(c):
    b = c // CPB
    f0 = (c - b * CPB) * C
    return b, f0

  def gather_desc(p):
    return pltpu.make_async_copy(xf.at[idxa[p]], g[p], sem_g[p])

  def idx_desc(c, p):
    cm = c - (c // CPB) * CPB
    return pltpu.make_async_copy(idxf.at[pl.ds(cm * IDX_W, IDX_W)],
                                 idxd[p], sem_i[p])

  def issue_gather(c, p):
    idx_desc(c, p).wait()
    boff = (c // CPB) * N
    for q in range(IDX_W // L):
      idxa[p][pl.ds(q * L, L)] = idxd[p][pl.ds(q * L, L)] + boff
    gather_desc(p).start()

  def xin_desc(c, p):
    b, f0 = chunk_coords(c)
    return pltpu.make_async_copy(xf.at[pl.ds(b * N + f0, C)],
                                 shx.at[sid, p], sem_xi[p])

  idx_desc(w, 0).start()
  issue_gather(w, 0)
  xin_desc(w, 0).start()

  @pl.when(w + NW < CHUNKS)
  def _():
    idx_desc(w + NW, 1).start()

  def step(j, p):
    nxt = 1 - p
    c = w + j * NW
    b, f0 = chunk_coords(c)

    @pl.when(c < CHUNKS)
    def _():
      @pl.when(c + NW < CHUNKS)
      def _():
        @pl.when(j >= 1)
        def _():
          pltpu.make_async_copy(shx.at[sid, nxt], out.at[pl.ds(0, C)],
                                sem_xo[nxt]).wait()
        issue_gather(c + NW, nxt)
        xin_desc(c + NW, nxt).start()
        @pl.when(c + 2 * NW < CHUNKS)
        def _():
          idx_desc(c + 2 * NW, p).start()

      xin_desc(c, p).wait()
      pltpu.make_async_copy(shx.at[sid, p],
                            out.at[pl.ds(b * (N + M) + f0, C)],
                            sem_xo[p]).start()

      gather_desc(p).wait()

      @pl.when(j >= 2)
      def _():
        pltpu.make_async_copy(o[p], out.at[pl.ds(0, C)], sem_o[p]).wait()

      @plsc.parallel_loop(0, C, 1, unroll=4)
      def _(i):
        for u in range(D // L):
          ds = pl.ds(u * L, L)
          acc = g[p][K * i, ds]
          for kk in range(1, K):
            acc = acc + g[p][K * i + kk, ds]
          o[p][i, ds] = acc * (1.0 / K)
      pltpu.make_async_copy(o[p], out.at[pl.ds(b * (N + M) + N + f0, C)],
                            sem_o[p]).start()

  def fori_body(j2, carry):
    for p in range(2):
      step(2 * j2 + p, p)
    return carry

  lax.fori_loop(0, ITERS // 2, fori_body, 0)

  for p in range(2):
    pltpu.make_async_copy(shx.at[sid, p], out.at[pl.ds(0, C)],
                          sem_xo[p]).wait()
    pltpu.make_async_copy(o[p], out.at[pl.ds(0, C)], sem_o[p]).wait()


@jax.jit
def kernel(x, pool_idx):
  xf = x.reshape(B * N, D)
  idxf = pool_idx.astype(jnp.int32).reshape(M * K)

  mesh = plsc.VectorSubcoreMesh(
      core_axis_name="c", subcore_axis_name="s",
      num_cores=NUM_CORES, num_subcores=NUM_SUBCORES)

  out = pl.kernel(
      _unpool_body,
      out_type=jax.ShapeDtypeStruct((B * (N + M), D), jnp.float32),
      mesh=mesh,
      scratch_types=[
          pltpu.VMEM((IDX_W,), jnp.int32),
          pltpu.VMEM((IDX_W,), jnp.int32),
          pltpu.VMEM((IDX_W,), jnp.int32),
          pltpu.VMEM((IDX_W,), jnp.int32),
          pltpu.VMEM((IDX_W, D), jnp.float32),
          pltpu.VMEM((IDX_W, D), jnp.float32),
          pltpu.VMEM_SHARED((NUM_SUBCORES, 2, C, D),
                            jnp.float32),
          pltpu.VMEM((C, D), jnp.float32),
          pltpu.VMEM((C, D), jnp.float32),
          pltpu.SemaphoreType.DMA,
          pltpu.SemaphoreType.DMA,
          pltpu.SemaphoreType.DMA,
          pltpu.SemaphoreType.DMA,
          pltpu.SemaphoreType.DMA,
          pltpu.SemaphoreType.DMA,
          pltpu.SemaphoreType.DMA,
          pltpu.SemaphoreType.DMA,
          pltpu.SemaphoreType.DMA,
          pltpu.SemaphoreType.DMA,
      ],
  )(xf, idxf)

  return out.reshape(B, N + M, D)

# --- scband reference (transcript-rebuilt; emitter-appended) ---
"""Pipeline reference for scband-graph-unpool-19799799234717 (READ-ONLY COPY).

The authoritative reference and input builder live on the scoring server;
editing this copy changes nothing except your own understanding.
"""

import jax, jax.numpy as jnp
import numpy as np


def setup_inputs(seed: int = 0) -> dict:
    key = jax.random.key(seed)
    k1, k2 = jax.random.split(key)
    x = jax.random.normal(k1, (2, 10000, 512), dtype=jnp.float32)
    pool_idx = jax.random.randint(k2, (10000, 4), 0, 10000, dtype=jnp.int64)
    return {"x": x, "pool_idx": pool_idx}


def reference(x, pool_idx):
    # x: [B, N, d]; pool_idx: [M, k] with values in [0, N)
    # gather -> [B, M, k, d]; mean over cluster dim 2 -> [B, M, d]
    gathered = x[:, pool_idx]
    add_feat = jnp.sum(gathered, axis=2) / pool_idx.shape[-1]
    outputs = jnp.concatenate([x, add_feat], axis=1)
    return outputs

if __name__ == "__main__":
    import jax
    _d = setup_inputs()
    print(jax.jit(kernel)(*tuple(_d.values())))

</pallas_src>

<mosaic_0001>
#map = affine_map<(d0, d1) -> (0, 0)>
#map1 = affine_map<(d0, d1) -> (0)>
module attributes {stable_mosaic.version = 14 : i64} {
  func.func @_unpool_body(%arg0: i32, %arg1: i32, %arg2: memref<20000x512xf32, #tpu.memory_space<hbm>>, %arg3: memref<40000xi32, #tpu.memory_space<hbm>>, %arg4: memref<40000x512xf32, #tpu.memory_space<hbm>>, %arg5: memref<64xi32, #tpu.memory_space<vmem>>, %arg6: memref<64xi32, #tpu.memory_space<vmem>>, %arg7: memref<64xi32, #tpu.memory_space<vmem>>, %arg8: memref<64xi32, #tpu.memory_space<vmem>>, %arg9: memref<64x512xf32, #tpu.memory_space<vmem>>, %arg10: memref<64x512xf32, #tpu.memory_space<vmem>>, %arg11: memref<16x2x16x512xf32, #tpu.memory_space<vmem_shared>>, %arg12: memref<16x512xf32, #tpu.memory_space<vmem>>, %arg13: memref<16x512xf32, #tpu.memory_space<vmem>>, %arg14: memref<!tpu.dma_semaphore, #tpu.memory_space<semaphore_mem>>, %arg15: memref<!tpu.dma_semaphore, #tpu.memory_space<semaphore_mem>>, %arg16: memref<!tpu.dma_semaphore, #tpu.memory_space<semaphore_mem>>, %arg17: memref<!tpu.dma_semaphore, #tpu.memory_space<semaphore_mem>>, %arg18: memref<!tpu.dma_semaphore, #tpu.memory_space<semaphore_mem>>, %arg19: memref<!tpu.dma_semaphore, #tpu.memory_space<semaphore_mem>>, %arg20: memref<!tpu.dma_semaphore, #tpu.memory_space<semaphore_mem>>, %arg21: memref<!tpu.dma_semaphore, #tpu.memory_space<semaphore_mem>>, %arg22: memref<!tpu.dma_semaphore, #tpu.memory_space<semaphore_mem>>, %arg23: memref<!tpu.dma_semaphore, #tpu.memory_space<semaphore_mem>>) attributes {dimension_semantics = [#tpu.dimension_semantics<core_parallel>, #tpu.dimension_semantics<subcore_parallel>], iteration_bounds = array<i64: 2, 16>, scalar_prefetch = 0 : i64, scratch_operands = 19 : i64, tpu.core_type = #tpu.core_type<sc_vector_subcore>, window_params = [{transform_indices = #map}, {transform_indices = #map1}, {transform_indices = #map}]} {
    %mul3A = arith.constant 2 : i32
    %mul3A_0 = arith.muli %arg1, %mul3A : i32
    %add3A = arith.addi %mul3A_0, %arg0 : i32
    %jit3A = arith.constant 625 : i32
    %div3A = arith.divsi %add3A, %jit3A : i32
    %sign3A = arith.constant 0 : i32
    %sign3A_1 = arith.cmpi sgt, %add3A, %sign3A : i32
    %sign3A_2 = arith.extui %sign3A_1 : i1 to i32
    %sign3A_3 = arith.constant 0 : i32
    %sign3A_4 = arith.cmpi slt, %add3A, %sign3A_3 : i32
    %sign3A_5 = arith.extui %sign3A_4 : i1 to i32
    %sign3A_6 = arith.subi %sign3A_2, %sign3A_5 : i32
    %sign3A_7 = arith.constant 0 : i32
    %sign3A_8 = arith.cmpi sgt, %jit3A, %sign3A_7 : i32
    %sign3A_9 = arith.extui %sign3A_8 : i1 to i32
    %sign3A_10 = arith.constant 0 : i32
    %sign3A_11 = arith.cmpi slt, %jit3A, %sign3A_10 : i32
    %sign3A_12 = arith.extui %sign3A_11 : i1 to i32
    %sign3A_13 = arith.subi %sign3A_9, %sign3A_12 : i32
    %ne3A = arith.cmpi ne, %sign3A_6, %sign3A_13 : i32
    %rem3A = arith.remsi %add3A, %jit3A : i32
    %ne3A_14 = arith.constant 0 : i32
    %ne3A_15 = arith.cmpi ne, %rem3A, %ne3A_14 : i32
    %and3A = arith.andi %ne3A, %ne3A_15 : i1
    %sub3A = arith.constant 1 : i32
    %sub3A_16 = arith.subi %div3A, %sub3A : i32
    %select_n3A = arith.select %and3A, %sub3A_16, %div3A : i32
    %mul3A_17 = arith.constant 625 : i32
    %mul3A_18 = arith.muli %select_n3A, %mul3A_17 : i32
    %sub3A_19 = arith.subi %add3A, %mul3A_18 : i32
    %mul3A_20 = arith.constant 64 : i32
    %mul3A_21 = arith.muli %sub3A_19, %mul3A_20 : i32
    %dma_start3A = tpu.memref_slice %arg3[%mul3A_21] : memref<40000xi32, #tpu.memory_space<hbm>> -> memref<64xi32, #tpu.memory_space<hbm>>
    %dma_start3A_22 = tpu.memref_slice %arg3[%mul3A_21] : memref<40000xi32, #tpu.memory_space<hbm>> -> memref<64xi32, #tpu.memory_space<hbm>>
    tpu.enqueue_dma source(%dma_start3A_22 : memref<64xi32, #tpu.memory_space<hbm>>) target(%arg5 : memref<64xi32, #tpu.memory_space<vmem>>) target_semaphore(%arg22 : memref<!tpu.dma_semaphore, #tpu.memory_space<semaphore_mem>>)
    %jit3A_23 = arith.constant 625 : i32
    %div3A_24 = arith.divsi %add3A, %jit3A_23 : i32
    %sign3A_25 = arith.constant 0 : i32
    %sign3A_26 = arith.cmpi sgt, %add3A, %sign3A_25 : i32
    %sign3A_27 = arith.extui %sign3A_26 : i1 to i32
    %sign3A_28 = arith.constant 0 : i32
    %sign3A_29 = arith.cmpi slt, %add3A, %sign3A_28 : i32
    %sign3A_30 = arith.extui %sign3A_29 : i1 to i32
    %sign3A_31 = arith.subi %sign3A_27, %sign3A_30 : i32
    %sign3A_32 = arith.constant 0 : i32
    %sign3A_33 = arith.cmpi sgt, %jit3A_23, %sign3A_32 : i32
    %sign3A_34 = arith.extui %sign3A_33 : i1 to i32
    %sign3A_35 = arith.constant 0 : i32
    %sign3A_36 = arith.cmpi slt, %jit3A_23, %sign3A_35 : i32
    %sign3A_37 = arith.extui %sign3A_36 : i1 to i32
    %sign3A_38 = arith.subi %sign3A_34, %sign3A_37 : i32
    %ne3A_39 = arith.cmpi ne, %sign3A_31, %sign3A_38 : i32
    %rem3A_40 = arith.remsi %add3A, %jit3A_23 : i32
    %ne3A_41 = arith.constant 0 : i32
    %ne3A_42 = arith.cmpi ne, %rem3A_40, %ne3A_41 : i32
    %and3A_43 = arith.andi %ne3A_39, %ne3A_42 : i1
    %sub3A_44 = arith.constant 1 : i32
    %sub3A_45 = arith.subi %div3A_24, %sub3A_44 : i32
    %select_n3A_46 = arith.select %and3A_43, %sub3A_45, %div3A_24 : i32
    %mul3A_47 = arith.constant 625 : i32
    %mul3A_48 = arith.muli %select_n3A_46, %mul3A_47 : i32
    %sub3A_49 = arith.subi %add3A, %mul3A_48 : i32
    %mul3A_50 = arith.constant 64 : i32
    %mul3A_51 = arith.muli %sub3A_49, %mul3A_50 : i32
    %dma_wait3A = tpu.memref_slice %arg3[%mul3A_51] : memref<40000xi32, #tpu.memory_space<hbm>> -> memref<64xi32, #tpu.memory_space<hbm>>
    %dma_wait3A_52 = tpu.memref_slice %arg3[%mul3A_51] : memref<40000xi32, #tpu.memory_space<hbm>> -> memref<64xi32, #tpu.memory_space<hbm>>
    tpu.wait_dma2 semaphore(%arg22 : memref<!tpu.dma_semaphore, #tpu.memory_space<semaphore_mem>>) src(%dma_wait3A_52 : memref<64xi32, #tpu.memory_space<hbm>>) dst(%arg5 : memref<64xi32, #tpu.memory_space<vmem>>)
    %jit3A_53 = arith.constant 625 : i32
    %div3A_54 = arith.divsi %add3A, %jit3A_53 : i32
    %sign3A_55 = arith.constant 0 : i32
    %sign3A_56 = arith.cmpi sgt, %add3A, %sign3A_55 : i32
    %sign3A_57 = arith.extui %sign3A_56 : i1 to i32
    %sign3A_58 = arith.constant 0 : i32
    %sign3A_59 = arith.cmpi slt, %add3A, %sign3A_58 : i32
    %sign3A_60 = arith.extui %sign3A_59 : i1 to i32
    %sign3A_61 = arith.subi %sign3A_57, %sign3A_60 : i32
    %sign3A_62 = arith.constant 0 : i32
    %sign3A_63 = arith.cmpi sgt, %jit3A_53, %sign3A_62 : i32
    %sign3A_64 = arith.extui %sign3A_63 : i1 to i32
    %sign3A_65 = arith.constant 0 : i32
    %sign3A_66 = arith.cmpi slt, %jit3A_53, %sign3A_65 : i32
    %sign3A_67 = arith.extui %sign3A_66 : i1 to i32
    %sign3A_68 = arith.subi %sign3A_64, %sign3A_67 : i32
    %ne3A_69 = arith.cmpi ne, %sign3A_61, %sign3A_68 : i32
    %rem3A_70 = arith.remsi %add3A, %jit3A_53 : i32
    %ne3A_71 = arith.constant 0 : i32
    %ne3A_72 = arith.cmpi ne, %rem3A_70, %ne3A_71 : i32
    %and3A_73 = arith.andi %ne3A_69, %ne3A_72 : i1
    %sub3A_74 = arith.constant 1 : i32
    %sub3A_75 = arith.subi %div3A_54, %sub3A_74 : i32
    %select_n3A_76 = arith.select %and3A_73, %sub3A_75, %div3A_54 : i32
    %mul3A_77 = arith.constant 10000 : i32
    %mul3A_78 = arith.muli %select_n3A_76, %mul3A_77 : i32
    %get3A = arith.constant 0 : index
    %get3A_79 = tpu.vector_load %arg5[%get3A] {strides = array<i32>} : memref<64xi32, #tpu.memory_space<vmem>>, vector<16xi32>,
    %get3A_80 = vector.shape_cast %get3A_79 : vector<16xi32> to vector<16xi32>
    %add3A_81 = vector.broadcast %mul3A_78 : i32 to vector<16xi32>
    %add3A_82 = arith.addi %get3A_80, %add3A_81 : vector<16xi32>
    %swap3A = arith.constant 0 : index
    %swap3A_83 = tpu.vector_load %arg7[%swap3A] {strides = array<i32>} : memref<64xi32, #tpu.memory_space<vmem>>, vector<16xi32>,
    %swap3A_84 = vector.shape_cast %swap3A_83 : vector<16xi32> to vector<16xi32>
    %swap3A_85 = vector.shape_cast %add3A_82 : vector<16xi32> to vector<16xi32>
    tpu.vector_store %arg7[%swap3A], %swap3A_85 {strides = array<i32>} : memref<64xi32, #tpu.memory_space<vmem>>, vector<16xi32>,
    %get3A_86 = arith.constant 16 : index
    %get3A_87 = tpu.vector_load %arg5[%get3A_86] {strides = array<i32>} : memref<64xi32, #tpu.memory_space<vmem>>, vector<16xi32>,
    %get3A_88 = vector.shape_cast %get3A_87 : vector<16xi32> to vector<16xi32>
    %add3A_89 = vector.broadcast %mul3A_78 : i32 to vector<16xi32>
    %add3A_90 = arith.addi %get3A_88, %add3A_89 : vector<16xi32>
    %swap3A_91 = arith.constant 16 : index
    %swap3A_92 = tpu.vector_load %arg7[%swap3A_91] {strides = array<i32>} : memref<64xi32, #tpu.memory_space<vmem>>, vector<16xi32>,
    %swap3A_93 = vector.shape_cast %swap3A_92 : vector<16xi32> to vector<16xi32>
    %swap3A_94 = vector.shape_cast %add3A_90 : vector<16xi32> to vector<16xi32>
    tpu.vector_store %arg7[%swap3A_91], %swap3A_94 {strides = array<i32>} : memref<64xi32, #tpu.memory_space<vmem>>, vector<16xi32>,
    %get3A_95 = arith.constant 32 : index
    %get3A_96 = tpu.vector_load %arg5[%get3A_95] {strides = array<i32>} : memref<64xi32, #tpu.memory_space<vmem>>, vector<16xi32>,
    %get3A_97 = vector.shape_cast %get3A_96 : vector<16xi32> to vector<16xi32>
    %add3A_98 = vector.broadcast %mul3A_78 : i32 to vector<16xi32>
    %add3A_99 = arith.addi %get3A_97, %add3A_98 : vector<16xi32>
    %swap3A_100 = arith.constant 32 : index
    %swap3A_101 = tpu.vector_load %arg7[%swap3A_100] {strides = array<i32>} : memref<64xi32, #tpu.memory_space<vmem>>, vector<16xi32>,
    %swap3A_102 = vector.shape_cast %swap3A_101 : vector<16xi32> to vector<16xi32>
    %swap3A_103 = vector.shape_cast %add3A_99 : vector<16xi32> to vector<16xi32>
    tpu.vector_store %arg7[%swap3A_100], %swap3A_103 {strides = array<i32>} : memref<64xi32, #tpu.memory_space<vmem>>, vector<16xi32>,
    %get3A_104 = arith.constant 48 : index
    %get3A_105 = tpu.vector_load %arg5[%get3A_104] {strides = array<i32>} : memref<64xi32, #tpu.memory_space<vmem>>, vector<16xi32>,
    %get3A_106 = vector.shape_cast %get3A_105 : vector<16xi32> to vector<16xi32>
    %add3A_107 = vector.broadcast %mul3A_78 : i32 to vector<16xi32>
    %add3A_108 = arith.addi %get3A_106, %add3A_107 : vector<16xi32>
    %swap3A_109 = arith.constant 48 : index
    %swap3A_110 = tpu.vector_load %arg7[%swap3A_109] {strides = array<i32>} : memref<64xi32, #tpu.memory_space<vmem>>, vector<16xi32>,
    %swap3A_111 = vector.shape_cast %swap3A_110 : vector<16xi32> to vector<16xi32>
    %swap3A_112 = vector.shape_cast %add3A_108 : vector<16xi32> to vector<16xi32>
    tpu.vector_store %arg7[%swap3A_109], %swap3A_112 {strides = array<i32>} : memref<64xi32, #tpu.memory_space<vmem>>, vector<16xi32>,
    %dma_start3A_113 = arith.constant 0 : i32
    %dma_start3A_114 = arith.constant 0 : i32
    %dma_start3A_115 = tpu.memref_slice %arg2[%dma_start3A_113, %dma_start3A_114] : memref<20000x512xf32, #tpu.memory_space<hbm>> -> memref<20000x512xf32, #tpu.memory_space<hbm>>
    tpu.enqueue_indirect_dma source(%dma_start3A_115 : memref<20000x512xf32, #tpu.memory_space<hbm>>) target(%arg9 : memref<64x512xf32, #tpu.memory_space<vmem>>) offsets(%arg7 : memref<64xi32, #tpu.memory_space<vmem>>) semaphore(%arg14 : memref<!tpu.dma_semaphore, #tpu.memory_space<semaphore_mem>>)
    %jit3A_116 = arith.constant 625 : i32
    %div3A_117 = arith.divsi %add3A, %jit3A_116 : i32
    %sign3A_118 = arith.constant 0 : i32
    %sign3A_119 = arith.cmpi sgt, %add3A, %sign3A_118 : i32
    %sign3A_120 = arith.extui %sign3A_119 : i1 to i32
    %sign3A_121 = arith.constant 0 : i32
    %sign3A_122 = arith.cmpi slt, %add3A, %sign3A_121 : i32
    %sign3A_123 = arith.extui %sign3A_122 : i1 to i32
    %sign3A_124 = arith.subi %sign3A_120, %sign3A_123 : i32
    %sign3A_125 = arith.constant 0 : i32
    %sign3A_126 = arith.cmpi sgt, %jit3A_116, %sign3A_125 : i32
    %sign3A_127 = arith.extui %sign3A_126 : i1 to i32
    %sign3A_128 = arith.constant 0 : i32
    %sign3A_129 = arith.cmpi slt, %jit3A_116, %sign3A_128 : i32
    %sign3A_130 = arith.extui %sign3A_129 : i1 to i32
    %sign3A_131 = arith.subi %sign3A_127, %sign3A_130 : i32
    %ne3A_132 = arith.cmpi ne, %sign3A_124, %sign3A_131 : i32
    %rem3A_133 = arith.remsi %add3A, %jit3A_116 : i32
    %ne3A_134 = arith.constant 0 : i32
    %ne3A_135 = arith.cmpi ne, %rem3A_133, %ne3A_134 : i32
    %and3A_136 = arith.andi %ne3A_132, %ne3A_135 : i1
    %sub3A_137 = arith.constant 1 : i32
    %sub3A_138 = arith.subi %div3A_117, %sub3A_137 : i32
    %select_n3A_139 = arith.select %and3A_136, %sub3A_138, %div3A_117 : i32
    %mul3A_140 = arith.constant 625 : i32
    %mul3A_141 = arith.muli %select_n3A_139, %mul3A_140 : i32
    %sub3A_142 = arith.subi %add3A, %mul3A_141 : i32
    %mul3A_143 = arith.constant 16 : i32
    %mul3A_144 = arith.muli %sub3A_142, %mul3A_143 : i32
    %mul3A_145 = arith.constant 10000 : i32
    %mul3A_146 = arith.muli %select_n3A_139, %mul3A_145 : i32
    %add3A_147 = arith.addi %mul3A_146, %mul3A_144 : i32
    %dma_start3A_148 = arith.constant 0 : i32
    %dma_start3A_149 = arith.constant 0 : i32
    %dma_start3A_150 = arith.constant 0 : i32
    %dma_start3A_151 = tpu.memref_slice %arg11[%arg1, %dma_start3A_148, %dma_start3A_149, %dma_start3A_150] : memref<16x2x16x512xf32, #tpu.memory_space<vmem_shared>> -> memref<1x1x16x512xf32, #tpu.memory_space<vmem_shared>>
    %dma_start3A_152 = tpu.memref_squeeze %dma_start3A_151 : memref<1x1x16x512xf32, #tpu.memory_space<vmem_shared>> -> memref<16x512xf32, #tpu.memory_space<vmem_shared>>
    %dma_start3A_153 = arith.constant 0 : i32
    %dma_start3A_154 = tpu.memref_slice %arg2[%add3A_147, %dma_start3A_153] : memref<20000x512xf32, #tpu.memory_space<hbm>> -> memref<16x512xf32, #tpu.memory_space<hbm>>
    tpu.enqueue_dma source(%dma_start3A_154 : memref<16x512xf32, #tpu.memory_space<hbm>>) target(%dma_start3A_152 : memref<16x512xf32, #tpu.memory_space<vmem_shared>>) target_semaphore(%arg16 : memref<!tpu.dma_semaphore, #tpu.memory_space<semaphore_mem>>)
    %add3A_155 = arith.constant 32 : i32
    %add3A_156 = arith.addi %add3A, %add3A_155 : i32
    %lt3A = arith.constant 1250 : i32
    %lt3A_157 = arith.cmpi slt, %add3A_156, %lt3A : i32
    %convert_element_type3A = arith.extui %lt3A_157 : i1 to i32
    %cond3A = arith.constant 0 : i32
    %cond3A_158 = arith.cmpi ne, %convert_element_type3A, %cond3A : i32
    scf.if %cond3A_158 {
      %add3A_192 = arith.constant 32 : i32
      %add3A_193 = arith.addi %add3A, %add3A_192 : i32
      %jit3A_194 = arith.constant 625 : i32
      %div3A_195 = arith.divsi %add3A_193, %jit3A_194 : i32
      %sign3A_196 = arith.constant 0 : i32
      %sign3A_197 = arith.cmpi sgt, %add3A_193, %sign3A_196 : i32
      %sign3A_198 = arith.extui %sign3A_197 : i1 to i32
      %sign3A_199 = arith.constant 0 : i32
      %sign3A_200 = arith.cmpi slt, %add3A_193, %sign3A_199 : i32
      %sign3A_201 = arith.extui %sign3A_200 : i1 to i32
      %sign3A_202 = arith.subi %sign3A_198, %sign3A_201 : i32
      %sign3A_203 = arith.constant 0 : i32
      %sign3A_204 = arith.cmpi sgt, %jit3A_194, %sign3A_203 : i32
      %sign3A_205 = arith.extui %sign3A_204 : i1 to i32
      %sign3A_206 = arith.constant 0 : i32
      %sign3A_207 = arith.cmpi slt, %jit3A_194, %sign3A_206 : i32
      %sign3A_208 = arith.extui %sign3A_207 : i1 to i32
      %sign3A_209 = arith.subi %sign3A_205, %sign3A_208 : i32
      %ne3A_210 = arith.cmpi ne, %sign3A_202, %sign3A_209 : i32
      %rem3A_211 = arith.remsi %add3A_193, %jit3A_194 : i32
      %ne3A_212 = arith.constant 0 : i32
      %ne3A_213 = arith.cmpi ne, %rem3A_211, %ne3A_212 : i32
      %and3A_214 = arith.andi %ne3A_210, %ne3A_213 : i1
      %sub3A_215 = arith.constant 1 : i32
      %sub3A_216 = arith.subi %div3A_195, %sub3A_215 : i32
      %select_n3A_217 = arith.select %and3A_214, %sub3A_216, %div3A_195 : i32
      %mul3A_218 = arith.constant 625 : i32
      %mul3A_219 = arith.muli %select_n3A_217, %mul3A_218 : i32
      %sub3A_220 = arith.subi %add3A_193, %mul3A_219 : i32
      %mul3A_221 = arith.constant 64 : i32
      %mul3A_222 = arith.muli %sub3A_220, %mul3A_221 : i32
      %dma_start3A_223 = tpu.memref_slice %arg3[%mul3A_222] : memref<40000xi32, #tpu.memory_space<hbm>> -> memref<64xi32, #tpu.memory_space<hbm>>
      %dma_start3A_224 = tpu.memref_slice %arg3[%mul3A_222] : memref<40000xi32, #tpu.memory_space<hbm>> -> memref<64xi32, #tpu.memory_space<hbm>>
      tpu.enqueue_dma source(%dma_start3A_224 : memref<64xi32, #tpu.memory_space<hbm>>) target(%arg6 : memref<64xi32, #tpu.memory_space<vmem>>) target_semaphore(%arg23 : memref<!tpu.dma_semaphore, #tpu.memory_space<semaphore_mem>>)
    } else {
    }
    %scan3A = arith.constant 0 : i32
    %scan3A_159 = arith.constant 0 : i32
    %scan3A_160 = arith.constant 20 : i32
    %scan3A_161 = arith.addi %scan3A_159, %scan3A_160 : i32
    %scan3A_162 = arith.constant 1 : i32
    scf.for %scan3A_192 = %scan3A_159 to %scan3A_161 step %scan3A_162  : i32 {
      %mul3A_193 = arith.constant 2 : i32
      %mul3A_194 = arith.muli %mul3A_193, %scan3A_192 : i32
      %add3A_195 = arith.constant 0 : i32
      %add3A_196 = arith.addi %mul3A_194, %add3A_195 : i32
      %mul3A_197 = arith.constant 32 : i32
      %mul3A_198 = arith.muli %add3A_196, %mul3A_197 : i32
      %add3A_199 = arith.addi %add3A, %mul3A_198 : i32
      %jit3A_200 = arith.constant 625 : i32
      %div3A_201 = arith.divsi %add3A_199, %jit3A_200 : i32
      %sign3A_202 = arith.constant 0 : i32
      %sign3A_203 = arith.cmpi sgt, %add3A_199, %sign3A_202 : i32
      %sign3A_204 = arith.extui %sign3A_203 : i1 to i32
      %sign3A_205 = arith.constant 0 : i32
      %sign3A_206 = arith.cmpi slt, %add3A_199, %sign3A_205 : i32
      %sign3A_207 = arith.extui %sign3A_206 : i1 to i32
      %sign3A_208 = arith.subi %sign3A_204, %sign3A_207 : i32
      %sign3A_209 = arith.constant 0 : i32
      %sign3A_210 = arith.cmpi sgt, %jit3A_200, %sign3A_209 : i32
      %sign3A_211 = arith.extui %sign3A_210 : i1 to i32
      %sign3A_212 = arith.constant 0 : i32
      %sign3A_213 = arith.cmpi slt, %jit3A_200, %sign3A_212 : i32
      %sign3A_214 = arith.extui %sign3A_213 : i1 to i32
      %sign3A_215 = arith.subi %sign3A_211, %sign3A_214 : i32
      %ne3A_216 = arith.cmpi ne, %sign3A_208, %sign3A_215 : i32
      %rem3A_217 = arith.remsi %add3A_199, %jit3A_200 : i32
      %ne3A_218 = arith.constant 0 : i32
      %ne3A_219 = arith.cmpi ne, %rem3A_217, %ne3A_218 : i32
      %and3A_220 = arith.andi %ne3A_216, %ne3A_219 : i1
      %sub3A_221 = arith.constant 1 : i32
      %sub3A_222 = arith.subi %div3A_201, %sub3A_221 : i32
      %select_n3A_223 = arith.select %and3A_220, %sub3A_222, %div3A_201 : i32
      %mul3A_224 = arith.constant 625 : i32
      %mul3A_225 = arith.muli %select_n3A_223, %mul3A_224 : i32
      %sub3A_226 = arith.subi %add3A_199, %mul3A_225 : i32
      %mul3A_227 = arith.constant 16 : i32
      %mul3A_228 = arith.muli %sub3A_226, %mul3A_227 : i32
      %lt3A_229 = arith.constant 1250 : i32
      %lt3A_230 = arith.cmpi slt, %add3A_199, %lt3A_229 : i32
      %convert_element_type3A_231 = arith.extui %lt3A_230 : i1 to i32
      %cond3A_232 = arith.constant 0 : i32
      %cond3A_233 = arith.cmpi ne, %convert_element_type3A_231, %cond3A_232 : i32
      scf.if %cond3A_233 {
        %add3A_275 = arith.constant 32 : i32
        %add3A_276 = arith.addi %add3A_199, %add3A_275 : i32
        %lt3A_277 = arith.constant 1250 : i32
        %lt3A_278 = arith.cmpi slt, %add3A_276, %lt3A_277 : i32
        %convert_element_type3A_279 = arith.extui %lt3A_278 : i1 to i32
        %cond3A_280 = arith.constant 0 : i32
        %cond3A_281 = arith.cmpi ne, %convert_element_type3A_279, %cond3A_280 : i32
        scf.if %cond3A_281 {
          %ge3A_349 = arith.constant 1 : i32
          %ge3A_350 = arith.cmpi sge, %add3A_196, %ge3A_349 : i32
          %convert_element_type3A_351 = arith.extui %ge3A_350 : i1 to i32
          %cond3A_352 = arith.constant 0 : i32
          %cond3A_353 = arith.cmpi ne, %convert_element_type3A_351, %cond3A_352 : i32
          scf.if %cond3A_353 {
            %dma_wait3A_500 = arith.constant 1 : i32
            %dma_wait3A_501 = arith.constant 0 : i32
            %dma_wait3A_502 = arith.constant 0 : i32
            %dma_wait3A_503 = tpu.memref_slice %arg4[%dma_wait3A_501, %dma_wait3A_502] : memref<40000x512xf32, #tpu.memory_space<hbm>> -> memref<16x512xf32, #tpu.memory_space<hbm>>
            %dma_wait3A_504 = arith.constant 0 : i32
            %dma_wait3A_505 = arith.constant 0 : i32
            %dma_wait3A_506 = tpu.memref_slice %arg11[%arg1, %dma_wait3A_500, %dma_wait3A_504, %dma_wait3A_505] : memref<16x2x16x512xf32, #tpu.memory_space<vmem_shared>> -> memref<1x1x16x512xf32, #tpu.memory_space<vmem_shared>>
            %dma_wait3A_507 = tpu.memref_squeeze %dma_wait3A_506 : memref<1x1x16x512xf32, #tpu.memory_space<vmem_shared>> -> memref<16x512xf32, #tpu.memory_space<vmem_shared>>
            tpu.wait_dma2 semaphore(%arg19 : memref<!tpu.dma_semaphore, #tpu.memory_space<semaphore_mem>>) src(%dma_wait3A_507 : memref<16x512xf32, #tpu.memory_space<vmem_shared>>) dst(%dma_wait3A_503 : memref<16x512xf32, #tpu.memory_space<hbm>>)
          } else {
          }
          %add3A_354 = arith.constant 32 : i32
          %add3A_355 = arith.addi %add3A_199, %add3A_354 : i32
          %jit3A_356 = arith.constant 625 : i32
          %div3A_357 = arith.divsi %add3A_355, %jit3A_356 : i32
          %sign3A_358 = arith.constant 0 : i32
          %sign3A_359 = arith.cmpi sgt, %add3A_355, %sign3A_358 : i32
          %sign3A_360 = arith.extui %sign3A_359 : i1 to i32
          %sign3A_361 = arith.constant 0 : i32
          %sign3A_362 = arith.cmpi slt, %add3A_355, %sign3A_361 : i32
          %sign3A_363 = arith.extui %sign3A_362 : i1 to i32
          %sign3A_364 = arith.subi %sign3A_360, %sign3A_363 : i32
          %sign3A_365 = arith.constant 0 : i32
          %sign3A_366 = arith.cmpi sgt, %jit3A_356, %sign3A_365 : i32
          %sign3A_367 = arith.extui %sign3A_366 : i1 to i32
          %sign3A_368 = arith.constant 0 : i32
          %sign3A_369 = arith.cmpi slt, %jit3A_356, %sign3A_368 : i32
          %sign3A_370 = arith.extui %sign3A_369 : i1 to i32
          %sign3A_371 = arith.subi %sign3A_367, %sign3A_370 : i32
          %ne3A_372 = arith.cmpi ne, %sign3A_364, %sign3A_371 : i32
          %rem3A_373 = arith.remsi %add3A_355, %jit3A_356 : i32
          %ne3A_374 = arith.constant 0 : i32
          %ne3A_375 = arith.cmpi ne, %rem3A_373, %ne3A_374 : i32
          %and3A_376 = arith.andi %ne3A_372, %ne3A_375 : i1
          %sub3A_377 = arith.constant 1 : i32
          %sub3A_378 = arith.subi %div3A_357, %sub3A_377 : i32
          %select_n3A_379 = arith.select %and3A_376, %sub3A_378, %div3A_357 : i32
          %mul3A_380 = arith.constant 625 : i32
          %mul3A_381 = arith.muli %select_n3A_379, %mul3A_380 : i32
          %sub3A_382 = arith.subi %add3A_355, %mul3A_381 : i32
          %mul3A_383 = arith.constant 64 : i32
          %mul3A_384 = arith.muli %sub3A_382, %mul3A_383 : i32
          %dma_wait3A_385 = tpu.memref_slice %arg3[%mul3A_384] : memref<40000xi32, #tpu.memory_space<hbm>> -> memref<64xi32, #tpu.memory_space<hbm>>
          %dma_wait3A_386 = tpu.memref_slice %arg3[%mul3A_384] : memref<40000xi32, #tpu.memory_space<hbm>> -> memref<64xi32, #tpu.memory_space<hbm>>
          tpu.wait_dma2 semaphore(%arg23 : memref<!tpu.dma_semaphore, #tpu.memory_space<semaphore_mem>>) src(%dma_wait3A_386 : memref<64xi32, #tpu.memory_space<hbm>>) dst(%arg6 : memref<64xi32, #tpu.memory_space<vmem>>)
          %jit3A_387 = arith.constant 625 : i32
          %div3A_388 = arith.divsi %add3A_355, %jit3A_387 : i32
          %sign3A_389 = arith.constant 0 : i32
          %sign3A_390 = arith.cmpi sgt, %add3A_355, %sign3A_389 : i32
          %sign3A_391 = arith.extui %sign3A_390 : i1 to i32
          %sign3A_392 = arith.constant 0 : i32
          %sign3A_393 = arith.cmpi slt, %add3A_355, %sign3A_392 : i32
          %sign3A_394 = arith.extui %sign3A_393 : i1 to i32
          %sign3A_395 = arith.subi %sign3A_391, %sign3A_394 : i32
          %sign3A_396 = arith.constant 0 : i32
          %sign3A_397 = arith.cmpi sgt, %jit3A_387, %sign3A_396 : i32
          %sign3A_398 = arith.extui %sign3A_397 : i1 to i32
          %sign3A_399 = arith.constant 0 : i32
          %sign3A_400 = arith.cmpi slt, %jit3A_387, %sign3A_399 : i32
          %sign3A_401 = arith.extui %sign3A_400 : i1 to i32
          %sign3A_402 = arith.subi %sign3A_398, %sign3A_401 : i32
          %ne3A_403 = arith.cmpi ne, %sign3A_395, %sign3A_402 : i32
          %rem3A_404 = arith.remsi %add3A_355, %jit3A_387 : i32
          %ne3A_405 = arith.constant 0 : i32
          %ne3A_406 = arith.cmpi ne, %rem3A_404, %ne3A_405 : i32
          %and3A_407 = arith.andi %ne3A_403, %ne3A_406 : i1
          %sub3A_408 = arith.constant 1 : i32
          %sub3A_409 = arith.subi %div3A_388, %sub3A_408 : i32
          %select_n3A_410 = arith.select %and3A_407, %sub3A_409, %div3A_388 : i32
          %mul3A_411 = arith.constant 10000 : i32
          %mul3A_412 = arith.muli %select_n3A_410, %mul3A_411 : i32
          %get3A_413 = arith.constant 0 : index
          %get3A_414 = tpu.vector_load %arg6[%get3A_413] {strides = array<i32>} : memref<64xi32, #tpu.memory_space<vmem>>, vector<16xi32>,
          %get3A_415 = vector.shape_cast %get3A_414 : vector<16xi32> to vector<16xi32>
          %add3A_416 = vector.broadcast %mul3A_412 : i32 to vector<16xi32>
          %add3A_417 = arith.addi %get3A_415, %add3A_416 : vector<16xi32>
          %swap3A_418 = arith.constant 0 : index
          %swap3A_419 = tpu.vector_load %arg8[%swap3A_418] {strides = array<i32>} : memref<64xi32, #tpu.memory_space<vmem>>, vector<16xi32>,
          %swap3A_420 = vector.shape_cast %swap3A_419 : vector<16xi32> to vector<16xi32>
          %swap3A_421 = vector.shape_cast %add3A_417 : vector<16xi32> to vector<16xi32>
          tpu.vector_store %arg8[%swap3A_418], %swap3A_421 {strides = array<i32>} : memref<64xi32, #tpu.memory_space<vmem>>, vector<16xi32>,
          %get3A_422 = arith.constant 16 : index
          %get3A_423 = tpu.vector_load %arg6[%get3A_422] {strides = array<i32>} : memref<64xi32, #tpu.memory_space<vmem>>, vector<16xi32>,
          %get3A_424 = vector.shape_cast %get3A_423 : vector<16xi32> to vector<16xi32>
          %add3A_425 = vector.broadcast %mul3A_412 : i32 to vector<16xi32>
          %add3A_426 = arith.addi %get3A_424, %add3A_425 : vector<16xi32>
          %swap3A_427 = arith.constant 16 : index
          %swap3A_428 = tpu.vector_load %arg8[%swap3A_427] {strides = array<i32>} : memref<64xi32, #tpu.memory_space<vmem>>, vector<16xi32>,
          %swap3A_429 = vector.shape_cast %swap3A_428 : vector<16xi32> to vector<16xi32>
          %swap3A_430 = vector.shape_cast %add3A_426 : vector<16xi32> to vector<16xi32>
          tpu.vector_store %arg8[%swap3A_427], %swap3A_430 {strides = array<i32>} : memref<64xi32, #tpu.memory_space<vmem>>, vector<16xi32>,
          %get3A_431 = arith.constant 32 : index
          %get3A_432 = tpu.vector_load %arg6[%get3A_431] {strides = array<i32>} : memref<64xi32, #tpu.memory_space<vmem>>, vector<16xi32>,
          %get3A_433 = vector.shape_cast %get3A_432 : vector<16xi32> to vector<16xi32>
          %add3A_434 = vector.broadcast %mul3A_412 : i32 to vector<16xi32>
          %add3A_435 = arith.addi %get3A_433, %add3A_434 : vector<16xi32>
          %swap3A_436 = arith.constant 32 : index
          %swap3A_437 = tpu.vector_load %arg8[%swap3A_436] {strides = array<i32>} : memref<64xi32, #tpu.memory_space<vmem>>, vector<16xi32>,
          %swap3A_438 = vector.shape_cast %swap3A_437 : vector<16xi32> to vector<16xi32>
          %swap3A_439 = vector.shape_cast %add3A_435 : vector<16xi32> to vector<16xi32>
          tpu.vector_store %arg8[%swap3A_436], %swap3A_439 {strides = array<i32>} : memref<64xi32, #tpu.memory_space<vmem>>, vector<16xi32>,
          %get3A_440 = arith.constant 48 : index
          %get3A_441 = tpu.vector_load %arg6[%get3A_440] {strides = array<i32>} : memref<64xi32, #tpu.memory_space<vmem>>, vector<16xi32>,
          %get3A_442 = vector.shape_cast %get3A_441 : vector<16xi32> to vector<16xi32>
          %add3A_443 = vector.broadcast %mul3A_412 : i32 to vector<16xi32>
          %add3A_444 = arith.addi %get3A_442, %add3A_443 : vector<16xi32>
          %swap3A_445 = arith.constant 48 : index
          %swap3A_446 = tpu.vector_load %arg8[%swap3A_445] {strides = array<i32>} : memref<64xi32, #tpu.memory_space<vmem>>, vector<16xi32>,
          %swap3A_447 = vector.shape_cast %swap3A_446 : vector<16xi32> to vector<16xi32>
          %swap3A_448 = vector.shape_cast %add3A_444 : vector<16xi32> to vector<16xi32>
          tpu.vector_store %arg8[%swap3A_445], %swap3A_448 {strides = array<i32>} : memref<64xi32, #tpu.memory_space<vmem>>, vector<16xi32>,
          %dma_start3A_449 = arith.constant 0 : i32
          %dma_start3A_450 = arith.constant 0 : i32
          %dma_start3A_451 = tpu.memref_slice %arg2[%dma_start3A_449, %dma_start3A_450] : memref<20000x512xf32, #tpu.memory_space<hbm>> -> memref<20000x512xf32, #tpu.memory_space<hbm>>
          tpu.enqueue_indirect_dma source(%dma_start3A_451 : memref<20000x512xf32, #tpu.memory_space<hbm>>) target(%arg10 : memref<64x512xf32, #tpu.memory_space<vmem>>) offsets(%arg8 : memref<64xi32, #tpu.memory_space<vmem>>) semaphore(%arg15 : memref<!tpu.dma_semaphore, #tpu.memory_space<semaphore_mem>>)
          %add3A_452 = arith.constant 32 : i32
          %add3A_453 = arith.addi %add3A_199, %add3A_452 : i32
          %jit3A_454 = arith.constant 625 : i32
          %div3A_455 = arith.divsi %add3A_453, %jit3A_454 : i32
          %sign3A_456 = arith.constant 0 : i32
          %sign3A_457 = arith.cmpi sgt, %add3A_453, %sign3A_456 : i32
          %sign3A_458 = arith.extui %sign3A_457 : i1 to i32
          %sign3A_459 = arith.constant 0 : i32
          %sign3A_460 = arith.cmpi slt, %add3A_453, %sign3A_459 : i32
          %sign3A_461 = arith.extui %sign3A_460 : i1 to i32
          %sign3A_462 = arith.subi %sign3A_458, %sign3A_461 : i32
          %sign3A_463 = arith.constant 0 : i32
          %sign3A_464 = arith.cmpi sgt, %jit3A_454, %sign3A_463 : i32
          %sign3A_465 = arith.extui %sign3A_464 : i1 to i32
          %sign3A_466 = arith.constant 0 : i32
          %sign3A_467 = arith.cmpi slt, %jit3A_454, %sign3A_466 : i32
          %sign3A_468 = arith.extui %sign3A_467 : i1 to i32
          %sign3A_469 = arith.subi %sign3A_465, %sign3A_468 : i32
          %ne3A_470 = arith.cmpi ne, %sign3A_462, %sign3A_469 : i32
          %rem3A_471 = arith.remsi %add3A_453, %jit3A_454 : i32
          %ne3A_472 = arith.constant 0 : i32
          %ne3A_473 = arith.cmpi ne, %rem3A_471, %ne3A_472 : i32
          %and3A_474 = arith.andi %ne3A_470, %ne3A_473 : i1
          %sub3A_475 = arith.constant 1 : i32
          %sub3A_476 = arith.subi %div3A_455, %sub3A_475 : i32
          %select_n3A_477 = arith.select %and3A_474, %sub3A_476, %div3A_455 : i32
          %mul3A_478 = arith.constant 625 : i32
          %mul3A_479 = arith.muli %select_n3A_477, %mul3A_478 : i32
          %sub3A_480 = arith.subi %add3A_453, %mul3A_479 : i32
          %mul3A_481 = arith.constant 16 : i32
          %mul3A_482 = arith.muli %sub3A_480, %mul3A_481 : i32
          %mul3A_483 = arith.constant 10000 : i32
          %mul3A_484 = arith.muli %select_n3A_477, %mul3A_483 : i32
          %add3A_485 = arith.addi %mul3A_484, %mul3A_482 : i32
          %dma_start3A_486 = arith.constant 1 : i32
          %dma_start3A_487 = arith.constant 0 : i32
          %dma_start3A_488 = arith.constant 0 : i32
          %dma_start3A_489 = tpu.memref_slice %arg11[%arg1, %dma_start3A_486, %dma_start3A_487, %dma_start3A_488] : memref<16x2x16x512xf32, #tpu.memory_space<vmem_shared>> -> memref<1x1x16x512xf32, #tpu.memory_space<vmem_shared>>
          %dma_start3A_490 = tpu.memref_squeeze %dma_start3A_489 : memref<1x1x16x512xf32, #tpu.memory_space<vmem_shared>> -> memref<16x512xf32, #tpu.memory_space<vmem_shared>>
          %dma_start3A_491 = arith.constant 0 : i32
          %dma_start3A_492 = tpu.memref_slice %arg2[%add3A_485, %dma_start3A_491] : memref<20000x512xf32, #tpu.memory_space<hbm>> -> memref<16x512xf32, #tpu.memory_space<hbm>>
          tpu.enqueue_dma source(%dma_start3A_492 : memref<16x512xf32, #tpu.memory_space<hbm>>) target(%dma_start3A_490 : memref<16x512xf32, #tpu.memory_space<vmem_shared>>) target_semaphore(%arg17 : memref<!tpu.dma_semaphore, #tpu.memory_space<semaphore_mem>>)
          %add3A_493 = arith.constant 64 : i32
          %add3A_494 = arith.addi %add3A_199, %add3A_493 : i32
          %lt3A_495 = arith.constant 1250 : i32
          %lt3A_496 = arith.cmpi slt, %add3A_494, %lt3A_495 : i32
          %convert_element_type3A_497 = arith.extui %lt3A_496 : i1 to i32
          %cond3A_498 = arith.constant 0 : i32
          %cond3A_499 = arith.cmpi ne, %convert_element_type3A_497, %cond3A_498 : i32
          scf.if %cond3A_499 {
            %add3A_500 = arith.constant 64 : i32
            %add3A_501 = arith.addi %add3A_199, %add3A_500 : i32
            %jit3A_502 = arith.constant 625 : i32
            %div3A_503 = arith.divsi %add3A_501, %jit3A_502 : i32
            %sign3A_504 = arith.constant 0 : i32
            %sign3A_505 = arith.cmpi sgt, %add3A_501, %sign3A_504 : i32
            %sign3A_506 = arith.extui %sign3A_505 : i1 to i32
            %sign3A_507 = arith.constant 0 : i32
            %sign3A_508 = arith.cmpi slt, %add3A_501, %sign3A_507 : i32
            %sign3A_509 = arith.extui %sign3A_508 : i1 to i32
            %sign3A_510 = arith.subi %sign3A_506, %sign3A_509 : i32
            %sign3A_511 = arith.constant 0 : i32
            %sign3A_512 = arith.cmpi sgt, %jit3A_502, %sign3A_511 : i32
            %sign3A_513 = arith.extui %sign3A_512 : i1 to i32
            %sign3A_514 = arith.constant 0 : i32
            %sign3A_515 = arith.cmpi slt, %jit3A_502, %sign3A_514 : i32
            %sign3A_516 = arith.extui %sign3A_515 : i1 to i32
            %sign3A_517 = arith.subi %sign3A_513, %sign3A_516 : i32
            %ne3A_518 = arith.cmpi ne, %sign3A_510, %sign3A_517 : i32
            %rem3A_519 = arith.remsi %add3A_501, %jit3A_502 : i32
            %ne3A_520 = arith.constant 0 : i32
            %ne3A_521 = arith.cmpi ne, %rem3A_519, %ne3A_520 : i32
            %and3A_522 = arith.andi %ne3A_518, %ne3A_521 : i1
            %sub3A_523 = arith.constant 1 : i32
            %sub3A_524 = arith.subi %div3A_503, %sub3A_523 : i32
            %select_n3A_525 = arith.select %and3A_522, %sub3A_524, %div3A_503 : i32
            %mul3A_526 = arith.constant 625 : i32
            %mul3A_527 = arith.muli %select_n3A_525, %mul3A_526 : i32
            %sub3A_528 = arith.subi %add3A_501, %mul3A_527 : i32
            %mul3A_529 = arith.constant 64 : i32
            %mul3A_530 = arith.muli %sub3A_528, %mul3A_529 : i32
            %dma_start3A_531 = tpu.memref_slice %arg3[%mul3A_530] : memref<40000xi32, #tpu.memory_space<hbm>> -> memref<64xi32, #tpu.memory_space<hbm>>
            %dma_start3A_532 = tpu.memref_slice %arg3[%mul3A_530] : memref<40000xi32, #tpu.memory_space<hbm>> -> memref<64xi32, #tpu.memory_space<hbm>>
            tpu.enqueue_dma source(%dma_start3A_532 : memref<64xi32, #tpu.memory_space<hbm>>) target(%arg5 : memref<64xi32, #tpu.memory_space<vmem>>) target_semaphore(%arg22 : memref<!tpu.dma_semaphore, #tpu.memory_space<semaphore_mem>>)
          } else {
          }
        } else {
        }
        %jit3A_282 = arith.constant 625 : i32
        %div3A_283 = arith.divsi %add3A_199, %jit3A_282 : i32
        %sign3A_284 = arith.constant 0 : i32
        %sign3A_285 = arith.cmpi sgt, %add3A_199, %sign3A_284 : i32
        %sign3A_286 = arith.extui %sign3A_285 : i1 to i32
        %sign3A_287 = arith.constant 0 : i32
        %sign3A_288 = arith.cmpi slt, %add3A_199, %sign3A_287 : i32
        %sign3A_289 = arith.extui %sign3A_288 : i1 to i32
        %sign3A_290 = arith.subi %sign3A_286, %sign3A_289 : i32
        %sign3A_291 = arith.constant 0 : i32
        %sign3A_292 = arith.cmpi sgt, %jit3A_282, %sign3A_291 : i32
        %sign3A_293 = arith.extui %sign3A_292 : i1 to i32
        %sign3A_294 = arith.constant 0 : i32
        %sign3A_295 = arith.cmpi slt, %jit3A_282, %sign3A_294 : i32
        %sign3A_296 = arith.extui %sign3A_295 : i1 to i32
        %sign3A_297 = arith.subi %sign3A_293, %sign3A_296 : i32
        %ne3A_298 = arith.cmpi ne, %sign3A_290, %sign3A_297 : i32
        %rem3A_299 = arith.remsi %add3A_199, %jit3A_282 : i32
        %ne3A_300 = arith.constant 0 : i32
        %ne3A_301 = arith.cmpi ne, %rem3A_299, %ne3A_300 : i32
        %and3A_302 = arith.andi %ne3A_298, %ne3A_301 : i1
        %sub3A_303 = arith.constant 1 : i32
        %sub3A_304 = arith.subi %div3A_283, %sub3A_303 : i32
        %select_n3A_305 = arith.select %and3A_302, %sub3A_304, %div3A_283 : i32
        %mul3A_306 = arith.constant 625 : i32
        %mul3A_307 = arith.muli %select_n3A_305, %mul3A_306 : i32
        %sub3A_308 = arith.subi %add3A_199, %mul3A_307 : i32
        %mul3A_309 = arith.constant 16 : i32
        %mul3A_310 = arith.muli %sub3A_308, %mul3A_309 : i32
        %mul3A_311 = arith.constant 10000 : i32
        %mul3A_312 = arith.muli %select_n3A_305, %mul3A_311 : i32
        %add3A_313 = arith.addi %mul3A_312, %mul3A_310 : i32
        %dma_wait3A_314 = arith.constant 0 : i32
        %dma_wait3A_315 = arith.constant 0 : i32
        %dma_wait3A_316 = arith.constant 0 : i32
        %dma_wait3A_317 = tpu.memref_slice %arg11[%arg1, %dma_wait3A_314, %dma_wait3A_315, %dma_wait3A_316] : memref<16x2x16x512xf32, #tpu.memory_space<vmem_shared>> -> memref<1x1x16x512xf32, #tpu.memory_space<vmem_shared>>
        %dma_wait3A_318 = tpu.memref_squeeze %dma_wait3A_317 : memref<1x1x16x512xf32, #tpu.memory_space<vmem_shared>> -> memref<16x512xf32, #tpu.memory_space<vmem_shared>>
        %dma_wait3A_319 = arith.constant 0 : i32
        %dma_wait3A_320 = tpu.memref_slice %arg2[%add3A_313, %dma_wait3A_319] : memref<20000x512xf32, #tpu.memory_space<hbm>> -> memref<16x512xf32, #tpu.memory_space<hbm>>
        tpu.wait_dma2 semaphore(%arg16 : memref<!tpu.dma_semaphore, #tpu.memory_space<semaphore_mem>>) src(%dma_wait3A_320 : memref<16x512xf32, #tpu.memory_space<hbm>>) dst(%dma_wait3A_318 : memref<16x512xf32, #tpu.memory_space<vmem_shared>>)
        %mul3A_321 = arith.constant 20000 : i32
        %mul3A_322 = arith.muli %select_n3A_223, %mul3A_321 : i32
        %add3A_323 = arith.addi %mul3A_322, %mul3A_228 : i32
        %dma_start3A_324 = arith.constant 0 : i32
        %dma_start3A_325 = arith.constant 0 : i32
        %dma_start3A_326 = tpu.memref_slice %arg4[%add3A_323, %dma_start3A_325] : memref<40000x512xf32, #tpu.memory_space<hbm>> -> memref<16x512xf32, #tpu.memory_space<hbm>>
        %dma_start3A_327 = arith.constant 0 : i32
        %dma_start3A_328 = arith.constant 0 : i32
        %dma_start3A_329 = tpu.memref_slice %arg11[%arg1, %dma_start3A_324, %dma_start3A_327, %dma_start3A_328] : memref<16x2x16x512xf32, #tpu.memory_space<vmem_shared>> -> memref<1x1x16x512xf32, #tpu.memory_space<vmem_shared>>
        %dma_start3A_330 = tpu.memref_squeeze %dma_start3A_329 : memref<1x1x16x512xf32, #tpu.memory_space<vmem_shared>> -> memref<16x512xf32, #tpu.memory_space<vmem_shared>>
        tpu.enqueue_dma source(%dma_start3A_330 : memref<16x512xf32, #tpu.memory_space<vmem_shared>>) target(%dma_start3A_326 : memref<16x512xf32, #tpu.memory_space<hbm>>) target_semaphore(%arg18 : memref<!tpu.dma_semaphore, #tpu.memory_space<semaphore_mem>>)
        %dma_wait3A_331 = arith.constant 0 : i32
        %dma_wait3A_332 = arith.constant 0 : i32
        %dma_wait3A_333 = tpu.memref_slice %arg2[%dma_wait3A_331, %dma_wait3A_332] : memref<20000x512xf32, #tpu.memory_space<hbm>> -> memref<20000x512xf32, #tpu.memory_space<hbm>>
        tpu.wait_indirect_dma semaphore(%arg14 : memref<!tpu.dma_semaphore, #tpu.memory_space<semaphore_mem>>) src(%dma_wait3A_333 : memref<20000x512xf32, #tpu.memory_space<hbm>>) dst(%arg9 : memref<64x512xf32, #tpu.memory_space<vmem>>)
        %ge3A = arith.constant 2 : i32
        %ge3A_334 = arith.cmpi sge, %add3A_196, %ge3A : i32
        %convert_element_type3A_335 = arith.extui %ge3A_334 : i1 to i32
        %cond3A_336 = arith.constant 0 : i32
        %cond3A_337 = arith.cmpi ne, %convert_element_type3A_335, %cond3A_336 : i32
        scf.if %cond3A_337 {
          %dma_wait3A_349 = arith.constant 0 : i32
          %dma_wait3A_350 = arith.constant 0 : i32
          %dma_wait3A_351 = tpu.memref_slice %arg4[%dma_wait3A_349, %dma_wait3A_350] : memref<40000x512xf32, #tpu.memory_space<hbm>> -> memref<16x512xf32, #tpu.memory_space<hbm>>
          %dma_wait3A_352 = arith.constant 0 : i32
          %dma_wait3A_353 = arith.constant 0 : i32
          %dma_wait3A_354 = tpu.memref_slice %arg4[%dma_wait3A_352, %dma_wait3A_353] : memref<40000x512xf32, #tpu.memory_space<hbm>> -> memref<16x512xf32, #tpu.memory_space<hbm>>
          tpu.wait_dma2 semaphore(%arg20 : memref<!tpu.dma_semaphore, #tpu.memory_space<semaphore_mem>>) src(%arg12 : memref<16x512xf32, #tpu.memory_space<vmem>>) dst(%dma_wait3A_354 : memref<16x512xf32, #tpu.memory_space<hbm>>)
        } else {
        }
        %parallel_loop3A = arith.constant 0 : i32
        %parallel_loop3A_338 = arith.constant 16 : i32
        %parallel_loop3A_339 = arith.constant 1 : i32
        scf.for %parallel_loop3A_349 = %parallel_loop3A to %parallel_loop3A_338 step %parallel_loop3A_339  : i32 {
          %parallel_loop3A_350 = arith.constant 4 : i32
          %parallel_loop3A_351 = arith.muli %parallel_loop3A_350, %parallel_loop3A_349 : i32
          %parallel_loop3A_352 = arith.index_cast %parallel_loop3A_351 : i32 to index
          %parallel_loop3A_353 = arith.constant 0 : index
          %parallel_loop3A_354 = tpu.vector_load %arg9[%parallel_loop3A_352, %parallel_loop3A_353] {strides = array<i32>} : memref<64x512xf32, #tpu.memory_space<vmem>>, vector<1x16xf32>,
          %parallel_loop3A_355 = vector.shape_cast %parallel_loop3A_354 : vector<1x16xf32> to vector<16xf32>
          %parallel_loop3A_356 = arith.constant 4 : i32
          %parallel_loop3A_357 = arith.muli %parallel_loop3A_356, %parallel_loop3A_349 : i32
          %parallel_loop3A_358 = arith.constant 1 : i32
          %parallel_loop3A_359 = arith.addi %parallel_loop3A_357, %parallel_loop3A_358 : i32
          %parallel_loop3A_360 = arith.index_cast %parallel_loop3A_359 : i32 to index
          %parallel_loop3A_361 = arith.constant 0 : index
          %parallel_loop3A_362 = tpu.vector_load %arg9[%parallel_loop3A_360, %parallel_loop3A_361] {strides = array<i32>} : memref<64x512xf32, #tpu.memory_space<vmem>>, vector<1x16xf32>,
          %parallel_loop3A_363 = vector.shape_cast %parallel_loop3A_362 : vector<1x16xf32> to vector<16xf32>
          %parallel_loop3A_364 = arith.addf %parallel_loop3A_355, %parallel_loop3A_363 : vector<16xf32>
          %parallel_loop3A_365 = arith.constant 4 : i32
          %parallel_loop3A_366 = arith.muli %parallel_loop3A_365, %parallel_loop3A_349 : i32
          %parallel_loop3A_367 = arith.constant 2 : i32
          %parallel_loop3A_368 = arith.addi %parallel_loop3A_366, %parallel_loop3A_367 : i32
          %parallel_loop3A_369 = arith.index_cast %parallel_loop3A_368 : i32 to index
          %parallel_loop3A_370 = arith.constant 0 : index
          %parallel_loop3A_371 = tpu.vector_load %arg9[%parallel_loop3A_369, %parallel_loop3A_370] {strides = array<i32>} : memref<64x512xf32, #tpu.memory_space<vmem>>, vector<1x16xf32>,
          %parallel_loop3A_372 = vector.shape_cast %parallel_loop3A_371 : vector<1x16xf32> to vector<16xf32>
          %parallel_loop3A_373 = arith.addf %parallel_loop3A_364, %parallel_loop3A_372 : vector<16xf32>
          %parallel_loop3A_374 = arith.constant 4 : i32
          %parallel_loop3A_375 = arith.muli %parallel_loop3A_374, %parallel_loop3A_349 : i32
          %parallel_loop3A_376 = arith.constant 3 : i32
          %parallel_loop3A_377 = arith.addi %parallel_loop3A_375, %parallel_loop3A_376 : i32
          %parallel_loop3A_378 = arith.index_cast %parallel_loop3A_377 : i32 to index
          %parallel_loop3A_379 = arith.constant 0 : index
          %parallel_loop3A_380 = tpu.vector_load %arg9[%parallel_loop3A_378, %parallel_loop3A_379] {strides = array<i32>} : memref<64x512xf32, #tpu.memory_space<vmem>>, vector<1x16xf32>,
          %parallel_loop3A_381 = vector.shape_cast %parallel_loop3A_380 : vector<1x16xf32> to vector<16xf32>
          %parallel_loop3A_382 = arith.addf %parallel_loop3A_373, %parallel_loop3A_381 : vector<16xf32>
          %parallel_loop3A_383 = arith.constant 2.500000e-01 : f32
          %parallel_loop3A_384 = vector.broadcast %parallel_loop3A_383 : f32 to vector<16xf32>
          %parallel_loop3A_385 = arith.mulf %parallel_loop3A_382, %parallel_loop3A_384 : vector<16xf32>
          %parallel_loop3A_386 = arith.index_cast %parallel_loop3A_349 : i32 to index
          %parallel_loop3A_387 = arith.constant 0 : index
          %parallel_loop3A_388 = tpu.vector_load %arg12[%parallel_loop3A_386, %parallel_loop3A_387] {strides = array<i32>} : memref<16x512xf32, #tpu.memory_space<vmem>>, vector<1x16xf32>,
          %parallel_loop3A_389 = vector.shape_cast %parallel_loop3A_388 : vector<1x16xf32> to vector<16xf32>
          %parallel_loop3A_390 = vector.shape_cast %parallel_loop3A_385 : vector<16xf32> to vector<1x16xf32>
          tpu.vector_store %arg12[%parallel_loop3A_386, %parallel_loop3A_387], %parallel_loop3A_390 {strides = array<i32>} : memref<16x512xf32, #tpu.memory_space<vmem>>, vector<1x16xf32>,
          %parallel_loop3A_391 = arith.constant 4 : i32
          %parallel_loop3A_392 = arith.muli %parallel_loop3A_391, %parallel_loop3A_349 : i32
          %parallel_loop3A_393 = arith.index_cast %parallel_loop3A_392 : i32 to index
          %parallel_loop3A_394 = arith.constant 16 : index
          %parallel_loop3A_395 = tpu.vector_load %arg9[%parallel_loop3A_393, %parallel_loop3A_394] {strides = array<i32>} : memref<64x512xf32, #tpu.memory_space<vmem>>, vector<1x16xf32>,
          %parallel_loop3A_396 = vector.shape_cast %parallel_loop3A_395 : vector<1x16xf32> to vector<16xf32>
          %parallel_loop3A_397 = arith.constant 4 : i32
          %parallel_loop3A_398 = arith.muli %parallel_loop3A_397, %parallel_loop3A_349 : i32
          %parallel_loop3A_399 = arith.constant 1 : i32
          %parallel_loop3A_400 = arith.addi %parallel_loop3A_398, %parallel_loop3A_399 : i32
          %parallel_loop3A_401 = arith.index_cast %parallel_loop3A_400 : i32 to index
          %parallel_loop3A_402 = arith.constant 16 : index
          %parallel_loop3A_403 = tpu.vector_load %arg9[%parallel_loop3A_401, %parallel_loop3A_402] {strides = array<i32>} : memref<64x512xf32, #tpu.memory_space<vmem>>, vector<1x16xf32>,
          %parallel_loop3A_404 = vector.shape_cast %parallel_loop3A_403 : vector<1x16xf32> to vector<16xf32>
          %parallel_loop3A_405 = arith.addf %parallel_loop3A_396, %parallel_loop3A_404 : vector<16xf32>
          %parallel_loop3A_406 = arith.constant 4 : i32
          %parallel_loop3A_407 = arith.muli %parallel_loop3A_406, %parallel_loop3A_349 : i32
          %parallel_loop3A_408 = arith.constant 2 : i32
          %parallel_loop3A_409 = arith.addi %parallel_loop3A_407, %parallel_loop3A_408 : i32
          %parallel_loop3A_410 = arith.index_cast %parallel_loop3A_409 : i32 to index
          %parallel_loop3A_411 = arith.constant 16 : index
          %parallel_loop3A_412 = tpu.vector_load %arg9[%parallel_loop3A_410, %parallel_loop3A_411] {strides = array<i32>} : memref<64x512xf32, #tpu.memory_space<vmem>>, vector<1x16xf32>,
          %parallel_loop3A_413 = vector.shape_cast %parallel_loop3A_412 : vector<1x16xf32> to vector<16xf32>
          %parallel_loop3A_414 = arith.addf %parallel_loop3A_405, %parallel_loop3A_413 : vector<16xf32>
          %parallel_loop3A_415 = arith.constant 4 : i32
          %parallel_loop3A_416 = arith.muli %parallel_loop3A_415, %parallel_loop3A_349 : i32
          %parallel_loop3A_417 = arith.constant 3 : i32
          %parallel_loop3A_418 = arith.addi %parallel_loop3A_416, %parallel_loop3A_417 : i32
          %parallel_loop3A_419 = arith.index_cast %parallel_loop3A_418 : i32 to index
          %parallel_loop3A_420 = arith.constant 16 : index
          %parallel_loop3A_421 = tpu.vector_load %arg9[%parallel_loop3A_419, %parallel_loop3A_420] {strides = array<i32>} : memref<64x512xf32, #tpu.memory_space<vmem>>, vector<1x16xf32>,
          %parallel_loop3A_422 = vector.shape_cast %parallel_loop3A_421 : vector<1x16xf32> to vector<16xf32>
          %parallel_loop3A_423 = arith.addf %parallel_loop3A_414, %parallel_loop3A_422 : vector<16xf32>
          %parallel_loop3A_424 = arith.constant 2.500000e-01 : f32
          %parallel_loop3A_425 = vector.broadcast %parallel_loop3A_424 : f32 to vector<16xf32>
          %parallel_loop3A_426 = arith.mulf %parallel_loop3A_423, %parallel_loop3A_425 : vector<16xf32>
          %parallel_loop3A_427 = arith.index_cast %parallel_loop3A_349 : i32 to index
          %parallel_loop3A_428 = arith.constant 16 : index
          %parallel_loop3A_429 = tpu.vector_load %arg12[%parallel_loop3A_427, %parallel_loop3A_428] {strides = array<i32>} : memref<16x512xf32, #tpu.memory_space<vmem>>, vector<1x16xf32>,
          %parallel_loop3A_430 = vector.shape_cast %parallel_loop3A_429 : vector<1x16xf32> to vector<16xf32>
          %parallel_loop3A_431 = vector.shape_cast %parallel_loop3A_426 : vector<16xf32> to vector<1x16xf32>
          tpu.vector_store %arg12[%parallel_loop3A_427, %parallel_loop3A_428], %parallel_loop3A_431 {strides = array<i32>} : memref<16x512xf32, #tpu.memory_space<vmem>>, vector<1x16xf32>,
          %parallel_loop3A_432 = arith.constant 4 : i32
          %parallel_loop3A_433 = arith.muli %parallel_loop3A_432, %parallel_loop3A_349 : i32
          %parallel_loop3A_434 = arith.index_cast %parallel_loop3A_433 : i32 to index
          %parallel_loop3A_435 = arith.constant 32 : index
          %parallel_loop3A_436 = tpu.vector_load %arg9[%parallel_loop3A_434, %parallel_loop3A_435] {strides = array<i32>} : memref<64x512xf32, #tpu.memory_space<vmem>>, vector<1x16xf32>,
          %parallel_loop3A_437 = vector.shape_cast %parallel_loop3A_436 : vector<1x16xf32> to vector<16xf32>
          %parallel_loop3A_438 = arith.constant 4 : i32
          %parallel_loop3A_439 = arith.muli %parallel_loop3A_438, %parallel_loop3A_349 : i32
          %parallel_loop3A_440 = arith.constant 1 : i32
          %parallel_loop3A_441 = arith.addi %parallel_loop3A_439, %parallel_loop3A_440 : i32
          %parallel_loop3A_442 = arith.index_cast %parallel_loop3A_441 : i32 to index
          %parallel_loop3A_443 = arith.constant 32 : index
          %parallel_loop3A_444 = tpu.vector_load %arg9[%parallel_loop3A_442, %parallel_loop3A_443] {strides = array<i32>} : memref<64x512xf32, #tpu.memory_space<vmem>>, vector<1x16xf32>,
          %parallel_loop3A_445 = vector.shape_cast %parallel_loop3A_444 : vector<1x16xf32> to vector<16xf32>
          %parallel_loop3A_446 = arith.addf %parallel_loop3A_437, %parallel_loop3A_445 : vector<16xf32>
          %parallel_loop3A_447 = arith.constant 4 : i32
          %parallel_loop3A_448 = arith.muli %parallel_loop3A_447, %parallel_loop3A_349 : i32
          %parallel_loop3A_449 = arith.constant 2 : i32
          %parallel_loop3A_450 = arith.addi %parallel_loop3A_448, %parallel_loop3A_449 : i32
          %parallel_loop3A_451 = arith.index_cast %parallel_loop3A_450 : i32 to index
          %parallel_loop3A_452 = arith.constant 32 : index
          %parallel_loop3A_453 = tpu.vector_load %arg9[%parallel_loop3A_451, %parallel_loop3A_452] {strides = array<i32>} : memref<64x512xf32, #tpu.memory_space<vmem>>, vector<1x16xf32>,
          %parallel_loop3A_454 = vector.shape_cast %parallel_loop3A_453 : vector<1x16xf32> to vector<16xf32>
          %parallel_loop3A_455 = arith.addf %parallel_loop3A_446, %parallel_loop3A_454 : vector<16xf32>
          %parallel_loop3A_456 = arith.constant 4 : i32
          %parallel_loop3A_457 = arith.muli %parallel_loop3A_456, %parallel_loop3A_349 : i32
          %parallel_loop3A_458 = arith.constant 3 : i32
          %parallel_loop3A_459 = arith.addi %parallel_loop3A_457, %parallel_loop3A_458 : i32
          %parallel_loop3A_460 = arith.index_cast %parallel_loop3A_459 : i32 to index
          %parallel_loop3A_461 = arith.constant 32 : index
          %parallel_loop3A_462 = tpu.vector_load %arg9[%parallel_loop3A_460, %parallel_loop3A_461] {strides = array<i32>} : memref<64x512xf32, #tpu.memory_space<vmem>>, vector<1x16xf32>,
          %parallel_loop3A_463 = vector.shape_cast %parallel_loop3A_462 : vector<1x16xf32> to vector<16xf32>
          %parallel_loop3A_464 = arith.addf %parallel_loop3A_455, %parallel_loop3A_463 : vector<16xf32>
          %parallel_loop3A_465 = arith.constant 2.500000e-01 : f32
          %parallel_loop3A_466 = vector.broadcast %parallel_loop3A_465 : f32 to vector<16xf32>
          %parallel_loop3A_467 = arith.mulf %parallel_loop3A_464, %parallel_loop3A_466 : vector<16xf32>
          %parallel_loop3A_468 = arith.index_cast %parallel_loop3A_349 : i32 to index
          %parallel_loop3A_469 = arith.constant 32 : index
          %parallel_loop3A_470 = tpu.vector_load %arg12[%parallel_loop3A_468, %parallel_loop3A_469] {strides = array<i32>} : memref<16x512xf32, #tpu.memory_space<vmem>>, vector<1x16xf32>,
          %parallel_loop3A_471 = vector.shape_cast %parallel_loop3A_470 : vector<1x16xf32> to vector<16xf32>
          %parallel_loop3A_472 = vector.shape_cast %parallel_loop3A_467 : vector<16xf32> to vector<1x16xf32>
          tpu.vector_store %arg12[%parallel_loop3A_468, %parallel_loop3A_469], %parallel_loop3A_472 {strides = array<i32>} : memref<16x512xf32, #tpu.memory_space<vmem>>, vector<1x16xf32>,
          %parallel_loop3A_473 = arith.constant 4 : i32
          %parallel_loop3A_474 = arith.muli %parallel_loop3A_473, %parallel_loop3A_349 : i32
          %parallel_loop3A_475 = arith.index_cast %parallel_loop3A_474 : i32 to index
          %parallel_loop3A_476 = arith.constant 48 : index
          %parallel_loop3A_477 = tpu.vector_load %arg9[%parallel_loop3A_475, %parallel_loop3A_476] {strides = array<i32>} : memref<64x512xf32, #tpu.memory_space<vmem>>, vector<1x16xf32>,
          %parallel_loop3A_478 = vector.shape_cast %parallel_loop3A_477 : vector<1x16xf32> to vector<16xf32>
          %parallel_loop3A_479 = arith.constant 4 : i32
          %parallel_loop3A_480 = arith.muli %parallel_loop3A_479, %parallel_loop3A_349 : i32
          %parallel_loop3A_481 = arith.constant 1 : i32
          %parallel_loop3A_482 = arith.addi %parallel_loop3A_480, %parallel_loop3A_481 : i32
          %parallel_loop3A_483 = arith.index_cast %parallel_loop3A_482 : i32 to index
          %parallel_loop3A_484 = arith.constant 48 : index
          %parallel_loop3A_485 = tpu.vector_load %arg9[%parallel_loop3A_483, %parallel_loop3A_484] {strides = array<i32>} : memref<64x512xf32, #tpu.memory_space<vmem>>, vector<1x16xf32>,
          %parallel_loop3A_486 = vector.shape_cast %parallel_loop3A_485 : vector<1x16xf32> to vector<16xf32>
          %parallel_loop3A_487 = arith.addf %parallel_loop3A_478, %parallel_loop3A_486 : vector<16xf32>
          %parallel_loop3A_488 = arith.constant 4 : i32
          %parallel_loop3A_489 = arith.muli %parallel_loop3A_488, %parallel_loop3A_349 : i32
          %parallel_loop3A_490 = arith.constant 2 : i32
          %parallel_loop3A_491 = arith.addi %parallel_loop3A_489, %parallel_loop3A_490 : i32
          %parallel_loop3A_492 = arith.index_cast %parallel_loop3A_491 : i32 to index
          %parallel_loop3A_493 = arith.constant 48 : index
          %parallel_loop3A_494 = tpu.vector_load %arg9[%parallel_loop3A_492, %parallel_loop3A_493] {strides = array<i32>} : memref<64x512xf32, #tpu.memory_space<vmem>>, vector<1x16xf32>,
          %parallel_loop3A_495 = vector.shape_cast %parallel_loop3A_494 : vector<1x16xf32> to vector<16xf32>
          %parallel_loop3A_496 = arith.addf %parallel_loop3A_487, %parallel_loop3A_495 : vector<16xf32>
          %parallel_loop3A_497 = arith.constant 4 : i32
          %parallel_loop3A_498 = arith.muli %parallel_loop3A_497, %parallel_loop3A_349 : i32
          %parallel_loop3A_499 = arith.constant 3 : i32
          %parallel_loop3A_500 = arith.addi %parallel_loop3A_498, %parallel_loop3A_499 : i32
          %parallel_loop3A_501 = arith.index_cast %parallel_loop3A_500 : i32 to index
          %parallel_loop3A_502 = arith.constant 48 : index
          %parallel_loop3A_503 = tpu.vector_load %arg9[%parallel_loop3A_501, %parallel_loop3A_502] {strides = array<i32>} : memref<64x512xf32, #tpu.memory_space<vmem>>, vector<1x16xf32>,
          %parallel_loop3A_504 = vector.shape_cast %parallel_loop3A_503 : vector<1x16xf32> to vector<16xf32>
          %parallel_loop3A_505 = arith.addf %parallel_loop3A_496, %parallel_loop3A_504 : vector<16xf32>
          %parallel_loop3A_506 = arith.constant 2.500000e-01 : f32
          %parallel_loop3A_507 = vector.broadcast %parallel_loop3A_506 : f32 to vector<16xf32>
          %parallel_loop3A_508 = arith.mulf %parallel_loop3A_505, %parallel_loop3A_507 : vector<16xf32>
          %parallel_loop3A_509 = arith.index_cast %parallel_loop3A_349 : i32 to index
          %parallel_loop3A_510 = arith.constant 48 : index
          %parallel_loop3A_511 = tpu.vector_load %arg12[%parallel_loop3A_509, %parallel_loop3A_510] {strides = array<i32>} : memref<16x512xf32, #tpu.memory_space<vmem>>, vector<1x16xf32>,
          %parallel_loop3A_512 = vector.shape_cast %parallel_loop3A_511 : vector<1x16xf32> to vector<16xf32>
          %parallel_loop3A_513 = vector.shape_cast %parallel_loop3A_508 : vector<16xf32> to vector<1x16xf32>
          tpu.vector_store %arg12[%parallel_loop3A_509, %parallel_loop3A_510], %parallel_loop3A_513 {strides = array<i32>} : memref<16x512xf32, #tpu.memory_space<vmem>>, vector<1x16xf32>,
          %parallel_loop3A_514 = arith.constant 4 : i32
          %parallel_loop3A_515 = arith.muli %parallel_loop3A_514, %parallel_loop3A_349 : i32
          %parallel_loop3A_516 = arith.index_cast %parallel_loop3A_515 : i32 to index
          %parallel_loop3A_517 = arith.constant 64 : index
          %parallel_loop3A_518 = tpu.vector_load %arg9[%parallel_loop3A_516, %parallel_loop3A_517] {strides = array<i32>} : memref<64x512xf32, #tpu.memory_space<vmem>>, vector<1x16xf32>,
          %parallel_loop3A_519 = vector.shape_cast %parallel_loop3A_518 : vector<1x16xf32> to vector<16xf32>
          %parallel_loop3A_520 = arith.constant 4 : i32
          %parallel_loop3A_521 = arith.muli %parallel_loop3A_520, %parallel_loop3A_349 : i32
          %parallel_loop3A_522 = arith.constant 1 : i32
          %parallel_loop3A_523 = arith.addi %parallel_loop3A_521, %parallel_loop3A_522 : i32
          %parallel_loop3A_524 = arith.index_cast %parallel_loop3A_523 : i32 to index
          %parallel_loop3A_525 = arith.constant 64 : index
          %parallel_loop3A_526 = tpu.vector_load %arg9[%parallel_loop3A_524, %parallel_loop3A_525] {strides = array<i32>} : memref<64x512xf32, #tpu.memory_space<vmem>>, vector<1x16xf32>,
          %parallel_loop3A_527 = vector.shape_cast %parallel_loop3A_526 : vector<1x16xf32> to vector<16xf32>
          %parallel_loop3A_528 = arith.addf %parallel_loop3A_519, %parallel_loop3A_527 : vector<16xf32>
          %parallel_loop3A_529 = arith.constant 4 : i32
          %parallel_loop3A_530 = arith.muli %parallel_loop3A_529, %parallel_loop3A_349 : i32
          %parallel_loop3A_531 = arith.constant 2 : i32
          %parallel_loop3A_532 = arith.addi %parallel_loop3A_530, %parallel_loop3A_531 : i32
          %parallel_loop3A_533 = arith.index_cast %parallel_loop3A_532 : i32 to index
          %parallel_loop3A_534 = arith.constant 64 : index
          %parallel_loop3A_535 = tpu.vector_load %arg9[%parallel_loop3A_533, %parallel_loop3A_534] {strides = array<i32>} : memref<64x512xf32, #tpu.memory_space<vmem>>, vector<1x16xf32>,
          %parallel_loop3A_536 = vector.shape_cast %parallel_loop3A_535 : vector<1x16xf32> to vector<16xf32>
          %parallel_loop3A_537 = arith.addf %parallel_loop3A_528, %parallel_loop3A_536 : vector<16xf32>
          %parallel_loop3A_538 = arith.constant 4 : i32
          %parallel_loop3A_539 = arith.muli %parallel_loop3A_538, %parallel_loop3A_349 : i32
          %parallel_loop3A_540 = arith.constant 3 : i32
          %parallel_loop3A_541 = arith.addi %parallel_loop3A_539, %parallel_loop3A_540 : i32
          %parallel_loop3A_542 = arith.index_cast %parallel_loop3A_541 : i32 to index
          %parallel_loop3A_543 = arith.constant 64 : index
          %parallel_loop3A_544 = tpu.vector_load %arg9[%parallel_loop3A_542, %parallel_loop3A_543] {strides = array<i32>} : memref<64x512xf32, #tpu.memory_space<vmem>>, vector<1x16xf32>,
          %parallel_loop3A_545 = vector.shape_cast %parallel_loop3A_544 : vector<1x16xf32> to vector<16xf32>
          %parallel_loop3A_546 = arith.addf %parallel_loop3A_537, %parallel_loop3A_545 : vector<16xf32>
          %parallel_loop3A_547 = arith.constant 2.500000e-01 : f32
          %parallel_loop3A_548 = vector.broadcast %parallel_loop3A_547 : f32 to vector<16xf32>
          %parallel_loop3A_549 = arith.mulf %parallel_loop3A_546, %parallel_loop3A_548 : vector<16xf32>
          %parallel_loop3A_550 = arith.index_cast %parallel_loop3A_349 : i32 to index
          %parallel_loop3A_551 = arith.constant 64 : index
          %parallel_loop3A_552 = tpu.vector_load %arg12[%parallel_loop3A_550, %parallel_loop3A_551] {strides = array<i32>} : memref<16x512xf32, #tpu.memory_space<vmem>>, vector<1x16xf32>,
          %parallel_loop3A_553 = vector.shape_cast %parallel_loop3A_552 : vector<1x16xf32> to vector<16xf32>
          %parallel_loop3A_554 = vector.shape_cast %parallel_loop3A_549 : vector<16xf32> to vector<1x16xf32>
          tpu.vector_store %arg12[%parallel_loop3A_550, %parallel_loop3A_551], %parallel_loop3A_554 {strides = array<i32>} : memref<16x512xf32, #tpu.memory_space<vmem>>, vector<1x16xf32>,
          %parallel_loop3A_555 = arith.constant 4 : i32
          %parallel_loop3A_556 = arith.muli %parallel_loop3A_555, %parallel_loop3A_349 : i32
          %parallel_loop3A_557 = arith.index_cast %parallel_loop3A_556 : i32 to index
          %parallel_loop3A_558 = arith.constant 80 : index
          %parallel_loop3A_559 = tpu.vector_load %arg9[%parallel_loop3A_557, %parallel_loop3A_558] {strides = array<i32>} : memref<64x512xf32, #tpu.memory_space<vmem>>, vector<1x16xf32>,
          %parallel_loop3A_560 = vector.shape_cast %parallel_loop3A_559 : vector<1x16xf32> to vector<16xf32>
          %parallel_loop3A_561 = arith.constant 4 : i32
          %parallel_loop3A_562 = arith.muli %parallel_loop3A_561, %parallel_loop3A_349 : i32
          %parallel_loop3A_563 = arith.constant 1 : i32
          %parallel_loop3A_564 = arith.addi %parallel_loop3A_562, %parallel_loop3A_563 : i32
          %parallel_loop3A_565 = arith.index_cast %parallel_loop3A_564 : i32 to index
          %parallel_loop3A_566 = arith.constant 80 : index
          %parallel_loop3A_567 = tpu.vector_load %arg9[%parallel_loop3A_565, %parallel_loop3A_566] {strides = array<i32>} : memref<64x512xf32, #tpu.memory_space<vmem>>, vector<1x16xf32>,
          %parallel_loop3A_568 = vector.shape_cast %parallel_loop3A_567 : vector<1x16xf32> to vector<16xf32>
          %parallel_loop3A_569 = arith.addf %parallel_loop3A_560, %parallel_loop3A_568 : vector<16xf32>
          %parallel_loop3A_570 = arith.constant 4 : i32
          %parallel_loop3A_571 = arith.muli %parallel_loop3A_570, %parallel_loop3A_349 : i32
          %parallel_loop3A_572 = arith.constant 2 : i32
          %parallel_loop3A_573 = arith.addi %parallel_loop3A_571, %parallel_loop3A_572 : i32
          %parallel_loop3A_574 = arith.index_cast %parallel_loop3A_573 : i32 to index
          %parallel_loop3A_575 = arith.constant 80 : index
          %parallel_loop3A_576 = tpu.vector_load %arg9[%parallel_loop3A_574, %parallel_loop3A_575] {strides = array<i32>} : memref<64x512xf32, #tpu.memory_space<vmem>>, vector<1x16xf32>,
          %parallel_loop3A_577 = vector.shape_cast %parallel_loop3A_576 : vector<1x16xf32> to vector<16xf32>
          %parallel_loop3A_578 = arith.addf %parallel_loop3A_569, %parallel_loop3A_577 : vector<16xf32>
          %parallel_loop3A_579 = arith.constant 4 : i32
          %parallel_loop3A_580 = arith.muli %parallel_loop3A_579, %parallel_loop3A_349 : i32
          %parallel_loop3A_581 = arith.constant 3 : i32
          %parallel_loop3A_582 = arith.addi %parallel_loop3A_580, %parallel_loop3A_581 : i32
          %parallel_loop3A_583 = arith.index_cast %parallel_loop3A_582 : i32 to index
          %parallel_loop3A_584 = arith.constant 80 : index
          %parallel_loop3A_585 = tpu.vector_load %arg9[%parallel_loop3A_583, %parallel_loop3A_584] {strides = array<i32>} : memref<64x512xf32, #tpu.memory_space<vmem>>, vector<1x16xf32>,
          %parallel_loop3A_586 = vector.shape_cast %parallel_loop3A_585 : vector<1x16xf32> to vector<16xf32>
          %parallel_loop3A_587 = arith.addf %parallel_loop3A_578, %parallel_loop3A_586 : vector<16xf32>
          %parallel_loop3A_588 = arith.constant 2.500000e-01 : f32
          %parallel_loop3A_589 = vector.broadcast %parallel_loop3A_588 : f32 to vector<16xf32>
          %parallel_loop3A_590 = arith.mulf %parallel_loop3A_587, %parallel_loop3A_589 : vector<16xf32>
          %parallel_loop3A_591 = arith.index_cast %parallel_loop3A_349 : i32 to index
          %parallel_loop3A_592 = arith.constant 80 : index
          %parallel_loop3A_593 = tpu.vector_load %arg12[%parallel_loop3A_591, %parallel_loop3A_592] {strides = array<i32>} : memref<16x512xf32, #tpu.memory_space<vmem>>, vector<1x16xf32>,
          %parallel_loop3A_594 = vector.shape_cast %parallel_loop3A_593 : vector<1x16xf32> to vector<16xf32>
          %parallel_loop3A_595 = vector.shape_cast %parallel_loop3A_590 : vector<16xf32> to vector<1x16xf32>
          tpu.vector_store %arg12[%parallel_loop3A_591, %parallel_loop3A_592], %parallel_loop3A_595 {strides = array<i32>} : memref<16x512xf32, #tpu.memory_space<vmem>>, vector<1x16xf32>,
          %parallel_loop3A_596 = arith.constant 4 : i32
          %parallel_loop3A_597 = arith.muli %parallel_loop3A_596, %parallel_loop3A_349 : i32
          %parallel_loop3A_598 = arith.index_cast %parallel_loop3A_597 : i32 to index
          %parallel_loop3A_599 = arith.constant 96 : index
          %parallel_loop3A_600 = tpu.vector_load %arg9[%parallel_loop3A_598, %parallel_loop3A_599] {strides = array<i32>} : memref<64x512xf32, #tpu.memory_space<vmem>>, vector<1x16xf32>,
          %parallel_loop3A_601 = vector.shape_cast %parallel_loop3A_600 : vector<1x16xf32> to vector<16xf32>
          %parallel_loop3A_602 = arith.constant 4 : i32
          %parallel_loop3A_603 = arith.muli %parallel_loop3A_602, %parallel_loop3A_349 : i32
          %parallel_loop3A_604 = arith.constant 1 : i32
          %parallel_loop3A_605 = arith.addi %parallel_loop3A_603, %parallel_loop3A_604 : i32
          %parallel_loop3A_606 = arith.index_cast %parallel_loop3A_605 : i32 to index
          %parallel_loop3A_607 = arith.constant 96 : index
          %parallel_loop3A_608 = tpu.vector_load %arg9[%parallel_loop3A_606, %parallel_loop3A_607] {strides = array<i32>} : memref<64x512xf32, #tpu.memory_space<vmem>>, vector<1x16xf32>,
          %parallel_loop3A_609 = vector.shape_cast %parallel_loop3A_608 : vector<1x16xf32> to vector<16xf32>
          %parallel_loop3A_610 = arith.addf %parallel_loop3A_601, %parallel_loop3A_609 : vector<16xf32>
          %parallel_loop3A_611 = arith.constant 4 : i32
          %parallel_loop3A_612 = arith.muli %parallel_loop3A_611, %parallel_loop3A_349 : i32
          %parallel_loop3A_613 = arith.constant 2 : i32
          %parallel_loop3A_614 = arith.addi %parallel_loop3A_612, %parallel_loop3A_613 : i32
          %parallel_loop3A_615 = arith.index_cast %parallel_loop3A_614 : i32 to index
          %parallel_loop3A_616 = arith.constant 96 : index
          %parallel_loop3A_617 = tpu.vector_load %arg9[%parallel_loop3A_615, %parallel_loop3A_616] {strides = array<i32>} : memref<64x512xf32, #tpu.memory_space<vmem>>, vector<1x16xf32>,
          %parallel_loop3A_618 = vector.shape_cast %parallel_loop3A_617 : vector<1x16xf32> to vector<16xf32>
          %parallel_loop3A_619 = arith.addf %parallel_loop3A_610, %parallel_loop3A_618 : vector<16xf32>
          %parallel_loop3A_620 = arith.constant 4 : i32
          %parallel_loop3A_621 = arith.muli %parallel_loop3A_620, %parallel_loop3A_349 : i32
          %parallel_loop3A_622 = arith.constant 3 : i32
          %parallel_loop3A_623 = arith.addi %parallel_loop3A_621, %parallel_loop3A_622 : i32
          %parallel_loop3A_624 = arith.index_cast %parallel_loop3A_623 : i32 to index
          %parallel_loop3A_625 = arith.constant 96 : index
          %parallel_loop3A_626 = tpu.vector_load %arg9[%parallel_loop3A_624, %parallel_loop3A_625] {strides = array<i32>} : memref<64x512xf32, #tpu.memory_space<vmem>>, vector<1x16xf32>,
          %parallel_loop3A_627 = vector.shape_cast %parallel_loop3A_626 : vector<1x16xf32> to vector<16xf32>
          %parallel_loop3A_628 = arith.addf %parallel_loop3A_619, %parallel_loop3A_627 : vector<16xf32>
          %parallel_loop3A_629 = arith.constant 2.500000e-01 : f32
          %parallel_loop3A_630 = vector.broadcast %parallel_loop3A_629 : f32 to vector<16xf32>
          %parallel_loop3A_631 = arith.mulf %parallel_loop3A_628, %parallel_loop3A_630 : vector<16xf32>
          %parallel_loop3A_632 = arith.index_cast %parallel_loop3A_349 : i32 to index
          %parallel_loop3A_633 = arith.constant 96 : index
          %parallel_loop3A_634 = tpu.vector_load %arg12[%parallel_loop3A_632, %parallel_loop3A_633] {strides = array<i32>} : memref<16x512xf32, #tpu.memory_space<vmem>>, vector<1x16xf32>,
          %parallel_loop3A_635 = vector.shape_cast %parallel_loop3A_634 : vector<1x16xf32> to vector<16xf32>
          %parallel_loop3A_636 = vector.shape_cast %parallel_loop3A_631 : vector<16xf32> to vector<1x16xf32>
          tpu.vector_store %arg12[%parallel_loop3A_632, %parallel_loop3A_633], %parallel_loop3A_636 {strides = array<i32>} : memref<16x512xf32, #tpu.memory_space<vmem>>, vector<1x16xf32>,
          %parallel_loop3A_637 = arith.constant 4 : i32
          %parallel_loop3A_638 = arith.muli %parallel_loop3A_637, %parallel_loop3A_349 : i32
          %parallel_loop3A_639 = arith.index_cast %parallel_loop3A_638 : i32 to index
          %parallel_loop3A_640 = arith.constant 112 : index
          %parallel_loop3A_641 = tpu.vector_load %arg9[%parallel_loop3A_639, %parallel_loop3A_640] {strides = array<i32>} : memref<64x512xf32, #tpu.memory_space<vmem>>, vector<1x16xf32>,
          %parallel_loop3A_642 = vector.shape_cast %parallel_loop3A_641 : vector<1x16xf32> to vector<16xf32>
          %parallel_loop3A_643 = arith.constant 4 : i32
          %parallel_loop3A_644 = arith.muli %parallel_loop3A_643, %parallel_loop3A_349 : i32
          %parallel_loop3A_645 = arith.constant 1 : i32
          %parallel_loop3A_646 = arith.addi %parallel_loop3A_644, %parallel_loop3A_645 : i32
          %parallel_loop3A_647 = arith.index_cast %parallel_loop3A_646 : i32 to index
          %parallel_loop3A_648 = arith.constant 112 : index
          %parallel_loop3A_649 = tpu.vector_load %arg9[%parallel_loop3A_647, %parallel_loop3A_648] {strides = array<i32>} : memref<64x512xf32, #tpu.memory_space<vmem>>, vector<1x16xf32>,
          %parallel_loop3A_650 = vector.shape_cast %parallel_loop3A_649 : vector<1x16xf32> to vector<16xf32>
          %parallel_loop3A_651 = arith.addf %parallel_loop3A_642, %parallel_loop3A_650 : vector<16xf32>
          %parallel_loop3A_652 = arith.constant 4 : i32
          %parallel_loop3A_653 = arith.muli %parallel_loop3A_652, %parallel_loop3A_349 : i32
          %parallel_loop3A_654 = arith.constant 2 : i32
          %parallel_loop3A_655 = arith.addi %parallel_loop3A_653, %parallel_loop3A_654 : i32
          %parallel_loop3A_656 = arith.index_cast %parallel_loop3A_655 : i32 to index
          %parallel_loop3A_657 = arith.constant 112 : index
          %parallel_loop3A_658 = tpu.vector_load %arg9[%parallel_loop3A_656, %parallel_loop3A_657] {strides = array<i32>} : memref<64x512xf32, #tpu.memory_space<vmem>>, vector<1x16xf32>,
          %parallel_loop3A_659 = vector.shape_cast %parallel_loop3A_658 : vector<1x16xf32> to vector<16xf32>
          %parallel_loop3A_660 = arith.addf %parallel_loop3A_651, %parallel_loop3A_659 : vector<16xf32>
          %parallel_loop3A_661 = arith.constant 4 : i32
          %parallel_loop3A_662 = arith.muli %parallel_loop3A_661, %parallel_loop3A_349 : i32
          %parallel_loop3A_663 = arith.constant 3 : i32
          %parallel_loop3A_664 = arith.addi %parallel_loop3A_662, %parallel_loop3A_663 : i32
          %parallel_loop3A_665 = arith.index_cast %parallel_loop3A_664 : i32 to index
          %parallel_loop3A_666 = arith.constant 112 : index
          %parallel_loop3A_667 = tpu.vector_load %arg9[%parallel_loop3A_665, %parallel_loop3A_666] {strides = array<i32>} : memref<64x512xf32, #tpu.memory_space<vmem>>, vector<1x16xf32>,
          %parallel_loop3A_668 = vector.shape_cast %parallel_loop3A_667 : vector<1x16xf32> to vector<16xf32>
          %parallel_loop3A_669 = arith.addf %parallel_loop3A_660, %parallel_loop3A_668 : vector<16xf32>
          %parallel_loop3A_670 = arith.constant 2.500000e-01 : f32
          %parallel_loop3A_671 = vector.broadcast %parallel_loop3A_670 : f32 to vector<16xf32>
          %parallel_loop3A_672 = arith.mulf %parallel_loop3A_669, %parallel_loop3A_671 : vector<16xf32>
          %parallel_loop3A_673 = arith.index_cast %parallel_loop3A_349 : i32 to index
          %parallel_loop3A_674 = arith.constant 112 : index
          %parallel_loop3A_675 = tpu.vector_load %arg12[%parallel_loop3A_673, %parallel_loop3A_674] {strides = array<i32>} : memref<16x512xf32, #tpu.memory_space<vmem>>, vector<1x16xf32>,
          %parallel_loop3A_676 = vector.shape_cast %parallel_loop3A_675 : vector<1x16xf32> to vector<16xf32>
          %parallel_loop3A_677 = vector.shape_cast %parallel_loop3A_672 : vector<16xf32> to vector<1x16xf32>
          tpu.vector_store %arg12[%parallel_loop3A_673, %parallel_loop3A_674], %parallel_loop3A_677 {strides = array<i32>} : memref<16x512xf32, #tpu.memory_space<vmem>>, vector<1x16xf32>,
          %parallel_loop3A_678 = arith.constant 4 : i32
          %parallel_loop3A_679 = arith.muli %parallel_loop3A_678, %parallel_loop3A_349 : i32
          %parallel_loop3A_680 = arith.index_cast %parallel_loop3A_679 : i32 to index
          %parallel_loop3A_681 = arith.constant 128 : index
          %parallel_loop3A_682 = tpu.vector_load %arg9[%parallel_loop3A_680, %parallel_loop3A_681] {strides = array<i32>} : memref<64x512xf32, #tpu.memory_space<vmem>>, vector<1x16xf32>,
          %parallel_loop3A_683 = vector.shape_cast %parallel_loop3A_682 : vector<1x16xf32> to vector<16xf32>
          %parallel_loop3A_684 = arith.constant 4 : i32
          %parallel_loop3A_685 = arith.muli %parallel_loop3A_684, %parallel_loop3A_349 : i32
          %parallel_loop3A_686 = arith.constant 1 : i32
          %parallel_loop3A_687 = arith.addi %parallel_loop3A_685, %parallel_loop3A_686 : i32
          %parallel_loop3A_688 = arith.index_cast %parallel_loop3A_687 : i32 to index
          %parallel_loop3A_689 = arith.constant 128 : index
          %parallel_loop3A_690 = tpu.vector_load %arg9[%parallel_loop3A_688, %parallel_loop3A_689] {strides = array<i32>} : memref<64x512xf32, #tpu.memory_space<vmem>>, vector<1x16xf32>,
          %parallel_loop3A_691 = vector.shape_cast %parallel_loop3A_690 : vector<1x16xf32> to vector<16xf32>
          %parallel_loop3A_692 = arith.addf %parallel_loop3A_683, %parallel_loop3A_691 : vector<16xf32>
          %parallel_loop3A_693 = arith.constant 4 : i32
          %parallel_loop3A_694 = arith.muli %parallel_loop3A_693, %parallel_loop3A_349 : i32
          %parallel_loop3A_695 = arith.constant 2 : i32
          %parallel_loop3A_696 = arith.addi %parallel_loop3A_694, %parallel_loop3A_695 : i32
          %parallel_loop3A_697 = arith.index_cast %parallel_loop3A_696 : i32 to index
          %parallel_loop3A_698 = arith.constant 128 : index
          %parallel_loop3A_699 = tpu.vector_load %arg9[%parallel_loop3A_697, %parallel_loop3A_698] {strides = array<i32>} : memref<64x512xf32, #tpu.memory_space<vmem>>, vector<1x16xf32>,
          %parallel_loop3A_700 = vector.shape_cast %parallel_loop3A_699 : vector<1x16xf32> to vector<16xf32>
          %parallel_loop3A_701 = arith.addf %parallel_loop3A_692, %parallel_loop3A_700 : vector<16xf32>
          %parallel_loop3A_702 = arith.constant 4 : i32
          %parallel_loop3A_703 = arith.muli %parallel_loop3A_702, %parallel_loop3A_349 : i32
          %parallel_loop3A_704 = arith.constant 3 : i32
          %parallel_loop3A_705 = arith.addi %parallel_loop3A_703, %parallel_loop3A_704 : i32
          %parallel_loop3A_706 = arith.index_cast %parallel_loop3A_705 : i32 to index
          %parallel_loop3A_707 = arith.constant 128 : index
          %parallel_loop3A_708 = tpu.vector_load %arg9[%parallel_loop3A_706, %parallel_loop3A_707] {strides = array<i32>} : memref<64x512xf32, #tpu.memory_space<vmem>>, vector<1x16xf32>,
          %parallel_loop3A_709 = vector.shape_cast %parallel_loop3A_708 : vector<1x16xf32> to vector<16xf32>
          %parallel_loop3A_710 = arith.addf %parallel_loop3A_701, %parallel_loop3A_709 : vector<16xf32>
          %parallel_loop3A_711 = arith.constant 2.500000e-01 : f32
          %parallel_loop3A_712 = vector.broadcast %parallel_loop3A_711 : f32 to vector<16xf32>
          %parallel_loop3A_713 = arith.mulf %parallel_loop3A_710, %parallel_loop3A_712 : vector<16xf32>
          %parallel_loop3A_714 = arith.index_cast %parallel_loop3A_349 : i32 to index
          %parallel_loop3A_715 = arith.constant 128 : index
          %parallel_loop3A_716 = tpu.vector_load %arg12[%parallel_loop3A_714, %parallel_loop3A_715] {strides = array<i32>} : memref<16x512xf32, #tpu.memory_space<vmem>>, vector<1x16xf32>,
          %parallel_loop3A_717 = vector.shape_cast %parallel_loop3A_716 : vector<1x16xf32> to vector<16xf32>
          %parallel_loop3A_718 = vector.shape_cast %parallel_loop3A_713 : vector<16xf32> to vector<1x16xf32>
          tpu.vector_store %arg12[%parallel_loop3A_714, %parallel_loop3A_715], %parallel_loop3A_718 {strides = array<i32>} : memref<16x512xf32, #tpu.memory_space<vmem>>, vector<1x16xf32>,
          %parallel_loop3A_719 = arith.constant 4 : i32
          %parallel_loop3A_720 = arith.muli %parallel_loop3A_719, %parallel_loop3A_349 : i32
          %parallel_loop3A_721 = arith.index_cast %parallel_loop3A_720 : i32 to index
          %parallel_loop3A_722 = arith.constant 144 : index
          %parallel_loop3A_723 = tpu.vector_load %arg9[%parallel_loop3A_721, %parallel_loop3A_722] {strides = array<i32>} : memref<64x512xf32, #tpu.memory_space<vmem>>, vector<1x16xf32>,
          %parallel_loop3A_724 = vector.shape_cast %parallel_loop3A_723 : vector<1x16xf32> to vector<16xf32>
          %parallel_loop3A_725 = arith.constant 4 : i32
          %parallel_loop3A_726 = arith.muli %parallel_loop3A_725, %parallel_loop3A_349 : i32
          %parallel_loop3A_727 = arith.constant 1 : i32
          %parallel_loop3A_728 = arith.addi %parallel_loop3A_726, %parallel_loop3A_727 : i32
          %parallel_loop3A_729 = arith.index_cast %parallel_loop3A_728 : i32 to index
          %parallel_loop3A_730 = arith.constant 144 : index
          %parallel_loop3A_731 = tpu.vector_load %arg9[%parallel_loop3A_729, %parallel_loop3A_730] {strides = array<i32>} : memref<64x512xf32, #tpu.memory_space<vmem>>, vector<1x16xf32>,
          %parallel_loop3A_732 = vector.shape_cast %parallel_loop3A_731 : vector<1x16xf32> to vector<16xf32>
          %parallel_loop3A_733 = arith.addf %parallel_loop3A_724, %parallel_loop3A_732 : vector<16xf32>
          %parallel_loop3A_734 = arith.constant 4 : i32
          %parallel_loop3A_735 = arith.muli %parallel_loop3A_734, %parallel_loop3A_349 : i32
          %parallel_loop3A_736 = arith.constant 2 : i32
          %parallel_loop3A_737 = arith.addi %parallel_loop3A_735, %parallel_loop3A_736 : i32
          %parallel_loop3A_738 = arith.index_cast %parallel_loop3A_737 : i32 to index
          %parallel_loop3A_739 = arith.constant 144 : index
          %parallel_loop3A_740 = tpu.vector_load %arg9[%parallel_loop3A_738, %parallel_loop3A_739] {strides = array<i32>} : memref<64x512xf32, #tpu.memory_space<vmem>>, vector<1x16xf32>,
          %parallel_loop3A_741 = vector.shape_cast %parallel_loop3A_740 : vector<1x16xf32> to vector<16xf32>
          %parallel_loop3A_742 = arith.addf %parallel_loop3A_733, %parallel_loop3A_741 : vector<16xf32>
          %parallel_loop3A_743 = arith.constant 4 : i32
          %parallel_loop3A_744 = arith.muli %parallel_loop3A_743, %parallel_loop3A_349 : i32
          %parallel_loop3A_745 = arith.constant 3 : i32
          %parallel_loop3A_746 = arith.addi %parallel_loop3A_744, %parallel_loop3A_745 : i32
          %parallel_loop3A_747 = arith.index_cast %parallel_loop3A_746 : i32 to index
          %parallel_loop3A_748 = arith.constant 144 : index
          %parallel_loop3A_749 = tpu.vector_load %arg9[%parallel_loop3A_747, %parallel_loop3A_748] {strides = array<i32>} : memref<64x512xf32, #tpu.memory_space<vmem>>, vector<1x16xf32>,
          %parallel_loop3A_750 = vector.shape_cast %parallel_loop3A_749 : vector<1x16xf32> to vector<16xf32>
          %parallel_loop3A_751 = arith.addf %parallel_loop3A_742, %parallel_loop3A_750 : vector<16xf32>
          %parallel_loop3A_752 = arith.constant 2.500000e-01 : f32
          %parallel_loop3A_753 = vector.broadcast %parallel_loop3A_752 : f32 to vector<16xf32>
          %parallel_loop3A_754 = arith.mulf %parallel_loop3A_751, %parallel_loop3A_753 : vector<16xf32>
          %parallel_loop3A_755 = arith.index_cast %parallel_loop3A_349 : i32 to index
          %parallel_loop3A_756 = arith.constant 144 : index
          %parallel_loop3A_757 = tpu.vector_load %arg12[%parallel_loop3A_755, %parallel_loop3A_756] {strides = array<i32>} : memref<16x512xf32, #tpu.memory_space<vmem>>, vector<1x16xf32>,
          %parallel_loop3A_758 = vector.shape_cast %parallel_loop3A_757 : vector<1x16xf32> to vector<16xf32>
          %parallel_loop3A_759 = vector.shape_cast %parallel_loop3A_754 : vector<16xf32> to vector<1x16xf32>
          tpu.vector_store %arg12[%parallel_loop3A_755, %parallel_loop3A_756], %parallel_loop3A_759 {strides = array<i32>} : memref<16x512xf32, #tpu.memory_space<vmem>>, vector<1x16xf32>,
          %parallel_loop3A_760 = arith.constant 4 : i32
          %parallel_loop3A_761 = arith.muli %parallel_loop3A_760, %parallel_loop3A_349 : i32
          %parallel_loop3A_762 = arith.index_cast %parallel_loop3A_761 : i32 to index
          %parallel_loop3A_763 = arith.constant 160 : index
          %parallel_loop3A_764 = tpu.vector_load %arg9[%parallel_loop3A_762, %parallel_loop3A_763] {strides = array<i32>} : memref<64x512xf32, #tpu.memory_space<vmem>>, vector<1x16xf32>,
          %parallel_loop3A_765 = vector.shape_cast %parallel_loop3A_764 : vector<1x16xf32> to vector<16xf32>
          %parallel_loop3A_766 = arith.constant 4 : i32
          %parallel_loop3A_767 = arith.muli %parallel_loop3A_766, %parallel_loop3A_349 : i32
          %parallel_loop3A_768 = arith.constant 1 : i32
          %parallel_loop3A_769 = arith.addi %parallel_loop3A_767, %parallel_loop3A_768 : i32
          %parallel_loop3A_770 = arith.index_cast %parallel_loop3A_769 : i32 to index
          %parallel_loop3A_771 = arith.constant 160 : index
          %parallel_loop3A_772 = tpu.vector_load %arg9[%parallel_loop3A_770, %parallel_loop3A_771] {strides = array<i32>} : memref<64x512xf32, #tpu.memory_space<vmem>>, vector<1x16xf32>,
          %parallel_loop3A_773 = vector.shape_cast %parallel_loop3A_772 : vector<1x16xf32> to vector<16xf32>
          %parallel_loop3A_774 = arith.addf %parallel_loop3A_765, %parallel_loop3A_773 : vector<16xf32>
          %parallel_loop3A_775 = arith.constant 4 : i32
          %parallel_loop3A_776 = arith.muli %parallel_loop3A_775, %parallel_loop3A_349 : i32
          %parallel_loop3A_777 = arith.constant 2 : i32
          %parallel_loop3A_778 = arith.addi %parallel_loop3A_776, %parallel_loop3A_777 : i32
          %parallel_loop3A_779 = arith.index_cast %parallel_loop3A_778 : i32 to index
          %parallel_loop3A_780 = arith.constant 160 : index
          %parallel_loop3A_781 = tpu.vector_load %arg9[%parallel_loop3A_779, %parallel_loop3A_780] {strides = array<i32>} : memref<64x512xf32, #tpu.memory_space<vmem>>, vector<1x16xf32>,
          %parallel_loop3A_782 = vector.shape_cast %parallel_loop3A_781 : vector<1x16xf32> to vector<16xf32>
          %parallel_loop3A_783 = arith.addf %parallel_loop3A_774, %parallel_loop3A_782 : vector<16xf32>
          %parallel_loop3A_784 = arith.constant 4 : i32
          %parallel_loop3A_785 = arith.muli %parallel_loop3A_784, %parallel_loop3A_349 : i32
          %parallel_loop3A_786 = arith.constant 3 : i32
          %parallel_loop3A_787 = arith.addi %parallel_loop3A_785, %parallel_loop3A_786 : i32
          %parallel_loop3A_788 = arith.index_cast %parallel_loop3A_787 : i32 to index
          %parallel_loop3A_789 = arith.constant 160 : index
          %parallel_loop3A_790 = tpu.vector_load %arg9[%parallel_loop3A_788, %parallel_loop3A_789] {strides = array<i32>} : memref<64x512xf32, #tpu.memory_space<vmem>>, vector<1x16xf32>,
          %parallel_loop3A_791 = vector.shape_cast %parallel_loop3A_790 : vector<1x16xf32> to vector<16xf32>
          %parallel_loop3A_792 = arith.addf %parallel_loop3A_783, %parallel_loop3A_791 : vector<16xf32>
          %parallel_loop3A_793 = arith.constant 2.500000e-01 : f32
          %parallel_loop3A_794 = vector.broadcast %parallel_loop3A_793 : f32 to vector<16xf32>
          %parallel_loop3A_795 = arith.mulf %parallel_loop3A_792, %parallel_loop3A_794 : vector<16xf32>
          %parallel_loop3A_796 = arith.index_cast %parallel_loop3A_349 : i32 to index
          %parallel_loop3A_797 = arith.constant 160 : index
          %parallel_loop3A_798 = tpu.vector_load %arg12[%parallel_loop3A_796, %parallel_loop3A_797] {strides = array<i32>} : memref<16x512xf32, #tpu.memory_space<vmem>>, vector<1x16xf32>,
          %parallel_loop3A_799 = vector.shape_cast %parallel_loop3A_798 : vector<1x16xf32> to vector<16xf32>
          %parallel_loop3A_800 = vector.shape_cast %parallel_loop3A_795 : vector<16xf32> to vector<1x16xf32>
          tpu.vector_store %arg12[%parallel_loop3A_796, %parallel_loop3A_797], %parallel_loop3A_800 {strides = array<i32>} : memref<16x512xf32, #tpu.memory_space<vmem>>, vector<1x16xf32>,
          %parallel_loop3A_801 = arith.constant 4 : i32
          %parallel_loop3A_802 = arith.muli %parallel_loop3A_801, %parallel_loop3A_349 : i32
          %parallel_loop3A_803 = arith.index_cast %parallel_loop3A_802 : i32 to index
          %parallel_loop3A_804 = arith.constant 176 : index
          %parallel_loop3A_805 = tpu.vector_load %arg9[%parallel_loop3A_803, %parallel_loop3A_804] {strides = array<i32>} : memref<64x512xf32, #tpu.memory_space<vmem>>, vector<1x16xf32>,
          %parallel_loop3A_806 = vector.shape_cast %parallel_loop3A_805 : vector<1x16xf32> to vector<16xf32>
          %parallel_loop3A_807 = arith.constant 4 : i32
          %parallel_loop3A_808 = arith.muli %parallel_loop3A_807, %parallel_loop3A_349 : i32
          %parallel_loop3A_809 = arith.constant 1 : i32
          %parallel_loop3A_810 = arith.addi %parallel_loop3A_808, %parallel_loop3A_809 : i32
          %parallel_loop3A_811 = arith.index_cast %parallel_loop3A_810 : i32 to index
          %parallel_loop3A_812 = arith.constant 176 : index
          %parallel_loop3A_813 = tpu.vector_load %arg9[%parallel_loop3A_811, %parallel_loop3A_812] {strides = array<i32>} : memref<64x512xf32, #tpu.memory_space<vmem>>, vector<1x16xf32>,
          %parallel_loop3A_814 = vector.shape_cast %parallel_loop3A_813 : vector<1x16xf32> to vector<16xf32>
          %parallel_loop3A_815 = arith.addf %parallel_loop3A_806, %parallel_loop3A_814 : vector<16xf32>
          %parallel_loop3A_816 = arith.constant 4 : i32
          %parallel_loop3A_817 = arith.muli %parallel_loop3A_816, %parallel_loop3A_349 : i32
          %parallel_loop3A_818 = arith.constant 2 : i32
          %parallel_loop3A_819 = arith.addi %parallel_loop3A_817, %parallel_loop3A_818 : i32
          %parallel_loop3A_820 = arith.index_cast %parallel_loop3A_819 : i32 to index
          %parallel_loop3A_821 = arith.constant 176 : index
          %parallel_loop3A_822 = tpu.vector_load %arg9[%parallel_loop3A_820, %parallel_loop3A_821] {strides = array<i32>} : memref<64x512xf32, #tpu.memory_space<vmem>>, vector<1x16xf32>,
          %parallel_loop3A_823 = vector.shape_cast %parallel_loop3A_822 : vector<1x16xf32> to vector<16xf32>
          %parallel_loop3A_824 = arith.addf %parallel_loop3A_815, %parallel_loop3A_823 : vector<16xf32>
          %parallel_loop3A_825 = arith.constant 4 : i32
          %parallel_loop3A_826 = arith.muli %parallel_loop3A_825, %parallel_loop3A_349 : i32
          %parallel_loop3A_827 = arith.constant 3 : i32
          %parallel_loop3A_828 = arith.addi %parallel_loop3A_826, %parallel_loop3A_827 : i32
          %parallel_loop3A_829 = arith.index_cast %parallel_loop3A_828 : i32 to index
          %parallel_loop3A_830 = arith.constant 176 : index
          %parallel_loop3A_831 = tpu.vector_load %arg9[%parallel_loop3A_829, %parallel_loop3A_830] {strides = array<i32>} : memref<64x512xf32, #tpu.memory_space<vmem>>, vector<1x16xf32>,
          %parallel_loop3A_832 = vector.shape_cast %parallel_loop3A_831 : vector<1x16xf32> to vector<16xf32>
          %parallel_loop3A_833 = arith.addf %parallel_loop3A_824, %parallel_loop3A_832 : vector<16xf32>
          %parallel_loop3A_834 = arith.constant 2.500000e-01 : f32
          %parallel_loop3A_835 = vector.broadcast %parallel_loop3A_834 : f32 to vector<16xf32>
          %parallel_loop3A_836 = arith.mulf %parallel_loop3A_833, %parallel_loop3A_835 : vector<16xf32>
          %parallel_loop3A_837 = arith.index_cast %parallel_loop3A_349 : i32 to index
          %parallel_loop3A_838 = arith.constant 176 : index
          %parallel_loop3A_839 = tpu.vector_load %arg12[%parallel_loop3A_837, %parallel_loop3A_838] {strides = array<i32>} : memref<16x512xf32, #tpu.memory_space<vmem>>, vector<1x16xf32>,
          %parallel_loop3A_840 = vector.shape_cast %parallel_loop3A_839 : vector<1x16xf32> to vector<16xf32>
          %parallel_loop3A_841 = vector.shape_cast %parallel_loop3A_836 : vector<16xf32> to vector<1x16xf32>
          tpu.vector_store %arg12[%parallel_loop3A_837, %parallel_loop3A_838], %parallel_loop3A_841 {strides = array<i32>} : memref<16x512xf32, #tpu.memory_space<vmem>>, vector<1x16xf32>,
          %parallel_loop3A_842 = arith.constant 4 : i32
          %parallel_loop3A_843 = arith.muli %parallel_loop3A_842, %parallel_loop3A_349 : i32
          %parallel_loop3A_844 = arith.index_cast %parallel_loop3A_843 : i32 to index
          %parallel_loop3A_845 = arith.constant 192 : index
          %parallel_loop3A_846 = tpu.vector_load %arg9[%parallel_loop3A_844, %parallel_loop3A_845] {strides = array<i32>} : memref<64x512xf32, #tpu.memory_space<vmem>>, vector<1x16xf32>,
          %parallel_loop3A_847 = vector.shape_cast %parallel_loop3A_846 : vector<1x16xf32> to vector<16xf32>
          %parallel_loop3A_848 = arith.constant 4 : i32
          %parallel_loop3A_849 = arith.muli %parallel_loop3A_848, %parallel_loop3A_349 : i32
          %parallel_loop3A_850 = arith.constant 1 : i32
          %parallel_loop3A_851 = arith.addi %parallel_loop3A_849, %parallel_loop3A_850 : i32
          %parallel_loop3A_852 = arith.index_cast %parallel_loop3A_851 : i32 to index
          %parallel_loop3A_853 = arith.constant 192 : index
          %parallel_loop3A_854 = tpu.vector_load %arg9[%parallel_loop3A_852, %parallel_loop3A_853] {strides = array<i32>} : memref<64x512xf32, #tpu.memory_space<vmem>>, vector<1x16xf32>,
          %parallel_loop3A_855 = vector.shape_cast %parallel_loop3A_854 : vector<1x16xf32> to vector<16xf32>
          %parallel_loop3A_856 = arith.addf %parallel_loop3A_847, %parallel_loop3A_855 : vector<16xf32>
          %parallel_loop3A_857 = arith.constant 4 : i32
          %parallel_loop3A_858 = arith.muli %parallel_loop3A_857, %parallel_loop3A_349 : i32
          %parallel_loop3A_859 = arith.constant 2 : i32
          %parallel_loop3A_860 = arith.addi %parallel_loop3A_858, %parallel_loop3A_859 : i32
          %parallel_loop3A_861 = arith.index_cast %parallel_loop3A_860 : i32 to index
          %parallel_loop3A_862 = arith.constant 192 : index
          %parallel_loop3A_863 = tpu.vector_load %arg9[%parallel_loop3A_861, %parallel_loop3A_862] {strides = array<i32>} : memref<64x512xf32, #tpu.memory_space<vmem>>, vector<1x16xf32>,
          %parallel_loop3A_864 = vector.shape_cast %parallel_loop3A_863 : vector<1x16xf32> to vector<16xf32>
          %parallel_loop3A_865 = arith.addf %parallel_loop3A_856, %parallel_loop3A_864 : vector<16xf32>
          %parallel_loop3A_866 = arith.constant 4 : i32
          %parallel_loop3A_867 = arith.muli %parallel_loop3A_866, %parallel_loop3A_349 : i32
          %parallel_loop3A_868 = arith.constant 3 : i32
          %parallel_loop3A_869 = arith.addi %parallel_loop3A_867, %parallel_loop3A_868 : i32
          %parallel_loop3A_870 = arith.index_cast %parallel_loop3A_869 : i32 to index
          %parallel_loop3A_871 = arith.constant 192 : index
          %parallel_loop3A_872 = tpu.vector_load %arg9[%parallel_loop3A_870, %parallel_loop3A_871] {strides = array<i32>} : memref<64x512xf32, #tpu.memory_space<vmem>>, vector<1x16xf32>,
          %parallel_loop3A_873 = vector.shape_cast %parallel_loop3A_872 : vector<1x16xf32> to vector<16xf32>
          %parallel_loop3A_874 = arith.addf %parallel_loop3A_865, %parallel_loop3A_873 : vector<16xf32>
          %parallel_loop3A_875 = arith.constant 2.500000e-01 : f32
          %parallel_loop3A_876 = vector.broadcast %parallel_loop3A_875 : f32 to vector<16xf32>
          %parallel_loop3A_877 = arith.mulf %parallel_loop3A_874, %parallel_loop3A_876 : vector<16xf32>
          %parallel_loop3A_878 = arith.index_cast %parallel_loop3A_349 : i32 to index
          %parallel_loop3A_879 = arith.constant 192 : index
          %parallel_loop3A_880 = tpu.vector_load %arg12[%parallel_loop3A_878, %parallel_loop3A_879] {strides = array<i32>} : memref<16x512xf32, #tpu.memory_space<vmem>>, vector<1x16xf32>,
          %parallel_loop3A_881 = vector.shape_cast %parallel_loop3A_880 : vector<1x16xf32> to vector<16xf32>
          %parallel_loop3A_882 = vector.shape_cast %parallel_loop3A_877 : vector<16xf32> to vector<1x16xf32>
          tpu.vector_store %arg12[%parallel_loop3A_878, %parallel_loop3A_879], %parallel_loop3A_882 {strides = array<i32>} : memref<16x512xf32, #tpu.memory_space<vmem>>, vector<1x16xf32>,
          %parallel_loop3A_883 = arith.constant 4 : i32
          %parallel_loop3A_884 = arith.muli %parallel_loop3A_883, %parallel_loop3A_349 : i32
          %parallel_loop3A_885 = arith.index_cast %parallel_loop3A_884 : i32 to index
          %parallel_loop3A_886 = arith.constant 208 : index
          %parallel_loop3A_887 = tpu.vector_load %arg9[%parallel_loop3A_885, %parallel_loop3A_886] {strides = array<i32>} : memref<64x512xf32, #tpu.memory_space<vmem>>, vector<1x16xf32>,
          %parallel_loop3A_888 = vector.shape_cast %parallel_loop3A_887 : vector<1x16xf32> to vector<16xf32>
          %parallel_loop3A_889 = arith.constant 4 : i32
          %parallel_loop3A_890 = arith.muli %parallel_loop3A_889, %parallel_loop3A_349 : i32
          %parallel_loop3A_891 = arith.constant 1 : i32
          %parallel_loop3A_892 = arith.addi %parallel_loop3A_890, %parallel_loop3A_891 : i32
          %parallel_loop3A_893 = arith.index_cast %parallel_loop3A_892 : i32 to index
          %parallel_loop3A_894 = arith.constant 208 : index
          %parallel_loop3A_895 = tpu.vector_load %arg9[%parallel_loop3A_893, %parallel_loop3A_894] {strides = array<i32>} : memref<64x512xf32, #tpu.memory_space<vmem>>, vector<1x16xf32>,
          %parallel_loop3A_896 = vector.shape_cast %parallel_loop3A_895 : vector<1x16xf32> to vector<16xf32>
          %parallel_loop3A_897 = arith.addf %parallel_loop3A_888, %parallel_loop3A_896 : vector<16xf32>
          %parallel_loop3A_898 = arith.constant 4 : i32
          %parallel_loop3A_899 = arith.muli %parallel_loop3A_898, %parallel_loop3A_349 : i32
          %parallel_loop3A_900 = arith.constant 2 : i32
          %parallel_loop3A_901 = arith.addi %parallel_loop3A_899, %parallel_loop3A_900 : i32
          %parallel_loop3A_902 = arith.index_cast %parallel_loop3A_901 : i32 to index
          %parallel_loop3A_903 = arith.constant 208 : index
          %parallel_loop3A_904 = tpu.vector_load %arg9[%parallel_loop3A_902, %parallel_loop3A_903] {strides = array<i32>} : memref<64x512xf32, #tpu.memory_space<vmem>>, vector<1x16xf32>,
          %parallel_loop3A_905 = vector.shape_cast %parallel_loop3A_904 : vector<1x16xf32> to vector<16xf32>
          %parallel_loop3A_906 = arith.addf %parallel_loop3A_897, %parallel_loop3A_905 : vector<16xf32>
          %parallel_loop3A_907 = arith.constant 4 : i32
          %parallel_loop3A_908 = arith.muli %parallel_loop3A_907, %parallel_loop3A_349 : i32
          %parallel_loop3A_909 = arith.constant 3 : i32
          %parallel_loop3A_910 = arith.addi %parallel_loop3A_908, %parallel_loop3A_909 : i32
          %parallel_loop3A_911 = arith.index_cast %parallel_loop3A_910 : i32 to index
          %parallel_loop3A_912 = arith.constant 208 : index
          %parallel_loop3A_913 = tpu.vector_load %arg9[%parallel_loop3A_911, %parallel_loop3A_912] {strides = array<i32>} : memref<64x512xf32, #tpu.memory_space<vmem>>, vector<1x16xf32>,
          %parallel_loop3A_914 = vector.shape_cast %parallel_loop3A_913 : vector<1x16xf32> to vector<16xf32>
          %parallel_loop3A_915 = arith.addf %parallel_loop3A_906, %parallel_loop3A_914 : vector<16xf32>
          %parallel_loop3A_916 = arith.constant 2.500000e-01 : f32
          %parallel_loop3A_917 = vector.broadcast %parallel_loop3A_916 : f32 to vector<16xf32>
          %parallel_loop3A_918 = arith.mulf %parallel_loop3A_915, %parallel_loop3A_917 : vector<16xf32>
          %parallel_loop3A_919 = arith.index_cast %parallel_loop3A_349 : i32 to index
          %parallel_loop3A_920 = arith.constant 208 : index
          %parallel_loop3A_921 = tpu.vector_load %arg12[%parallel_loop3A_919, %parallel_loop3A_920] {strides = array<i32>} : memref<16x512xf32, #tpu.memory_space<vmem>>, vector<1x16xf32>,
          %parallel_loop3A_922 = vector.shape_cast %parallel_loop3A_921 : vector<1x16xf32> to vector<16xf32>
          %parallel_loop3A_923 = vector.shape_cast %parallel_loop3A_918 : vector<16xf32> to vector<1x16xf32>
          tpu.vector_store %arg12[%parallel_loop3A_919, %parallel_loop3A_920], %parallel_loop3A_923 {strides = array<i32>} : memref<16x512xf32, #tpu.memory_space<vmem>>, vector<1x16xf32>,
          %parallel_loop3A_924 = arith.constant 4 : i32
          %parallel_loop3A_925 = arith.muli %parallel_loop3A_924, %parallel_loop3A_349 : i32
          %parallel_loop3A_926 = arith.index_cast %parallel_loop3A_925 : i32 to index
          %parallel_loop3A_927 = arith.constant 224 : index
          %parallel_loop3A_928 = tpu.vector_load %arg9[%parallel_loop3A_926, %parallel_loop3A_927] {strides = array<i32>} : memref<64x512xf32, #tpu.memory_space<vmem>>, vector<1x16xf32>,
          %parallel_loop3A_929 = vector.shape_cast %parallel_loop3A_928 : vector<1x16xf32> to vector<16xf32>
          %parallel_loop3A_930 = arith.constant 4 : i32
          %parallel_loop3A_931 = arith.muli %parallel_loop3A_930, %parallel_loop3A_349 : i32
          %parallel_loop3A_932 = arith.constant 1 : i32
          %parallel_loop3A_933 = arith.addi %parallel_loop3A_931, %parallel_loop3A_932 : i32
          %parallel_loop3A_934 = arith.index_cast %parallel_loop3A_933 : i32 to index
          %parallel_loop3A_935 = arith.constant 224 : index
          %parallel_loop3A_936 = tpu.vector_load %arg9[%parallel_loop3A_934, %parallel_loop3A_935] {strides = array<i32>} : memref<64x512xf32, #tpu.memory_space<vmem>>, vector<1x16xf32>,
          %parallel_loop3A_937 = vector.shape_cast %parallel_loop3A_936 : vector<1x16xf32> to vector<16xf32>
          %parallel_loop3A_938 = arith.addf %parallel_loop3A_929, %parallel_loop3A_937 : vector<16xf32>
          %parallel_loop3A_939 = arith.constant 4 : i32
          %parallel_loop3A_940 = arith.muli %parallel_loop3A_939, %parallel_loop3A_349 : i32
          %parallel_loop3A_941 = arith.constant 2 : i32
          %parallel_loop3A_942 = arith.addi %parallel_loop3A_940, %parallel_loop3A_941 : i32
          %parallel_loop3A_943 = arith.index_cast %parallel_loop3A_942 : i32 to index
          %parallel_loop3A_944 = arith.constant 224 : index
          %parallel_loop3A_945 = tpu.vector_load %arg9[%parallel_loop3A_943, %parallel_loop3A_944] {strides = array<i32>} : memref<64x512xf32, #tpu.memory_space<vmem>>, vector<1x16xf32>,
          %parallel_loop3A_946 = vector.shape_cast %parallel_loop3A_945 : vector<1x16xf32> to vector<16xf32>
          %parallel_loop3A_947 = arith.addf %parallel_loop3A_938, %parallel_loop3A_946 : vector<16xf32>
          %parallel_loop3A_948 = arith.constant 4 : i32
          %parallel_loop3A_949 = arith.muli %parallel_loop3A_948, %parallel_loop3A_349 : i32
          %parallel_loop3A_950 = arith.constant 3 : i32
          %parallel_loop3A_951 = arith.addi %parallel_loop3A_949, %parallel_loop3A_950 : i32
          %parallel_loop3A_952 = arith.index_cast %parallel_loop3A_951 : i32 to index
          %parallel_loop3A_953 = arith.constant 224 : index
          %parallel_loop3A_954 = tpu.vector_load %arg9[%parallel_loop3A_952, %parallel_loop3A_953] {strides = array<i32>} : memref<64x512xf32, #tpu.memory_space<vmem>>, vector<1x16xf32>,
          %parallel_loop3A_955 = vector.shape_cast %parallel_loop3A_954 : vector<1x16xf32> to vector<16xf32>
          %parallel_loop3A_956 = arith.addf %parallel_loop3A_947, %parallel_loop3A_955 : vector<16xf32>
          %parallel_loop3A_957 = arith.constant 2.500000e-01 : f32
          %parallel_loop3A_958 = vector.broadcast %parallel_loop3A_957 : f32 to vector<16xf32>
          %parallel_loop3A_959 = arith.mulf %parallel_loop3A_956, %parallel_loop3A_958 : vector<16xf32>
          %parallel_loop3A_960 = arith.index_cast %parallel_loop3A_349 : i32 to index
          %parallel_loop3A_961 = arith.constant 224 : index
          %parallel_loop3A_962 = tpu.vector_load %arg12[%parallel_loop3A_960, %parallel_loop3A_961] {strides = array<i32>} : memref<16x512xf32, #tpu.memory_space<vmem>>, vector<1x16xf32>,
          %parallel_loop3A_963 = vector.shape_cast %parallel_loop3A_962 : vector<1x16xf32> to vector<16xf32>
          %parallel_loop3A_964 = vector.shape_cast %parallel_loop3A_959 : vector<16xf32> to vector<1x16xf32>
          tpu.vector_store %arg12[%parallel_loop3A_960, %parallel_loop3A_961], %parallel_loop3A_964 {strides = array<i32>} : memref<16x512xf32, #tpu.memory_space<vmem>>, vector<1x16xf32>,
          %parallel_loop3A_965 = arith.constant 4 : i32
          %parallel_loop3A_966 = arith.muli %parallel_loop3A_965, %parallel_loop3A_349 : i32
          %parallel_loop3A_967 = arith.index_cast %parallel_loop3A_966 : i32 to index
          %parallel_loop3A_968 = arith.constant 240 : index
          %parallel_loop3A_969 = tpu.vector_load %arg9[%parallel_loop3A_967, %parallel_loop3A_968] {strides = array<i32>} : memref<64x512xf32, #tpu.memory_space<vmem>>, vector<1x16xf32>,
          %parallel_loop3A_970 = vector.shape_cast %parallel_loop3A_969 : vector<1x16xf32> to vector<16xf32>
          %parallel_loop3A_971 = arith.constant 4 : i32
          %parallel_loop3A_972 = arith.muli %parallel_loop3A_971, %parallel_loop3A_349 : i32
          %parallel_loop3A_973 = arith.constant 1 : i32
          %parallel_loop3A_974 = arith.addi %parallel_loop3A_972, %parallel_loop3A_973 : i32
          %parallel_loop3A_975 = arith.index_cast %parallel_loop3A_974 : i32 to index
          %parallel_loop3A_976 = arith.constant 240 : index
          %parallel_loop3A_977 = tpu.vector_load %arg9[%parallel_loop3A_975, %parallel_loop3A_976] {strides = array<i32>} : memref<64x512xf32, #tpu.memory_space<vmem>>, vector<1x16xf32>,
          %parallel_loop3A_978 = vector.shape_cast %parallel_loop3A_977 : vector<1x16xf32> to vector<16xf32>
          %parallel_loop3A_979 = arith.addf %parallel_loop3A_970, %parallel_loop3A_978 : vector<16xf32>
          %parallel_loop3A_980 = arith.constant 4 : i32
          %parallel_loop3A_981 = arith.muli %parallel_loop3A_980, %parallel_loop3A_349 : i32
          %parallel_loop3A_982 = arith.constant 2 : i32
          %parallel_loop3A_983 = arith.addi %parallel_loop3A_981, %parallel_loop3A_982 : i32
          %parallel_loop3A_984 = arith.index_cast %parallel_loop3A_983 : i32 to index
          %parallel_loop3A_985 = arith.constant 240 : index
          %parallel_loop3A_986 = tpu.vector_load %arg9[%parallel_loop3A_984, %parallel_loop3A_985] {strides = array<i32>} : memref<64x512xf32, #tpu.memory_space<vmem>>, vector<1x16xf32>,
          %parallel_loop3A_987 = vector.shape_cast %parallel_loop3A_986 : vector<1x16xf32> to vector<16xf32>
          %parallel_loop3A_988 = arith.addf %parallel_loop3A_979, %parallel_loop3A_987 : vector<16xf32>
          %parallel_loop3A_989 = arith.constant 4 : i32
          %parallel_loop3A_990 = arith.muli %parallel_loop3A_989, %parallel_loop3A_349 : i32
          %parallel_loop3A_991 = arith.constant 3 : i32
          %parallel_loop3A_992 = arith.addi %parallel_loop3A_990, %parallel_loop3A_991 : i32
          %parallel_loop3A_993 = arith.index_cast %parallel_loop3A_992 : i32 to index
          %parallel_loop3A_994 = arith.constant 240 : index
          %parallel_loop3A_995 = tpu.vector_load %arg9[%parallel_loop3A_993, %parallel_loop3A_994] {strides = array<i32>} : memref<64x512xf32, #tpu.memory_space<vmem>>, vector<1x16xf32>,
          %parallel_loop3A_996 = vector.shape_cast %parallel_loop3A_995 : vector<1x16xf32> to vector<16xf32>
          %parallel_loop3A_997 = arith.addf %parallel_loop3A_988, %parallel_loop3A_996 : vector<16xf32>
          %parallel_loop3A_998 = arith.constant 2.500000e-01 : f32
          %parallel_loop3A_999 = vector.broadcast %parallel_loop3A_998 : f32 to vector<16xf32>
          %parallel_loop3A_1000 = arith.mulf %parallel_loop3A_997, %parallel_loop3A_999 : vector<16xf32>
          %parallel_loop3A_1001 = arith.index_cast %parallel_loop3A_349 : i32 to index
          %parallel_loop3A_1002 = arith.constant 240 : index
          %parallel_loop3A_1003 = tpu.vector_load %arg12[%parallel_loop3A_1001, %parallel_loop3A_1002] {strides = array<i32>} : memref<16x512xf32, #tpu.memory_space<vmem>>, vector<1x16xf32>,
          %parallel_loop3A_1004 = vector.shape_cast %parallel_loop3A_1003 : vector<1x16xf32> to vector<16xf32>
          %parallel_loop3A_1005 = vector.shape_cast %parallel_loop3A_1000 : vector<16xf32> to vector<1x16xf32>
          tpu.vector_store %arg12[%parallel_loop3A_1001, %parallel_loop3A_1002], %parallel_loop3A_1005 {strides = array<i32>} : memref<16x512xf32, #tpu.memory_space<vmem>>, vector<1x16xf32>,
          %parallel_loop3A_1006 = arith.constant 4 : i32
          %parallel_loop3A_1007 = arith.muli %parallel_loop3A_1006, %parallel_loop3A_349 : i32
          %parallel_loop3A_1008 = arith.index_cast %parallel_loop3A_1007 : i32 to index
          %parallel_loop3A_1009 = arith.constant 256 : index
          %parallel_loop3A_1010 = tpu.vector_load %arg9[%parallel_loop3A_1008, %parallel_loop3A_1009] {strides = array<i32>} : memref<64x512xf32, #tpu.memory_space<vmem>>, vector<1x16xf32>,
          %parallel_loop3A_1011 = vector.shape_cast %parallel_loop3A_1010 : vector<1x16xf32> to vector<16xf32>
          %parallel_loop3A_1012 = arith.constant 4 : i32
          %parallel_loop3A_1013 = arith.muli %parallel_loop3A_1012, %parallel_loop3A_349 : i32
          %parallel_loop3A_1014 = arith.constant 1 : i32
          %parallel_loop3A_1015 = arith.addi %parallel_loop3A_1013, %parallel_loop3A_1014 : i32
          %parallel_loop3A_1016 = arith.index_cast %parallel_loop3A_1015 : i32 to index
          %parallel_loop3A_1017 = arith.constant 256 : index
          %parallel_loop3A_1018 = tpu.vector_load %arg9[%parallel_loop3A_1016, %parallel_loop3A_1017] {strides = array<i32>} : memref<64x512xf32, #tpu.memory_space<vmem>>, vector<1x16xf32>,
          %parallel_loop3A_1019 = vector.shape_cast %parallel_loop3A_1018 : vector<1x16xf32> to vector<16xf32>
          %parallel_loop3A_1020 = arith.addf %parallel_loop3A_1011, %parallel_loop3A_1019 : vector<16xf32>
          %parallel_loop3A_1021 = arith.constant 4 : i32
          %parallel_loop3A_1022 = arith.muli %parallel_loop3A_1021, %parallel_loop3A_349 : i32
          %parallel_loop3A_1023 = arith.constant 2 : i32
          %parallel_loop3A_1024 = arith.addi %parallel_loop3A_1022, %parallel_loop3A_1023 : i32
          %parallel_loop3A_1025 = arith.index_cast %parallel_loop3A_1024 : i32 to index
          %parallel_loop3A_1026 = arith.constant 256 : index
          %parallel_loop3A_1027 = tpu.vector_load %arg9[%parallel_loop3A_1025, %parallel_loop3A_1026] {strides = array<i32>} : memref<64x512xf32, #tpu.memory_space<vmem>>, vector<1x16xf32>,
          %parallel_loop3A_1028 = vector.shape_cast %parallel_loop3A_1027 : vector<1x16xf32> to vector<16xf32>
          %parallel_loop3A_1029 = arith.addf %parallel_loop3A_1020, %parallel_loop3A_1028 : vector<16xf32>
          %parallel_loop3A_1030 = arith.constant 4 : i32
          %parallel_loop3A_1031 = arith.muli %parallel_loop3A_1030, %parallel_loop3A_349 : i32
          %parallel_loop3A_1032 = arith.constant 3 : i32
          %parallel_loop3A_1033 = arith.addi %parallel_loop3A_1031, %parallel_loop3A_1032 : i32
          %parallel_loop3A_1034 = arith.index_cast %parallel_loop3A_1033 : i32 to index
          %parallel_loop3A_1035 = arith.constant 256 : index
          %parallel_loop3A_1036 = tpu.vector_load %arg9[%parallel_loop3A_1034, %parallel_loop3A_1035] {strides = array<i32>} : memref<64x512xf32, #tpu.memory_space<vmem>>, vector<1x16xf32>,
          %parallel_loop3A_1037 = vector.shape_cast %parallel_loop3A_1036 : vector<1x16xf32> to vector<16xf32>
          %parallel_loop3A_1038 = arith.addf %parallel_loop3A_1029, %parallel_loop3A_1037 : vector<16xf32>
          %parallel_loop3A_1039 = arith.constant 2.500000e-01 : f32
          %parallel_loop3A_1040 = vector.broadcast %parallel_loop3A_1039 : f32 to vector<16xf32>
          %parallel_loop3A_1041 = arith.mulf %parallel_loop3A_1038, %parallel_loop3A_1040 : vector<16xf32>
          %parallel_loop3A_1042 = arith.index_cast %parallel_loop3A_349 : i32 to index
          %parallel_loop3A_1043 = arith.constant 256 : index
          %parallel_loop3A_1044 = tpu.vector_load %arg12[%parallel_loop3A_1042, %parallel_loop3A_1043] {strides = array<i32>} : memref<16x512xf32, #tpu.memory_space<vmem>>, vector<1x16xf32>,
          %parallel_loop3A_1045 = vector.shape_cast %parallel_loop3A_1044 : vector<1x16xf32> to vector<16xf32>
          %parallel_loop3A_1046 = vector.shape_cast %parallel_loop3A_1041 : vector<16xf32> to vector<1x16xf32>
          tpu.vector_store %arg12[%parallel_loop3A_1042, %parallel_loop3A_1043], %parallel_loop3A_1046 {strides = array<i32>} : memref<16x512xf32, #tpu.memory_space<vmem>>, vector<1x16xf32>,
          %parallel_loop3A_1047 = arith.constant 4 : i32
          %parallel_loop3A_1048 = arith.muli %parallel_loop3A_1047, %parallel_loop3A_349 : i32
          %parallel_loop3A_1049 = arith.index_cast %parallel_loop3A_1048 : i32 to index
          %parallel_loop3A_1050 = arith.constant 272 : index
          %parallel_loop3A_1051 = tpu.vector_load %arg9[%parallel_loop3A_1049, %parallel_loop3A_1050] {strides = array<i32>} : memref<64x512xf32, #tpu.memory_space<vmem>>, vector<1x16xf32>,
          %parallel_loop3A_1052 = vector.shape_cast %parallel_loop3A_1051 : vector<1x16xf32> to vector<16xf32>
          %parallel_loop3A_1053 = arith.constant 4 : i32
          %parallel_loop3A_1054 = arith.muli %parallel_loop3A_1053, %parallel_loop3A_349 : i32
          %parallel_loop3A_1055 = arith.constant 1 : i32
          %parallel_loop3A_1056 = arith.addi %parallel_loop3A_1054, %parallel_loop3A_1055 : i32
          %parallel_loop3A_1057 = arith.index_cast %parallel_loop3A_1056 : i32 to index
          %parallel_loop3A_1058 = arith.constant 272 : index
          %parallel_loop3A_1059 = tpu.vector_load %arg9[%parallel_loop3A_1057, %parallel_loop3A_1058] {strides = array<i32>} : memref<64x512xf32, #tpu.memory_space<vmem>>, vector<1x16xf32>,
          %parallel_loop3A_1060 = vector.shape_cast %parallel_loop3A_1059 : vector<1x16xf32> to vector<16xf32>
          %parallel_loop3A_1061 = arith.addf %parallel_loop3A_1052, %parallel_loop3A_1060 : vector<16xf32>
          %parallel_loop3A_1062 = arith.constant 4 : i32
          %parallel_loop3A_1063 = arith.muli %parallel_loop3A_1062, %parallel_loop3A_349 : i32
          %parallel_loop3A_1064 = arith.constant 2 : i32
          %parallel_loop3A_1065 = arith.addi %parallel_loop3A_1063, %parallel_loop3A_1064 : i32
          %parallel_loop3A_1066 = arith.index_cast %parallel_loop3A_1065 : i32 to index
          %parallel_loop3A_1067 = arith.constant 272 : index
          %parallel_loop3A_1068 = tpu.vector_load %arg9[%parallel_loop3A_1066, %parallel_loop3A_1067] {strides = array<i32>} : memref<64x512xf32, #tpu.memory_space<vmem>>, vector<1x16xf32>,
          %parallel_loop3A_1069 = vector.shape_cast %parallel_loop3A_1068 : vector<1x16xf32> to vector<16xf32>
          %parallel_loop3A_1070 = arith.addf %parallel_loop3A_1061, %parallel_loop3A_1069 : vector<16xf32>
          %parallel_loop3A_1071 = arith.constant 4 : i32
          %parallel_loop3A_1072 = arith.muli %parallel_loop3A_1071, %parallel_loop3A_349 : i32
          %parallel_loop3A_1073 = arith.constant 3 : i32
          %parallel_loop3A_1074 = arith.addi %parallel_loop3A_1072, %parallel_loop3A_1073 : i32
          %parallel_loop3A_1075 = arith.index_cast %parallel_loop3A_1074 : i32 to index
          %parallel_loop3A_1076 = arith.constant 272 : index
          %parallel_loop3A_1077 = tpu.vector_load %arg9[%parallel_loop3A_1075, %parallel_loop3A_1076] {strides = array<i32>} : memref<64x512xf32, #tpu.memory_space<vmem>>, vector<1x16xf32>,
          %parallel_loop3A_1078 = vector.shape_cast %parallel_loop3A_1077 : vector<1x16xf32> to vector<16xf32>
          %parallel_loop3A_1079 = arith.addf %parallel_loop3A_1070, %parallel_loop3A_1078 : vector<16xf32>
          %parallel_loop3A_1080 = arith.constant 2.500000e-01 : f32
          %parallel_loop3A_1081 = vector.broadcast %parallel_loop3A_1080 : f32 to vector<16xf32>
          %parallel_loop3A_1082 = arith.mulf %parallel_loop3A_1079, %parallel_loop3A_1081 : vector<16xf32>
          %parallel_loop3A_1083 = arith.index_cast %parallel_loop3A_349 : i32 to index
          %parallel_loop3A_1084 = arith.constant 272 : index
          %parallel_loop3A_1085 = tpu.vector_load %arg12[%parallel_loop3A_1083, %parallel_loop3A_1084] {strides = array<i32>} : memref<16x512xf32, #tpu.memory_space<vmem>>, vector<1x16xf32>,
          %parallel_loop3A_1086 = vector.shape_cast %parallel_loop3A_1085 : vector<1x16xf32> to vector<16xf32>
          %parallel_loop3A_1087 = vector.shape_cast %parallel_loop3A_1082 : vector<16xf32> to vector<1x16xf32>
          tpu.vector_store %arg12[%parallel_loop3A_1083, %parallel_loop3A_1084], %parallel_loop3A_1087 {strides = array<i32>} : memref<16x512xf32, #tpu.memory_space<vmem>>, vector<1x16xf32>,
          %parallel_loop3A_1088 = arith.constant 4 : i32
          %parallel_loop3A_1089 = arith.muli %parallel_loop3A_1088, %parallel_loop3A_349 : i32
          %parallel_loop3A_1090 = arith.index_cast %parallel_loop3A_1089 : i32 to index
          %parallel_loop3A_1091 = arith.constant 288 : index
          %parallel_loop3A_1092 = tpu.vector_load %arg9[%parallel_loop3A_1090, %parallel_loop3A_1091] {strides = array<i32>} : memref<64x512xf32, #tpu.memory_space<vmem>>, vector<1x16xf32>,
          %parallel_loop3A_1093 = vector.shape_cast %parallel_loop3A_1092 : vector<1x16xf32> to vector<16xf32>
          %parallel_loop3A_1094 = arith.constant 4 : i32
          %parallel_loop3A_1095 = arith.muli %parallel_loop3A_1094, %parallel_loop3A_349 : i32
          %parallel_loop3A_1096 = arith.constant 1 : i32
          %parallel_loop3A_1097 = arith.addi %parallel_loop3A_1095, %parallel_loop3A_1096 : i32
          %parallel_loop3A_1098 = arith.index_cast %parallel_loop3A_1097 : i32 to index
          %parallel_loop3A_1099 = arith.constant 288 : index
          %parallel_loop3A_1100 = tpu.vector_load %arg9[%parallel_loop3A_1098, %parallel_loop3A_1099] {strides = array<i32>} : memref<64x512xf32, #tpu.memory_space<vmem>>, vector<1x16xf32>,
          %parallel_loop3A_1101 = vector.shape_cast %parallel_loop3A_1100 : vector<1x16xf32> to vector<16xf32>
          %parallel_loop3A_1102 = arith.addf %parallel_loop3A_1093, %parallel_loop3A_1101 : vector<16xf32>
          %parallel_loop3A_1103 = arith.constant 4 : i32
          %parallel_loop3A_1104 = arith.muli %parallel_loop3A_1103, %parallel_loop3A_349 : i32
          %parallel_loop3A_1105 = arith.constant 2 : i32
          %parallel_loop3A_1106 = arith.addi %parallel_loop3A_1104, %parallel_loop3A_1105 : i32
          %parallel_loop3A_1107 = arith.index_cast %parallel_loop3A_1106 : i32 to index
          %parallel_loop3A_1108 = arith.constant 288 : index
          %parallel_loop3A_1109 = tpu.vector_load %arg9[%parallel_loop3A_1107, %parallel_loop3A_1108] {strides = array<i32>} : memref<64x512xf32, #tpu.memory_space<vmem>>, vector<1x16xf32>,
          %parallel_loop3A_1110 = vector.shape_cast %parallel_loop3A_1109 : vector<1x16xf32> to vector<16xf32>
          %parallel_loop3A_1111 = arith.addf %parallel_loop3A_1102, %parallel_loop3A_1110 : vector<16xf32>
          %parallel_loop3A_1112 = arith.constant 4 : i32
          %parallel_loop3A_1113 = arith.muli %parallel_loop3A_1112, %parallel_loop3A_349 : i32
          %parallel_loop3A_1114 = arith.constant 3 : i32
          %parallel_loop3A_1115 = arith.addi %parallel_loop3A_1113, %parallel_loop3A_1114 : i32
          %parallel_loop3A_1116 = arith.index_cast %parallel_loop3A_1115 : i32 to index
          %parallel_loop3A_1117 = arith.constant 288 : index
          %parallel_loop3A_1118 = tpu.vector_load %arg9[%parallel_loop3A_1116, %parallel_loop3A_1117] {strides = array<i32>} : memref<64x512xf32, #tpu.memory_space<vmem>>, vector<1x16xf32>,
          %parallel_loop3A_1119 = vector.shape_cast %parallel_loop3A_1118 : vector<1x16xf32> to vector<16xf32>
          %parallel_loop3A_1120 = arith.addf %parallel_loop3A_1111, %parallel_loop3A_1119 : vector<16xf32>
          %parallel_loop3A_1121 = arith.constant 2.500000e-01 : f32
          %parallel_loop3A_1122 = vector.broadcast %parallel_loop3A_1121 : f32 to vector<16xf32>
          %parallel_loop3A_1123 = arith.mulf %parallel_loop3A_1120, %parallel_loop3A_1122 : vector<16xf32>
          %parallel_loop3A_1124 = arith.index_cast %parallel_loop3A_349 : i32 to index
          %parallel_loop3A_1125 = arith.constant 288 : index
          %parallel_loop3A_1126 = tpu.vector_load %arg12[%parallel_loop3A_1124, %parallel_loop3A_1125] {strides = array<i32>} : memref<16x512xf32, #tpu.memory_space<vmem>>, vector<1x16xf32>,
          %parallel_loop3A_1127 = vector.shape_cast %parallel_loop3A_1126 : vector<1x16xf32> to vector<16xf32>
          %parallel_loop3A_1128 = vector.shape_cast %parallel_loop3A_1123 : vector<16xf32> to vector<1x16xf32>
          tpu.vector_store %arg12[%parallel_loop3A_1124, %parallel_loop3A_1125], %parallel_loop3A_1128 {strides = array<i32>} : memref<16x512xf32, #tpu.memory_space<vmem>>, vector<1x16xf32>,
          %parallel_loop3A_1129 = arith.constant 4 : i32
          %parallel_loop3A_1130 = arith.muli %parallel_loop3A_1129, %parallel_loop3A_349 : i32
          %parallel_loop3A_1131 = arith.index_cast %parallel_loop3A_1130 : i32 to index
          %parallel_loop3A_1132 = arith.constant 304 : index
          %parallel_loop3A_1133 = tpu.vector_load %arg9[%parallel_loop3A_1131, %parallel_loop3A_1132] {strides = array<i32>} : memref<64x512xf32, #tpu.memory_space<vmem>>, vector<1x16xf32>,
          %parallel_loop3A_1134 = vector.shape_cast %parallel_loop3A_1133 : vector<1x16xf32> to vector<16xf32>
          %parallel_loop3A_1135 = arith.constant 4 : i32
          %parallel_loop3A_1136 = arith.muli %parallel_loop3A_1135, %parallel_loop3A_349 : i32
          %parallel_loop3A_1137 = arith.constant 1 : i32
          %parallel_loop3A_1138 = arith.addi %parallel_loop3A_1136, %parallel_loop3A_1137 : i32
          %parallel_loop3A_1139 = arith.index_cast %parallel_loop3A_1138 : i32 to index
          %parallel_loop3A_1140 = arith.constant 304 : index
          %parallel_loop3A_1141 = tpu.vector_load %arg9[%parallel_loop3A_1139, %parallel_loop3A_1140] {strides = array<i32>} : memref<64x512xf32, #tpu.memory_space<vmem>>, vector<1x16xf32>,
          %parallel_loop3A_1142 = vector.shape_cast %parallel_loop3A_1141 : vector<1x16xf32> to vector<16xf32>
          %parallel_loop3A_1143 = arith.addf %parallel_loop3A_1134, %parallel_loop3A_1142 : vector<16xf32>
          %parallel_loop3A_1144 = arith.constant 4 : i32
          %parallel_loop3A_1145 = arith.muli %parallel_loop3A_1144, %parallel_loop3A_349 : i32
          %parallel_loop3A_1146 = arith.constant 2 : i32
          %parallel_loop3A_1147 = arith.addi %parallel_loop3A_1145, %parallel_loop3A_1146 : i32
          %parallel_loop3A_1148 = arith.index_cast %parallel_loop3A_1147 : i32 to index
          %parallel_loop3A_1149 = arith.constant 304 : index
          %parallel_loop3A_1150 = tpu.vector_load %arg9[%parallel_loop3A_1148, %parallel_loop3A_1149] {strides = array<i32>} : memref<64x512xf32, #tpu.memory_space<vmem>>, vector<1x16xf32>,
          %parallel_loop3A_1151 = vector.shape_cast %parallel_loop3A_1150 : vector<1x16xf32> to vector<16xf32>
          %parallel_loop3A_1152 = arith.addf %parallel_loop3A_1143, %parallel_loop3A_1151 : vector<16xf32>
          %parallel_loop3A_1153 = arith.constant 4 : i32
          %parallel_loop3A_1154 = arith.muli %parallel_loop3A_1153, %parallel_loop3A_349 : i32
          %parallel_loop3A_1155 = arith.constant 3 : i32
          %parallel_loop3A_1156 = arith.addi %parallel_loop3A_1154, %parallel_loop3A_1155 : i32
          %parallel_loop3A_1157 = arith.index_cast %parallel_loop3A_1156 : i32 to index
          %parallel_loop3A_1158 = arith.constant 304 : index
          %parallel_loop3A_1159 = tpu.vector_load %arg9[%parallel_loop3A_1157, %parallel_loop3A_1158] {strides = array<i32>} : memref<64x512xf32, #tpu.memory_space<vmem>>, vector<1x16xf32>,
          %parallel_loop3A_1160 = vector.shape_cast %parallel_loop3A_1159 : vector<1x16xf32> to vector<16xf32>
          %parallel_loop3A_1161 = arith.addf %parallel_loop3A_1152, %parallel_loop3A_1160 : vector<16xf32>
          %parallel_loop3A_1162 = arith.constant 2.500000e-01 : f32
          %parallel_loop3A_1163 = vector.broadcast %parallel_loop3A_1162 : f32 to vector<16xf32>
          %parallel_loop3A_1164 = arith.mulf %parallel_loop3A_1161, %parallel_loop3A_1163 : vector<16xf32>
          %parallel_loop3A_1165 = arith.index_cast %parallel_loop3A_349 : i32 to index
          %parallel_loop3A_1166 = arith.constant 304 : index
          %parallel_loop3A_1167 = tpu.vector_load %arg12[%parallel_loop3A_1165, %parallel_loop3A_1166] {strides = array<i32>} : memref<16x512xf32, #tpu.memory_space<vmem>>, vector<1x16xf32>,
          %parallel_loop3A_1168 = vector.shape_cast %parallel_loop3A_1167 : vector<1x16xf32> to vector<16xf32>
          %parallel_loop3A_1169 = vector.shape_cast %parallel_loop3A_1164 : vector<16xf32> to vector<1x16xf32>
          tpu.vector_store %arg12[%parallel_loop3A_1165, %parallel_loop3A_1166], %parallel_loop3A_1169 {strides = array<i32>} : memref<16x512xf32, #tpu.memory_space<vmem>>, vector<1x16xf32>,
          %parallel_loop3A_1170 = arith.constant 4 : i32
          %parallel_loop3A_1171 = arith.muli %parallel_loop3A_1170, %parallel_loop3A_349 : i32
          %parallel_loop3A_1172 = arith.index_cast %parallel_loop3A_1171 : i32 to index
          %parallel_loop3A_1173 = arith.constant 320 : index
          %parallel_loop3A_1174 = tpu.vector_load %arg9[%parallel_loop3A_1172, %parallel_loop3A_1173] {strides = array<i32>} : memref<64x512xf32, #tpu.memory_space<vmem>>, vector<1x16xf32>,
          %parallel_loop3A_1175 = vector.shape_cast %parallel_loop3A_1174 : vector<1x16xf32> to vector<16xf32>
          %parallel_loop3A_1176 = arith.constant 4 : i32
          %parallel_loop3A_1177 = arith.muli %parallel_loop3A_1176, %parallel_loop3A_349 : i32
          %parallel_loop3A_1178 = arith.constant 1 : i32
          %parallel_loop3A_1179 = arith.addi %parallel_loop3A_1177, %parallel_loop3A_1178 : i32
          %parallel_loop3A_1180 = arith.index_cast %parallel_loop3A_1179 : i32 to index
          %parallel_loop3A_1181 = arith.constant 320 : index
          %parallel_loop3A_1182 = tpu.vector_load %arg9[%parallel_loop3A_1180, %parallel_loop3A_1181] {strides = array<i32>} : memref<64x512xf32, #tpu.memory_space<vmem>>, vector<1x16xf32>,
          %parallel_loop3A_1183 = vector.shape_cast %parallel_loop3A_1182 : vector<1x16xf32> to vector<16xf32>
          %parallel_loop3A_1184 = arith.addf %parallel_loop3A_1175, %parallel_loop3A_1183 : vector<16xf32>
          %parallel_loop3A_1185 = arith.constant 4 : i32
          %parallel_loop3A_1186 = arith.muli %parallel_loop3A_1185, %parallel_loop3A_349 : i32
          %parallel_loop3A_1187 = arith.constant 2 : i32
          %parallel_loop3A_1188 = arith.addi %parallel_loop3A_1186, %parallel_loop3A_1187 : i32
          %parallel_loop3A_1189 = arith.index_cast %parallel_loop3A_1188 : i32 to index
          %parallel_loop3A_1190 = arith.constant 320 : index
          %parallel_loop3A_1191 = tpu.vector_load %arg9[%parallel_loop3A_1189, %parallel_loop3A_1190] {strides = array<i32>} : memref<64x512xf32, #tpu.memory_space<vmem>>, vector<1x16xf32>,
          %parallel_loop3A_1192 = vector.shape_cast %parallel_loop3A_1191 : vector<1x16xf32> to vector<16xf32>
          %parallel_loop3A_1193 = arith.addf %parallel_loop3A_1184, %parallel_loop3A_1192 : vector<16xf32>
          %parallel_loop3A_1194 = arith.constant 4 : i32
          %parallel_loop3A_1195 = arith.muli %parallel_loop3A_1194, %parallel_loop3A_349 : i32
          %parallel_loop3A_1196 = arith.constant 3 : i32
          %parallel_loop3A_1197 = arith.addi %parallel_loop3A_1195, %parallel_loop3A_1196 : i32
          %parallel_loop3A_1198 = arith.index_cast %parallel_loop3A_1197 : i32 to index
          %parallel_loop3A_1199 = arith.constant 320 : index
          %parallel_loop3A_1200 = tpu.vector_load %arg9[%parallel_loop3A_1198, %parallel_loop3A_1199] {strides = array<i32>} : memref<64x512xf32, #tpu.memory_space<vmem>>, vector<1x16xf32>,
          %parallel_loop3A_1201 = vector.shape_cast %parallel_loop3A_1200 : vector<1x16xf32> to vector<16xf32>
          %parallel_loop3A_1202 = arith.addf %parallel_loop3A_1193, %parallel_loop3A_1201 : vector<16xf32>
          %parallel_loop3A_1203 = arith.constant 2.500000e-01 : f32
          %parallel_loop3A_1204 = vector.broadcast %parallel_loop3A_1203 : f32 to vector<16xf32>
          %parallel_loop3A_1205 = arith.mulf %parallel_loop3A_1202, %parallel_loop3A_1204 : vector<16xf32>
          %parallel_loop3A_1206 = arith.index_cast %parallel_loop3A_349 : i32 to index
          %parallel_loop3A_1207 = arith.constant 320 : index
          %parallel_loop3A_1208 = tpu.vector_load %arg12[%parallel_loop3A_1206, %parallel_loop3A_1207] {strides = array<i32>} : memref<16x512xf32, #tpu.memory_space<vmem>>, vector<1x16xf32>,
          %parallel_loop3A_1209 = vector.shape_cast %parallel_loop3A_1208 : vector<1x16xf32> to vector<16xf32>
          %parallel_loop3A_1210 = vector.shape_cast %parallel_loop3A_1205 : vector<16xf32> to vector<1x16xf32>
          tpu.vector_store %arg12[%parallel_loop3A_1206, %parallel_loop3A_1207], %parallel_loop3A_1210 {strides = array<i32>} : memref<16x512xf32, #tpu.memory_space<vmem>>, vector<1x16xf32>,
          %parallel_loop3A_1211 = arith.constant 4 : i32
          %parallel_loop3A_1212 = arith.muli %parallel_loop3A_1211, %parallel_loop3A_349 : i32
          %parallel_loop3A_1213 = arith.index_cast %parallel_loop3A_1212 : i32 to index
          %parallel_loop3A_1214 = arith.constant 336 : index
          %parallel_loop3A_1215 = tpu.vector_load %arg9[%parallel_loop3A_1213, %parallel_loop3A_1214] {strides = array<i32>} : memref<64x512xf32, #tpu.memory_space<vmem>>, vector<1x16xf32>,
          %parallel_loop3A_1216 = vector.shape_cast %parallel_loop3A_1215 : vector<1x16xf32> to vector<16xf32>
          %parallel_loop3A_1217 = arith.constant 4 : i32
          %parallel_loop3A_1218 = arith.muli %parallel_loop3A_1217, %parallel_loop3A_349 : i32
          %parallel_loop3A_1219 = arith.constant 1 : i32
          %parallel_loop3A_1220 = arith.addi %parallel_loop3A_1218, %parallel_loop3A_1219 : i32
          %parallel_loop3A_1221 = arith.index_cast %parallel_loop3A_1220 : i32 to index
          %parallel_loop3A_1222 = arith.constant 336 : index
          %parallel_loop3A_1223 = tpu.vector_load %arg9[%parallel_loop3A_1221, %parallel_loop3A_1222] {strides = array<i32>} : memref<64x512xf32, #tpu.memory_space<vmem>>, vector<1x16xf32>,
          %parallel_loop3A_1224 = vector.shape_cast %parallel_loop3A_1223 : vector<1x16xf32> to vector<16xf32>
          %parallel_loop3A_1225 = arith.addf %parallel_loop3A_1216, %parallel_loop3A_1224 : vector<16xf32>
          %parallel_loop3A_1226 = arith.constant 4 : i32
          %parallel_loop3A_1227 = arith.muli %parallel_loop3A_1226, %parallel_loop3A_349 : i32
          %parallel_loop3A_1228 = arith.constant 2 : i32
          %parallel_loop3A_1229 = arith.addi %parallel_loop3A_1227, %parallel_loop3A_1228 : i32
          %parallel_loop3A_1230 = arith.index_cast %parallel_loop3A_1229 : i32 to index
          %parallel_loop3A_1231 = arith.constant 336 : index
          %parallel_loop3A_1232 = tpu.vector_load %arg9[%parallel_loop3A_1230, %parallel_loop3A_1231] {strides = array<i32>} : memref<64x512xf32, #tpu.memory_space<vmem>>, vector<1x16xf32>,
          %parallel_loop3A_1233 = vector.shape_cast %parallel_loop3A_1232 : vector<1x16xf32> to vector<16xf32>
          %parallel_loop3A_1234 = arith.addf %parallel_loop3A_1225, %parallel_loop3A_1233 : vector<16xf32>
          %parallel_loop3A_1235 = arith.constant 4 : i32
          %parallel_loop3A_1236 = arith.muli %parallel_loop3A_1235, %parallel_loop3A_349 : i32
          %parallel_loop3A_1237 = arith.constant 3 : i32
          %parallel_loop3A_1238 = arith.addi %parallel_loop3A_1236, %parallel_loop3A_1237 : i32
          %parallel_loop3A_1239 = arith.index_cast %parallel_loop3A_1238 : i32 to index
          %parallel_loop3A_1240 = arith.constant 336 : index
          %parallel_loop3A_1241 = tpu.vector_load %arg9[%parallel_loop3A_1239, %parallel_loop3A_1240] {strides = array<i32>} : memref<64x512xf32, #tpu.memory_space<vmem>>, vector<1x16xf32>,
          %parallel_loop3A_1242 = vector.shape_cast %parallel_loop3A_1241 : vector<1x16xf32> to vector<16xf32>
          %parallel_loop3A_1243 = arith.addf %parallel_loop3A_1234, %parallel_loop3A_1242 : vector<16xf32>
          %parallel_loop3A_1244 = arith.constant 2.500000e-01 : f32
          %parallel_loop3A_1245 = vector.broadcast %parallel_loop3A_1244 : f32 to vector<16xf32>
          %parallel_loop3A_1246 = arith.mulf %parallel_loop3A_1243, %parallel_loop3A_1245 : vector<16xf32>
          %parallel_loop3A_1247 = arith.index_cast %parallel_loop3A_349 : i32 to index
          %parallel_loop3A_1248 = arith.constant 336 : index
          %parallel_loop3A_1249 = tpu.vector_load %arg12[%parallel_loop3A_1247, %parallel_loop3A_1248] {strides = array<i32>} : memref<16x512xf32, #tpu.memory_space<vmem>>, vector<1x16xf32>,
          %parallel_loop3A_1250 = vector.shape_cast %parallel_loop3A_1249 : vector<1x16xf32> to vector<16xf32>
          %parallel_loop3A_1251 = vector.shape_cast %parallel_loop3A_1246 : vector<16xf32> to vector<1x16xf32>
          tpu.vector_store %arg12[%parallel_loop3A_1247, %parallel_loop3A_1248], %parallel_loop3A_1251 {strides = array<i32>} : memref<16x512xf32, #tpu.memory_space<vmem>>, vector<1x16xf32>,
          %parallel_loop3A_1252 = arith.constant 4 : i32
          %parallel_loop3A_1253 = arith.muli %parallel_loop3A_1252, %parallel_loop3A_349 : i32
          %parallel_loop3A_1254 = arith.index_cast %parallel_loop3A_1253 : i32 to index
          %parallel_loop3A_1255 = arith.constant 352 : index
          %parallel_loop3A_1256 = tpu.vector_load %arg9[%parallel_loop3A_1254, %parallel_loop3A_1255] {strides = array<i32>} : memref<64x512xf32, #tpu.memory_space<vmem>>, vector<1x16xf32>,
          %parallel_loop3A_1257 = vector.shape_cast %parallel_loop3A_1256 : vector<1x16xf32> to vector<16xf32>
          %parallel_loop3A_1258 = arith.constant 4 : i32
          %parallel_loop3A_1259 = arith.muli %parallel_loop3A_1258, %parallel_loop3A_349 : i32
          %parallel_loop3A_1260 = arith.constant 1 : i32
          %parallel_loop3A_1261 = arith.addi %parallel_loop3A_1259, %parallel_loop3A_1260 : i32
          %parallel_loop3A_1262 = arith.index_cast %parallel_loop3A_1261 : i32 to index
          %parallel_loop3A_1263 = arith.constant 352 : index
          %parallel_loop3A_1264 = tpu.vector_load %arg9[%parallel_loop3A_1262, %parallel_loop3A_1263] {strides = array<i32>} : memref<64x512xf32, #tpu.memory_space<vmem>>, vector<1x16xf32>,
          %parallel_loop3A_1265 = vector.shape_cast %parallel_loop3A_1264 : vector<1x16xf32> to vector<16xf32>
          %parallel_loop3A_1266 = arith.addf %parallel_loop3A_1257, %parallel_loop3A_1265 : vector<16xf32>
          %parallel_loop3A_1267 = arith.constant 4 : i32
          %parallel_loop3A_1268 = arith.muli %parallel_loop3A_1267, %parallel_loop3A_349 : i32
          %parallel_loop3A_1269 = arith.constant 2 : i32
          %parallel_loop3A_1270 = arith.addi %parallel_loop3A_1268, %parallel_loop3A_1269 : i32
          %parallel_loop3A_1271 = arith.index_cast %parallel_loop3A_1270 : i32 to index
          %parallel_loop3A_1272 = arith.constant 352 : index
          %parallel_loop3A_1273 = tpu.vector_load %arg9[%parallel_loop3A_1271, %parallel_loop3A_1272] {strides = array<i32>} : memref<64x512xf32, #tpu.memory_space<vmem>>, vector<1x16xf32>,
          %parallel_loop3A_1274 = vector.shape_cast %parallel_loop3A_1273 : vector<1x16xf32> to vector<16xf32>
          %parallel_loop3A_1275 = arith.addf %parallel_loop3A_1266, %parallel_loop3A_1274 : vector<16xf32>
          %parallel_loop3A_1276 = arith.constant 4 : i32
          %parallel_loop3A_1277 = arith.muli %parallel_loop3A_1276, %parallel_loop3A_349 : i32
          %parallel_loop3A_1278 = arith.constant 3 : i32
          %parallel_loop3A_1279 = arith.addi %parallel_loop3A_1277, %parallel_loop3A_1278 : i32
          %parallel_loop3A_1280 = arith.index_cast %parallel_loop3A_1279 : i32 to index
          %parallel_loop3A_1281 = arith.constant 352 : index
          %parallel_loop3A_1282 = tpu.vector_load %arg9[%parallel_loop3A_1280, %parallel_loop3A_1281] {strides = array<i32>} : memref<64x512xf32, #tpu.memory_space<vmem>>, vector<1x16xf32>,
          %parallel_loop3A_1283 = vector.shape_cast %parallel_loop3A_1282 : vector<1x16xf32> to vector<16xf32>
          %parallel_loop3A_1284 = arith.addf %parallel_loop3A_1275, %parallel_loop3A_1283 : vector<16xf32>
          %parallel_loop3A_1285 = arith.constant 2.500000e-01 : f32
          %parallel_loop3A_1286 = vector.broadcast %parallel_loop3A_1285 : f32 to vector<16xf32>
          %parallel_loop3A_1287 = arith.mulf %parallel_loop3A_1284, %parallel_loop3A_1286 : vector<16xf32>
          %parallel_loop3A_1288 = arith.index_cast %parallel_loop3A_349 : i32 to index
          %parallel_loop3A_1289 = arith.constant 352 : index
          %parallel_loop3A_1290 = tpu.vector_load %arg12[%parallel_loop3A_1288, %parallel_loop3A_1289] {strides = array<i32>} : memref<16x512xf32, #tpu.memory_space<vmem>>, vector<1x16xf32>,
          %parallel_loop3A_1291 = vector.shape_cast %parallel_loop3A_1290 : vector<1x16xf32> to vector<16xf32>
          %parallel_loop3A_1292 = vector.shape_cast %parallel_loop3A_1287 : vector<16xf32> to vector<1x16xf32>
          tpu.vector_store %arg12[%parallel_loop3A_1288, %parallel_loop3A_1289], %parallel_loop3A_1292 {strides = array<i32>} : memref<16x512xf32, #tpu.memory_space<vmem>>, vector<1x16xf32>,
          %parallel_loop3A_1293 = arith.constant 4 : i32
          %parallel_loop3A_1294 = arith.muli %parallel_loop3A_1293, %parallel_loop3A_349 : i32
          %parallel_loop3A_1295 = arith.index_cast %parallel_loop3A_1294 : i32 to index
          %parallel_loop3A_1296 = arith.constant 368 : index
          %parallel_loop3A_1297 = tpu.vector_load %arg9[%parallel_loop3A_1295, %parallel_loop3A_1296] {strides = array<i32>} : memref<64x512xf32, #tpu.memory_space<vmem>>, vector<1x16xf32>,
          %parallel_loop3A_1298 = vector.shape_cast %parallel_loop3A_1297 : vector<1x16xf32> to vector<16xf32>
          %parallel_loop3A_1299 = arith.constant 4 : i32
          %parallel_loop3A_1300 = arith.muli %parallel_loop3A_1299, %parallel_loop3A_349 : i32
          %parallel_loop3A_1301 = arith.constant 1 : i32
          %parallel_loop3A_1302 = arith.addi %parallel_loop3A_1300, %parallel_loop3A_1301 : i32
          %parallel_loop3A_1303 = arith.index_cast %parallel_loop3A_1302 : i32 to index
          %parallel_loop3A_1304 = arith.constant 368 : index
          %parallel_loop3A_1305 = tpu.vector_load %arg9[%parallel_loop3A_1303, %parallel_loop3A_1304] {strides = array<i32>} : memref<64x512xf32, #tpu.memory_space<vmem>>, vector<1x16xf32>,
          %parallel_loop3A_1306 = vector.shape_cast %parallel_loop3A_1305 : vector<1x16xf32> to vector<16xf32>
          %parallel_loop3A_1307 = arith.addf %parallel_loop3A_1298, %parallel_loop3A_1306 : vector<16xf32>
          %parallel_loop3A_1308 = arith.constant 4 : i32
          %parallel_loop3A_1309 = arith.muli %parallel_loop3A_1308, %parallel_loop3A_349 : i32
          %parallel_loop3A_1310 = arith.constant 2 : i32
          %parallel_loop3A_1311 = arith.addi %parallel_loop3A_1309, %parallel_loop3A_1310 : i32
          %parallel_loop3A_1312 = arith.index_cast %parallel_loop3A_1311 : i32 to index
          %parallel_loop3A_1313 = arith.constant 368 : index
          %parallel_loop3A_1314 = tpu.vector_load %arg9[%parallel_loop3A_1312, %parallel_loop3A_1313] {strides = array<i32>} : memref<64x512xf32, #tpu.memory_space<vmem>>, vector<1x16xf32>,
          %parallel_loop3A_1315 = vector.shape_cast %parallel_loop3A_1314 : vector<1x16xf32> to vector<16xf32>
          %parallel_loop3A_1316 = arith.addf %parallel_loop3A_1307, %parallel_loop3A_1315 : vector<16xf32>
          %parallel_loop3A_1317 = arith.constant 4 : i32
          %parallel_loop3A_1318 = arith.muli %parallel_loop3A_1317, %parallel_loop3A_349 : i32
          %parallel_loop3A_1319 = arith.constant 3 : i32
          %parallel_loop3A_1320 = arith.addi %parallel_loop3A_1318, %parallel_loop3A_1319 : i32
          %parallel_loop3A_1321 = arith.index_cast %parallel_loop3A_1320 : i32 to index
          %parallel_loop3A_1322 = arith.constant 368 : index
          %parallel_loop3A_1323 = tpu.vector_load %arg9[%parallel_loop3A_1321, %parallel_loop3A_1322] {strides = array<i32>} : memref<64x512xf32, #tpu.memory_space<vmem>>, vector<1x16xf32>,
          %parallel_loop3A_1324 = vector.shape_cast %parallel_loop3A_1323 : vector<1x16xf32> to vector<16xf32>
          %parallel_loop3A_1325 = arith.addf %parallel_loop3A_1316, %parallel_loop3A_1324 : vector<16xf32>
          %parallel_loop3A_1326 = arith.constant 2.500000e-01 : f32
          %parallel_loop3A_1327 = vector.broadcast %parallel_loop3A_1326 : f32 to vector<16xf32>
          %parallel_loop3A_1328 = arith.mulf %parallel_loop3A_1325, %parallel_loop3A_1327 : vector<16xf32>
          %parallel_loop3A_1329 = arith.index_cast %parallel_loop3A_349 : i32 to index
          %parallel_loop3A_1330 = arith.constant 368 : index
          %parallel_loop3A_1331 = tpu.vector_load %arg12[%parallel_loop3A_1329, %parallel_loop3A_1330] {strides = array<i32>} : memref<16x512xf32, #tpu.memory_space<vmem>>, vector<1x16xf32>,
          %parallel_loop3A_1332 = vector.shape_cast %parallel_loop3A_1331 : vector<1x16xf32> to vector<16xf32>
          %parallel_loop3A_1333 = vector.shape_cast %parallel_loop3A_1328 : vector<16xf32> to vector<1x16xf32>
          tpu.vector_store %arg12[%parallel_loop3A_1329, %parallel_loop3A_1330], %parallel_loop3A_1333 {strides = array<i32>} : memref<16x512xf32, #tpu.memory_space<vmem>>, vector<1x16xf32>,
          %parallel_loop3A_1334 = arith.constant 4 : i32
          %parallel_loop3A_1335 = arith.muli %parallel_loop3A_1334, %parallel_loop3A_349 : i32
          %parallel_loop3A_1336 = arith.index_cast %parallel_loop3A_1335 : i32 to index
          %parallel_loop3A_1337 = arith.constant 384 : index
          %parallel_loop3A_1338 = tpu.vector_load %arg9[%parallel_loop3A_1336, %parallel_loop3A_1337] {strides = array<i32>} : memref<64x512xf32, #tpu.memory_space<vmem>>, vector<1x16xf32>,
          %parallel_loop3A_1339 = vector.shape_cast %parallel_loop3A_1338 : vector<1x16xf32> to vector<16xf32>
          %parallel_loop3A_1340 = arith.constant 4 : i32
          %parallel_loop3A_1341 = arith.muli %parallel_loop3A_1340, %parallel_loop3A_349 : i32
          %parallel_loop3A_1342 = arith.constant 1 : i32
          %parallel_loop3A_1343 = arith.addi %parallel_loop3A_1341, %parallel_loop3A_1342 : i32
          %parallel_loop3A_1344 = arith.index_cast %parallel_loop3A_1343 : i32 to index
          %parallel_loop3A_1345 = arith.constant 384 : index
          %parallel_loop3A_1346 = tpu.vector_load %arg9[%parallel_loop3A_1344, %parallel_loop3A_1345] {strides = array<i32>} : memref<64x512xf32, #tpu.memory_space<vmem>>, vector<1x16xf32>,
          %parallel_loop3A_1347 = vector.shape_cast %parallel_loop3A_1346 : vector<1x16xf32> to vector<16xf32>
          %parallel_loop3A_1348 = arith.addf %parallel_loop3A_1339, %parallel_loop3A_1347 : vector<16xf32>
          %parallel_loop3A_1349 = arith.constant 4 : i32
          %parallel_loop3A_1350 = arith.muli %parallel_loop3A_1349, %parallel_loop3A_349 : i32
          %parallel_loop3A_1351 = arith.constant 2 : i32
          %parallel_loop3A_1352 = arith.addi %parallel_loop3A_1350, %parallel_loop3A_1351 : i32
          %parallel_loop3A_1353 = arith.index_cast %parallel_loop3A_1352 : i32 to index
          %parallel_loop3A_1354 = arith.constant 384 : index
          %parallel_loop3A_1355 = tpu.vector_load %arg9[%parallel_loop3A_1353, %parallel_loop3A_1354] {strides = array<i32>} : memref<64x512xf32, #tpu.memory_space<vmem>>, vector<1x16xf32>,
          %parallel_loop3A_1356 = vector.shape_cast %parallel_loop3A_1355 : vector<1x16xf32> to vector<16xf32>
          %parallel_loop3A_1357 = arith.addf %parallel_loop3A_1348, %parallel_loop3A_1356 : vector<16xf32>
          %parallel_loop3A_1358 = arith.constant 4 : i32
          %parallel_loop3A_1359 = arith.muli %parallel_loop3A_1358, %parallel_loop3A_349 : i32
          %parallel_loop3A_1360 = arith.constant 3 : i32
          %parallel_loop3A_1361 = arith.addi %parallel_loop3A_1359, %parallel_loop3A_1360 : i32
          %parallel_loop3A_1362 = arith.index_cast %parallel_loop3A_1361 : i32 to index
          %parallel_loop3A_1363 = arith.constant 384 : index
          %parallel_loop3A_1364 = tpu.vector_load %arg9[%parallel_loop3A_1362, %parallel_loop3A_1363] {strides = array<i32>} : memref<64x512xf32, #tpu.memory_space<vmem>>, vector<1x16xf32>,
          %parallel_loop3A_1365 = vector.shape_cast %parallel_loop3A_1364 : vector<1x16xf32> to vector<16xf32>
          %parallel_loop3A_1366 = arith.addf %parallel_loop3A_1357, %parallel_loop3A_1365 : vector<16xf32>
          %parallel_loop3A_1367 = arith.constant 2.500000e-01 : f32
          %parallel_loop3A_1368 = vector.broadcast %parallel_loop3A_1367 : f32 to vector<16xf32>
          %parallel_loop3A_1369 = arith.mulf %parallel_loop3A_1366, %parallel_loop3A_1368 : vector<16xf32>
          %parallel_loop3A_1370 = arith.index_cast %parallel_loop3A_349 : i32 to index
          %parallel_loop3A_1371 = arith.constant 384 : index
          %parallel_loop3A_1372 = tpu.vector_load %arg12[%parallel_loop3A_1370, %parallel_loop3A_1371] {strides = array<i32>} : memref<16x512xf32, #tpu.memory_space<vmem>>, vector<1x16xf32>,
          %parallel_loop3A_1373 = vector.shape_cast %parallel_loop3A_1372 : vector<1x16xf32> to vector<16xf32>
          %parallel_loop3A_1374 = vector.shape_cast %parallel_loop3A_1369 : vector<16xf32> to vector<1x16xf32>
          tpu.vector_store %arg12[%parallel_loop3A_1370, %parallel_loop3A_1371], %parallel_loop3A_1374 {strides = array<i32>} : memref<16x512xf32, #tpu.memory_space<vmem>>, vector<1x16xf32>,
          %parallel_loop3A_1375 = arith.constant 4 : i32
          %parallel_loop3A_1376 = arith.muli %parallel_loop3A_1375, %parallel_loop3A_349 : i32
          %parallel_loop3A_1377 = arith.index_cast %parallel_loop3A_1376 : i32 to index
          %parallel_loop3A_1378 = arith.constant 400 : index
          %parallel_loop3A_1379 = tpu.vector_load %arg9[%parallel_loop3A_1377, %parallel_loop3A_1378] {strides = array<i32>} : memref<64x512xf32, #tpu.memory_space<vmem>>, vector<1x16xf32>,
          %parallel_loop3A_1380 = vector.shape_cast %parallel_loop3A_1379 : vector<1x16xf32> to vector<16xf32>
          %parallel_loop3A_1381 = arith.constant 4 : i32
          %parallel_loop3A_1382 = arith.muli %parallel_loop3A_1381, %parallel_loop3A_349 : i32
          %parallel_loop3A_1383 = arith.constant 1 : i32
          %parallel_loop3A_1384 = arith.addi %parallel_loop3A_1382, %parallel_loop3A_1383 : i32
          %parallel_loop3A_1385 = arith.index_cast %parallel_loop3A_1384 : i32 to index
          %parallel_loop3A_1386 = arith.constant 400 : index
          %parallel_loop3A_1387 = tpu.vector_load %arg9[%parallel_loop3A_1385, %parallel_loop3A_1386] {strides = array<i32>} : memref<64x512xf32, #tpu.memory_space<vmem>>, vector<1x16xf32>,
          %parallel_loop3A_1388 = vector.shape_cast %parallel_loop3A_1387 : vector<1x16xf32> to vector<16xf32>
          %parallel_loop3A_1389 = arith.addf %parallel_loop3A_1380, %parallel_loop3A_1388 : vector<16xf32>
          %parallel_loop3A_1390 = arith.constant 4 : i32
          %parallel_loop3A_1391 = arith.muli %parallel_loop3A_1390, %parallel_loop3A_349 : i32
          %parallel_loop3A_1392 = arith.constant 2 : i32
          %parallel_loop3A_1393 = arith.addi %parallel_loop3A_1391, %parallel_loop3A_1392 : i32
          %parallel_loop3A_1394 = arith.index_cast %parallel_loop3A_1393 : i32 to index
          %parallel_loop3A_1395 = arith.constant 400 : index
          %parallel_loop3A_1396 = tpu.vector_load %arg9[%parallel_loop3A_1394, %parallel_loop3A_1395] {strides = array<i32>} : memref<64x512xf32, #tpu.memory_space<vmem>>, vector<1x16xf32>,
          %parallel_loop3A_1397 = vector.shape_cast %parallel_loop3A_1396 : vector<1x16xf32> to vector<16xf32>
          %parallel_loop3A_1398 = arith.addf %parallel_loop3A_1389, %parallel_loop3A_1397 : vector<16xf32>
          %parallel_loop3A_1399 = arith.constant 4 : i32
          %parallel_loop3A_1400 = arith.muli %parallel_loop3A_1399, %parallel_loop3A_349 : i32
          %parallel_loop3A_1401 = arith.constant 3 : i32
          %parallel_loop3A_1402 = arith.addi %parallel_loop3A_1400, %parallel_loop3A_1401 : i32
          %parallel_loop3A_1403 = arith.index_cast %parallel_loop3A_1402 : i32 to index
          %parallel_loop3A_1404 = arith.constant 400 : index
          %parallel_loop3A_1405 = tpu.vector_load %arg9[%parallel_loop3A_1403, %parallel_loop3A_1404] {strides = array<i32>} : memref<64x512xf32, #tpu.memory_space<vmem>>, vector<1x16xf32>,
          %parallel_loop3A_1406 = vector.shape_cast %parallel_loop3A_1405 : vector<1x16xf32> to vector<16xf32>
          %parallel_loop3A_1407 = arith.addf %parallel_loop3A_1398, %parallel_loop3A_1406 : vector<16xf32>
          %parallel_loop3A_1408 = arith.constant 2.500000e-01 : f32
          %parallel_loop3A_1409 = vector.broadcast %parallel_loop3A_1408 : f32 to vector<16xf32>
          %parallel_loop3A_1410 = arith.mulf %parallel_loop3A_1407, %parallel_loop3A_1409 : vector<16xf32>
          %parallel_loop3A_1411 = arith.index_cast %parallel_loop3A_349 : i32 to index
          %parallel_loop3A_1412 = arith.constant 400 : index
          %parallel_loop3A_1413 = tpu.vector_load %arg12[%parallel_loop3A_1411, %parallel_loop3A_1412] {strides = array<i32>} : memref<16x512xf32, #tpu.memory_space<vmem>>, vector<1x16xf32>,
          %parallel_loop3A_1414 = vector.shape_cast %parallel_loop3A_1413 : vector<1x16xf32> to vector<16xf32>
          %parallel_loop3A_1415 = vector.shape_cast %parallel_loop3A_1410 : vector<16xf32> to vector<1x16xf32>
          tpu.vector_store %arg12[%parallel_loop3A_1411, %parallel_loop3A_1412], %parallel_loop3A_1415 {strides = array<i32>} : memref<16x512xf32, #tpu.memory_space<vmem>>, vector<1x16xf32>,
          %parallel_loop3A_1416 = arith.constant 4 : i32
          %parallel_loop3A_1417 = arith.muli %parallel_loop3A_1416, %parallel_loop3A_349 : i32
          %parallel_loop3A_1418 = arith.index_cast %parallel_loop3A_1417 : i32 to index
          %parallel_loop3A_1419 = arith.constant 416 : index
          %parallel_loop3A_1420 = tpu.vector_load %arg9[%parallel_loop3A_1418, %parallel_loop3A_1419] {strides = array<i32>} : memref<64x512xf32, #tpu.memory_space<vmem>>, vector<1x16xf32>,
          %parallel_loop3A_1421 = vector.shape_cast %parallel_loop3A_1420 : vector<1x16xf32> to vector<16xf32>
          %parallel_loop3A_1422 = arith.constant 4 : i32
          %parallel_loop3A_1423 = arith.muli %parallel_loop3A_1422, %parallel_loop3A_349 : i32
          %parallel_loop3A_1424 = arith.constant 1 : i32
          %parallel_loop3A_1425 = arith.addi %parallel_loop3A_1423, %parallel_loop3A_1424 : i32
          %parallel_loop3A_1426 = arith.index_cast %parallel_loop3A_1425 : i32 to index
          %parallel_loop3A_1427 = arith.constant 416 : index
          %parallel_loop3A_1428 = tpu.vector_load %arg9[%parallel_loop3A_1426, %parallel_loop3A_1427] {strides = array<i32>} : memref<64x512xf32, #tpu.memory_space<vmem>>, vector<1x16xf32>,
          %parallel_loop3A_1429 = vector.shape_cast %parallel_loop3A_1428 : vector<1x16xf32> to vector<16xf32>
          %parallel_loop3A_1430 = arith.addf %parallel_loop3A_1421, %parallel_loop3A_1429 : vector<16xf32>
          %parallel_loop3A_1431 = arith.constant 4 : i32
          %parallel_loop3A_1432 = arith.muli %parallel_loop3A_1431, %parallel_loop3A_349 : i32
          %parallel_loop3A_1433 = arith.constant 2 : i32
          %parallel_loop3A_1434 = arith.addi %parallel_loop3A_1432, %parallel_loop3A_1433 : i32
          %parallel_loop3A_1435 = arith.index_cast %parallel_loop3A_1434 : i32 to index
          %parallel_loop3A_1436 = arith.constant 416 : index
          %parallel_loop3A_1437 = tpu.vector_load %arg9[%parallel_loop3A_1435, %parallel_loop3A_1436] {strides = array<i32>} : memref<64x512xf32, #tpu.memory_space<vmem>>, vector<1x16xf32>,
          %parallel_loop3A_1438 = vector.shape_cast %parallel_loop3A_1437 : vector<1x16xf32> to vector<16xf32>
          %parallel_loop3A_1439 = arith.addf %parallel_loop3A_1430, %parallel_loop3A_1438 : vector<16xf32>
          %parallel_loop3A_1440 = arith.constant 4 : i32
          %parallel_loop3A_1441 = arith.muli %parallel_loop3A_1440, %parallel_loop3A_349 : i32
          %parallel_loop3A_1442 = arith.constant 3 : i32
          %parallel_loop3A_1443 = arith.addi %parallel_loop3A_1441, %parallel_loop3A_1442 : i32
          %parallel_loop3A_1444 = arith.index_cast %parallel_loop3A_1443 : i32 to index
          %parallel_loop3A_1445 = arith.constant 416 : index
          %parallel_loop3A_1446 = tpu.vector_load %arg9[%parallel_loop3A_1444, %parallel_loop3A_1445] {strides = array<i32>} : memref<64x512xf32, #tpu.memory_space<vmem>>, vector<1x16xf32>,
          %parallel_loop3A_1447 = vector.shape_cast %parallel_loop3A_1446 : vector<1x16xf32> to vector<16xf32>
          %parallel_loop3A_1448 = arith.addf %parallel_loop3A_1439, %parallel_loop3A_1447 : vector<16xf32>
          %parallel_loop3A_1449 = arith.constant 2.500000e-01 : f32
          %parallel_loop3A_1450 = vector.broadcast %parallel_loop3A_1449 : f32 to vector<16xf32>
          %parallel_loop3A_1451 = arith.mulf %parallel_loop3A_1448, %parallel_loop3A_1450 : vector<16xf32>
          %parallel_loop3A_1452 = arith.index_cast %parallel_loop3A_349 : i32 to index
          %parallel_loop3A_1453 = arith.constant 416 : index
          %parallel_loop3A_1454 = tpu.vector_load %arg12[%parallel_loop3A_1452, %parallel_loop3A_1453] {strides = array<i32>} : memref<16x512xf32, #tpu.memory_space<vmem>>, vector<1x16xf32>,
          %parallel_loop3A_1455 = vector.shape_cast %parallel_loop3A_1454 : vector<1x16xf32> to vector<16xf32>
          %parallel_loop3A_1456 = vector.shape_cast %parallel_loop3A_1451 : vector<16xf32> to vector<1x16xf32>
          tpu.vector_store %arg12[%parallel_loop3A_1452, %parallel_loop3A_1453], %parallel_loop3A_1456 {strides = array<i32>} : memref<16x512xf32, #tpu.memory_space<vmem>>, vector<1x16xf32>,
          %parallel_loop3A_1457 = arith.constant 4 : i32
          %parallel_loop3A_1458 = arith.muli %parallel_loop3A_1457, %parallel_loop3A_349 : i32
          %parallel_loop3A_1459 = arith.index_cast %parallel_loop3A_1458 : i32 to index
          %parallel_loop3A_1460 = arith.constant 432 : index
          %parallel_loop3A_1461 = tpu.vector_load %arg9[%parallel_loop3A_1459, %parallel_loop3A_1460] {strides = array<i32>} : memref<64x512xf32, #tpu.memory_space<vmem>>, vector<1x16xf32>,
          %parallel_loop3A_1462 = vector.shape_cast %parallel_loop3A_1461 : vector<1x16xf32> to vector<16xf32>
          %parallel_loop3A_1463 = arith.constant 4 : i32
          %parallel_loop3A_1464 = arith.muli %parallel_loop3A_1463, %parallel_loop3A_349 : i32
          %parallel_loop3A_1465 = arith.constant 1 : i32
          %parallel_loop3A_1466 = arith.addi %parallel_loop3A_1464, %parallel_loop3A_1465 : i32
          %parallel_loop3A_1467 = arith.index_cast %parallel_loop3A_1466 : i32 to index
          %parallel_loop3A_1468 = arith.constant 432 : index
          %parallel_loop3A_1469 = tpu.vector_load %arg9[%parallel_loop3A_1467, %parallel_loop3A_1468] {strides = array<i32>} : memref<64x512xf32, #tpu.memory_space<vmem>>, vector<1x16xf32>,
          %parallel_loop3A_1470 = vector.shape_cast %parallel_loop3A_1469 : vector<1x16xf32> to vector<16xf32>
          %parallel_loop3A_1471 = arith.addf %parallel_loop3A_1462, %parallel_loop3A_1470 : vector<16xf32>
          %parallel_loop3A_1472 = arith.constant 4 : i32
          %parallel_loop3A_1473 = arith.muli %parallel_loop3A_1472, %parallel_loop3A_349 : i32
          %parallel_loop3A_1474 = arith.constant 2 : i32
          %parallel_loop3A_1475 = arith.addi %parallel_loop3A_1473, %parallel_loop3A_1474 : i32
          %parallel_loop3A_1476 = arith.index_cast %parallel_loop3A_1475 : i32 to index
          %parallel_loop3A_1477 = arith.constant 432 : index
          %parallel_loop3A_1478 = tpu.vector_load %arg9[%parallel_loop3A_1476, %parallel_loop3A_1477] {strides = array<i32>} : memref<64x512xf32, #tpu.memory_space<vmem>>, vector<1x16xf32>,
          %parallel_loop3A_1479 = vector.shape_cast %parallel_loop3A_1478 : vector<1x16xf32> to vector<16xf32>
          %parallel_loop3A_1480 = arith.addf %parallel_loop3A_1471, %parallel_loop3A_1479 : vector<16xf32>
          %parallel_loop3A_1481 = arith.constant 4 : i32
          %parallel_loop3A_1482 = arith.muli %parallel_loop3A_1481, %parallel_loop3A_349 : i32
          %parallel_loop3A_1483 = arith.constant 3 : i32
          %parallel_loop3A_1484 = arith.addi %parallel_loop3A_1482, %parallel_loop3A_1483 : i32
          %parallel_loop3A_1485 = arith.index_cast %parallel_loop3A_1484 : i32 to index
          %parallel_loop3A_1486 = arith.constant 432 : index
          %parallel_loop3A_1487 = tpu.vector_load %arg9[%parallel_loop3A_1485, %parallel_loop3A_1486] {strides = array<i32>} : memref<64x512xf32, #tpu.memory_space<vmem>>, vector<1x16xf32>,
          %parallel_loop3A_1488 = vector.shape_cast %parallel_loop3A_1487 : vector<1x16xf32> to vector<16xf32>
          %parallel_loop3A_1489 = arith.addf %parallel_loop3A_1480, %parallel_loop3A_1488 : vector<16xf32>
          %parallel_loop3A_1490 = arith.constant 2.500000e-01 : f32
          %parallel_loop3A_1491 = vector.broadcast %parallel_loop3A_1490 : f32 to vector<16xf32>
          %parallel_loop3A_1492 = arith.mulf %parallel_loop3A_1489, %parallel_loop3A_1491 : vector<16xf32>
          %parallel_loop3A_1493 = arith.index_cast %parallel_loop3A_349 : i32 to index
          %parallel_loop3A_1494 = arith.constant 432 : index
          %parallel_loop3A_1495 = tpu.vector_load %arg12[%parallel_loop3A_1493, %parallel_loop3A_1494] {strides = array<i32>} : memref<16x512xf32, #tpu.memory_space<vmem>>, vector<1x16xf32>,
          %parallel_loop3A_1496 = vector.shape_cast %parallel_loop3A_1495 : vector<1x16xf32> to vector<16xf32>
          %parallel_loop3A_1497 = vector.shape_cast %parallel_loop3A_1492 : vector<16xf32> to vector<1x16xf32>
          tpu.vector_store %arg12[%parallel_loop3A_1493, %parallel_loop3A_1494], %parallel_loop3A_1497 {strides = array<i32>} : memref<16x512xf32, #tpu.memory_space<vmem>>, vector<1x16xf32>,
          %parallel_loop3A_1498 = arith.constant 4 : i32
          %parallel_loop3A_1499 = arith.muli %parallel_loop3A_1498, %parallel_loop3A_349 : i32
          %parallel_loop3A_1500 = arith.index_cast %parallel_loop3A_1499 : i32 to index
          %parallel_loop3A_1501 = arith.constant 448 : index
          %parallel_loop3A_1502 = tpu.vector_load %arg9[%parallel_loop3A_1500, %parallel_loop3A_1501] {strides = array<i32>} : memref<64x512xf32, #tpu.memory_space<vmem>>, vector<1x16xf32>,
          %parallel_loop3A_1503 = vector.shape_cast %parallel_loop3A_1502 : vector<1x16xf32> to vector<16xf32>
          %parallel_loop3A_1504 = arith.constant 4 : i32
          %parallel_loop3A_1505 = arith.muli %parallel_loop3A_1504, %parallel_loop3A_349 : i32
          %parallel_loop3A_1506 = arith.constant 1 : i32
          %parallel_loop3A_1507 = arith.addi %parallel_loop3A_1505, %parallel_loop3A_1506 : i32
          %parallel_loop3A_1508 = arith.index_cast %parallel_loop3A_1507 : i32 to index
          %parallel_loop3A_1509 = arith.constant 448 : index
          %parallel_loop3A_1510 = tpu.vector_load %arg9[%parallel_loop3A_1508, %parallel_loop3A_1509] {strides = array<i32>} : memref<64x512xf32, #tpu.memory_space<vmem>>, vector<1x16xf32>,
          %parallel_loop3A_1511 = vector.shape_cast %parallel_loop3A_1510 : vector<1x16xf32> to vector<16xf32>
          %parallel_loop3A_1512 = arith.addf %parallel_loop3A_1503, %parallel_loop3A_1511 : vector<16xf32>
          %parallel_loop3A_1513 = arith.constant 4 : i32
          %parallel_loop3A_1514 = arith.muli %parallel_loop3A_1513, %parallel_loop3A_349 : i32
          %parallel_loop3A_1515 = arith.constant 2 : i32
          %parallel_loop3A_1516 = arith.addi %parallel_loop3A_1514, %parallel_loop3A_1515 : i32
          %parallel_loop3A_1517 = arith.index_cast %parallel_loop3A_1516 : i32 to index
          %parallel_loop3A_1518 = arith.constant 448 : index
          %parallel_loop3A_1519 = tpu.vector_load %arg9[%parallel_loop3A_1517, %parallel_loop3A_1518] {strides = array<i32>} : memref<64x512xf32, #tpu.memory_space<vmem>>, vector<1x16xf32>,
          %parallel_loop3A_1520 = vector.shape_cast %parallel_loop3A_1519 : vector<1x16xf32> to vector<16xf32>
          %parallel_loop3A_1521 = arith.addf %parallel_loop3A_1512, %parallel_loop3A_1520 : vector<16xf32>
          %parallel_loop3A_1522 = arith.constant 4 : i32
          %parallel_loop3A_1523 = arith.muli %parallel_loop3A_1522, %parallel_loop3A_349 : i32
          %parallel_loop3A_1524 = arith.constant 3 : i32
          %parallel_loop3A_1525 = arith.addi %parallel_loop3A_1523, %parallel_loop3A_1524 : i32
          %parallel_loop3A_1526 = arith.index_cast %parallel_loop3A_1525 : i32 to index
          %parallel_loop3A_1527 = arith.constant 448 : index
          %parallel_loop3A_1528 = tpu.vector_load %arg9[%parallel_loop3A_1526, %parallel_loop3A_1527] {strides = array<i32>} : memref<64x512xf32, #tpu.memory_space<vmem>>, vector<1x16xf32>,
          %parallel_loop3A_1529 = vector.shape_cast %parallel_loop3A_1528 : vector<1x16xf32> to vector<16xf32>
          %parallel_loop3A_1530 = arith.addf %parallel_loop3A_1521, %parallel_loop3A_1529 : vector<16xf32>
          %parallel_loop3A_1531 = arith.constant 2.500000e-01 : f32
          %parallel_loop3A_1532 = vector.broadcast %parallel_loop3A_1531 : f32 to vector<16xf32>
          %parallel_loop3A_1533 = arith.mulf %parallel_loop3A_1530, %parallel_loop3A_1532 : vector<16xf32>
          %parallel_loop3A_1534 = arith.index_cast %parallel_loop3A_349 : i32 to index
          %parallel_loop3A_1535 = arith.constant 448 : index
          %parallel_loop3A_1536 = tpu.vector_load %arg12[%parallel_loop3A_1534, %parallel_loop3A_1535] {strides = array<i32>} : memref<16x512xf32, #tpu.memory_space<vmem>>, vector<1x16xf32>,
          %parallel_loop3A_1537 = vector.shape_cast %parallel_loop3A_1536 : vector<1x16xf32> to vector<16xf32>
          %parallel_loop3A_1538 = vector.shape_cast %parallel_loop3A_1533 : vector<16xf32> to vector<1x16xf32>
          tpu.vector_store %arg12[%parallel_loop3A_1534, %parallel_loop3A_1535], %parallel_loop3A_1538 {strides = array<i32>} : memref<16x512xf32, #tpu.memory_space<vmem>>, vector<1x16xf32>,
          %parallel_loop3A_1539 = arith.constant 4 : i32
          %parallel_loop3A_1540 = arith.muli %parallel_loop3A_1539, %parallel_loop3A_349 : i32
          %parallel_loop3A_1541 = arith.index_cast %parallel_loop3A_1540 : i32 to index
          %parallel_loop3A_1542 = arith.constant 464 : index
          %parallel_loop3A_1543 = tpu.vector_load %arg9[%parallel_loop3A_1541, %parallel_loop3A_1542] {strides = array<i32>} : memref<64x512xf32, #tpu.memory_space<vmem>>, vector<1x16xf32>,
          %parallel_loop3A_1544 = vector.shape_cast %parallel_loop3A_1543 : vector<1x16xf32> to vector<16xf32>
          %parallel_loop3A_1545 = arith.constant 4 : i32
          %parallel_loop3A_1546 = arith.muli %parallel_loop3A_1545, %parallel_loop3A_349 : i32
          %parallel_loop3A_1547 = arith.constant 1 : i32
          %parallel_loop3A_1548 = arith.addi %parallel_loop3A_1546, %parallel_loop3A_1547 : i32
          %parallel_loop3A_1549 = arith.index_cast %parallel_loop3A_1548 : i32 to index
          %parallel_loop3A_1550 = arith.constant 464 : index
          %parallel_loop3A_1551 = tpu.vector_load %arg9[%parallel_loop3A_1549, %parallel_loop3A_1550] {strides = array<i32>} : memref<64x512xf32, #tpu.memory_space<vmem>>, vector<1x16xf32>,
          %parallel_loop3A_1552 = vector.shape_cast %parallel_loop3A_1551 : vector<1x16xf32> to vector<16xf32>
          %parallel_loop3A_1553 = arith.addf %parallel_loop3A_1544, %parallel_loop3A_1552 : vector<16xf32>
          %parallel_loop3A_1554 = arith.constant 4 : i32
          %parallel_loop3A_1555 = arith.muli %parallel_loop3A_1554, %parallel_loop3A_349 : i32
          %parallel_loop3A_1556 = arith.constant 2 : i32
          %parallel_loop3A_1557 = arith.addi %parallel_loop3A_1555, %parallel_loop3A_1556 : i32
          %parallel_loop3A_1558 = arith.index_cast %parallel_loop3A_1557 : i32 to index
          %parallel_loop3A_1559 = arith.constant 464 : index
          %parallel_loop3A_1560 = tpu.vector_load %arg9[%parallel_loop3A_1558, %parallel_loop3A_1559] {strides = array<i32>} : memref<64x512xf32, #tpu.memory_space<vmem>>, vector<1x16xf32>,
          %parallel_loop3A_1561 = vector.shape_cast %parallel_loop3A_1560 : vector<1x16xf32> to vector<16xf32>
          %parallel_loop3A_1562 = arith.addf %parallel_loop3A_1553, %parallel_loop3A_1561 : vector<16xf32>
          %parallel_loop3A_1563 = arith.constant 4 : i32
          %parallel_loop3A_1564 = arith.muli %parallel_loop3A_1563, %parallel_loop3A_349 : i32
          %parallel_loop3A_1565 = arith.constant 3 : i32
          %parallel_loop3A_1566 = arith.addi %parallel_loop3A_1564, %parallel_loop3A_1565 : i32
          %parallel_loop3A_1567 = arith.index_cast %parallel_loop3A_1566 : i32 to index
          %parallel_loop3A_1568 = arith.constant 464 : index
          %parallel_loop3A_1569 = tpu.vector_load %arg9[%parallel_loop3A_1567, %parallel_loop3A_1568] {strides = array<i32>} : memref<64x512xf32, #tpu.memory_space<vmem>>, vector<1x16xf32>,
          %parallel_loop3A_1570 = vector.shape_cast %parallel_loop3A_1569 : vector<1x16xf32> to vector<16xf32>
          %parallel_loop3A_1571 = arith.addf %parallel_loop3A_1562, %parallel_loop3A_1570 : vector<16xf32>
          %parallel_loop3A_1572 = arith.constant 2.500000e-01 : f32
          %parallel_loop3A_1573 = vector.broadcast %parallel_loop3A_1572 : f32 to vector<16xf32>
          %parallel_loop3A_1574 = arith.mulf %parallel_loop3A_1571, %parallel_loop3A_1573 : vector<16xf32>
          %parallel_loop3A_1575 = arith.index_cast %parallel_loop3A_349 : i32 to index
          %parallel_loop3A_1576 = arith.constant 464 : index
          %parallel_loop3A_1577 = tpu.vector_load %arg12[%parallel_loop3A_1575, %parallel_loop3A_1576] {strides = array<i32>} : memref<16x512xf32, #tpu.memory_space<vmem>>, vector<1x16xf32>,
          %parallel_loop3A_1578 = vector.shape_cast %parallel_loop3A_1577 : vector<1x16xf32> to vector<16xf32>
          %parallel_loop3A_1579 = vector.shape_cast %parallel_loop3A_1574 : vector<16xf32> to vector<1x16xf32>
          tpu.vector_store %arg12[%parallel_loop3A_1575, %parallel_loop3A_1576], %parallel_loop3A_1579 {strides = array<i32>} : memref<16x512xf32, #tpu.memory_space<vmem>>, vector<1x16xf32>,
          %parallel_loop3A_1580 = arith.constant 4 : i32
          %parallel_loop3A_1581 = arith.muli %parallel_loop3A_1580, %parallel_loop3A_349 : i32
          %parallel_loop3A_1582 = arith.index_cast %parallel_loop3A_1581 : i32 to index
          %parallel_loop3A_1583 = arith.constant 480 : index
          %parallel_loop3A_1584 = tpu.vector_load %arg9[%parallel_loop3A_1582, %parallel_loop3A_1583] {strides = array<i32>} : memref<64x512xf32, #tpu.memory_space<vmem>>, vector<1x16xf32>,
          %parallel_loop3A_1585 = vector.shape_cast %parallel_loop3A_1584 : vector<1x16xf32> to vector<16xf32>
          %parallel_loop3A_1586 = arith.constant 4 : i32
          %parallel_loop3A_1587 = arith.muli %parallel_loop3A_1586, %parallel_loop3A_349 : i32
          %parallel_loop3A_1588 = arith.constant 1 : i32
          %parallel_loop3A_1589 = arith.addi %parallel_loop3A_1587, %parallel_loop3A_1588 : i32
          %parallel_loop3A_1590 = arith.index_cast %parallel_loop3A_1589 : i32 to index
          %parallel_loop3A_1591 = arith.constant 480 : index
          %parallel_loop3A_1592 = tpu.vector_load %arg9[%parallel_loop3A_1590, %parallel_loop3A_1591] {strides = array<i32>} : memref<64x512xf32, #tpu.memory_space<vmem>>, vector<1x16xf32>,
          %parallel_loop3A_1593 = vector.shape_cast %parallel_loop3A_1592 : vector<1x16xf32> to vector<16xf32>
          %parallel_loop3A_1594 = arith.addf %parallel_loop3A_1585, %parallel_loop3A_1593 : vector<16xf32>
          %parallel_loop3A_1595 = arith.constant 4 : i32
          %parallel_loop3A_1596 = arith.muli %parallel_loop3A_1595, %parallel_loop3A_349 : i32
          %parallel_loop3A_1597 = arith.constant 2 : i32
          %parallel_loop3A_1598 = arith.addi %parallel_loop3A_1596, %parallel_loop3A_1597 : i32
          %parallel_loop3A_1599 = arith.index_cast %parallel_loop3A_1598 : i32 to index
          %parallel_loop3A_1600 = arith.constant 480 : index
          %parallel_loop3A_1601 = tpu.vector_load %arg9[%parallel_loop3A_1599, %parallel_loop3A_1600] {strides = array<i32>} : memref<64x512xf32, #tpu.memory_space<vmem>>, vector<1x16xf32>,
          %parallel_loop3A_1602 = vector.shape_cast %parallel_loop3A_1601 : vector<1x16xf32> to vector<16xf32>
          %parallel_loop3A_1603 = arith.addf %parallel_loop3A_1594, %parallel_loop3A_1602 : vector<16xf32>
          %parallel_loop3A_1604 = arith.constant 4 : i32
          %parallel_loop3A_1605 = arith.muli %parallel_loop3A_1604, %parallel_loop3A_349 : i32
          %parallel_loop3A_1606 = arith.constant 3 : i32
          %parallel_loop3A_1607 = arith.addi %parallel_loop3A_1605, %parallel_loop3A_1606 : i32
          %parallel_loop3A_1608 = arith.index_cast %parallel_loop3A_1607 : i32 to index
          %parallel_loop3A_1609 = arith.constant 480 : index
          %parallel_loop3A_1610 = tpu.vector_load %arg9[%parallel_loop3A_1608, %parallel_loop3A_1609] {strides = array<i32>} : memref<64x512xf32, #tpu.memory_space<vmem>>, vector<1x16xf32>,
          %parallel_loop3A_1611 = vector.shape_cast %parallel_loop3A_1610 : vector<1x16xf32> to vector<16xf32>
          %parallel_loop3A_1612 = arith.addf %parallel_loop3A_1603, %parallel_loop3A_1611 : vector<16xf32>
          %parallel_loop3A_1613 = arith.constant 2.500000e-01 : f32
          %parallel_loop3A_1614 = vector.broadcast %parallel_loop3A_1613 : f32 to vector<16xf32>
          %parallel_loop3A_1615 = arith.mulf %parallel_loop3A_1612, %parallel_loop3A_1614 : vector<16xf32>
          %parallel_loop3A_1616 = arith.index_cast %parallel_loop3A_349 : i32 to index
          %parallel_loop3A_1617 = arith.constant 480 : index
          %parallel_loop3A_1618 = tpu.vector_load %arg12[%parallel_loop3A_1616, %parallel_loop3A_1617] {strides = array<i32>} : memref<16x512xf32, #tpu.memory_space<vmem>>, vector<1x16xf32>,
          %parallel_loop3A_1619 = vector.shape_cast %parallel_loop3A_1618 : vector<1x16xf32> to vector<16xf32>
          %parallel_loop3A_1620 = vector.shape_cast %parallel_loop3A_1615 : vector<16xf32> to vector<1x16xf32>
          tpu.vector_store %arg12[%parallel_loop3A_1616, %parallel_loop3A_1617], %parallel_loop3A_1620 {strides = array<i32>} : memref<16x512xf32, #tpu.memory_space<vmem>>, vector<1x16xf32>,
          %parallel_loop3A_1621 = arith.constant 4 : i32
          %parallel_loop3A_1622 = arith.muli %parallel_loop3A_1621, %parallel_loop3A_349 : i32
          %parallel_loop3A_1623 = arith.index_cast %parallel_loop3A_1622 : i32 to index
          %parallel_loop3A_1624 = arith.constant 496 : index
          %parallel_loop3A_1625 = tpu.vector_load %arg9[%parallel_loop3A_1623, %parallel_loop3A_1624] {strides = array<i32>} : memref<64x512xf32, #tpu.memory_space<vmem>>, vector<1x16xf32>,
          %parallel_loop3A_1626 = vector.shape_cast %parallel_loop3A_1625 : vector<1x16xf32> to vector<16xf32>
          %parallel_loop3A_1627 = arith.constant 4 : i32
          %parallel_loop3A_1628 = arith.muli %parallel_loop3A_1627, %parallel_loop3A_349 : i32
          %parallel_loop3A_1629 = arith.constant 1 : i32
          %parallel_loop3A_1630 = arith.addi %parallel_loop3A_1628, %parallel_loop3A_1629 : i32
          %parallel_loop3A_1631 = arith.index_cast %parallel_loop3A_1630 : i32 to index
          %parallel_loop3A_1632 = arith.constant 496 : index
          %parallel_loop3A_1633 = tpu.vector_load %arg9[%parallel_loop3A_1631, %parallel_loop3A_1632] {strides = array<i32>} : memref<64x512xf32, #tpu.memory_space<vmem>>, vector<1x16xf32>,
          %parallel_loop3A_1634 = vector.shape_cast %parallel_loop3A_1633 : vector<1x16xf32> to vector<16xf32>
          %parallel_loop3A_1635 = arith.addf %parallel_loop3A_1626, %parallel_loop3A_1634 : vector<16xf32>
          %parallel_loop3A_1636 = arith.constant 4 : i32
          %parallel_loop3A_1637 = arith.muli %parallel_loop3A_1636, %parallel_loop3A_349 : i32
          %parallel_loop3A_1638 = arith.constant 2 : i32
          %parallel_loop3A_1639 = arith.addi %parallel_loop3A_1637, %parallel_loop3A_1638 : i32
          %parallel_loop3A_1640 = arith.index_cast %parallel_loop3A_1639 : i32 to index
          %parallel_loop3A_1641 = arith.constant 496 : index
          %parallel_loop3A_1642 = tpu.vector_load %arg9[%parallel_loop3A_1640, %parallel_loop3A_1641] {strides = array<i32>} : memref<64x512xf32, #tpu.memory_space<vmem>>, vector<1x16xf32>,
          %parallel_loop3A_1643 = vector.shape_cast %parallel_loop3A_1642 : vector<1x16xf32> to vector<16xf32>
          %parallel_loop3A_1644 = arith.addf %parallel_loop3A_1635, %parallel_loop3A_1643 : vector<16xf32>
          %parallel_loop3A_1645 = arith.constant 4 : i32
          %parallel_loop3A_1646 = arith.muli %parallel_loop3A_1645, %parallel_loop3A_349 : i32
          %parallel_loop3A_1647 = arith.constant 3 : i32
          %parallel_loop3A_1648 = arith.addi %parallel_loop3A_1646, %parallel_loop3A_1647 : i32
          %parallel_loop3A_1649 = arith.index_cast %parallel_loop3A_1648 : i32 to index
          %parallel_loop3A_1650 = arith.constant 496 : index
          %parallel_loop3A_1651 = tpu.vector_load %arg9[%parallel_loop3A_1649, %parallel_loop3A_1650] {strides = array<i32>} : memref<64x512xf32, #tpu.memory_space<vmem>>, vector<1x16xf32>,
          %parallel_loop3A_1652 = vector.shape_cast %parallel_loop3A_1651 : vector<1x16xf32> to vector<16xf32>
          %parallel_loop3A_1653 = arith.addf %parallel_loop3A_1644, %parallel_loop3A_1652 : vector<16xf32>
          %parallel_loop3A_1654 = arith.constant 2.500000e-01 : f32
          %parallel_loop3A_1655 = vector.broadcast %parallel_loop3A_1654 : f32 to vector<16xf32>
          %parallel_loop3A_1656 = arith.mulf %parallel_loop3A_1653, %parallel_loop3A_1655 : vector<16xf32>
          %parallel_loop3A_1657 = arith.index_cast %parallel_loop3A_349 : i32 to index
          %parallel_loop3A_1658 = arith.constant 496 : index
          %parallel_loop3A_1659 = tpu.vector_load %arg12[%parallel_loop3A_1657, %parallel_loop3A_1658] {strides = array<i32>} : memref<16x512xf32, #tpu.memory_space<vmem>>, vector<1x16xf32>,
          %parallel_loop3A_1660 = vector.shape_cast %parallel_loop3A_1659 : vector<1x16xf32> to vector<16xf32>
          %parallel_loop3A_1661 = vector.shape_cast %parallel_loop3A_1656 : vector<16xf32> to vector<1x16xf32>
          tpu.vector_store %arg12[%parallel_loop3A_1657, %parallel_loop3A_1658], %parallel_loop3A_1661 {strides = array<i32>} : memref<16x512xf32, #tpu.memory_space<vmem>>, vector<1x16xf32>,
        } {sc.loop_unroll_factor = 4 : i64, sc.parallel_access}
        %mul3A_340 = arith.constant 20000 : i32
        %mul3A_341 = arith.muli %select_n3A_223, %mul3A_340 : i32
        %add3A_342 = arith.constant 10000 : i32
        %add3A_343 = arith.addi %mul3A_341, %add3A_342 : i32
        %add3A_344 = arith.addi %add3A_343, %mul3A_228 : i32
        %dma_start3A_345 = arith.constant 0 : i32
        %dma_start3A_346 = tpu.memref_slice %arg4[%add3A_344, %dma_start3A_345] : memref<40000x512xf32, #tpu.memory_space<hbm>> -> memref<16x512xf32, #tpu.memory_space<hbm>>
        %dma_start3A_347 = arith.constant 0 : i32
        %dma_start3A_348 = tpu.memref_slice %arg4[%add3A_344, %dma_start3A_347] : memref<40000x512xf32, #tpu.memory_space<hbm>> -> memref<16x512xf32, #tpu.memory_space<hbm>>
        tpu.enqueue_dma source(%arg12 : memref<16x512xf32, #tpu.memory_space<vmem>>) target(%dma_start3A_348 : memref<16x512xf32, #tpu.memory_space<hbm>>) target_semaphore(%arg20 : memref<!tpu.dma_semaphore, #tpu.memory_space<semaphore_mem>>)
      } else {
      }
      %mul3A_234 = arith.constant 2 : i32
      %mul3A_235 = arith.muli %mul3A_234, %scan3A_192 : i32
      %add3A_236 = arith.constant 1 : i32
      %add3A_237 = arith.addi %mul3A_235, %add3A_236 : i32
      %mul3A_238 = arith.constant 32 : i32
      %mul3A_239 = arith.muli %add3A_237, %mul3A_238 : i32
      %add3A_240 = arith.addi %add3A, %mul3A_239 : i32
      %jit3A_241 = arith.constant 625 : i32
      %div3A_242 = arith.divsi %add3A_240, %jit3A_241 : i32
      %sign3A_243 = arith.constant 0 : i32
      %sign3A_244 = arith.cmpi sgt, %add3A_240, %sign3A_243 : i32
      %sign3A_245 = arith.extui %sign3A_244 : i1 to i32
      %sign3A_246 = arith.constant 0 : i32
      %sign3A_247 = arith.cmpi slt, %add3A_240, %sign3A_246 : i32
      %sign3A_248 = arith.extui %sign3A_247 : i1 to i32
      %sign3A_249 = arith.subi %sign3A_245, %sign3A_248 : i32
      %sign3A_250 = arith.constant 0 : i32
      %sign3A_251 = arith.cmpi sgt, %jit3A_241, %sign3A_250 : i32
      %sign3A_252 = arith.extui %sign3A_251 : i1 to i32
      %sign3A_253 = arith.constant 0 : i32
      %sign3A_254 = arith.cmpi slt, %jit3A_241, %sign3A_253 : i32
      %sign3A_255 = arith.extui %sign3A_254 : i1 to i32
      %sign3A_256 = arith.subi %sign3A_252, %sign3A_255 : i32
      %ne3A_257 = arith.cmpi ne, %sign3A_249, %sign3A_256 : i32
      %rem3A_258 = arith.remsi %add3A_240, %jit3A_241 : i32
      %ne3A_259 = arith.constant 0 : i32
      %ne3A_260 = arith.cmpi ne, %rem3A_258, %ne3A_259 : i32
      %and3A_261 = arith.andi %ne3A_257, %ne3A_260 : i1
      %sub3A_262 = arith.constant 1 : i32
      %sub3A_263 = arith.subi %div3A_242, %sub3A_262 : i32
      %select_n3A_264 = arith.select %and3A_261, %sub3A_263, %div3A_242 : i32
      %mul3A_265 = arith.constant 625 : i32
      %mul3A_266 = arith.muli %select_n3A_264, %mul3A_265 : i32
      %sub3A_267 = arith.subi %add3A_240, %mul3A_266 : i32
      %mul3A_268 = arith.constant 16 : i32
      %mul3A_269 = arith.muli %sub3A_267, %mul3A_268 : i32
      %lt3A_270 = arith.constant 1250 : i32
      %lt3A_271 = arith.cmpi slt, %add3A_240, %lt3A_270 : i32
      %convert_element_type3A_272 = arith.extui %lt3A_271 : i1 to i32
      %cond3A_273 = arith.constant 0 : i32
      %cond3A_274 = arith.cmpi ne, %convert_element_type3A_272, %cond3A_273 : i32
      scf.if %cond3A_274 {
        %add3A_275 = arith.constant 32 : i32
        %add3A_276 = arith.addi %add3A_240, %add3A_275 : i32
        %lt3A_277 = arith.constant 1250 : i32
        %lt3A_278 = arith.cmpi slt, %add3A_276, %lt3A_277 : i32
        %convert_element_type3A_279 = arith.extui %lt3A_278 : i1 to i32
        %cond3A_280 = arith.constant 0 : i32
        %cond3A_281 = arith.cmpi ne, %convert_element_type3A_279, %cond3A_280 : i32
        scf.if %cond3A_281 {
          %ge3A_349 = arith.constant 1 : i32
          %ge3A_350 = arith.cmpi sge, %add3A_237, %ge3A_349 : i32
          %convert_element_type3A_351 = arith.extui %ge3A_350 : i1 to i32
          %cond3A_352 = arith.constant 0 : i32
          %cond3A_353 = arith.cmpi ne, %convert_element_type3A_351, %cond3A_352 : i32
          scf.if %cond3A_353 {
            %dma_wait3A_500 = arith.constant 0 : i32
            %dma_wait3A_501 = arith.constant 0 : i32
            %dma_wait3A_502 = arith.constant 0 : i32
            %dma_wait3A_503 = tpu.memref_slice %arg4[%dma_wait3A_501, %dma_wait3A_502] : memref<40000x512xf32, #tpu.memory_space<hbm>> -> memref<16x512xf32, #tpu.memory_space<hbm>>
            %dma_wait3A_504 = arith.constant 0 : i32
            %dma_wait3A_505 = arith.constant 0 : i32
            %dma_wait3A_506 = tpu.memref_slice %arg11[%arg1, %dma_wait3A_500, %dma_wait3A_504, %dma_wait3A_505] : memref<16x2x16x512xf32, #tpu.memory_space<vmem_shared>> -> memref<1x1x16x512xf32, #tpu.memory_space<vmem_shared>>
            %dma_wait3A_507 = tpu.memref_squeeze %dma_wait3A_506 : memref<1x1x16x512xf32, #tpu.memory_space<vmem_shared>> -> memref<16x512xf32, #tpu.memory_space<vmem_shared>>
            tpu.wait_dma2 semaphore(%arg18 : memref<!tpu.dma_semaphore, #tpu.memory_space<semaphore_mem>>) src(%dma_wait3A_507 : memref<16x512xf32, #tpu.memory_space<vmem_shared>>) dst(%dma_wait3A_503 : memref<16x512xf32, #tpu.memory_space<hbm>>)
          } else {
          }
          %add3A_354 = arith.constant 32 : i32
          %add3A_355 = arith.addi %add3A_240, %add3A_354 : i32
          %jit3A_356 = arith.constant 625 : i32
          %div3A_357 = arith.divsi %add3A_355, %jit3A_356 : i32
          %sign3A_358 = arith.constant 0 : i32
          %sign3A_359 = arith.cmpi sgt, %add3A_355, %sign3A_358 : i32
          %sign3A_360 = arith.extui %sign3A_359 : i1 to i32
          %sign3A_361 = arith.constant 0 : i32
          %sign3A_362 = arith.cmpi slt, %add3A_355, %sign3A_361 : i32
          %sign3A_363 = arith.extui %sign3A_362 : i1 to i32
          %sign3A_364 = arith.subi %sign3A_360, %sign3A_363 : i32
          %sign3A_365 = arith.constant 0 : i32
          %sign3A_366 = arith.cmpi sgt, %jit3A_356, %sign3A_365 : i32
          %sign3A_367 = arith.extui %sign3A_366 : i1 to i32
          %sign3A_368 = arith.constant 0 : i32
          %sign3A_369 = arith.cmpi slt, %jit3A_356, %sign3A_368 : i32
          %sign3A_370 = arith.extui %sign3A_369 : i1 to i32
          %sign3A_371 = arith.subi %sign3A_367, %sign3A_370 : i32
          %ne3A_372 = arith.cmpi ne, %sign3A_364, %sign3A_371 : i32
          %rem3A_373 = arith.remsi %add3A_355, %jit3A_356 : i32
          %ne3A_374 = arith.constant 0 : i32
          %ne3A_375 = arith.cmpi ne, %rem3A_373, %ne3A_374 : i32
          %and3A_376 = arith.andi %ne3A_372, %ne3A_375 : i1
          %sub3A_377 = arith.constant 1 : i32
          %sub3A_378 = arith.subi %div3A_357, %sub3A_377 : i32
          %select_n3A_379 = arith.select %and3A_376, %sub3A_378, %div3A_357 : i32
          %mul3A_380 = arith.constant 625 : i32
          %mul3A_381 = arith.muli %select_n3A_379, %mul3A_380 : i32
          %sub3A_382 = arith.subi %add3A_355, %mul3A_381 : i32
          %mul3A_383 = arith.constant 64 : i32
          %mul3A_384 = arith.muli %sub3A_382, %mul3A_383 : i32
          %dma_wait3A_385 = tpu.memref_slice %arg3[%mul3A_384] : memref<40000xi32, #tpu.memory_space<hbm>> -> memref<64xi32, #tpu.memory_space<hbm>>
          %dma_wait3A_386 = tpu.memref_slice %arg3[%mul3A_384] : memref<40000xi32, #tpu.memory_space<hbm>> -> memref<64xi32, #tpu.memory_space<hbm>>
          tpu.wait_dma2 semaphore(%arg22 : memref<!tpu.dma_semaphore, #tpu.memory_space<semaphore_mem>>) src(%dma_wait3A_386 : memref<64xi32, #tpu.memory_space<hbm>>) dst(%arg5 : memref<64xi32, #tpu.memory_space<vmem>>)
          %jit3A_387 = arith.constant 625 : i32
          %div3A_388 = arith.divsi %add3A_355, %jit3A_387 : i32
          %sign3A_389 = arith.constant 0 : i32
          %sign3A_390 = arith.cmpi sgt, %add3A_355, %sign3A_389 : i32
          %sign3A_391 = arith.extui %sign3A_390 : i1 to i32
          %sign3A_392 = arith.constant 0 : i32
          %sign3A_393 = arith.cmpi slt, %add3A_355, %sign3A_392 : i32
          %sign3A_394 = arith.extui %sign3A_393 : i1 to i32
          %sign3A_395 = arith.subi %sign3A_391, %sign3A_394 : i32
          %sign3A_396 = arith.constant 0 : i32
          %sign3A_397 = arith.cmpi sgt, %jit3A_387, %sign3A_396 : i32
          %sign3A_398 = arith.extui %sign3A_397 : i1 to i32
          %sign3A_399 = arith.constant 0 : i32
          %sign3A_400 = arith.cmpi slt, %jit3A_387, %sign3A_399 : i32
          %sign3A_401 = arith.extui %sign3A_400 : i1 to i32
          %sign3A_402 = arith.subi %sign3A_398, %sign3A_401 : i32
          %ne3A_403 = arith.cmpi ne, %sign3A_395, %sign3A_402 : i32
          %rem3A_404 = arith.remsi %add3A_355, %jit3A_387 : i32
          %ne3A_405 = arith.constant 0 : i32
          %ne3A_406 = arith.cmpi ne, %rem3A_404, %ne3A_405 : i32
          %and3A_407 = arith.andi %ne3A_403, %ne3A_406 : i1
          %sub3A_408 = arith.constant 1 : i32
          %sub3A_409 = arith.subi %div3A_388, %sub3A_408 : i32
          %select_n3A_410 = arith.select %and3A_407, %sub3A_409, %div3A_388 : i32
          %mul3A_411 = arith.constant 10000 : i32
          %mul3A_412 = arith.muli %select_n3A_410, %mul3A_411 : i32
          %get3A_413 = arith.constant 0 : index
          %get3A_414 = tpu.vector_load %arg5[%get3A_413] {strides = array<i32>} : memref<64xi32, #tpu.memory_space<vmem>>, vector<16xi32>,
          %get3A_415 = vector.shape_cast %get3A_414 : vector<16xi32> to vector<16xi32>
          %add3A_416 = vector.broadcast %mul3A_412 : i32 to vector<16xi32>
          %add3A_417 = arith.addi %get3A_415, %add3A_416 : vector<16xi32>
          %swap3A_418 = arith.constant 0 : index
          %swap3A_419 = tpu.vector_load %arg7[%swap3A_418] {strides = array<i32>} : memref<64xi32, #tpu.memory_space<vmem>>, vector<16xi32>,
          %swap3A_420 = vector.shape_cast %swap3A_419 : vector<16xi32> to vector<16xi32>
          %swap3A_421 = vector.shape_cast %add3A_417 : vector<16xi32> to vector<16xi32>
          tpu.vector_store %arg7[%swap3A_418], %swap3A_421 {strides = array<i32>} : memref<64xi32, #tpu.memory_space<vmem>>, vector<16xi32>,
          %get3A_422 = arith.constant 16 : index
          %get3A_423 = tpu.vector_load %arg5[%get3A_422] {strides = array<i32>} : memref<64xi32, #tpu.memory_space<vmem>>, vector<16xi32>,
          %get3A_424 = vector.shape_cast %get3A_423 : vector<16xi32> to vector<16xi32>
          %add3A_425 = vector.broadcast %mul3A_412 : i32 to vector<16xi32>
          %add3A_426 = arith.addi %get3A_424, %add3A_425 : vector<16xi32>
          %swap3A_427 = arith.constant 16 : index
          %swap3A_428 = tpu.vector_load %arg7[%swap3A_427] {strides = array<i32>} : memref<64xi32, #tpu.memory_space<vmem>>, vector<16xi32>,
          %swap3A_429 = vector.shape_cast %swap3A_428 : vector<16xi32> to vector<16xi32>
          %swap3A_430 = vector.shape_cast %add3A_426 : vector<16xi32> to vector<16xi32>
          tpu.vector_store %arg7[%swap3A_427], %swap3A_430 {strides = array<i32>} : memref<64xi32, #tpu.memory_space<vmem>>, vector<16xi32>,
          %get3A_431 = arith.constant 32 : index
          %get3A_432 = tpu.vector_load %arg5[%get3A_431] {strides = array<i32>} : memref<64xi32, #tpu.memory_space<vmem>>, vector<16xi32>,
          %get3A_433 = vector.shape_cast %get3A_432 : vector<16xi32> to vector<16xi32>
          %add3A_434 = vector.broadcast %mul3A_412 : i32 to vector<16xi32>
          %add3A_435 = arith.addi %get3A_433, %add3A_434 : vector<16xi32>
          %swap3A_436 = arith.constant 32 : index
          %swap3A_437 = tpu.vector_load %arg7[%swap3A_436] {strides = array<i32>} : memref<64xi32, #tpu.memory_space<vmem>>, vector<16xi32>,
          %swap3A_438 = vector.shape_cast %swap3A_437 : vector<16xi32> to vector<16xi32>
          %swap3A_439 = vector.shape_cast %add3A_435 : vector<16xi32> to vector<16xi32>
          tpu.vector_store %arg7[%swap3A_436], %swap3A_439 {strides = array<i32>} : memref<64xi32, #tpu.memory_space<vmem>>, vector<16xi32>,
          %get3A_440 = arith.constant 48 : index
          %get3A_441 = tpu.vector_load %arg5[%get3A_440] {strides = array<i32>} : memref<64xi32, #tpu.memory_space<vmem>>, vector<16xi32>,
          %get3A_442 = vector.shape_cast %get3A_441 : vector<16xi32> to vector<16xi32>
          %add3A_443 = vector.broadcast %mul3A_412 : i32 to vector<16xi32>
          %add3A_444 = arith.addi %get3A_442, %add3A_443 : vector<16xi32>
          %swap3A_445 = arith.constant 48 : index
          %swap3A_446 = tpu.vector_load %arg7[%swap3A_445] {strides = array<i32>} : memref<64xi32, #tpu.memory_space<vmem>>, vector<16xi32>,
          %swap3A_447 = vector.shape_cast %swap3A_446 : vector<16xi32> to vector<16xi32>
          %swap3A_448 = vector.shape_cast %add3A_444 : vector<16xi32> to vector<16xi32>
          tpu.vector_store %arg7[%swap3A_445], %swap3A_448 {strides = array<i32>} : memref<64xi32, #tpu.memory_space<vmem>>, vector<16xi32>,
          %dma_start3A_449 = arith.constant 0 : i32
          %dma_start3A_450 = arith.constant 0 : i32
          %dma_start3A_451 = tpu.memref_slice %arg2[%dma_start3A_449, %dma_start3A_450] : memref<20000x512xf32, #tpu.memory_space<hbm>> -> memref<20000x512xf32, #tpu.memory_space<hbm>>
          tpu.enqueue_indirect_dma source(%dma_start3A_451 : memref<20000x512xf32, #tpu.memory_space<hbm>>) target(%arg9 : memref<64x512xf32, #tpu.memory_space<vmem>>) offsets(%arg7 : memref<64xi32, #tpu.memory_space<vmem>>) semaphore(%arg14 : memref<!tpu.dma_semaphore, #tpu.memory_space<semaphore_mem>>)
          %add3A_452 = arith.constant 32 : i32
          %add3A_453 = arith.addi %add3A_240, %add3A_452 : i32
          %jit3A_454 = arith.constant 625 : i32
          %div3A_455 = arith.divsi %add3A_453, %jit3A_454 : i32
          %sign3A_456 = arith.constant 0 : i32
          %sign3A_457 = arith.cmpi sgt, %add3A_453, %sign3A_456 : i32
          %sign3A_458 = arith.extui %sign3A_457 : i1 to i32
          %sign3A_459 = arith.constant 0 : i32
          %sign3A_460 = arith.cmpi slt, %add3A_453, %sign3A_459 : i32
          %sign3A_461 = arith.extui %sign3A_460 : i1 to i32
          %sign3A_462 = arith.subi %sign3A_458, %sign3A_461 : i32
          %sign3A_463 = arith.constant 0 : i32
          %sign3A_464 = arith.cmpi sgt, %jit3A_454, %sign3A_463 : i32
          %sign3A_465 = arith.extui %sign3A_464 : i1 to i32
          %sign3A_466 = arith.constant 0 : i32
          %sign3A_467 = arith.cmpi slt, %jit3A_454, %sign3A_466 : i32
          %sign3A_468 = arith.extui %sign3A_467 : i1 to i32
          %sign3A_469 = arith.subi %sign3A_465, %sign3A_468 : i32
          %ne3A_470 = arith.cmpi ne, %sign3A_462, %sign3A_469 : i32
          %rem3A_471 = arith.remsi %add3A_453, %jit3A_454 : i32
          %ne3A_472 = arith.constant 0 : i32
          %ne3A_473 = arith.cmpi ne, %rem3A_471, %ne3A_472 : i32
          %and3A_474 = arith.andi %ne3A_470, %ne3A_473 : i1
          %sub3A_475 = arith.constant 1 : i32
          %sub3A_476 = arith.subi %div3A_455, %sub3A_475 : i32
          %select_n3A_477 = arith.select %and3A_474, %sub3A_476, %div3A_455 : i32
          %mul3A_478 = arith.constant 625 : i32
          %mul3A_479 = arith.muli %select_n3A_477, %mul3A_478 : i32
          %sub3A_480 = arith.subi %add3A_453, %mul3A_479 : i32
          %mul3A_481 = arith.constant 16 : i32
          %mul3A_482 = arith.muli %sub3A_480, %mul3A_481 : i32
          %mul3A_483 = arith.constant 10000 : i32
          %mul3A_484 = arith.muli %select_n3A_477, %mul3A_483 : i32
          %add3A_485 = arith.addi %mul3A_484, %mul3A_482 : i32
          %dma_start3A_486 = arith.constant 0 : i32
          %dma_start3A_487 = arith.constant 0 : i32
          %dma_start3A_488 = arith.constant 0 : i32
          %dma_start3A_489 = tpu.memref_slice %arg11[%arg1, %dma_start3A_486, %dma_start3A_487, %dma_start3A_488] : memref<16x2x16x512xf32, #tpu.memory_space<vmem_shared>> -> memref<1x1x16x512xf32, #tpu.memory_space<vmem_shared>>
          %dma_start3A_490 = tpu.memref_squeeze %dma_start3A_489 : memref<1x1x16x512xf32, #tpu.memory_space<vmem_shared>> -> memref<16x512xf32, #tpu.memory_space<vmem_shared>>
          %dma_start3A_491 = arith.constant 0 : i32
          %dma_start3A_492 = tpu.memref_slice %arg2[%add3A_485, %dma_start3A_491] : memref<20000x512xf32, #tpu.memory_space<hbm>> -> memref<16x512xf32, #tpu.memory_space<hbm>>
          tpu.enqueue_dma source(%dma_start3A_492 : memref<16x512xf32, #tpu.memory_space<hbm>>) target(%dma_start3A_490 : memref<16x512xf32, #tpu.memory_space<vmem_shared>>) target_semaphore(%arg16 : memref<!tpu.dma_semaphore, #tpu.memory_space<semaphore_mem>>)
          %add3A_493 = arith.constant 64 : i32
          %add3A_494 = arith.addi %add3A_240, %add3A_493 : i32
          %lt3A_495 = arith.constant 1250 : i32
          %lt3A_496 = arith.cmpi slt, %add3A_494, %lt3A_495 : i32
          %convert_element_type3A_497 = arith.extui %lt3A_496 : i1 to i32
          %cond3A_498 = arith.constant 0 : i32
          %cond3A_499 = arith.cmpi ne, %convert_element_type3A_497, %cond3A_498 : i32
          scf.if %cond3A_499 {
            %add3A_500 = arith.constant 64 : i32
            %add3A_501 = arith.addi %add3A_240, %add3A_500 : i32
            %jit3A_502 = arith.constant 625 : i32
            %div3A_503 = arith.divsi %add3A_501, %jit3A_502 : i32
            %sign3A_504 = arith.constant 0 : i32
            %sign3A_505 = arith.cmpi sgt, %add3A_501, %sign3A_504 : i32
            %sign3A_506 = arith.extui %sign3A_505 : i1 to i32
            %sign3A_507 = arith.constant 0 : i32
            %sign3A_508 = arith.cmpi slt, %add3A_501, %sign3A_507 : i32
            %sign3A_509 = arith.extui %sign3A_508 : i1 to i32
            %sign3A_510 = arith.subi %sign3A_506, %sign3A_509 : i32
            %sign3A_511 = arith.constant 0 : i32
            %sign3A_512 = arith.cmpi sgt, %jit3A_502, %sign3A_511 : i32
            %sign3A_513 = arith.extui %sign3A_512 : i1 to i32
            %sign3A_514 = arith.constant 0 : i32
            %sign3A_515 = arith.cmpi slt, %jit3A_502, %sign3A_514 : i32
            %sign3A_516 = arith.extui %sign3A_515 : i1 to i32
            %sign3A_517 = arith.subi %sign3A_513, %sign3A_516 : i32
            %ne3A_518 = arith.cmpi ne, %sign3A_510, %sign3A_517 : i32
            %rem3A_519 = arith.remsi %add3A_501, %jit3A_502 : i32
            %ne3A_520 = arith.constant 0 : i32
            %ne3A_521 = arith.cmpi ne, %rem3A_519, %ne3A_520 : i32
            %and3A_522 = arith.andi %ne3A_518, %ne3A_521 : i1
            %sub3A_523 = arith.constant 1 : i32
            %sub3A_524 = arith.subi %div3A_503, %sub3A_523 : i32
            %select_n3A_525 = arith.select %and3A_522, %sub3A_524, %div3A_503 : i32
            %mul3A_526 = arith.constant 625 : i32
            %mul3A_527 = arith.muli %select_n3A_525, %mul3A_526 : i32
            %sub3A_528 = arith.subi %add3A_501, %mul3A_527 : i32
            %mul3A_529 = arith.constant 64 : i32
            %mul3A_530 = arith.muli %sub3A_528, %mul3A_529 : i32
            %dma_start3A_531 = tpu.memref_slice %arg3[%mul3A_530] : memref<40000xi32, #tpu.memory_space<hbm>> -> memref<64xi32, #tpu.memory_space<hbm>>
            %dma_start3A_532 = tpu.memref_slice %arg3[%mul3A_530] : memref<40000xi32, #tpu.memory_space<hbm>> -> memref<64xi32, #tpu.memory_space<hbm>>
            tpu.enqueue_dma source(%dma_start3A_532 : memref<64xi32, #tpu.memory_space<hbm>>) target(%arg6 : memref<64xi32, #tpu.memory_space<vmem>>) target_semaphore(%arg23 : memref<!tpu.dma_semaphore, #tpu.memory_space<semaphore_mem>>)
          } else {
          }
        } else {
        }
        %jit3A_282 = arith.constant 625 : i32
        %div3A_283 = arith.divsi %add3A_240, %jit3A_282 : i32
        %sign3A_284 = arith.constant 0 : i32
        %sign3A_285 = arith.cmpi sgt, %add3A_240, %sign3A_284 : i32
        %sign3A_286 = arith.extui %sign3A_285 : i1 to i32
        %sign3A_287 = arith.constant 0 : i32
        %sign3A_288 = arith.cmpi slt, %add3A_240, %sign3A_287 : i32
        %sign3A_289 = arith.extui %sign3A_288 : i1 to i32
        %sign3A_290 = arith.subi %sign3A_286, %sign3A_289 : i32
        %sign3A_291 = arith.constant 0 : i32
        %sign3A_292 = arith.cmpi sgt, %jit3A_282, %sign3A_291 : i32
        %sign3A_293 = arith.extui %sign3A_292 : i1 to i32
        %sign3A_294 = arith.constant 0 : i32
        %sign3A_295 = arith.cmpi slt, %jit3A_282, %sign3A_294 : i32
        %sign3A_296 = arith.extui %sign3A_295 : i1 to i32
        %sign3A_297 = arith.subi %sign3A_293, %sign3A_296 : i32
        %ne3A_298 = arith.cmpi ne, %sign3A_290, %sign3A_297 : i32
        %rem3A_299 = arith.remsi %add3A_240, %jit3A_282 : i32
        %ne3A_300 = arith.constant 0 : i32
        %ne3A_301 = arith.cmpi ne, %rem3A_299, %ne3A_300 : i32
        %and3A_302 = arith.andi %ne3A_298, %ne3A_301 : i1
        %sub3A_303 = arith.constant 1 : i32
        %sub3A_304 = arith.subi %div3A_283, %sub3A_303 : i32
        %select_n3A_305 = arith.select %and3A_302, %sub3A_304, %div3A_283 : i32
        %mul3A_306 = arith.constant 625 : i32
        %mul3A_307 = arith.muli %select_n3A_305, %mul3A_306 : i32
        %sub3A_308 = arith.subi %add3A_240, %mul3A_307 : i32
        %mul3A_309 = arith.constant 16 : i32
        %mul3A_310 = arith.muli %sub3A_308, %mul3A_309 : i32
        %mul3A_311 = arith.constant 10000 : i32
        %mul3A_312 = arith.muli %select_n3A_305, %mul3A_311 : i32
        %add3A_313 = arith.addi %mul3A_312, %mul3A_310 : i32
        %dma_wait3A_314 = arith.constant 1 : i32
        %dma_wait3A_315 = arith.constant 0 : i32
        %dma_wait3A_316 = arith.constant 0 : i32
        %dma_wait3A_317 = tpu.memref_slice %arg11[%arg1, %dma_wait3A_314, %dma_wait3A_315, %dma_wait3A_316] : memref<16x2x16x512xf32, #tpu.memory_space<vmem_shared>> -> memref<1x1x16x512xf32, #tpu.memory_space<vmem_shared>>
        %dma_wait3A_318 = tpu.memref_squeeze %dma_wait3A_317 : memref<1x1x16x512xf32, #tpu.memory_space<vmem_shared>> -> memref<16x512xf32, #tpu.memory_space<vmem_shared>>
        %dma_wait3A_319 = arith.constant 0 : i32
        %dma_wait3A_320 = tpu.memref_slice %arg2[%add3A_313, %dma_wait3A_319] : memref<20000x512xf32, #tpu.memory_space<hbm>> -> memref<16x512xf32, #tpu.memory_space<hbm>>
        tpu.wait_dma2 semaphore(%arg17 : memref<!tpu.dma_semaphore, #tpu.memory_space<semaphore_mem>>) src(%dma_wait3A_320 : memref<16x512xf32, #tpu.memory_space<hbm>>) dst(%dma_wait3A_318 : memref<16x512xf32, #tpu.memory_space<vmem_shared>>)
        %mul3A_321 = arith.constant 20000 : i32
        %mul3A_322 = arith.muli %select_n3A_264, %mul3A_321 : i32
        %add3A_323 = arith.addi %mul3A_322, %mul3A_269 : i32
        %dma_start3A_324 = arith.constant 1 : i32
        %dma_start3A_325 = arith.constant 0 : i32
        %dma_start3A_326 = tpu.memref_slice %arg4[%add3A_323, %dma_start3A_325] : memref<40000x512xf32, #tpu.memory_space<hbm>> -> memref<16x512xf32, #tpu.memory_space<hbm>>
        %dma_start3A_327 = arith.constant 0 : i32
        %dma_start3A_328 = arith.constant 0 : i32
        %dma_start3A_329 = tpu.memref_slice %arg11[%arg1, %dma_start3A_324, %dma_start3A_327, %dma_start3A_328] : memref<16x2x16x512xf32, #tpu.memory_space<vmem_shared>> -> memref<1x1x16x512xf32, #tpu.memory_space<vmem_shared>>
        %dma_start3A_330 = tpu.memref_squeeze %dma_start3A_329 : memref<1x1x16x512xf32, #tpu.memory_space<vmem_shared>> -> memref<16x512xf32, #tpu.memory_space<vmem_shared>>
        tpu.enqueue_dma source(%dma_start3A_330 : memref<16x512xf32, #tpu.memory_space<vmem_shared>>) target(%dma_start3A_326 : memref<16x512xf32, #tpu.memory_space<hbm>>) target_semaphore(%arg19 : memref<!tpu.dma_semaphore, #tpu.memory_space<semaphore_mem>>)
        %dma_wait3A_331 = arith.constant 0 : i32
        %dma_wait3A_332 = arith.constant 0 : i32
        %dma_wait3A_333 = tpu.memref_slice %arg2[%dma_wait3A_331, %dma_wait3A_332] : memref<20000x512xf32, #tpu.memory_space<hbm>> -> memref<20000x512xf32, #tpu.memory_space<hbm>>
        tpu.wait_indirect_dma semaphore(%arg15 : memref<!tpu.dma_semaphore, #tpu.memory_space<semaphore_mem>>) src(%dma_wait3A_333 : memref<20000x512xf32, #tpu.memory_space<hbm>>) dst(%arg10 : memref<64x512xf32, #tpu.memory_space<vmem>>)
        %ge3A = arith.constant 2 : i32
        %ge3A_334 = arith.cmpi sge, %add3A_237, %ge3A : i32
        %convert_element_type3A_335 = arith.extui %ge3A_334 : i1 to i32
        %cond3A_336 = arith.constant 0 : i32
        %cond3A_337 = arith.cmpi ne, %convert_element_type3A_335, %cond3A_336 : i32
        scf.if %cond3A_337 {
          %dma_wait3A_349 = arith.constant 0 : i32
          %dma_wait3A_350 = arith.constant 0 : i32
          %dma_wait3A_351 = tpu.memref_slice %arg4[%dma_wait3A_349, %dma_wait3A_350] : memref<40000x512xf32, #tpu.memory_space<hbm>> -> memref<16x512xf32, #tpu.memory_space<hbm>>
          %dma_wait3A_352 = arith.constant 0 : i32
          %dma_wait3A_353 = arith.constant 0 : i32
          %dma_wait3A_354 = tpu.memref_slice %arg4[%dma_wait3A_352, %dma_wait3A_353] : memref<40000x512xf32, #tpu.memory_space<hbm>> -> memref<16x512xf32, #tpu.memory_space<hbm>>
          tpu.wait_dma2 semaphore(%arg21 : memref<!tpu.dma_semaphore, #tpu.memory_space<semaphore_mem>>) src(%arg13 : memref<16x512xf32, #tpu.memory_space<vmem>>) dst(%dma_wait3A_354 : memref<16x512xf32, #tpu.memory_space<hbm>>)
        } else {
        }
        %parallel_loop3A = arith.constant 0 : i32
        %parallel_loop3A_338 = arith.constant 16 : i32
        %parallel_loop3A_339 = arith.constant 1 : i32
        scf.for %parallel_loop3A_349 = %parallel_loop3A to %parallel_loop3A_338 step %parallel_loop3A_339  : i32 {
          %parallel_loop3A_350 = arith.constant 4 : i32
          %parallel_loop3A_351 = arith.muli %parallel_loop3A_350, %parallel_loop3A_349 : i32
          %parallel_loop3A_352 = arith.index_cast %parallel_loop3A_351 : i32 to index
          %parallel_loop3A_353 = arith.constant 0 : index
          %parallel_loop3A_354 = tpu.vector_load %arg10[%parallel_loop3A_352, %parallel_loop3A_353] {strides = array<i32>} : memref<64x512xf32, #tpu.memory_space<vmem>>, vector<1x16xf32>,
          %parallel_loop3A_355 = vector.shape_cast %parallel_loop3A_354 : vector<1x16xf32> to vector<16xf32>
          %parallel_loop3A_356 = arith.constant 4 : i32
          %parallel_loop3A_357 = arith.muli %parallel_loop3A_356, %parallel_loop3A_349 : i32
          %parallel_loop3A_358 = arith.constant 1 : i32
          %parallel_loop3A_359 = arith.addi %parallel_loop3A_357, %parallel_loop3A_358 : i32
          %parallel_loop3A_360 = arith.index_cast %parallel_loop3A_359 : i32 to index
          %parallel_loop3A_361 = arith.constant 0 : index
          %parallel_loop3A_362 = tpu.vector_load %arg10[%parallel_loop3A_360, %parallel_loop3A_361] {strides = array<i32>} : memref<64x512xf32, #tpu.memory_space<vmem>>, vector<1x16xf32>,
          %parallel_loop3A_363 = vector.shape_cast %parallel_loop3A_362 : vector<1x16xf32> to vector<16xf32>
          %parallel_loop3A_364 = arith.addf %parallel_loop3A_355, %parallel_loop3A_363 : vector<16xf32>
          %parallel_loop3A_365 = arith.constant 4 : i32
          %parallel_loop3A_366 = arith.muli %parallel_loop3A_365, %parallel_loop3A_349 : i32
          %parallel_loop3A_367 = arith.constant 2 : i32
          %parallel_loop3A_368 = arith.addi %parallel_loop3A_366, %parallel_loop3A_367 : i32
          %parallel_loop3A_369 = arith.index_cast %parallel_loop3A_368 : i32 to index
          %parallel_loop3A_370 = arith.constant 0 : index
          %parallel_loop3A_371 = tpu.vector_load %arg10[%parallel_loop3A_369, %parallel_loop3A_370] {strides = array<i32>} : memref<64x512xf32, #tpu.memory_space<vmem>>, vector<1x16xf32>,
          %parallel_loop3A_372 = vector.shape_cast %parallel_loop3A_371 : vector<1x16xf32> to vector<16xf32>
          %parallel_loop3A_373 = arith.addf %parallel_loop3A_364, %parallel_loop3A_372 : vector<16xf32>
          %parallel_loop3A_374 = arith.constant 4 : i32
          %parallel_loop3A_375 = arith.muli %parallel_loop3A_374, %parallel_loop3A_349 : i32
          %parallel_loop3A_376 = arith.constant 3 : i32
          %parallel_loop3A_377 = arith.addi %parallel_loop3A_375, %parallel_loop3A_376 : i32
          %parallel_loop3A_378 = arith.index_cast %parallel_loop3A_377 : i32 to index
          %parallel_loop3A_379 = arith.constant 0 : index
          %parallel_loop3A_380 = tpu.vector_load %arg10[%parallel_loop3A_378, %parallel_loop3A_379] {strides = array<i32>} : memref<64x512xf32, #tpu.memory_space<vmem>>, vector<1x16xf32>,
          %parallel_loop3A_381 = vector.shape_cast %parallel_loop3A_380 : vector<1x16xf32> to vector<16xf32>
          %parallel_loop3A_382 = arith.addf %parallel_loop3A_373, %parallel_loop3A_381 : vector<16xf32>
          %parallel_loop3A_383 = arith.constant 2.500000e-01 : f32
          %parallel_loop3A_384 = vector.broadcast %parallel_loop3A_383 : f32 to vector<16xf32>
          %parallel_loop3A_385 = arith.mulf %parallel_loop3A_382, %parallel_loop3A_384 : vector<16xf32>
          %parallel_loop3A_386 = arith.index_cast %parallel_loop3A_349 : i32 to index
          %parallel_loop3A_387 = arith.constant 0 : index
          %parallel_loop3A_388 = tpu.vector_load %arg13[%parallel_loop3A_386, %parallel_loop3A_387] {strides = array<i32>} : memref<16x512xf32, #tpu.memory_space<vmem>>, vector<1x16xf32>,
          %parallel_loop3A_389 = vector.shape_cast %parallel_loop3A_388 : vector<1x16xf32> to vector<16xf32>
          %parallel_loop3A_390 = vector.shape_cast %parallel_loop3A_385 : vector<16xf32> to vector<1x16xf32>
          tpu.vector_store %arg13[%parallel_loop3A_386, %parallel_loop3A_387], %parallel_loop3A_390 {strides = array<i32>} : memref<16x512xf32, #tpu.memory_space<vmem>>, vector<1x16xf32>,
          %parallel_loop3A_391 = arith.constant 4 : i32
          %parallel_loop3A_392 = arith.muli %parallel_loop3A_391, %parallel_loop3A_349 : i32
          %parallel_loop3A_393 = arith.index_cast %parallel_loop3A_392 : i32 to index
          %parallel_loop3A_394 = arith.constant 16 : index
          %parallel_loop3A_395 = tpu.vector_load %arg10[%parallel_loop3A_393, %parallel_loop3A_394] {strides = array<i32>} : memref<64x512xf32, #tpu.memory_space<vmem>>, vector<1x16xf32>,
          %parallel_loop3A_396 = vector.shape_cast %parallel_loop3A_395 : vector<1x16xf32> to vector<16xf32>
          %parallel_loop3A_397 = arith.constant 4 : i32
          %parallel_loop3A_398 = arith.muli %parallel_loop3A_397, %parallel_loop3A_349 : i32
          %parallel_loop3A_399 = arith.constant 1 : i32
          %parallel_loop3A_400 = arith.addi %parallel_loop3A_398, %parallel_loop3A_399 : i32
          %parallel_loop3A_401 = arith.index_cast %parallel_loop3A_400 : i32 to index
          %parallel_loop3A_402 = arith.constant 16 : index
          %parallel_loop3A_403 = tpu.vector_load %arg10[%parallel_loop3A_401, %parallel_loop3A_402] {strides = array<i32>} : memref<64x512xf32, #tpu.memory_space<vmem>>, vector<1x16xf32>,
          %parallel_loop3A_404 = vector.shape_cast %parallel_loop3A_403 : vector<1x16xf32> to vector<16xf32>
          %parallel_loop3A_405 = arith.addf %parallel_loop3A_396, %parallel_loop3A_404 : vector<16xf32>
          %parallel_loop3A_406 = arith.constant 4 : i32
          %parallel_loop3A_407 = arith.muli %parallel_loop3A_406, %parallel_loop3A_349 : i32
          %parallel_loop3A_408 = arith.constant 2 : i32
          %parallel_loop3A_409 = arith.addi %parallel_loop3A_407, %parallel_loop3A_408 : i32
          %parallel_loop3A_410 = arith.index_cast %parallel_loop3A_409 : i32 to index
          %parallel_loop3A_411 = arith.constant 16 : index
          %parallel_loop3A_412 = tpu.vector_load %arg10[%parallel_loop3A_410, %parallel_loop3A_411] {strides = array<i32>} : memref<64x512xf32, #tpu.memory_space<vmem>>, vector<1x16xf32>,
          %parallel_loop3A_413 = vector.shape_cast %parallel_loop3A_412 : vector<1x16xf32> to vector<16xf32>
          %parallel_loop3A_414 = arith.addf %parallel_loop3A_405, %parallel_loop3A_413 : vector<16xf32>
          %parallel_loop3A_415 = arith.constant 4 : i32
          %parallel_loop3A_416 = arith.muli %parallel_loop3A_415, %parallel_loop3A_349 : i32
          %parallel_loop3A_417 = arith.constant 3 : i32
          %parallel_loop3A_418 = arith.addi %parallel_loop3A_416, %parallel_loop3A_417 : i32
          %parallel_loop3A_419 = arith.index_cast %parallel_loop3A_418 : i32 to index
          %parallel_loop3A_420 = arith.constant 16 : index
          %parallel_loop3A_421 = tpu.vector_load %arg10[%parallel_loop3A_419, %parallel_loop3A_420] {strides = array<i32>} : memref<64x512xf32, #tpu.memory_space<vmem>>, vector<1x16xf32>,
          %parallel_loop3A_422 = vector.shape_cast %parallel_loop3A_421 : vector<1x16xf32> to vector<16xf32>
          %parallel_loop3A_423 = arith.addf %parallel_loop3A_414, %parallel_loop3A_422 : vector<16xf32>
          %parallel_loop3A_424 = arith.constant 2.500000e-01 : f32
          %parallel_loop3A_425 = vector.broadcast %parallel_loop3A_424 : f32 to vector<16xf32>
          %parallel_loop3A_426 = arith.mulf %parallel_loop3A_423, %parallel_loop3A_425 : vector<16xf32>
          %parallel_loop3A_427 = arith.index_cast %parallel_loop3A_349 : i32 to index
          %parallel_loop3A_428 = arith.constant 16 : index
          %parallel_loop3A_429 = tpu.vector_load %arg13[%parallel_loop3A_427, %parallel_loop3A_428] {strides = array<i32>} : memref<16x512xf32, #tpu.memory_space<vmem>>, vector<1x16xf32>,
          %parallel_loop3A_430 = vector.shape_cast %parallel_loop3A_429 : vector<1x16xf32> to vector<16xf32>
          %parallel_loop3A_431 = vector.shape_cast %parallel_loop3A_426 : vector<16xf32> to vector<1x16xf32>
          tpu.vector_store %arg13[%parallel_loop3A_427, %parallel_loop3A_428], %parallel_loop3A_431 {strides = array<i32>} : memref<16x512xf32, #tpu.memory_space<vmem>>, vector<1x16xf32>,
          %parallel_loop3A_432 = arith.constant 4 : i32
          %parallel_loop3A_433 = arith.muli %parallel_loop3A_432, %parallel_loop3A_349 : i32
          %parallel_loop3A_434 = arith.index_cast %parallel_loop3A_433 : i32 to index
          %parallel_loop3A_435 = arith.constant 32 : index
          %parallel_loop3A_436 = tpu.vector_load %arg10[%parallel_loop3A_434, %parallel_loop3A_435] {strides = array<i32>} : memref<64x512xf32, #tpu.memory_space<vmem>>, vector<1x16xf32>,
          %parallel_loop3A_437 = vector.shape_cast %parallel_loop3A_436 : vector<1x16xf32> to vector<16xf32>
          %parallel_loop3A_438 = arith.constant 4 : i32
          %parallel_loop3A_439 = arith.muli %parallel_loop3A_438, %parallel_loop3A_349 : i32
          %parallel_loop3A_440 = arith.constant 1 : i32
          %parallel_loop3A_441 = arith.addi %parallel_loop3A_439, %parallel_loop3A_440 : i32
          %parallel_loop3A_442 = arith.index_cast %parallel_loop3A_441 : i32 to index
          %parallel_loop3A_443 = arith.constant 32 : index
          %parallel_loop3A_444 = tpu.vector_load %arg10[%parallel_loop3A_442, %parallel_loop3A_443] {strides = array<i32>} : memref<64x512xf32, #tpu.memory_space<vmem>>, vector<1x16xf32>,
          %parallel_loop3A_445 = vector.shape_cast %parallel_loop3A_444 : vector<1x16xf32> to vector<16xf32>
          %parallel_loop3A_446 = arith.addf %parallel_loop3A_437, %parallel_loop3A_445 : vector<16xf32>
          %parallel_loop3A_447 = arith.constant 4 : i32
          %parallel_loop3A_448 = arith.muli %parallel_loop3A_447, %parallel_loop3A_349 : i32
          %parallel_loop3A_449 = arith.constant 2 : i32
          %parallel_loop3A_450 = arith.addi %parallel_loop3A_448, %parallel_loop3A_449 : i32
          %parallel_loop3A_451 = arith.index_cast %parallel_loop3A_450 : i32 to index
          %parallel_loop3A_452 = arith.constant 32 : index
          %parallel_loop3A_453 = tpu.vector_load %arg10[%parallel_loop3A_451, %parallel_loop3A_452] {strides = array<i32>} : memref<64x512xf32, #tpu.memory_space<vmem>>, vector<1x16xf32>,
          %parallel_loop3A_454 = vector.shape_cast %parallel_loop3A_453 : vector<1x16xf32> to vector<16xf32>
          %parallel_loop3A_455 = arith.addf %parallel_loop3A_446, %parallel_loop3A_454 : vector<16xf32>
          %parallel_loop3A_456 = arith.constant 4 : i32
          %parallel_loop3A_457 = arith.muli %parallel_loop3A_456, %parallel_loop3A_349 : i32
          %parallel_loop3A_458 = arith.constant 3 : i32
          %parallel_loop3A_459 = arith.addi %parallel_loop3A_457, %parallel_loop3A_458 : i32
          %parallel_loop3A_460 = arith.index_cast %parallel_loop3A_459 : i32 to index
          %parallel_loop3A_461 = arith.constant 32 : index
          %parallel_loop3A_462 = tpu.vector_load %arg10[%parallel_loop3A_460, %parallel_loop3A_461] {strides = array<i32>} : memref<64x512xf32, #tpu.memory_space<vmem>>, vector<1x16xf32>,
          %parallel_loop3A_463 = vector.shape_cast %parallel_loop3A_462 : vector<1x16xf32> to vector<16xf32>
          %parallel_loop3A_464 = arith.addf %parallel_loop3A_455, %parallel_loop3A_463 : vector<16xf32>
          %parallel_loop3A_465 = arith.constant 2.500000e-01 : f32
          %parallel_loop3A_466 = vector.broadcast %parallel_loop3A_465 : f32 to vector<16xf32>
          %parallel_loop3A_467 = arith.mulf %parallel_loop3A_464, %parallel_loop3A_466 : vector<16xf32>
          %parallel_loop3A_468 = arith.index_cast %parallel_loop3A_349 : i32 to index
          %parallel_loop3A_469 = arith.constant 32 : index
          %parallel_loop3A_470 = tpu.vector_load %arg13[%parallel_loop3A_468, %parallel_loop3A_469] {strides = array<i32>} : memref<16x512xf32, #tpu.memory_space<vmem>>, vector<1x16xf32>,
          %parallel_loop3A_471 = vector.shape_cast %parallel_loop3A_470 : vector<1x16xf32> to vector<16xf32>
          %parallel_loop3A_472 = vector.shape_cast %parallel_loop3A_467 : vector<16xf32> to vector<1x16xf32>
          tpu.vector_store %arg13[%parallel_loop3A_468, %parallel_loop3A_469], %parallel_loop3A_472 {strides = array<i32>} : memref<16x512xf32, #tpu.memory_space<vmem>>, vector<1x16xf32>,
          %parallel_loop3A_473 = arith.constant 4 : i32
          %parallel_loop3A_474 = arith.muli %parallel_loop3A_473, %parallel_loop3A_349 : i32
          %parallel_loop3A_475 = arith.index_cast %parallel_loop3A_474 : i32 to index
          %parallel_loop3A_476 = arith.constant 48 : index
          %parallel_loop3A_477 = tpu.vector_load %arg10[%parallel_loop3A_475, %parallel_loop3A_476] {strides = array<i32>} : memref<64x512xf32, #tpu.memory_space<vmem>>, vector<1x16xf32>,
          %parallel_loop3A_478 = vector.shape_cast %parallel_loop3A_477 : vector<1x16xf32> to vector<16xf32>
          %parallel_loop3A_479 = arith.constant 4 : i32
          %parallel_loop3A_480 = arith.muli %parallel_loop3A_479, %parallel_loop3A_349 : i32
          %parallel_loop3A_481 = arith.constant 1 : i32
          %parallel_loop3A_482 = arith.addi %parallel_loop3A_480, %parallel_loop3A_481 : i32
          %parallel_loop3A_483 = arith.index_cast %parallel_loop3A_482 : i32 to index
          %parallel_loop3A_484 = arith.constant 48 : index
          %parallel_loop3A_485 = tpu.vector_load %arg10[%parallel_loop3A_483, %parallel_loop3A_484] {strides = array<i32>} : memref<64x512xf32, #tpu.memory_space<vmem>>, vector<1x16xf32>,
          %parallel_loop3A_486 = vector.shape_cast %parallel_loop3A_485 : vector<1x16xf32> to vector<16xf32>
          %parallel_loop3A_487 = arith.addf %parallel_loop3A_478, %parallel_loop3A_486 : vector<16xf32>
          %parallel_loop3A_488 = arith.constant 4 : i32
          %parallel_loop3A_489 = arith.muli %parallel_loop3A_488, %parallel_loop3A_349 : i32
          %parallel_loop3A_490 = arith.constant 2 : i32
          %parallel_loop3A_491 = arith.addi %parallel_loop3A_489, %parallel_loop3A_490 : i32
          %parallel_loop3A_492 = arith.index_cast %parallel_loop3A_491 : i32 to index
          %parallel_loop3A_493 = arith.constant 48 : index
          %parallel_loop3A_494 = tpu.vector_load %arg10[%parallel_loop3A_492, %parallel_loop3A_493] {strides = array<i32>} : memref<64x512xf32, #tpu.memory_space<vmem>>, vector<1x16xf32>,
          %parallel_loop3A_495 = vector.shape_cast %parallel_loop3A_494 : vector<1x16xf32> to vector<16xf32>
          %parallel_loop3A_496 = arith.addf %parallel_loop3A_487, %parallel_loop3A_495 : vector<16xf32>
          %parallel_loop3A_497 = arith.constant 4 : i32
          %parallel_loop3A_498 = arith.muli %parallel_loop3A_497, %parallel_loop3A_349 : i32
          %parallel_loop3A_499 = arith.constant 3 : i32
          %parallel_loop3A_500 = arith.addi %parallel_loop3A_498, %parallel_loop3A_499 : i32
          %parallel_loop3A_501 = arith.index_cast %parallel_loop3A_500 : i32 to index
          %parallel_loop3A_502 = arith.constant 48 : index
          %parallel_loop3A_503 = tpu.vector_load %arg10[%parallel_loop3A_501, %parallel_loop3A_502] {strides = array<i32>} : memref<64x512xf32, #tpu.memory_space<vmem>>, vector<1x16xf32>,
          %parallel_loop3A_504 = vector.shape_cast %parallel_loop3A_503 : vector<1x16xf32> to vector<16xf32>
          %parallel_loop3A_505 = arith.addf %parallel_loop3A_496, %parallel_loop3A_504 : vector<16xf32>
          %parallel_loop3A_506 = arith.constant 2.500000e-01 : f32
          %parallel_loop3A_507 = vector.broadcast %parallel_loop3A_506 : f32 to vector<16xf32>
          %parallel_loop3A_508 = arith.mulf %parallel_loop3A_505, %parallel_loop3A_507 : vector<16xf32>
          %parallel_loop3A_509 = arith.index_cast %parallel_loop3A_349 : i32 to index
          %parallel_loop3A_510 = arith.constant 48 : index
          %parallel_loop3A_511 = tpu.vector_load %arg13[%parallel_loop3A_509, %parallel_loop3A_510] {strides = array<i32>} : memref<16x512xf32, #tpu.memory_space<vmem>>, vector<1x16xf32>,
          %parallel_loop3A_512 = vector.shape_cast %parallel_loop3A_511 : vector<1x16xf32> to vector<16xf32>
          %parallel_loop3A_513 = vector.shape_cast %parallel_loop3A_508 : vector<16xf32> to vector<1x16xf32>
          tpu.vector_store %arg13[%parallel_loop3A_509, %parallel_loop3A_510], %parallel_loop3A_513 {strides = array<i32>} : memref<16x512xf32, #tpu.memory_space<vmem>>, vector<1x16xf32>,
          %parallel_loop3A_514 = arith.constant 4 : i32
          %parallel_loop3A_515 = arith.muli %parallel_loop3A_514, %parallel_loop3A_349 : i32
          %parallel_loop3A_516 = arith.index_cast %parallel_loop3A_515 : i32 to index
          %parallel_loop3A_517 = arith.constant 64 : index
          %parallel_loop3A_518 = tpu.vector_load %arg10[%parallel_loop3A_516, %parallel_loop3A_517] {strides = array<i32>} : memref<64x512xf32, #tpu.memory_space<vmem>>, vector<1x16xf32>,
          %parallel_loop3A_519 = vector.shape_cast %parallel_loop3A_518 : vector<1x16xf32> to vector<16xf32>
          %parallel_loop3A_520 = arith.constant 4 : i32
          %parallel_loop3A_521 = arith.muli %parallel_loop3A_520, %parallel_loop3A_349 : i32
          %parallel_loop3A_522 = arith.constant 1 : i32
          %parallel_loop3A_523 = arith.addi %parallel_loop3A_521, %parallel_loop3A_522 : i32
          %parallel_loop3A_524 = arith.index_cast %parallel_loop3A_523 : i32 to index
          %parallel_loop3A_525 = arith.constant 64 : index
          %parallel_loop3A_526 = tpu.vector_load %arg10[%parallel_loop3A_524, %parallel_loop3A_525] {strides = array<i32>} : memref<64x512xf32, #tpu.memory_space<vmem>>, vector<1x16xf32>,
          %parallel_loop3A_527 = vector.shape_cast %parallel_loop3A_526 : vector<1x16xf32> to vector<16xf32>
          %parallel_loop3A_528 = arith.addf %parallel_loop3A_519, %parallel_loop3A_527 : vector<16xf32>
          %parallel_loop3A_529 = arith.constant 4 : i32
          %parallel_loop3A_530 = arith.muli %parallel_loop3A_529, %parallel_loop3A_349 : i32
          %parallel_loop3A_531 = arith.constant 2 : i32
          %parallel_loop3A_532 = arith.addi %parallel_loop3A_530, %parallel_loop3A_531 : i32
          %parallel_loop3A_533 = arith.index_cast %parallel_loop3A_532 : i32 to index
          %parallel_loop3A_534 = arith.constant 64 : index
          %parallel_loop3A_535 = tpu.vector_load %arg10[%parallel_loop3A_533, %parallel_loop3A_534] {strides = array<i32>} : memref<64x512xf32, #tpu.memory_space<vmem>>, vector<1x16xf32>,
          %parallel_loop3A_536 = vector.shape_cast %parallel_loop3A_535 : vector<1x16xf32> to vector<16xf32>
          %parallel_loop3A_537 = arith.addf %parallel_loop3A_528, %parallel_loop3A_536 : vector<16xf32>
          %parallel_loop3A_538 = arith.constant 4 : i32
          %parallel_loop3A_539 = arith.muli %parallel_loop3A_538, %parallel_loop3A_349 : i32
          %parallel_loop3A_540 = arith.constant 3 : i32
          %parallel_loop3A_541 = arith.addi %parallel_loop3A_539, %parallel_loop3A_540 : i32
          %parallel_loop3A_542 = arith.index_cast %parallel_loop3A_541 : i32 to index
          %parallel_loop3A_543 = arith.constant 64 : index
          %parallel_loop3A_544 = tpu.vector_load %arg10[%parallel_loop3A_542, %parallel_loop3A_543] {strides = array<i32>} : memref<64x512xf32, #tpu.memory_space<vmem>>, vector<1x16xf32>,
          %parallel_loop3A_545 = vector.shape_cast %parallel_loop3A_544 : vector<1x16xf32> to vector<16xf32>
          %parallel_loop3A_546 = arith.addf %parallel_loop3A_537, %parallel_loop3A_545 : vector<16xf32>
          %parallel_loop3A_547 = arith.constant 2.500000e-01 : f32
          %parallel_loop3A_548 = vector.broadcast %parallel_loop3A_547 : f32 to vector<16xf32>
          %parallel_loop3A_549 = arith.mulf %parallel_loop3A_546, %parallel_loop3A_548 : vector<16xf32>
          %parallel_loop3A_550 = arith.index_cast %parallel_loop3A_349 : i32 to index
          %parallel_loop3A_551 = arith.constant 64 : index
          %parallel_loop3A_552 = tpu.vector_load %arg13[%parallel_loop3A_550, %parallel_loop3A_551] {strides = array<i32>} : memref<16x512xf32, #tpu.memory_space<vmem>>, vector<1x16xf32>,
          %parallel_loop3A_553 = vector.shape_cast %parallel_loop3A_552 : vector<1x16xf32> to vector<16xf32>
          %parallel_loop3A_554 = vector.shape_cast %parallel_loop3A_549 : vector<16xf32> to vector<1x16xf32>
          tpu.vector_store %arg13[%parallel_loop3A_550, %parallel_loop3A_551], %parallel_loop3A_554 {strides = array<i32>} : memref<16x512xf32, #tpu.memory_space<vmem>>, vector<1x16xf32>,
          %parallel_loop3A_555 = arith.constant 4 : i32
          %parallel_loop3A_556 = arith.muli %parallel_loop3A_555, %parallel_loop3A_349 : i32
          %parallel_loop3A_557 = arith.index_cast %parallel_loop3A_556 : i32 to index
          %parallel_loop3A_558 = arith.constant 80 : index
          %parallel_loop3A_559 = tpu.vector_load %arg10[%parallel_loop3A_557, %parallel_loop3A_558] {strides = array<i32>} : memref<64x512xf32, #tpu.memory_space<vmem>>, vector<1x16xf32>,
          %parallel_loop3A_560 = vector.shape_cast %parallel_loop3A_559 : vector<1x16xf32> to vector<16xf32>
          %parallel_loop3A_561 = arith.constant 4 : i32
          %parallel_loop3A_562 = arith.muli %parallel_loop3A_561, %parallel_loop3A_349 : i32
          %parallel_loop3A_563 = arith.constant 1 : i32
          %parallel_loop3A_564 = arith.addi %parallel_loop3A_562, %parallel_loop3A_563 : i32
          %parallel_loop3A_565 = arith.index_cast %parallel_loop3A_564 : i32 to index
          %parallel_loop3A_566 = arith.constant 80 : index
          %parallel_loop3A_567 = tpu.vector_load %arg10[%parallel_loop3A_565, %parallel_loop3A_566] {strides = array<i32>} : memref<64x512xf32, #tpu.memory_space<vmem>>, vector<1x16xf32>,
          %parallel_loop3A_568 = vector.shape_cast %parallel_loop3A_567 : vector<1x16xf32> to vector<16xf32>
          %parallel_loop3A_569 = arith.addf %parallel_loop3A_560, %parallel_loop3A_568 : vector<16xf32>
          %parallel_loop3A_570 = arith.constant 4 : i32
          %parallel_loop3A_571 = arith.muli %parallel_loop3A_570, %parallel_loop3A_349 : i32
          %parallel_loop3A_572 = arith.constant 2 : i32
          %parallel_loop3A_573 = arith.addi %parallel_loop3A_571, %parallel_loop3A_572 : i32
          %parallel_loop3A_574 = arith.index_cast %parallel_loop3A_573 : i32 to index
          %parallel_loop3A_575 = arith.constant 80 : index
          %parallel_loop3A_576 = tpu.vector_load %arg10[%parallel_loop3A_574, %parallel_loop3A_575] {strides = array<i32>} : memref<64x512xf32, #tpu.memory_space<vmem>>, vector<1x16xf32>,
          %parallel_loop3A_577 = vector.shape_cast %parallel_loop3A_576 : vector<1x16xf32> to vector<16xf32>
          %parallel_loop3A_578 = arith.addf %parallel_loop3A_569, %parallel_loop3A_577 : vector<16xf32>
          %parallel_loop3A_579 = arith.constant 4 : i32
          %parallel_loop3A_580 = arith.muli %parallel_loop3A_579, %parallel_loop3A_349 : i32
          %parallel_loop3A_581 = arith.constant 3 : i32
          %parallel_loop3A_582 = arith.addi %parallel_loop3A_580, %parallel_loop3A_581 : i32
          %parallel_loop3A_583 = arith.index_cast %parallel_loop3A_582 : i32 to index
          %parallel_loop3A_584 = arith.constant 80 : index
          %parallel_loop3A_585 = tpu.vector_load %arg10[%parallel_loop3A_583, %parallel_loop3A_584] {strides = array<i32>} : memref<64x512xf32, #tpu.memory_space<vmem>>, vector<1x16xf32>,
          %parallel_loop3A_586 = vector.shape_cast %parallel_loop3A_585 : vector<1x16xf32> to vector<16xf32>
          %parallel_loop3A_587 = arith.addf %parallel_loop3A_578, %parallel_loop3A_586 : vector<16xf32>
          %parallel_loop3A_588 = arith.constant 2.500000e-01 : f32
          %parallel_loop3A_589 = vector.broadcast %parallel_loop3A_588 : f32 to vector<16xf32>
          %parallel_loop3A_590 = arith.mulf %parallel_loop3A_587, %parallel_loop3A_589 : vector<16xf32>
          %parallel_loop3A_591 = arith.index_cast %parallel_loop3A_349 : i32 to index
          %parallel_loop3A_592 = arith.constant 80 : index
          %parallel_loop3A_593 = tpu.vector_load %arg13[%parallel_loop3A_591, %parallel_loop3A_592] {strides = array<i32>} : memref<16x512xf32, #tpu.memory_space<vmem>>, vector<1x16xf32>,
          %parallel_loop3A_594 = vector.shape_cast %parallel_loop3A_593 : vector<1x16xf32> to vector<16xf32>
          %parallel_loop3A_595 = vector.shape_cast %parallel_loop3A_590 : vector<16xf32> to vector<1x16xf32>
          tpu.vector_store %arg13[%parallel_loop3A_591, %parallel_loop3A_592], %parallel_loop3A_595 {strides = array<i32>} : memref<16x512xf32, #tpu.memory_space<vmem>>, vector<1x16xf32>,
          %parallel_loop3A_596 = arith.constant 4 : i32
          %parallel_loop3A_597 = arith.muli %parallel_loop3A_596, %parallel_loop3A_349 : i32
          %parallel_loop3A_598 = arith.index_cast %parallel_loop3A_597 : i32 to index
          %parallel_loop3A_599 = arith.constant 96 : index
          %parallel_loop3A_600 = tpu.vector_load %arg10[%parallel_loop3A_598, %parallel_loop3A_599] {strides = array<i32>} : memref<64x512xf32, #tpu.memory_space<vmem>>, vector<1x16xf32>,
          %parallel_loop3A_601 = vector.shape_cast %parallel_loop3A_600 : vector<1x16xf32> to vector<16xf32>
          %parallel_loop3A_602 = arith.constant 4 : i32
          %parallel_loop3A_603 = arith.muli %parallel_loop3A_602, %parallel_loop3A_349 : i32
          %parallel_loop3A_604 = arith.constant 1 : i32
          %parallel_loop3A_605 = arith.addi %parallel_loop3A_603, %parallel_loop3A_604 : i32
          %parallel_loop3A_606 = arith.index_cast %parallel_loop3A_605 : i32 to index
          %parallel_loop3A_607 = arith.constant 96 : index
          %parallel_loop3A_608 = tpu.vector_load %arg10[%parallel_loop3A_606, %parallel_loop3A_607] {strides = array<i32>} : memref<64x512xf32, #tpu.memory_space<vmem>>, vector<1x16xf32>,
          %parallel_loop3A_609 = vector.shape_cast %parallel_loop3A_608 : vector<1x16xf32> to vector<16xf32>
          %parallel_loop3A_610 = arith.addf %parallel_loop3A_601, %parallel_loop3A_609 : vector<16xf32>
          %parallel_loop3A_611 = arith.constant 4 : i32
          %parallel_loop3A_612 = arith.muli %parallel_loop3A_611, %parallel_loop3A_349 : i32
          %parallel_loop3A_613 = arith.constant 2 : i32
          %parallel_loop3A_614 = arith.addi %parallel_loop3A_612, %parallel_loop3A_613 : i32
          %parallel_loop3A_615 = arith.index_cast %parallel_loop3A_614 : i32 to index
          %parallel_loop3A_616 = arith.constant 96 : index
          %parallel_loop3A_617 = tpu.vector_load %arg10[%parallel_loop3A_615, %parallel_loop3A_616] {strides = array<i32>} : memref<64x512xf32, #tpu.memory_space<vmem>>, vector<1x16xf32>,
          %parallel_loop3A_618 = vector.shape_cast %parallel_loop3A_617 : vector<1x16xf32> to vector<16xf32>
          %parallel_loop3A_619 = arith.addf %parallel_loop3A_610, %parallel_loop3A_618 : vector<16xf32>
          %parallel_loop3A_620 = arith.constant 4 : i32
          %parallel_loop3A_621 = arith.muli %parallel_loop3A_620, %parallel_loop3A_349 : i32
          %parallel_loop3A_622 = arith.constant 3 : i32
          %parallel_loop3A_623 = arith.addi %parallel_loop3A_621, %parallel_loop3A_622 : i32
          %parallel_loop3A_624 = arith.index_cast %parallel_loop3A_623 : i32 to index
          %parallel_loop3A_625 = arith.constant 96 : index
          %parallel_loop3A_626 = tpu.vector_load %arg10[%parallel_loop3A_624, %parallel_loop3A_625] {strides = array<i32>} : memref<64x512xf32, #tpu.memory_space<vmem>>, vector<1x16xf32>,
          %parallel_loop3A_627 = vector.shape_cast %parallel_loop3A_626 : vector<1x16xf32> to vector<16xf32>
          %parallel_loop3A_628 = arith.addf %parallel_loop3A_619, %parallel_loop3A_627 : vector<16xf32>
          %parallel_loop3A_629 = arith.constant 2.500000e-01 : f32
          %parallel_loop3A_630 = vector.broadcast %parallel_loop3A_629 : f32 to vector<16xf32>
          %parallel_loop3A_631 = arith.mulf %parallel_loop3A_628, %parallel_loop3A_630 : vector<16xf32>
          %parallel_loop3A_632 = arith.index_cast %parallel_loop3A_349 : i32 to index
          %parallel_loop3A_633 = arith.constant 96 : index
          %parallel_loop3A_634 = tpu.vector_load %arg13[%parallel_loop3A_632, %parallel_loop3A_633] {strides = array<i32>} : memref<16x512xf32, #tpu.memory_space<vmem>>, vector<1x16xf32>,
          %parallel_loop3A_635 = vector.shape_cast %parallel_loop3A_634 : vector<1x16xf32> to vector<16xf32>
          %parallel_loop3A_636 = vector.shape_cast %parallel_loop3A_631 : vector<16xf32> to vector<1x16xf32>
          tpu.vector_store %arg13[%parallel_loop3A_632, %parallel_loop3A_633], %parallel_loop3A_636 {strides = array<i32>} : memref<16x512xf32, #tpu.memory_space<vmem>>, vector<1x16xf32>,
          %parallel_loop3A_637 = arith.constant 4 : i32
          %parallel_loop3A_638 = arith.muli %parallel_loop3A_637, %parallel_loop3A_349 : i32
          %parallel_loop3A_639 = arith.index_cast %parallel_loop3A_638 : i32 to index
          %parallel_loop3A_640 = arith.constant 112 : index
          %parallel_loop3A_641 = tpu.vector_load %arg10[%parallel_loop3A_639, %parallel_loop3A_640] {strides = array<i32>} : memref<64x512xf32, #tpu.memory_space<vmem>>, vector<1x16xf32>,
          %parallel_loop3A_642 = vector.shape_cast %parallel_loop3A_641 : vector<1x16xf32> to vector<16xf32>
          %parallel_loop3A_643 = arith.constant 4 : i32
          %parallel_loop3A_644 = arith.muli %parallel_loop3A_643, %parallel_loop3A_349 : i32
          %parallel_loop3A_645 = arith.constant 1 : i32
          %parallel_loop3A_646 = arith.addi %parallel_loop3A_644, %parallel_loop3A_645 : i32
          %parallel_loop3A_647 = arith.index_cast %parallel_loop3A_646 : i32 to index
          %parallel_loop3A_648 = arith.constant 112 : index
          %parallel_loop3A_649 = tpu.vector_load %arg10[%parallel_loop3A_647, %parallel_loop3A_648] {strides = array<i32>} : memref<64x512xf32, #tpu.memory_space<vmem>>, vector<1x16xf32>,
          %parallel_loop3A_650 = vector.shape_cast %parallel_loop3A_649 : vector<1x16xf32> to vector<16xf32>
          %parallel_loop3A_651 = arith.addf %parallel_loop3A_642, %parallel_loop3A_650 : vector<16xf32>
          %parallel_loop3A_652 = arith.constant 4 : i32
          %parallel_loop3A_653 = arith.muli %parallel_loop3A_652, %parallel_loop3A_349 : i32
          %parallel_loop3A_654 = arith.constant 2 : i32
          %parallel_loop3A_655 = arith.addi %parallel_loop3A_653, %parallel_loop3A_654 : i32
          %parallel_loop3A_656 = arith.index_cast %parallel_loop3A_655 : i32 to index
          %parallel_loop3A_657 = arith.constant 112 : index
          %parallel_loop3A_658 = tpu.vector_load %arg10[%parallel_loop3A_656, %parallel_loop3A_657] {strides = array<i32>} : memref<64x512xf32, #tpu.memory_space<vmem>>, vector<1x16xf32>,
          %parallel_loop3A_659 = vector.shape_cast %parallel_loop3A_658 : vector<1x16xf32> to vector<16xf32>
          %parallel_loop3A_660 = arith.addf %parallel_loop3A_651, %parallel_loop3A_659 : vector<16xf32>
          %parallel_loop3A_661 = arith.constant 4 : i32
          %parallel_loop3A_662 = arith.muli %parallel_loop3A_661, %parallel_loop3A_349 : i32
          %parallel_loop3A_663 = arith.constant 3 : i32
          %parallel_loop3A_664 = arith.addi %parallel_loop3A_662, %parallel_loop3A_663 : i32
          %parallel_loop3A_665 = arith.index_cast %parallel_loop3A_664 : i32 to index
          %parallel_loop3A_666 = arith.constant 112 : index
          %parallel_loop3A_667 = tpu.vector_load %arg10[%parallel_loop3A_665, %parallel_loop3A_666] {strides = array<i32>} : memref<64x512xf32, #tpu.memory_space<vmem>>, vector<1x16xf32>,
          %parallel_loop3A_668 = vector.shape_cast %parallel_loop3A_667 : vector<1x16xf32> to vector<16xf32>
          %parallel_loop3A_669 = arith.addf %parallel_loop3A_660, %parallel_loop3A_668 : vector<16xf32>
          %parallel_loop3A_670 = arith.constant 2.500000e-01 : f32
          %parallel_loop3A_671 = vector.broadcast %parallel_loop3A_670 : f32 to vector<16xf32>
          %parallel_loop3A_672 = arith.mulf %parallel_loop3A_669, %parallel_loop3A_671 : vector<16xf32>
          %parallel_loop3A_673 = arith.index_cast %parallel_loop3A_349 : i32 to index
          %parallel_loop3A_674 = arith.constant 112 : index
          %parallel_loop3A_675 = tpu.vector_load %arg13[%parallel_loop3A_673, %parallel_loop3A_674] {strides = array<i32>} : memref<16x512xf32, #tpu.memory_space<vmem>>, vector<1x16xf32>,
          %parallel_loop3A_676 = vector.shape_cast %parallel_loop3A_675 : vector<1x16xf32> to vector<16xf32>
          %parallel_loop3A_677 = vector.shape_cast %parallel_loop3A_672 : vector<16xf32> to vector<1x16xf32>
          tpu.vector_store %arg13[%parallel_loop3A_673, %parallel_loop3A_674], %parallel_loop3A_677 {strides = array<i32>} : memref<16x512xf32, #tpu.memory_space<vmem>>, vector<1x16xf32>,
          %parallel_loop3A_678 = arith.constant 4 : i32
          %parallel_loop3A_679 = arith.muli %parallel_loop3A_678, %parallel_loop3A_349 : i32
          %parallel_loop3A_680 = arith.index_cast %parallel_loop3A_679 : i32 to index
          %parallel_loop3A_681 = arith.constant 128 : index
          %parallel_loop3A_682 = tpu.vector_load %arg10[%parallel_loop3A_680, %parallel_loop3A_681] {strides = array<i32>} : memref<64x512xf32, #tpu.memory_space<vmem>>, vector<1x16xf32>,
          %parallel_loop3A_683 = vector.shape_cast %parallel_loop3A_682 : vector<1x16xf32> to vector<16xf32>
          %parallel_loop3A_684 = arith.constant 4 : i32
          %parallel_loop3A_685 = arith.muli %parallel_loop3A_684, %parallel_loop3A_349 : i32
          %parallel_loop3A_686 = arith.constant 1 : i32
          %parallel_loop3A_687 = arith.addi %parallel_loop3A_685, %parallel_loop3A_686 : i32
          %parallel_loop3A_688 = arith.index_cast %parallel_loop3A_687 : i32 to index
          %parallel_loop3A_689 = arith.constant 128 : index
          %parallel_loop3A_690 = tpu.vector_load %arg10[%parallel_loop3A_688, %parallel_loop3A_689] {strides = array<i32>} : memref<64x512xf32, #tpu.memory_space<vmem>>, vector<1x16xf32>,
          %parallel_loop3A_691 = vector.shape_cast %parallel_loop3A_690 : vector<1x16xf32> to vector<16xf32>
          %parallel_loop3A_692 = arith.addf %parallel_loop3A_683, %parallel_loop3A_691 : vector<16xf32>
          %parallel_loop3A_693 = arith.constant 4 : i32
          %parallel_loop3A_694 = arith.muli %parallel_loop3A_693, %parallel_loop3A_349 : i32
          %parallel_loop3A_695 = arith.constant 2 : i32
          %parallel_loop3A_696 = arith.addi %parallel_loop3A_694, %parallel_loop3A_695 : i32
          %parallel_loop3A_697 = arith.index_cast %parallel_loop3A_696 : i32 to index
          %parallel_loop3A_698 = arith.constant 128 : index
          %parallel_loop3A_699 = tpu.vector_load %arg10[%parallel_loop3A_697, %parallel_loop3A_698] {strides = array<i32>} : memref<64x512xf32, #tpu.memory_space<vmem>>, vector<1x16xf32>,
          %parallel_loop3A_700 = vector.shape_cast %parallel_loop3A_699 : vector<1x16xf32> to vector<16xf32>
          %parallel_loop3A_701 = arith.addf %parallel_loop3A_692, %parallel_loop3A_700 : vector<16xf32>
          %parallel_loop3A_702 = arith.constant 4 : i32
          %parallel_loop3A_703 = arith.muli %parallel_loop3A_702, %parallel_loop3A_349 : i32
          %parallel_loop3A_704 = arith.constant 3 : i32
          %parallel_loop3A_705 = arith.addi %parallel_loop3A_703, %parallel_loop3A_704 : i32
          %parallel_loop3A_706 = arith.index_cast %parallel_loop3A_705 : i32 to index
          %parallel_loop3A_707 = arith.constant 128 : index
          %parallel_loop3A_708 = tpu.vector_load %arg10[%parallel_loop3A_706, %parallel_loop3A_707] {strides = array<i32>} : memref<64x512xf32, #tpu.memory_space<vmem>>, vector<1x16xf32>,
          %parallel_loop3A_709 = vector.shape_cast %parallel_loop3A_708 : vector<1x16xf32> to vector<16xf32>
          %parallel_loop3A_710 = arith.addf %parallel_loop3A_701, %parallel_loop3A_709 : vector<16xf32>
          %parallel_loop3A_711 = arith.constant 2.500000e-01 : f32
          %parallel_loop3A_712 = vector.broadcast %parallel_loop3A_711 : f32 to vector<16xf32>
          %parallel_loop3A_713 = arith.mulf %parallel_loop3A_710, %parallel_loop3A_712 : vector<16xf32>
          %parallel_loop3A_714 = arith.index_cast %parallel_loop3A_349 : i32 to index
          %parallel_loop3A_715 = arith.constant 128 : index
          %parallel_loop3A_716 = tpu.vector_load %arg13[%parallel_loop3A_714, %parallel_loop3A_715] {strides = array<i32>} : memref<16x512xf32, #tpu.memory_space<vmem>>, vector<1x16xf32>,
          %parallel_loop3A_717 = vector.shape_cast %parallel_loop3A_716 : vector<1x16xf32> to vector<16xf32>
          %parallel_loop3A_718 = vector.shape_cast %parallel_loop3A_713 : vector<16xf32> to vector<1x16xf32>
          tpu.vector_store %arg13[%parallel_loop3A_714, %parallel_loop3A_715], %parallel_loop3A_718 {strides = array<i32>} : memref<16x512xf32, #tpu.memory_space<vmem>>, vector<1x16xf32>,
          %parallel_loop3A_719 = arith.constant 4 : i32
          %parallel_loop3A_720 = arith.muli %parallel_loop3A_719, %parallel_loop3A_349 : i32
          %parallel_loop3A_721 = arith.index_cast %parallel_loop3A_720 : i32 to index
          %parallel_loop3A_722 = arith.constant 144 : index
          %parallel_loop3A_723 = tpu.vector_load %arg10[%parallel_loop3A_721, %parallel_loop3A_722] {strides = array<i32>} : memref<64x512xf32, #tpu.memory_space<vmem>>, vector<1x16xf32>,
          %parallel_loop3A_724 = vector.shape_cast %parallel_loop3A_723 : vector<1x16xf32> to vector<16xf32>
          %parallel_loop3A_725 = arith.constant 4 : i32
          %parallel_loop3A_726 = arith.muli %parallel_loop3A_725, %parallel_loop3A_349 : i32
          %parallel_loop3A_727 = arith.constant 1 : i32
          %parallel_loop3A_728 = arith.addi %parallel_loop3A_726, %parallel_loop3A_727 : i32
          %parallel_loop3A_729 = arith.index_cast %parallel_loop3A_728 : i32 to index
          %parallel_loop3A_730 = arith.constant 144 : index
          %parallel_loop3A_731 = tpu.vector_load %arg10[%parallel_loop3A_729, %parallel_loop3A_730] {strides = array<i32>} : memref<64x512xf32, #tpu.memory_space<vmem>>, vector<1x16xf32>,
          %parallel_loop3A_732 = vector.shape_cast %parallel_loop3A_731 : vector<1x16xf32> to vector<16xf32>
          %parallel_loop3A_733 = arith.addf %parallel_loop3A_724, %parallel_loop3A_732 : vector<16xf32>
          %parallel_loop3A_734 = arith.constant 4 : i32
          %parallel_loop3A_735 = arith.muli %parallel_loop3A_734, %parallel_loop3A_349 : i32
          %parallel_loop3A_736 = arith.constant 2 : i32
          %parallel_loop3A_737 = arith.addi %parallel_loop3A_735, %parallel_loop3A_736 : i32
          %parallel_loop3A_738 = arith.index_cast %parallel_loop3A_737 : i32 to index
          %parallel_loop3A_739 = arith.constant 144 : index
          %parallel_loop3A_740 = tpu.vector_load %arg10[%parallel_loop3A_738, %parallel_loop3A_739] {strides = array<i32>} : memref<64x512xf32, #tpu.memory_space<vmem>>, vector<1x16xf32>,
          %parallel_loop3A_741 = vector.shape_cast %parallel_loop3A_740 : vector<1x16xf32> to vector<16xf32>
          %parallel_loop3A_742 = arith.addf %parallel_loop3A_733, %parallel_loop3A_741 : vector<16xf32>
          %parallel_loop3A_743 = arith.constant 4 : i32
          %parallel_loop3A_744 = arith.muli %parallel_loop3A_743, %parallel_loop3A_349 : i32
          %parallel_loop3A_745 = arith.constant 3 : i32
          %parallel_loop3A_746 = arith.addi %parallel_loop3A_744, %parallel_loop3A_745 : i32
          %parallel_loop3A_747 = arith.index_cast %parallel_loop3A_746 : i32 to index
          %parallel_loop3A_748 = arith.constant 144 : index
          %parallel_loop3A_749 = tpu.vector_load %arg10[%parallel_loop3A_747, %parallel_loop3A_748] {strides = array<i32>} : memref<64x512xf32, #tpu.memory_space<vmem>>, vector<1x16xf32>,
          %parallel_loop3A_750 = vector.shape_cast %parallel_loop3A_749 : vector<1x16xf32> to vector<16xf32>
          %parallel_loop3A_751 = arith.addf %parallel_loop3A_742, %parallel_loop3A_750 : vector<16xf32>
          %parallel_loop3A_752 = arith.constant 2.500000e-01 : f32
          %parallel_loop3A_753 = vector.broadcast %parallel_loop3A_752 : f32 to vector<16xf32>
          %parallel_loop3A_754 = arith.mulf %parallel_loop3A_751, %parallel_loop3A_753 : vector<16xf32>
          %parallel_loop3A_755 = arith.index_cast %parallel_loop3A_349 : i32 to index
          %parallel_loop3A_756 = arith.constant 144 : index
          %parallel_loop3A_757 = tpu.vector_load %arg13[%parallel_loop3A_755, %parallel_loop3A_756] {strides = array<i32>} : memref<16x512xf32, #tpu.memory_space<vmem>>, vector<1x16xf32>,
          %parallel_loop3A_758 = vector.shape_cast %parallel_loop3A_757 : vector<1x16xf32> to vector<16xf32>
          %parallel_loop3A_759 = vector.shape_cast %parallel_loop3A_754 : vector<16xf32> to vector<1x16xf32>
          tpu.vector_store %arg13[%parallel_loop3A_755, %parallel_loop3A_756], %parallel_loop3A_759 {strides = array<i32>} : memref<16x512xf32, #tpu.memory_space<vmem>>, vector<1x16xf32>,
          %parallel_loop3A_760 = arith.constant 4 : i32
          %parallel_loop3A_761 = arith.muli %parallel_loop3A_760, %parallel_loop3A_349 : i32
          %parallel_loop3A_762 = arith.index_cast %parallel_loop3A_761 : i32 to index
          %parallel_loop3A_763 = arith.constant 160 : index
          %parallel_loop3A_764 = tpu.vector_load %arg10[%parallel_loop3A_762, %parallel_loop3A_763] {strides = array<i32>} : memref<64x512xf32, #tpu.memory_space<vmem>>, vector<1x16xf32>,
          %parallel_loop3A_765 = vector.shape_cast %parallel_loop3A_764 : vector<1x16xf32> to vector<16xf32>
          %parallel_loop3A_766 = arith.constant 4 : i32
          %parallel_loop3A_767 = arith.muli %parallel_loop3A_766, %parallel_loop3A_349 : i32
          %parallel_loop3A_768 = arith.constant 1 : i32
          %parallel_loop3A_769 = arith.addi %parallel_loop3A_767, %parallel_loop3A_768 : i32
          %parallel_loop3A_770 = arith.index_cast %parallel_loop3A_769 : i32 to index
          %parallel_loop3A_771 = arith.constant 160 : index
          %parallel_loop3A_772 = tpu.vector_load %arg10[%parallel_loop3A_770, %parallel_loop3A_771] {strides = array<i32>} : memref<64x512xf32, #tpu.memory_space<vmem>>, vector<1x16xf32>,
          %parallel_loop3A_773 = vector.shape_cast %parallel_loop3A_772 : vector<1x16xf32> to vector<16xf32>
          %parallel_loop3A_774 = arith.addf %parallel_loop3A_765, %parallel_loop3A_773 : vector<16xf32>
          %parallel_loop3A_775 = arith.constant 4 : i32
          %parallel_loop3A_776 = arith.muli %parallel_loop3A_775, %parallel_loop3A_349 : i32
          %parallel_loop3A_777 = arith.constant 2 : i32
          %parallel_loop3A_778 = arith.addi %parallel_loop3A_776, %parallel_loop3A_777 : i32
          %parallel_loop3A_779 = arith.index_cast %parallel_loop3A_778 : i32 to index
          %parallel_loop3A_780 = arith.constant 160 : index
          %parallel_loop3A_781 = tpu.vector_load %arg10[%parallel_loop3A_779, %parallel_loop3A_780] {strides = array<i32>} : memref<64x512xf32, #tpu.memory_space<vmem>>, vector<1x16xf32>,
          %parallel_loop3A_782 = vector.shape_cast %parallel_loop3A_781 : vector<1x16xf32> to vector<16xf32>
          %parallel_loop3A_783 = arith.addf %parallel_loop3A_774, %parallel_loop3A_782 : vector<16xf32>
          %parallel_loop3A_784 = arith.constant 4 : i32
          %parallel_loop3A_785 = arith.muli %parallel_loop3A_784, %parallel_loop3A_349 : i32
          %parallel_loop3A_786 = arith.constant 3 : i32
          %parallel_loop3A_787 = arith.addi %parallel_loop3A_785, %parallel_loop3A_786 : i32
          %parallel_loop3A_788 = arith.index_cast %parallel_loop3A_787 : i32 to index
          %parallel_loop3A_789 = arith.constant 160 : index
          %parallel_loop3A_790 = tpu.vector_load %arg10[%parallel_loop3A_788, %parallel_loop3A_789] {strides = array<i32>} : memref<64x512xf32, #tpu.memory_space<vmem>>, vector<1x16xf32>,
          %parallel_loop3A_791 = vector.shape_cast %parallel_loop3A_790 : vector<1x16xf32> to vector<16xf32>
          %parallel_loop3A_792 = arith.addf %parallel_loop3A_783, %parallel_loop3A_791 : vector<16xf32>
          %parallel_loop3A_793 = arith.constant 2.500000e-01 : f32
          %parallel_loop3A_794 = vector.broadcast %parallel_loop3A_793 : f32 to vector<16xf32>
          %parallel_loop3A_795 = arith.mulf %parallel_loop3A_792, %parallel_loop3A_794 : vector<16xf32>
          %parallel_loop3A_796 = arith.index_cast %parallel_loop3A_349 : i32 to index
          %parallel_loop3A_797 = arith.constant 160 : index
          %parallel_loop3A_798 = tpu.vector_load %arg13[%parallel_loop3A_796, %parallel_loop3A_797] {strides = array<i32>} : memref<16x512xf32, #tpu.memory_space<vmem>>, vector<1x16xf32>,
          %parallel_loop3A_799 = vector.shape_cast %parallel_loop3A_798 : vector<1x16xf32> to vector<16xf32>
          %parallel_loop3A_800 = vector.shape_cast %parallel_loop3A_795 : vector<16xf32> to vector<1x16xf32>
          tpu.vector_store %arg13[%parallel_loop3A_796, %parallel_loop3A_797], %parallel_loop3A_800 {strides = array<i32>} : memref<16x512xf32, #tpu.memory_space<vmem>>, vector<1x16xf32>,
          %parallel_loop3A_801 = arith.constant 4 : i32
          %parallel_loop3A_802 = arith.muli %parallel_loop3A_801, %parallel_loop3A_349 : i32
          %parallel_loop3A_803 = arith.index_cast %parallel_loop3A_802 : i32 to index
          %parallel_loop3A_804 = arith.constant 176 : index
          %parallel_loop3A_805 = tpu.vector_load %arg10[%parallel_loop3A_803, %parallel_loop3A_804] {strides = array<i32>} : memref<64x512xf32, #tpu.memory_space<vmem>>, vector<1x16xf32>,
          %parallel_loop3A_806 = vector.shape_cast %parallel_loop3A_805 : vector<1x16xf32> to vector<16xf32>
          %parallel_loop3A_807 = arith.constant 4 : i32
          %parallel_loop3A_808 = arith.muli %parallel_loop3A_807, %parallel_loop3A_349 : i32
          %parallel_loop3A_809 = arith.constant 1 : i32
          %parallel_loop3A_810 = arith.addi %parallel_loop3A_808, %parallel_loop3A_809 : i32
          %parallel_loop3A_811 = arith.index_cast %parallel_loop3A_810 : i32 to index
          %parallel_loop3A_812 = arith.constant 176 : index
          %parallel_loop3A_813 = tpu.vector_load %arg10[%parallel_loop3A_811, %parallel_loop3A_812] {strides = array<i32>} : memref<64x512xf32, #tpu.memory_space<vmem>>, vector<1x16xf32>,
          %parallel_loop3A_814 = vector.shape_cast %parallel_loop3A_813 : vector<1x16xf32> to vector<16xf32>
          %parallel_loop3A_815 = arith.addf %parallel_loop3A_806, %parallel_loop3A_814 : vector<16xf32>
          %parallel_loop3A_816 = arith.constant 4 : i32
          %parallel_loop3A_817 = arith.muli %parallel_loop3A_816, %parallel_loop3A_349 : i32
          %parallel_loop3A_818 = arith.constant 2 : i32
          %parallel_loop3A_819 = arith.addi %parallel_loop3A_817, %parallel_loop3A_818 : i32
          %parallel_loop3A_820 = arith.index_cast %parallel_loop3A_819 : i32 to index
          %parallel_loop3A_821 = arith.constant 176 : index
          %parallel_loop3A_822 = tpu.vector_load %arg10[%parallel_loop3A_820, %parallel_loop3A_821] {strides = array<i32>} : memref<64x512xf32, #tpu.memory_space<vmem>>, vector<1x16xf32>,
          %parallel_loop3A_823 = vector.shape_cast %parallel_loop3A_822 : vector<1x16xf32> to vector<16xf32>
          %parallel_loop3A_824 = arith.addf %parallel_loop3A_815, %parallel_loop3A_823 : vector<16xf32>
          %parallel_loop3A_825 = arith.constant 4 : i32
          %parallel_loop3A_826 = arith.muli %parallel_loop3A_825, %parallel_loop3A_349 : i32
          %parallel_loop3A_827 = arith.constant 3 : i32
          %parallel_loop3A_828 = arith.addi %parallel_loop3A_826, %parallel_loop3A_827 : i32
          %parallel_loop3A_829 = arith.index_cast %parallel_loop3A_828 : i32 to index
          %parallel_loop3A_830 = arith.constant 176 : index
          %parallel_loop3A_831 = tpu.vector_load %arg10[%parallel_loop3A_829, %parallel_loop3A_830] {strides = array<i32>} : memref<64x512xf32, #tpu.memory_space<vmem>>, vector<1x16xf32>,
          %parallel_loop3A_832 = vector.shape_cast %parallel_loop3A_831 : vector<1x16xf32> to vector<16xf32>
          %parallel_loop3A_833 = arith.addf %parallel_loop3A_824, %parallel_loop3A_832 : vector<16xf32>
          %parallel_loop3A_834 = arith.constant 2.500000e-01 : f32
          %parallel_loop3A_835 = vector.broadcast %parallel_loop3A_834 : f32 to vector<16xf32>
          %parallel_loop3A_836 = arith.mulf %parallel_loop3A_833, %parallel_loop3A_835 : vector<16xf32>
          %parallel_loop3A_837 = arith.index_cast %parallel_loop3A_349 : i32 to index
          %parallel_loop3A_838 = arith.constant 176 : index
          %parallel_loop3A_839 = tpu.vector_load %arg13[%parallel_loop3A_837, %parallel_loop3A_838] {strides = array<i32>} : memref<16x512xf32, #tpu.memory_space<vmem>>, vector<1x16xf32>,
          %parallel_loop3A_840 = vector.shape_cast %parallel_loop3A_839 : vector<1x16xf32> to vector<16xf32>
          %parallel_loop3A_841 = vector.shape_cast %parallel_loop3A_836 : vector<16xf32> to vector<1x16xf32>
          tpu.vector_store %arg13[%parallel_loop3A_837, %parallel_loop3A_838], %parallel_loop3A_841 {strides = array<i32>} : memref<16x512xf32, #tpu.memory_space<vmem>>, vector<1x16xf32>,
          %parallel_loop3A_842 = arith.constant 4 : i32
          %parallel_loop3A_843 = arith.muli %parallel_loop3A_842, %parallel_loop3A_349 : i32
          %parallel_loop3A_844 = arith.index_cast %parallel_loop3A_843 : i32 to index
          %parallel_loop3A_845 = arith.constant 192 : index
          %parallel_loop3A_846 = tpu.vector_load %arg10[%parallel_loop3A_844, %parallel_loop3A_845] {strides = array<i32>} : memref<64x512xf32, #tpu.memory_space<vmem>>, vector<1x16xf32>,
          %parallel_loop3A_847 = vector.shape_cast %parallel_loop3A_846 : vector<1x16xf32> to vector<16xf32>
          %parallel_loop3A_848 = arith.constant 4 : i32
          %parallel_loop3A_849 = arith.muli %parallel_loop3A_848, %parallel_loop3A_349 : i32
          %parallel_loop3A_850 = arith.constant 1 : i32
          %parallel_loop3A_851 = arith.addi %parallel_loop3A_849, %parallel_loop3A_850 : i32
          %parallel_loop3A_852 = arith.index_cast %parallel_loop3A_851 : i32 to index
          %parallel_loop3A_853 = arith.constant 192 : index
          %parallel_loop3A_854 = tpu.vector_load %arg10[%parallel_loop3A_852, %parallel_loop3A_853] {strides = array<i32>} : memref<64x512xf32, #tpu.memory_space<vmem>>, vector<1x16xf32>,
          %parallel_loop3A_855 = vector.shape_cast %parallel_loop3A_854 : vector<1x16xf32> to vector<16xf32>
          %parallel_loop3A_856 = arith.addf %parallel_loop3A_847, %parallel_loop3A_855 : vector<16xf32>
          %parallel_loop3A_857 = arith.constant 4 : i32
          %parallel_loop3A_858 = arith.muli %parallel_loop3A_857, %parallel_loop3A_349 : i32
          %parallel_loop3A_859 = arith.constant 2 : i32
          %parallel_loop3A_860 = arith.addi %parallel_loop3A_858, %parallel_loop3A_859 : i32
          %parallel_loop3A_861 = arith.index_cast %parallel_loop3A_860 : i32 to index
          %parallel_loop3A_862 = arith.constant 192 : index
          %parallel_loop3A_863 = tpu.vector_load %arg10[%parallel_loop3A_861, %parallel_loop3A_862] {strides = array<i32>} : memref<64x512xf32, #tpu.memory_space<vmem>>, vector<1x16xf32>,
          %parallel_loop3A_864 = vector.shape_cast %parallel_loop3A_863 : vector<1x16xf32> to vector<16xf32>
          %parallel_loop3A_865 = arith.addf %parallel_loop3A_856, %parallel_loop3A_864 : vector<16xf32>
          %parallel_loop3A_866 = arith.constant 4 : i32
          %parallel_loop3A_867 = arith.muli %parallel_loop3A_866, %parallel_loop3A_349 : i32
          %parallel_loop3A_868 = arith.constant 3 : i32
          %parallel_loop3A_869 = arith.addi %parallel_loop3A_867, %parallel_loop3A_868 : i32
          %parallel_loop3A_870 = arith.index_cast %parallel_loop3A_869 : i32 to index
          %parallel_loop3A_871 = arith.constant 192 : index
          %parallel_loop3A_872 = tpu.vector_load %arg10[%parallel_loop3A_870, %parallel_loop3A_871] {strides = array<i32>} : memref<64x512xf32, #tpu.memory_space<vmem>>, vector<1x16xf32>,
          %parallel_loop3A_873 = vector.shape_cast %parallel_loop3A_872 : vector<1x16xf32> to vector<16xf32>
          %parallel_loop3A_874 = arith.addf %parallel_loop3A_865, %parallel_loop3A_873 : vector<16xf32>
          %parallel_loop3A_875 = arith.constant 2.500000e-01 : f32
          %parallel_loop3A_876 = vector.broadcast %parallel_loop3A_875 : f32 to vector<16xf32>
          %parallel_loop3A_877 = arith.mulf %parallel_loop3A_874, %parallel_loop3A_876 : vector<16xf32>
          %parallel_loop3A_878 = arith.index_cast %parallel_loop3A_349 : i32 to index
          %parallel_loop3A_879 = arith.constant 192 : index
          %parallel_loop3A_880 = tpu.vector_load %arg13[%parallel_loop3A_878, %parallel_loop3A_879] {strides = array<i32>} : memref<16x512xf32, #tpu.memory_space<vmem>>, vector<1x16xf32>,
          %parallel_loop3A_881 = vector.shape_cast %parallel_loop3A_880 : vector<1x16xf32> to vector<16xf32>
          %parallel_loop3A_882 = vector.shape_cast %parallel_loop3A_877 : vector<16xf32> to vector<1x16xf32>
          tpu.vector_store %arg13[%parallel_loop3A_878, %parallel_loop3A_879], %parallel_loop3A_882 {strides = array<i32>} : memref<16x512xf32, #tpu.memory_space<vmem>>, vector<1x16xf32>,
          %parallel_loop3A_883 = arith.constant 4 : i32
          %parallel_loop3A_884 = arith.muli %parallel_loop3A_883, %parallel_loop3A_349 : i32
          %parallel_loop3A_885 = arith.index_cast %parallel_loop3A_884 : i32 to index
          %parallel_loop3A_886 = arith.constant 208 : index
          %parallel_loop3A_887 = tpu.vector_load %arg10[%parallel_loop3A_885, %parallel_loop3A_886] {strides = array<i32>} : memref<64x512xf32, #tpu.memory_space<vmem>>, vector<1x16xf32>,
          %parallel_loop3A_888 = vector.shape_cast %parallel_loop3A_887 : vector<1x16xf32> to vector<16xf32>
          %parallel_loop3A_889 = arith.constant 4 : i32
          %parallel_loop3A_890 = arith.muli %parallel_loop3A_889, %parallel_loop3A_349 : i32
          %parallel_loop3A_891 = arith.constant 1 : i32
          %parallel_loop3A_892 = arith.addi %parallel_loop3A_890, %parallel_loop3A_891 : i32
          %parallel_loop3A_893 = arith.index_cast %parallel_loop3A_892 : i32 to index
          %parallel_loop3A_894 = arith.constant 208 : index
          %parallel_loop3A_895 = tpu.vector_load %arg10[%parallel_loop3A_893, %parallel_loop3A_894] {strides = array<i32>} : memref<64x512xf32, #tpu.memory_space<vmem>>, vector<1x16xf32>,
          %parallel_loop3A_896 = vector.shape_cast %parallel_loop3A_895 : vector<1x16xf32> to vector<16xf32>
          %parallel_loop3A_897 = arith.addf %parallel_loop3A_888, %parallel_loop3A_896 : vector<16xf32>
          %parallel_loop3A_898 = arith.constant 4 : i32
          %parallel_loop3A_899 = arith.muli %parallel_loop3A_898, %parallel_loop3A_349 : i32
          %parallel_loop3A_900 = arith.constant 2 : i32
          %parallel_loop3A_901 = arith.addi %parallel_loop3A_899, %parallel_loop3A_900 : i32
          %parallel_loop3A_902 = arith.index_cast %parallel_loop3A_901 : i32 to index
          %parallel_loop3A_903 = arith.constant 208 : index
          %parallel_loop3A_904 = tpu.vector_load %arg10[%parallel_loop3A_902, %parallel_loop3A_903] {strides = array<i32>} : memref<64x512xf32, #tpu.memory_space<vmem>>, vector<1x16xf32>,
          %parallel_loop3A_905 = vector.shape_cast %parallel_loop3A_904 : vector<1x16xf32> to vector<16xf32>
          %parallel_loop3A_906 = arith.addf %parallel_loop3A_897, %parallel_loop3A_905 : vector<16xf32>
          %parallel_loop3A_907 = arith.constant 4 : i32
          %parallel_loop3A_908 = arith.muli %parallel_loop3A_907, %parallel_loop3A_349 : i32
          %parallel_loop3A_909 = arith.constant 3 : i32
          %parallel_loop3A_910 = arith.addi %parallel_loop3A_908, %parallel_loop3A_909 : i32
          %parallel_loop3A_911 = arith.index_cast %parallel_loop3A_910 : i32 to index
          %parallel_loop3A_912 = arith.constant 208 : index
          %parallel_loop3A_913 = tpu.vector_load %arg10[%parallel_loop3A_911, %parallel_loop3A_912] {strides = array<i32>} : memref<64x512xf32, #tpu.memory_space<vmem>>, vector<1x16xf32>,
          %parallel_loop3A_914 = vector.shape_cast %parallel_loop3A_913 : vector<1x16xf32> to vector<16xf32>
          %parallel_loop3A_915 = arith.addf %parallel_loop3A_906, %parallel_loop3A_914 : vector<16xf32>
          %parallel_loop3A_916 = arith.constant 2.500000e-01 : f32
          %parallel_loop3A_917 = vector.broadcast %parallel_loop3A_916 : f32 to vector<16xf32>
          %parallel_loop3A_918 = arith.mulf %parallel_loop3A_915, %parallel_loop3A_917 : vector<16xf32>
          %parallel_loop3A_919 = arith.index_cast %parallel_loop3A_349 : i32 to index
          %parallel_loop3A_920 = arith.constant 208 : index
          %parallel_loop3A_921 = tpu.vector_load %arg13[%parallel_loop3A_919, %parallel_loop3A_920] {strides = array<i32>} : memref<16x512xf32, #tpu.memory_space<vmem>>, vector<1x16xf32>,
          %parallel_loop3A_922 = vector.shape_cast %parallel_loop3A_921 : vector<1x16xf32> to vector<16xf32>
          %parallel_loop3A_923 = vector.shape_cast %parallel_loop3A_918 : vector<16xf32> to vector<1x16xf32>
          tpu.vector_store %arg13[%parallel_loop3A_919, %parallel_loop3A_920], %parallel_loop3A_923 {strides = array<i32>} : memref<16x512xf32, #tpu.memory_space<vmem>>, vector<1x16xf32>,
          %parallel_loop3A_924 = arith.constant 4 : i32
          %parallel_loop3A_925 = arith.muli %parallel_loop3A_924, %parallel_loop3A_349 : i32
          %parallel_loop3A_926 = arith.index_cast %parallel_loop3A_925 : i32 to index
          %parallel_loop3A_927 = arith.constant 224 : index
          %parallel_loop3A_928 = tpu.vector_load %arg10[%parallel_loop3A_926, %parallel_loop3A_927] {strides = array<i32>} : memref<64x512xf32, #tpu.memory_space<vmem>>, vector<1x16xf32>,
          %parallel_loop3A_929 = vector.shape_cast %parallel_loop3A_928 : vector<1x16xf32> to vector<16xf32>
          %parallel_loop3A_930 = arith.constant 4 : i32
          %parallel_loop3A_931 = arith.muli %parallel_loop3A_930, %parallel_loop3A_349 : i32
          %parallel_loop3A_932 = arith.constant 1 : i32
          %parallel_loop3A_933 = arith.addi %parallel_loop3A_931, %parallel_loop3A_932 : i32
          %parallel_loop3A_934 = arith.index_cast %parallel_loop3A_933 : i32 to index
          %parallel_loop3A_935 = arith.constant 224 : index
          %parallel_loop3A_936 = tpu.vector_load %arg10[%parallel_loop3A_934, %parallel_loop3A_935] {strides = array<i32>} : memref<64x512xf32, #tpu.memory_space<vmem>>, vector<1x16xf32>,
          %parallel_loop3A_937 = vector.shape_cast %parallel_loop3A_936 : vector<1x16xf32> to vector<16xf32>
          %parallel_loop3A_938 = arith.addf %parallel_loop3A_929, %parallel_loop3A_937 : vector<16xf32>
          %parallel_loop3A_939 = arith.constant 4 : i32
          %parallel_loop3A_940 = arith.muli %parallel_loop3A_939, %parallel_loop3A_349 : i32
          %parallel_loop3A_941 = arith.constant 2 : i32
          %parallel_loop3A_942 = arith.addi %parallel_loop3A_940, %parallel_loop3A_941 : i32
          %parallel_loop3A_943 = arith.index_cast %parallel_loop3A_942 : i32 to index
          %parallel_loop3A_944 = arith.constant 224 : index
          %parallel_loop3A_945 = tpu.vector_load %arg10[%parallel_loop3A_943, %parallel_loop3A_944] {strides = array<i32>} : memref<64x512xf32, #tpu.memory_space<vmem>>, vector<1x16xf32>,
          %parallel_loop3A_946 = vector.shape_cast %parallel_loop3A_945 : vector<1x16xf32> to vector<16xf32>
          %parallel_loop3A_947 = arith.addf %parallel_loop3A_938, %parallel_loop3A_946 : vector<16xf32>
          %parallel_loop3A_948 = arith.constant 4 : i32
          %parallel_loop3A_949 = arith.muli %parallel_loop3A_948, %parallel_loop3A_349 : i32
          %parallel_loop3A_950 = arith.constant 3 : i32
          %parallel_loop3A_951 = arith.addi %parallel_loop3A_949, %parallel_loop3A_950 : i32
          %parallel_loop3A_952 = arith.index_cast %parallel_loop3A_951 : i32 to index
          %parallel_loop3A_953 = arith.constant 224 : index
          %parallel_loop3A_954 = tpu.vector_load %arg10[%parallel_loop3A_952, %parallel_loop3A_953] {strides = array<i32>} : memref<64x512xf32, #tpu.memory_space<vmem>>, vector<1x16xf32>,
          %parallel_loop3A_955 = vector.shape_cast %parallel_loop3A_954 : vector<1x16xf32> to vector<16xf32>
          %parallel_loop3A_956 = arith.addf %parallel_loop3A_947, %parallel_loop3A_955 : vector<16xf32>
          %parallel_loop3A_957 = arith.constant 2.500000e-01 : f32
          %parallel_loop3A_958 = vector.broadcast %parallel_loop3A_957 : f32 to vector<16xf32>
          %parallel_loop3A_959 = arith.mulf %parallel_loop3A_956, %parallel_loop3A_958 : vector<16xf32>
          %parallel_loop3A_960 = arith.index_cast %parallel_loop3A_349 : i32 to index
          %parallel_loop3A_961 = arith.constant 224 : index
          %parallel_loop3A_962 = tpu.vector_load %arg13[%parallel_loop3A_960, %parallel_loop3A_961] {strides = array<i32>} : memref<16x512xf32, #tpu.memory_space<vmem>>, vector<1x16xf32>,
          %parallel_loop3A_963 = vector.shape_cast %parallel_loop3A_962 : vector<1x16xf32> to vector<16xf32>
          %parallel_loop3A_964 = vector.shape_cast %parallel_loop3A_959 : vector<16xf32> to vector<1x16xf32>
          tpu.vector_store %arg13[%parallel_loop3A_960, %parallel_loop3A_961], %parallel_loop3A_964 {strides = array<i32>} : memref<16x512xf32, #tpu.memory_space<vmem>>, vector<1x16xf32>,
          %parallel_loop3A_965 = arith.constant 4 : i32
          %parallel_loop3A_966 = arith.muli %parallel_loop3A_965, %parallel_loop3A_349 : i32
          %parallel_loop3A_967 = arith.index_cast %parallel_loop3A_966 : i32 to index
          %parallel_loop3A_968 = arith.constant 240 : index
          %parallel_loop3A_969 = tpu.vector_load %arg10[%parallel_loop3A_967, %parallel_loop3A_968] {strides = array<i32>} : memref<64x512xf32, #tpu.memory_space<vmem>>, vector<1x16xf32>,
          %parallel_loop3A_970 = vector.shape_cast %parallel_loop3A_969 : vector<1x16xf32> to vector<16xf32>
          %parallel_loop3A_971 = arith.constant 4 : i32
          %parallel_loop3A_972 = arith.muli %parallel_loop3A_971, %parallel_loop3A_349 : i32
          %parallel_loop3A_973 = arith.constant 1 : i32
          %parallel_loop3A_974 = arith.addi %parallel_loop3A_972, %parallel_loop3A_973 : i32
          %parallel_loop3A_975 = arith.index_cast %parallel_loop3A_974 : i32 to index
          %parallel_loop3A_976 = arith.constant 240 : index
          %parallel_loop3A_977 = tpu.vector_load %arg10[%parallel_loop3A_975, %parallel_loop3A_976] {strides = array<i32>} : memref<64x512xf32, #tpu.memory_space<vmem>>, vector<1x16xf32>,
          %parallel_loop3A_978 = vector.shape_cast %parallel_loop3A_977 : vector<1x16xf32> to vector<16xf32>
          %parallel_loop3A_979 = arith.addf %parallel_loop3A_970, %parallel_loop3A_978 : vector<16xf32>
          %parallel_loop3A_980 = arith.constant 4 : i32
          %parallel_loop3A_981 = arith.muli %parallel_loop3A_980, %parallel_loop3A_349 : i32
          %parallel_loop3A_982 = arith.constant 2 : i32
          %parallel_loop3A_983 = arith.addi %parallel_loop3A_981, %parallel_loop3A_982 : i32
          %parallel_loop3A_984 = arith.index_cast %parallel_loop3A_983 : i32 to index
          %parallel_loop3A_985 = arith.constant 240 : index
          %parallel_loop3A_986 = tpu.vector_load %arg10[%parallel_loop3A_984, %parallel_loop3A_985] {strides = array<i32>} : memref<64x512xf32, #tpu.memory_space<vmem>>, vector<1x16xf32>,
          %parallel_loop3A_987 = vector.shape_cast %parallel_loop3A_986 : vector<1x16xf32> to vector<16xf32>
          %parallel_loop3A_988 = arith.addf %parallel_loop3A_979, %parallel_loop3A_987 : vector<16xf32>
          %parallel_loop3A_989 = arith.constant 4 : i32
          %parallel_loop3A_990 = arith.muli %parallel_loop3A_989, %parallel_loop3A_349 : i32
          %parallel_loop3A_991 = arith.constant 3 : i32
          %parallel_loop3A_992 = arith.addi %parallel_loop3A_990, %parallel_loop3A_991 : i32
          %parallel_loop3A_993 = arith.index_cast %parallel_loop3A_992 : i32 to index
          %parallel_loop3A_994 = arith.constant 240 : index
          %parallel_loop3A_995 = tpu.vector_load %arg10[%parallel_loop3A_993, %parallel_loop3A_994] {strides = array<i32>} : memref<64x512xf32, #tpu.memory_space<vmem>>, vector<1x16xf32>,
          %parallel_loop3A_996 = vector.shape_cast %parallel_loop3A_995 : vector<1x16xf32> to vector<16xf32>
          %parallel_loop3A_997 = arith.addf %parallel_loop3A_988, %parallel_loop3A_996 : vector<16xf32>
          %parallel_loop3A_998 = arith.constant 2.500000e-01 : f32
          %parallel_loop3A_999 = vector.broadcast %parallel_loop3A_998 : f32 to vector<16xf32>
          %parallel_loop3A_1000 = arith.mulf %parallel_loop3A_997, %parallel_loop3A_999 : vector<16xf32>
          %parallel_loop3A_1001 = arith.index_cast %parallel_loop3A_349 : i32 to index
          %parallel_loop3A_1002 = arith.constant 240 : index
          %parallel_loop3A_1003 = tpu.vector_load %arg13[%parallel_loop3A_1001, %parallel_loop3A_1002] {strides = array<i32>} : memref<16x512xf32, #tpu.memory_space<vmem>>, vector<1x16xf32>,
          %parallel_loop3A_1004 = vector.shape_cast %parallel_loop3A_1003 : vector<1x16xf32> to vector<16xf32>
          %parallel_loop3A_1005 = vector.shape_cast %parallel_loop3A_1000 : vector<16xf32> to vector<1x16xf32>
          tpu.vector_store %arg13[%parallel_loop3A_1001, %parallel_loop3A_1002], %parallel_loop3A_1005 {strides = array<i32>} : memref<16x512xf32, #tpu.memory_space<vmem>>, vector<1x16xf32>,
          %parallel_loop3A_1006 = arith.constant 4 : i32
          %parallel_loop3A_1007 = arith.muli %parallel_loop3A_1006, %parallel_loop3A_349 : i32
          %parallel_loop3A_1008 = arith.index_cast %parallel_loop3A_1007 : i32 to index
          %parallel_loop3A_1009 = arith.constant 256 : index
          %parallel_loop3A_1010 = tpu.vector_load %arg10[%parallel_loop3A_1008, %parallel_loop3A_1009] {strides = array<i32>} : memref<64x512xf32, #tpu.memory_space<vmem>>, vector<1x16xf32>,
          %parallel_loop3A_1011 = vector.shape_cast %parallel_loop3A_1010 : vector<1x16xf32> to vector<16xf32>
          %parallel_loop3A_1012 = arith.constant 4 : i32
          %parallel_loop3A_1013 = arith.muli %parallel_loop3A_1012, %parallel_loop3A_349 : i32
          %parallel_loop3A_1014 = arith.constant 1 : i32
          %parallel_loop3A_1015 = arith.addi %parallel_loop3A_1013, %parallel_loop3A_1014 : i32
          %parallel_loop3A_1016 = arith.index_cast %parallel_loop3A_1015 : i32 to index
          %parallel_loop3A_1017 = arith.constant 256 : index
          %parallel_loop3A_1018 = tpu.vector_load %arg10[%parallel_loop3A_1016, %parallel_loop3A_1017] {strides = array<i32>} : memref<64x512xf32, #tpu.memory_space<vmem>>, vector<1x16xf32>,
          %parallel_loop3A_1019 = vector.shape_cast %parallel_loop3A_1018 : vector<1x16xf32> to vector<16xf32>
          %parallel_loop3A_1020 = arith.addf %parallel_loop3A_1011, %parallel_loop3A_1019 : vector<16xf32>
          %parallel_loop3A_1021 = arith.constant 4 : i32
          %parallel_loop3A_1022 = arith.muli %parallel_loop3A_1021, %parallel_loop3A_349 : i32
          %parallel_loop3A_1023 = arith.constant 2 : i32
          %parallel_loop3A_1024 = arith.addi %parallel_loop3A_1022, %parallel_loop3A_1023 : i32
          %parallel_loop3A_1025 = arith.index_cast %parallel_loop3A_1024 : i32 to index
          %parallel_loop3A_1026 = arith.constant 256 : index
          %parallel_loop3A_1027 = tpu.vector_load %arg10[%parallel_loop3A_1025, %parallel_loop3A_1026] {strides = array<i32>} : memref<64x512xf32, #tpu.memory_space<vmem>>, vector<1x16xf32>,
          %parallel_loop3A_1028 = vector.shape_cast %parallel_loop3A_1027 : vector<1x16xf32> to vector<16xf32>
          %parallel_loop3A_1029 = arith.addf %parallel_loop3A_1020, %parallel_loop3A_1028 : vector<16xf32>
          %parallel_loop3A_1030 = arith.constant 4 : i32
          %parallel_loop3A_1031 = arith.muli %parallel_loop3A_1030, %parallel_loop3A_349 : i32
          %parallel_loop3A_1032 = arith.constant 3 : i32
          %parallel_loop3A_1033 = arith.addi %parallel_loop3A_1031, %parallel_loop3A_1032 : i32
          %parallel_loop3A_1034 = arith.index_cast %parallel_loop3A_1033 : i32 to index
          %parallel_loop3A_1035 = arith.constant 256 : index
          %parallel_loop3A_1036 = tpu.vector_load %arg10[%parallel_loop3A_1034, %parallel_loop3A_1035] {strides = array<i32>} : memref<64x512xf32, #tpu.memory_space<vmem>>, vector<1x16xf32>,
          %parallel_loop3A_1037 = vector.shape_cast %parallel_loop3A_1036 : vector<1x16xf32> to vector<16xf32>
          %parallel_loop3A_1038 = arith.addf %parallel_loop3A_1029, %parallel_loop3A_1037 : vector<16xf32>
          %parallel_loop3A_1039 = arith.constant 2.500000e-01 : f32
          %parallel_loop3A_1040 = vector.broadcast %parallel_loop3A_1039 : f32 to vector<16xf32>
          %parallel_loop3A_1041 = arith.mulf %parallel_loop3A_1038, %parallel_loop3A_1040 : vector<16xf32>
          %parallel_loop3A_1042 = arith.index_cast %parallel_loop3A_349 : i32 to index
          %parallel_loop3A_1043 = arith.constant 256 : index
          %parallel_loop3A_1044 = tpu.vector_load %arg13[%parallel_loop3A_1042, %parallel_loop3A_1043] {strides = array<i32>} : memref<16x512xf32, #tpu.memory_space<vmem>>, vector<1x16xf32>,
          %parallel_loop3A_1045 = vector.shape_cast %parallel_loop3A_1044 : vector<1x16xf32> to vector<16xf32>
          %parallel_loop3A_1046 = vector.shape_cast %parallel_loop3A_1041 : vector<16xf32> to vector<1x16xf32>
          tpu.vector_store %arg13[%parallel_loop3A_1042, %parallel_loop3A_1043], %parallel_loop3A_1046 {strides = array<i32>} : memref<16x512xf32, #tpu.memory_space<vmem>>, vector<1x16xf32>,
          %parallel_loop3A_1047 = arith.constant 4 : i32
          %parallel_loop3A_1048 = arith.muli %parallel_loop3A_1047, %parallel_loop3A_349 : i32
          %parallel_loop3A_1049 = arith.index_cast %parallel_loop3A_1048 : i32 to index
          %parallel_loop3A_1050 = arith.constant 272 : index
          %parallel_loop3A_1051 = tpu.vector_load %arg10[%parallel_loop3A_1049, %parallel_loop3A_1050] {strides = array<i32>} : memref<64x512xf32, #tpu.memory_space<vmem>>, vector<1x16xf32>,
          %parallel_loop3A_1052 = vector.shape_cast %parallel_loop3A_1051 : vector<1x16xf32> to vector<16xf32>
          %parallel_loop3A_1053 = arith.constant 4 : i32
          %parallel_loop3A_1054 = arith.muli %parallel_loop3A_1053, %parallel_loop3A_349 : i32
          %parallel_loop3A_1055 = arith.constant 1 : i32
          %parallel_loop3A_1056 = arith.addi %parallel_loop3A_1054, %parallel_loop3A_1055 : i32
          %parallel_loop3A_1057 = arith.index_cast %parallel_loop3A_1056 : i32 to index
          %parallel_loop3A_1058 = arith.constant 272 : index
          %parallel_loop3A_1059 = tpu.vector_load %arg10[%parallel_loop3A_1057, %parallel_loop3A_1058] {strides = array<i32>} : memref<64x512xf32, #tpu.memory_space<vmem>>, vector<1x16xf32>,
          %parallel_loop3A_1060 = vector.shape_cast %parallel_loop3A_1059 : vector<1x16xf32> to vector<16xf32>
          %parallel_loop3A_1061 = arith.addf %parallel_loop3A_1052, %parallel_loop3A_1060 : vector<16xf32>
          %parallel_loop3A_1062 = arith.constant 4 : i32
          %parallel_loop3A_1063 = arith.muli %parallel_loop3A_1062, %parallel_loop3A_349 : i32
          %parallel_loop3A_1064 = arith.constant 2 : i32
          %parallel_loop3A_1065 = arith.addi %parallel_loop3A_1063, %parallel_loop3A_1064 : i32
          %parallel_loop3A_1066 = arith.index_cast %parallel_loop3A_1065 : i32 to index
          %parallel_loop3A_1067 = arith.constant 272 : index
          %parallel_loop3A_1068 = tpu.vector_load %arg10[%parallel_loop3A_1066, %parallel_loop3A_1067] {strides = array<i32>} : memref<64x512xf32, #tpu.memory_space<vmem>>, vector<1x16xf32>,
          %parallel_loop3A_1069 = vector.shape_cast %parallel_loop3A_1068 : vector<1x16xf32> to vector<16xf32>
          %parallel_loop3A_1070 = arith.addf %parallel_loop3A_1061, %parallel_loop3A_1069 : vector<16xf32>
          %parallel_loop3A_1071 = arith.constant 4 : i32
          %parallel_loop3A_1072 = arith.muli %parallel_loop3A_1071, %parallel_loop3A_349 : i32
          %parallel_loop3A_1073 = arith.constant 3 : i32
          %parallel_loop3A_1074 = arith.addi %parallel_loop3A_1072, %parallel_loop3A_1073 : i32
          %parallel_loop3A_1075 = arith.index_cast %parallel_loop3A_1074 : i32 to index
          %parallel_loop3A_1076 = arith.constant 272 : index
          %parallel_loop3A_1077 = tpu.vector_load %arg10[%parallel_loop3A_1075, %parallel_loop3A_1076] {strides = array<i32>} : memref<64x512xf32, #tpu.memory_space<vmem>>, vector<1x16xf32>,
          %parallel_loop3A_1078 = vector.shape_cast %parallel_loop3A_1077 : vector<1x16xf32> to vector<16xf32>
          %parallel_loop3A_1079 = arith.addf %parallel_loop3A_1070, %parallel_loop3A_1078 : vector<16xf32>
          %parallel_loop3A_1080 = arith.constant 2.500000e-01 : f32
          %parallel_loop3A_1081 = vector.broadcast %parallel_loop3A_1080 : f32 to vector<16xf32>
          %parallel_loop3A_1082 = arith.mulf %parallel_loop3A_1079, %parallel_loop3A_1081 : vector<16xf32>
          %parallel_loop3A_1083 = arith.index_cast %parallel_loop3A_349 : i32 to index
          %parallel_loop3A_1084 = arith.constant 272 : index
          %parallel_loop3A_1085 = tpu.vector_load %arg13[%parallel_loop3A_1083, %parallel_loop3A_1084] {strides = array<i32>} : memref<16x512xf32, #tpu.memory_space<vmem>>, vector<1x16xf32>,
          %parallel_loop3A_1086 = vector.shape_cast %parallel_loop3A_1085 : vector<1x16xf32> to vector<16xf32>
          %parallel_loop3A_1087 = vector.shape_cast %parallel_loop3A_1082 : vector<16xf32> to vector<1x16xf32>
          tpu.vector_store %arg13[%parallel_loop3A_1083, %parallel_loop3A_1084], %parallel_loop3A_1087 {strides = array<i32>} : memref<16x512xf32, #tpu.memory_space<vmem>>, vector<1x16xf32>,
          %parallel_loop3A_1088 = arith.constant 4 : i32
          %parallel_loop3A_1089 = arith.muli %parallel_loop3A_1088, %parallel_loop3A_349 : i32
          %parallel_loop3A_1090 = arith.index_cast %parallel_loop3A_1089 : i32 to index
          %parallel_loop3A_1091 = arith.constant 288 : index
          %parallel_loop3A_1092 = tpu.vector_load %arg10[%parallel_loop3A_1090, %parallel_loop3A_1091] {strides = array<i32>} : memref<64x512xf32, #tpu.memory_space<vmem>>, vector<1x16xf32>,
          %parallel_loop3A_1093 = vector.shape_cast %parallel_loop3A_1092 : vector<1x16xf32> to vector<16xf32>
          %parallel_loop3A_1094 = arith.constant 4 : i32
          %parallel_loop3A_1095 = arith.muli %parallel_loop3A_1094, %parallel_loop3A_349 : i32
          %parallel_loop3A_1096 = arith.constant 1 : i32
          %parallel_loop3A_1097 = arith.addi %parallel_loop3A_1095, %parallel_loop3A_1096 : i32
          %parallel_loop3A_1098 = arith.index_cast %parallel_loop3A_1097 : i32 to index
          %parallel_loop3A_1099 = arith.constant 288 : index
          %parallel_loop3A_1100 = tpu.vector_load %arg10[%parallel_loop3A_1098, %parallel_loop3A_1099] {strides = array<i32>} : memref<64x512xf32, #tpu.memory_space<vmem>>, vector<1x16xf32>,
          %parallel_loop3A_1101 = vector.shape_cast %parallel_loop3A_1100 : vector<1x16xf32> to vector<16xf32>
          %parallel_loop3A_1102 = arith.addf %parallel_loop3A_1093, %parallel_loop3A_1101 : vector<16xf32>
          %parallel_loop3A_1103 = arith.constant 4 : i32
          %parallel_loop3A_1104 = arith.muli %parallel_loop3A_1103, %parallel_loop3A_349 : i32
          %parallel_loop3A_1105 = arith.constant 2 : i32
          %parallel_loop3A_1106 = arith.addi %parallel_loop3A_1104, %parallel_loop3A_1105 : i32
          %parallel_loop3A_1107 = arith.index_cast %parallel_loop3A_1106 : i32 to index
          %parallel_loop3A_1108 = arith.constant 288 : index
          %parallel_loop3A_1109 = tpu.vector_load %arg10[%parallel_loop3A_1107, %parallel_loop3A_1108] {strides = array<i32>} : memref<64x512xf32, #tpu.memory_space<vmem>>, vector<1x16xf32>,
          %parallel_loop3A_1110 = vector.shape_cast %parallel_loop3A_1109 : vector<1x16xf32> to vector<16xf32>
          %parallel_loop3A_1111 = arith.addf %parallel_loop3A_1102, %parallel_loop3A_1110 : vector<16xf32>
          %parallel_loop3A_1112 = arith.constant 4 : i32
          %parallel_loop3A_1113 = arith.muli %parallel_loop3A_1112, %parallel_loop3A_349 : i32
          %parallel_loop3A_1114 = arith.constant 3 : i32
          %parallel_loop3A_1115 = arith.addi %parallel_loop3A_1113, %parallel_loop3A_1114 : i32
          %parallel_loop3A_1116 = arith.index_cast %parallel_loop3A_1115 : i32 to index
          %parallel_loop3A_1117 = arith.constant 288 : index
          %parallel_loop3A_1118 = tpu.vector_load %arg10[%parallel_loop3A_1116, %parallel_loop3A_1117] {strides = array<i32>} : memref<64x512xf32, #tpu.memory_space<vmem>>, vector<1x16xf32>,
          %parallel_loop3A_1119 = vector.shape_cast %parallel_loop3A_1118 : vector<1x16xf32> to vector<16xf32>
          %parallel_loop3A_1120 = arith.addf %parallel_loop3A_1111, %parallel_loop3A_1119 : vector<16xf32>
          %parallel_loop3A_1121 = arith.constant 2.500000e-01 : f32
          %parallel_loop3A_1122 = vector.broadcast %parallel_loop3A_1121 : f32 to vector<16xf32>
          %parallel_loop3A_1123 = arith.mulf %parallel_loop3A_1120, %parallel_loop3A_1122 : vector<16xf32>
          %parallel_loop3A_1124 = arith.index_cast %parallel_loop3A_349 : i32 to index
          %parallel_loop3A_1125 = arith.constant 288 : index
          %parallel_loop3A_1126 = tpu.vector_load %arg13[%parallel_loop3A_1124, %parallel_loop3A_1125] {strides = array<i32>} : memref<16x512xf32, #tpu.memory_space<vmem>>, vector<1x16xf32>,
          %parallel_loop3A_1127 = vector.shape_cast %parallel_loop3A_1126 : vector<1x16xf32> to vector<16xf32>
          %parallel_loop3A_1128 = vector.shape_cast %parallel_loop3A_1123 : vector<16xf32> to vector<1x16xf32>
          tpu.vector_store %arg13[%parallel_loop3A_1124, %parallel_loop3A_1125], %parallel_loop3A_1128 {strides = array<i32>} : memref<16x512xf32, #tpu.memory_space<vmem>>, vector<1x16xf32>,
          %parallel_loop3A_1129 = arith.constant 4 : i32
          %parallel_loop3A_1130 = arith.muli %parallel_loop3A_1129, %parallel_loop3A_349 : i32
          %parallel_loop3A_1131 = arith.index_cast %parallel_loop3A_1130 : i32 to index
          %parallel_loop3A_1132 = arith.constant 304 : index
          %parallel_loop3A_1133 = tpu.vector_load %arg10[%parallel_loop3A_1131, %parallel_loop3A_1132] {strides = array<i32>} : memref<64x512xf32, #tpu.memory_space<vmem>>, vector<1x16xf32>,
          %parallel_loop3A_1134 = vector.shape_cast %parallel_loop3A_1133 : vector<1x16xf32> to vector<16xf32>
          %parallel_loop3A_1135 = arith.constant 4 : i32
          %parallel_loop3A_1136 = arith.muli %parallel_loop3A_1135, %parallel_loop3A_349 : i32
          %parallel_loop3A_1137 = arith.constant 1 : i32
          %parallel_loop3A_1138 = arith.addi %parallel_loop3A_1136, %parallel_loop3A_1137 : i32
          %parallel_loop3A_1139 = arith.index_cast %parallel_loop3A_1138 : i32 to index
          %parallel_loop3A_1140 = arith.constant 304 : index
          %parallel_loop3A_1141 = tpu.vector_load %arg10[%parallel_loop3A_1139, %parallel_loop3A_1140] {strides = array<i32>} : memref<64x512xf32, #tpu.memory_space<vmem>>, vector<1x16xf32>,
          %parallel_loop3A_1142 = vector.shape_cast %parallel_loop3A_1141 : vector<1x16xf32> to vector<16xf32>
          %parallel_loop3A_1143 = arith.addf %parallel_loop3A_1134, %parallel_loop3A_1142 : vector<16xf32>
          %parallel_loop3A_1144 = arith.constant 4 : i32
          %parallel_loop3A_1145 = arith.muli %parallel_loop3A_1144, %parallel_loop3A_349 : i32
          %parallel_loop3A_1146 = arith.constant 2 : i32
          %parallel_loop3A_1147 = arith.addi %parallel_loop3A_1145, %parallel_loop3A_1146 : i32
          %parallel_loop3A_1148 = arith.index_cast %parallel_loop3A_1147 : i32 to index
          %parallel_loop3A_1149 = arith.constant 304 : index
          %parallel_loop3A_1150 = tpu.vector_load %arg10[%parallel_loop3A_1148, %parallel_loop3A_1149] {strides = array<i32>} : memref<64x512xf32, #tpu.memory_space<vmem>>, vector<1x16xf32>,
          %parallel_loop3A_1151 = vector.shape_cast %parallel_loop3A_1150 : vector<1x16xf32> to vector<16xf32>
          %parallel_loop3A_1152 = arith.addf %parallel_loop3A_1143, %parallel_loop3A_1151 : vector<16xf32>
          %parallel_loop3A_1153 = arith.constant 4 : i32
          %parallel_loop3A_1154 = arith.muli %parallel_loop3A_1153, %parallel_loop3A_349 : i32
          %parallel_loop3A_1155 = arith.constant 3 : i32
          %parallel_loop3A_1156 = arith.addi %parallel_loop3A_1154, %parallel_loop3A_1155 : i32
          %parallel_loop3A_1157 = arith.index_cast %parallel_loop3A_1156 : i32 to index
          %parallel_loop3A_1158 = arith.constant 304 : index
          %parallel_loop3A_1159 = tpu.vector_load %arg10[%parallel_loop3A_1157, %parallel_loop3A_1158] {strides = array<i32>} : memref<64x512xf32, #tpu.memory_space<vmem>>, vector<1x16xf32>,
          %parallel_loop3A_1160 = vector.shape_cast %parallel_loop3A_1159 : vector<1x16xf32> to vector<16xf32>
          %parallel_loop3A_1161 = arith.addf %parallel_loop3A_1152, %parallel_loop3A_1160 : vector<16xf32>
          %parallel_loop3A_1162 = arith.constant 2.500000e-01 : f32
          %parallel_loop3A_1163 = vector.broadcast %parallel_loop3A_1162 : f32 to vector<16xf32>
          %parallel_loop3A_1164 = arith.mulf %parallel_loop3A_1161, %parallel_loop3A_1163 : vector<16xf32>
          %parallel_loop3A_1165 = arith.index_cast %parallel_loop3A_349 : i32 to index
          %parallel_loop3A_1166 = arith.constant 304 : index
          %parallel_loop3A_1167 = tpu.vector_load %arg13[%parallel_loop3A_1165, %parallel_loop3A_1166] {strides = array<i32>} : memref<16x512xf32, #tpu.memory_space<vmem>>, vector<1x16xf32>,
          %parallel_loop3A_1168 = vector.shape_cast %parallel_loop3A_1167 : vector<1x16xf32> to vector<16xf32>
          %parallel_loop3A_1169 = vector.shape_cast %parallel_loop3A_1164 : vector<16xf32> to vector<1x16xf32>
          tpu.vector_store %arg13[%parallel_loop3A_1165, %parallel_loop3A_1166], %parallel_loop3A_1169 {strides = array<i32>} : memref<16x512xf32, #tpu.memory_space<vmem>>, vector<1x16xf32>,
          %parallel_loop3A_1170 = arith.constant 4 : i32
          %parallel_loop3A_1171 = arith.muli %parallel_loop3A_1170, %parallel_loop3A_349 : i32
          %parallel_loop3A_1172 = arith.index_cast %parallel_loop3A_1171 : i32 to index
          %parallel_loop3A_1173 = arith.constant 320 : index
          %parallel_loop3A_1174 = tpu.vector_load %arg10[%parallel_loop3A_1172, %parallel_loop3A_1173] {strides = array<i32>} : memref<64x512xf32, #tpu.memory_space<vmem>>, vector<1x16xf32>,
          %parallel_loop3A_1175 = vector.shape_cast %parallel_loop3A_1174 : vector<1x16xf32> to vector<16xf32>
          %parallel_loop3A_1176 = arith.constant 4 : i32
          %parallel_loop3A_1177 = arith.muli %parallel_loop3A_1176, %parallel_loop3A_349 : i32
          %parallel_loop3A_1178 = arith.constant 1 : i32
          %parallel_loop3A_1179 = arith.addi %parallel_loop3A_1177, %parallel_loop3A_1178 : i32
          %parallel_loop3A_1180 = arith.index_cast %parallel_loop3A_1179 : i32 to index
          %parallel_loop3A_1181 = arith.constant 320 : index
          %parallel_loop3A_1182 = tpu.vector_load %arg10[%parallel_loop3A_1180, %parallel_loop3A_1181] {strides = array<i32>} : memref<64x512xf32, #tpu.memory_space<vmem>>, vector<1x16xf32>,
          %parallel_loop3A_1183 = vector.shape_cast %parallel_loop3A_1182 : vector<1x16xf32> to vector<16xf32>
          %parallel_loop3A_1184 = arith.addf %parallel_loop3A_1175, %parallel_loop3A_1183 : vector<16xf32>
          %parallel_loop3A_1185 = arith.constant 4 : i32
          %parallel_loop3A_1186 = arith.muli %parallel_loop3A_1185, %parallel_loop3A_349 : i32
          %parallel_loop3A_1187 = arith.constant 2 : i32
          %parallel_loop3A_1188 = arith.addi %parallel_loop3A_1186, %parallel_loop3A_1187 : i32
          %parallel_loop3A_1189 = arith.index_cast %parallel_loop3A_1188 : i32 to index
          %parallel_loop3A_1190 = arith.constant 320 : index
          %parallel_loop3A_1191 = tpu.vector_load %arg10[%parallel_loop3A_1189, %parallel_loop3A_1190] {strides = array<i32>} : memref<64x512xf32, #tpu.memory_space<vmem>>, vector<1x16xf32>,
          %parallel_loop3A_1192 = vector.shape_cast %parallel_loop3A_1191 : vector<1x16xf32> to vector<16xf32>
          %parallel_loop3A_1193 = arith.addf %parallel_loop3A_1184, %parallel_loop3A_1192 : vector<16xf32>
          %parallel_loop3A_1194 = arith.constant 4 : i32
          %parallel_loop3A_1195 = arith.muli %parallel_loop3A_1194, %parallel_loop3A_349 : i32
          %parallel_loop3A_1196 = arith.constant 3 : i32
          %parallel_loop3A_1197 = arith.addi %parallel_loop3A_1195, %parallel_loop3A_1196 : i32
          %parallel_loop3A_1198 = arith.index_cast %parallel_loop3A_1197 : i32 to index
          %parallel_loop3A_1199 = arith.constant 320 : index
          %parallel_loop3A_1200 = tpu.vector_load %arg10[%parallel_loop3A_1198, %parallel_loop3A_1199] {strides = array<i32>} : memref<64x512xf32, #tpu.memory_space<vmem>>, vector<1x16xf32>,
          %parallel_loop3A_1201 = vector.shape_cast %parallel_loop3A_1200 : vector<1x16xf32> to vector<16xf32>
          %parallel_loop3A_1202 = arith.addf %parallel_loop3A_1193, %parallel_loop3A_1201 : vector<16xf32>
          %parallel_loop3A_1203 = arith.constant 2.500000e-01 : f32
          %parallel_loop3A_1204 = vector.broadcast %parallel_loop3A_1203 : f32 to vector<16xf32>
          %parallel_loop3A_1205 = arith.mulf %parallel_loop3A_1202, %parallel_loop3A_1204 : vector<16xf32>
          %parallel_loop3A_1206 = arith.index_cast %parallel_loop3A_349 : i32 to index
          %parallel_loop3A_1207 = arith.constant 320 : index
          %parallel_loop3A_1208 = tpu.vector_load %arg13[%parallel_loop3A_1206, %parallel_loop3A_1207] {strides = array<i32>} : memref<16x512xf32, #tpu.memory_space<vmem>>, vector<1x16xf32>,
          %parallel_loop3A_1209 = vector.shape_cast %parallel_loop3A_1208 : vector<1x16xf32> to vector<16xf32>
          %parallel_loop3A_1210 = vector.shape_cast %parallel_loop3A_1205 : vector<16xf32> to vector<1x16xf32>
          tpu.vector_store %arg13[%parallel_loop3A_1206, %parallel_loop3A_1207], %parallel_loop3A_1210 {strides = array<i32>} : memref<16x512xf32, #tpu.memory_space<vmem>>, vector<1x16xf32>,
          %parallel_loop3A_1211 = arith.constant 4 : i32
          %parallel_loop3A_1212 = arith.muli %parallel_loop3A_1211, %parallel_loop3A_349 : i32
          %parallel_loop3A_1213 = arith.index_cast %parallel_loop3A_1212 : i32 to index
          %parallel_loop3A_1214 = arith.constant 336 : index
          %parallel_loop3A_1215 = tpu.vector_load %arg10[%parallel_loop3A_1213, %parallel_loop3A_1214] {strides = array<i32>} : memref<64x512xf32, #tpu.memory_space<vmem>>, vector<1x16xf32>,
          %parallel_loop3A_1216 = vector.shape_cast %parallel_loop3A_1215 : vector<1x16xf32> to vector<16xf32>
          %parallel_loop3A_1217 = arith.constant 4 : i32
          %parallel_loop3A_1218 = arith.muli %parallel_loop3A_1217, %parallel_loop3A_349 : i32
          %parallel_loop3A_1219 = arith.constant 1 : i32
          %parallel_loop3A_1220 = arith.addi %parallel_loop3A_1218, %parallel_loop3A_1219 : i32
          %parallel_loop3A_1221 = arith.index_cast %parallel_loop3A_1220 : i32 to index
          %parallel_loop3A_1222 = arith.constant 336 : index
          %parallel_loop3A_1223 = tpu.vector_load %arg10[%parallel_loop3A_1221, %parallel_loop3A_1222] {strides = array<i32>} : memref<64x512xf32, #tpu.memory_space<vmem>>, vector<1x16xf32>,
          %parallel_loop3A_1224 = vector.shape_cast %parallel_loop3A_1223 : vector<1x16xf32> to vector<16xf32>
          %parallel_loop3A_1225 = arith.addf %parallel_loop3A_1216, %parallel_loop3A_1224 : vector<16xf32>
          %parallel_loop3A_1226 = arith.constant 4 : i32
          %parallel_loop3A_1227 = arith.muli %parallel_loop3A_1226, %parallel_loop3A_349 : i32
          %parallel_loop3A_1228 = arith.constant 2 : i32
          %parallel_loop3A_1229 = arith.addi %parallel_loop3A_1227, %parallel_loop3A_1228 : i32
          %parallel_loop3A_1230 = arith.index_cast %parallel_loop3A_1229 : i32 to index
          %parallel_loop3A_1231 = arith.constant 336 : index
          %parallel_loop3A_1232 = tpu.vector_load %arg10[%parallel_loop3A_1230, %parallel_loop3A_1231] {strides = array<i32>} : memref<64x512xf32, #tpu.memory_space<vmem>>, vector<1x16xf32>,
          %parallel_loop3A_1233 = vector.shape_cast %parallel_loop3A_1232 : vector<1x16xf32> to vector<16xf32>
          %parallel_loop3A_1234 = arith.addf %parallel_loop3A_1225, %parallel_loop3A_1233 : vector<16xf32>
          %parallel_loop3A_1235 = arith.constant 4 : i32
          %parallel_loop3A_1236 = arith.muli %parallel_loop3A_1235, %parallel_loop3A_349 : i32
          %parallel_loop3A_1237 = arith.constant 3 : i32
          %parallel_loop3A_1238 = arith.addi %parallel_loop3A_1236, %parallel_loop3A_1237 : i32
          %parallel_loop3A_1239 = arith.index_cast %parallel_loop3A_1238 : i32 to index
          %parallel_loop3A_1240 = arith.constant 336 : index
          %parallel_loop3A_1241 = tpu.vector_load %arg10[%parallel_loop3A_1239, %parallel_loop3A_1240] {strides = array<i32>} : memref<64x512xf32, #tpu.memory_space<vmem>>, vector<1x16xf32>,
          %parallel_loop3A_1242 = vector.shape_cast %parallel_loop3A_1241 : vector<1x16xf32> to vector<16xf32>
          %parallel_loop3A_1243 = arith.addf %parallel_loop3A_1234, %parallel_loop3A_1242 : vector<16xf32>
          %parallel_loop3A_1244 = arith.constant 2.500000e-01 : f32
          %parallel_loop3A_1245 = vector.broadcast %parallel_loop3A_1244 : f32 to vector<16xf32>
          %parallel_loop3A_1246 = arith.mulf %parallel_loop3A_1243, %parallel_loop3A_1245 : vector<16xf32>
          %parallel_loop3A_1247 = arith.index_cast %parallel_loop3A_349 : i32 to index
          %parallel_loop3A_1248 = arith.constant 336 : index
          %parallel_loop3A_1249 = tpu.vector_load %arg13[%parallel_loop3A_1247, %parallel_loop3A_1248] {strides = array<i32>} : memref<16x512xf32, #tpu.memory_space<vmem>>, vector<1x16xf32>,
          %parallel_loop3A_1250 = vector.shape_cast %parallel_loop3A_1249 : vector<1x16xf32> to vector<16xf32>
          %parallel_loop3A_1251 = vector.shape_cast %parallel_loop3A_1246 : vector<16xf32> to vector<1x16xf32>
          tpu.vector_store %arg13[%parallel_loop3A_1247, %parallel_loop3A_1248], %parallel_loop3A_1251 {strides = array<i32>} : memref<16x512xf32, #tpu.memory_space<vmem>>, vector<1x16xf32>,
          %parallel_loop3A_1252 = arith.constant 4 : i32
          %parallel_loop3A_1253 = arith.muli %parallel_loop3A_1252, %parallel_loop3A_349 : i32
          %parallel_loop3A_1254 = arith.index_cast %parallel_loop3A_1253 : i32 to index
          %parallel_loop3A_1255 = arith.constant 352 : index
          %parallel_loop3A_1256 = tpu.vector_load %arg10[%parallel_loop3A_1254, %parallel_loop3A_1255] {strides = array<i32>} : memref<64x512xf32, #tpu.memory_space<vmem>>, vector<1x16xf32>,
          %parallel_loop3A_1257 = vector.shape_cast %parallel_loop3A_1256 : vector<1x16xf32> to vector<16xf32>
          %parallel_loop3A_1258 = arith.constant 4 : i32
          %parallel_loop3A_1259 = arith.muli %parallel_loop3A_1258, %parallel_loop3A_349 : i32
          %parallel_loop3A_1260 = arith.constant 1 : i32
          %parallel_loop3A_1261 = arith.addi %parallel_loop3A_1259, %parallel_loop3A_1260 : i32
          %parallel_loop3A_1262 = arith.index_cast %parallel_loop3A_1261 : i32 to index
          %parallel_loop3A_1263 = arith.constant 352 : index
          %parallel_loop3A_1264 = tpu.vector_load %arg10[%parallel_loop3A_1262, %parallel_loop3A_1263] {strides = array<i32>} : memref<64x512xf32, #tpu.memory_space<vmem>>, vector<1x16xf32>,
          %parallel_loop3A_1265 = vector.shape_cast %parallel_loop3A_1264 : vector<1x16xf32> to vector<16xf32>
          %parallel_loop3A_1266 = arith.addf %parallel_loop3A_1257, %parallel_loop3A_1265 : vector<16xf32>
          %parallel_loop3A_1267 = arith.constant 4 : i32
          %parallel_loop3A_1268 = arith.muli %parallel_loop3A_1267, %parallel_loop3A_349 : i32
          %parallel_loop3A_1269 = arith.constant 2 : i32
          %parallel_loop3A_1270 = arith.addi %parallel_loop3A_1268, %parallel_loop3A_1269 : i32
          %parallel_loop3A_1271 = arith.index_cast %parallel_loop3A_1270 : i32 to index
          %parallel_loop3A_1272 = arith.constant 352 : index
          %parallel_loop3A_1273 = tpu.vector_load %arg10[%parallel_loop3A_1271, %parallel_loop3A_1272] {strides = array<i32>} : memref<64x512xf32, #tpu.memory_space<vmem>>, vector<1x16xf32>,
          %parallel_loop3A_1274 = vector.shape_cast %parallel_loop3A_1273 : vector<1x16xf32> to vector<16xf32>
          %parallel_loop3A_1275 = arith.addf %parallel_loop3A_1266, %parallel_loop3A_1274 : vector<16xf32>
          %parallel_loop3A_1276 = arith.constant 4 : i32
          %parallel_loop3A_1277 = arith.muli %parallel_loop3A_1276, %parallel_loop3A_349 : i32
          %parallel_loop3A_1278 = arith.constant 3 : i32
          %parallel_loop3A_1279 = arith.addi %parallel_loop3A_1277, %parallel_loop3A_1278 : i32
          %parallel_loop3A_1280 = arith.index_cast %parallel_loop3A_1279 : i32 to index
          %parallel_loop3A_1281 = arith.constant 352 : index
          %parallel_loop3A_1282 = tpu.vector_load %arg10[%parallel_loop3A_1280, %parallel_loop3A_1281] {strides = array<i32>} : memref<64x512xf32, #tpu.memory_space<vmem>>, vector<1x16xf32>,
          %parallel_loop3A_1283 = vector.shape_cast %parallel_loop3A_1282 : vector<1x16xf32> to vector<16xf32>
          %parallel_loop3A_1284 = arith.addf %parallel_loop3A_1275, %parallel_loop3A_1283 : vector<16xf32>
          %parallel_loop3A_1285 = arith.constant 2.500000e-01 : f32
          %parallel_loop3A_1286 = vector.broadcast %parallel_loop3A_1285 : f32 to vector<16xf32>
          %parallel_loop3A_1287 = arith.mulf %parallel_loop3A_1284, %parallel_loop3A_1286 : vector<16xf32>
          %parallel_loop3A_1288 = arith.index_cast %parallel_loop3A_349 : i32 to index
          %parallel_loop3A_1289 = arith.constant 352 : index
          %parallel_loop3A_1290 = tpu.vector_load %arg13[%parallel_loop3A_1288, %parallel_loop3A_1289] {strides = array<i32>} : memref<16x512xf32, #tpu.memory_space<vmem>>, vector<1x16xf32>,
          %parallel_loop3A_1291 = vector.shape_cast %parallel_loop3A_1290 : vector<1x16xf32> to vector<16xf32>
          %parallel_loop3A_1292 = vector.shape_cast %parallel_loop3A_1287 : vector<16xf32> to vector<1x16xf32>
          tpu.vector_store %arg13[%parallel_loop3A_1288, %parallel_loop3A_1289], %parallel_loop3A_1292 {strides = array<i32>} : memref<16x512xf32, #tpu.memory_space<vmem>>, vector<1x16xf32>,
          %parallel_loop3A_1293 = arith.constant 4 : i32
          %parallel_loop3A_1294 = arith.muli %parallel_loop3A_1293, %parallel_loop3A_349 : i32
          %parallel_loop3A_1295 = arith.index_cast %parallel_loop3A_1294 : i32 to index
          %parallel_loop3A_1296 = arith.constant 368 : index
          %parallel_loop3A_1297 = tpu.vector_load %arg10[%parallel_loop3A_1295, %parallel_loop3A_1296] {strides = array<i32>} : memref<64x512xf32, #tpu.memory_space<vmem>>, vector<1x16xf32>,
          %parallel_loop3A_1298 = vector.shape_cast %parallel_loop3A_1297 : vector<1x16xf32> to vector<16xf32>
          %parallel_loop3A_1299 = arith.constant 4 : i32
          %parallel_loop3A_1300 = arith.muli %parallel_loop3A_1299, %parallel_loop3A_349 : i32
          %parallel_loop3A_1301 = arith.constant 1 : i32
          %parallel_loop3A_1302 = arith.addi %parallel_loop3A_1300, %parallel_loop3A_1301 : i32
          %parallel_loop3A_1303 = arith.index_cast %parallel_loop3A_1302 : i32 to index
          %parallel_loop3A_1304 = arith.constant 368 : index
          %parallel_loop3A_1305 = tpu.vector_load %arg10[%parallel_loop3A_1303, %parallel_loop3A_1304] {strides = array<i32>} : memref<64x512xf32, #tpu.memory_space<vmem>>, vector<1x16xf32>,
          %parallel_loop3A_1306 = vector.shape_cast %parallel_loop3A_1305 : vector<1x16xf32> to vector<16xf32>
          %parallel_loop3A_1307 = arith.addf %parallel_loop3A_1298, %parallel_loop3A_1306 : vector<16xf32>
          %parallel_loop3A_1308 = arith.constant 4 : i32
          %parallel_loop3A_1309 = arith.muli %parallel_loop3A_1308, %parallel_loop3A_349 : i32
          %parallel_loop3A_1310 = arith.constant 2 : i32
          %parallel_loop3A_1311 = arith.addi %parallel_loop3A_1309, %parallel_loop3A_1310 : i32
          %parallel_loop3A_1312 = arith.index_cast %parallel_loop3A_1311 : i32 to index
          %parallel_loop3A_1313 = arith.constant 368 : index
          %parallel_loop3A_1314 = tpu.vector_load %arg10[%parallel_loop3A_1312, %parallel_loop3A_1313] {strides = array<i32>} : memref<64x512xf32, #tpu.memory_space<vmem>>, vector<1x16xf32>,
          %parallel_loop3A_1315 = vector.shape_cast %parallel_loop3A_1314 : vector<1x16xf32> to vector<16xf32>
          %parallel_loop3A_1316 = arith.addf %parallel_loop3A_1307, %parallel_loop3A_1315 : vector<16xf32>
          %parallel_loop3A_1317 = arith.constant 4 : i32
          %parallel_loop3A_1318 = arith.muli %parallel_loop3A_1317, %parallel_loop3A_349 : i32
          %parallel_loop3A_1319 = arith.constant 3 : i32
          %parallel_loop3A_1320 = arith.addi %parallel_loop3A_1318, %parallel_loop3A_1319 : i32
          %parallel_loop3A_1321 = arith.index_cast %parallel_loop3A_1320 : i32 to index
          %parallel_loop3A_1322 = arith.constant 368 : index
          %parallel_loop3A_1323 = tpu.vector_load %arg10[%parallel_loop3A_1321, %parallel_loop3A_1322] {strides = array<i32>} : memref<64x512xf32, #tpu.memory_space<vmem>>, vector<1x16xf32>,
          %parallel_loop3A_1324 = vector.shape_cast %parallel_loop3A_1323 : vector<1x16xf32> to vector<16xf32>
          %parallel_loop3A_1325 = arith.addf %parallel_loop3A_1316, %parallel_loop3A_1324 : vector<16xf32>
          %parallel_loop3A_1326 = arith.constant 2.500000e-01 : f32
          %parallel_loop3A_1327 = vector.broadcast %parallel_loop3A_1326 : f32 to vector<16xf32>
          %parallel_loop3A_1328 = arith.mulf %parallel_loop3A_1325, %parallel_loop3A_1327 : vector<16xf32>
          %parallel_loop3A_1329 = arith.index_cast %parallel_loop3A_349 : i32 to index
          %parallel_loop3A_1330 = arith.constant 368 : index
          %parallel_loop3A_1331 = tpu.vector_load %arg13[%parallel_loop3A_1329, %parallel_loop3A_1330] {strides = array<i32>} : memref<16x512xf32, #tpu.memory_space<vmem>>, vector<1x16xf32>,
          %parallel_loop3A_1332 = vector.shape_cast %parallel_loop3A_1331 : vector<1x16xf32> to vector<16xf32>
          %parallel_loop3A_1333 = vector.shape_cast %parallel_loop3A_1328 : vector<16xf32> to vector<1x16xf32>
          tpu.vector_store %arg13[%parallel_loop3A_1329, %parallel_loop3A_1330], %parallel_loop3A_1333 {strides = array<i32>} : memref<16x512xf32, #tpu.memory_space<vmem>>, vector<1x16xf32>,
          %parallel_loop3A_1334 = arith.constant 4 : i32
          %parallel_loop3A_1335 = arith.muli %parallel_loop3A_1334, %parallel_loop3A_349 : i32
          %parallel_loop3A_1336 = arith.index_cast %parallel_loop3A_1335 : i32 to index
          %parallel_loop3A_1337 = arith.constant 384 : index
          %parallel_loop3A_1338 = tpu.vector_load %arg10[%parallel_loop3A_1336, %parallel_loop3A_1337] {strides = array<i32>} : memref<64x512xf32, #tpu.memory_space<vmem>>, vector<1x16xf32>,
          %parallel_loop3A_1339 = vector.shape_cast %parallel_loop3A_1338 : vector<1x16xf32> to vector<16xf32>
          %parallel_loop3A_1340 = arith.constant 4 : i32
          %parallel_loop3A_1341 = arith.muli %parallel_loop3A_1340, %parallel_loop3A_349 : i32
          %parallel_loop3A_1342 = arith.constant 1 : i32
          %parallel_loop3A_1343 = arith.addi %parallel_loop3A_1341, %parallel_loop3A_1342 : i32
          %parallel_loop3A_1344 = arith.index_cast %parallel_loop3A_1343 : i32 to index
          %parallel_loop3A_1345 = arith.constant 384 : index
          %parallel_loop3A_1346 = tpu.vector_load %arg10[%parallel_loop3A_1344, %parallel_loop3A_1345] {strides = array<i32>} : memref<64x512xf32, #tpu.memory_space<vmem>>, vector<1x16xf32>,
          %parallel_loop3A_1347 = vector.shape_cast %parallel_loop3A_1346 : vector<1x16xf32> to vector<16xf32>
          %parallel_loop3A_1348 = arith.addf %parallel_loop3A_1339, %parallel_loop3A_1347 : vector<16xf32>
          %parallel_loop3A_1349 = arith.constant 4 : i32
          %parallel_loop3A_1350 = arith.muli %parallel_loop3A_1349, %parallel_loop3A_349 : i32
          %parallel_loop3A_1351 = arith.constant 2 : i32
          %parallel_loop3A_1352 = arith.addi %parallel_loop3A_1350, %parallel_loop3A_1351 : i32
          %parallel_loop3A_1353 = arith.index_cast %parallel_loop3A_1352 : i32 to index
          %parallel_loop3A_1354 = arith.constant 384 : index
          %parallel_loop3A_1355 = tpu.vector_load %arg10[%parallel_loop3A_1353, %parallel_loop3A_1354] {strides = array<i32>} : memref<64x512xf32, #tpu.memory_space<vmem>>, vector<1x16xf32>,
          %parallel_loop3A_1356 = vector.shape_cast %parallel_loop3A_1355 : vector<1x16xf32> to vector<16xf32>
          %parallel_loop3A_1357 = arith.addf %parallel_loop3A_1348, %parallel_loop3A_1356 : vector<16xf32>
          %parallel_loop3A_1358 = arith.constant 4 : i32
          %parallel_loop3A_1359 = arith.muli %parallel_loop3A_1358, %parallel_loop3A_349 : i32
          %parallel_loop3A_1360 = arith.constant 3 : i32
          %parallel_loop3A_1361 = arith.addi %parallel_loop3A_1359, %parallel_loop3A_1360 : i32
          %parallel_loop3A_1362 = arith.index_cast %parallel_loop3A_1361 : i32 to index
          %parallel_loop3A_1363 = arith.constant 384 : index
          %parallel_loop3A_1364 = tpu.vector_load %arg10[%parallel_loop3A_1362, %parallel_loop3A_1363] {strides = array<i32>} : memref<64x512xf32, #tpu.memory_space<vmem>>, vector<1x16xf32>,
          %parallel_loop3A_1365 = vector.shape_cast %parallel_loop3A_1364 : vector<1x16xf32> to vector<16xf32>
          %parallel_loop3A_1366 = arith.addf %parallel_loop3A_1357, %parallel_loop3A_1365 : vector<16xf32>
          %parallel_loop3A_1367 = arith.constant 2.500000e-01 : f32
          %parallel_loop3A_1368 = vector.broadcast %parallel_loop3A_1367 : f32 to vector<16xf32>
          %parallel_loop3A_1369 = arith.mulf %parallel_loop3A_1366, %parallel_loop3A_1368 : vector<16xf32>
          %parallel_loop3A_1370 = arith.index_cast %parallel_loop3A_349 : i32 to index
          %parallel_loop3A_1371 = arith.constant 384 : index
          %parallel_loop3A_1372 = tpu.vector_load %arg13[%parallel_loop3A_1370, %parallel_loop3A_1371] {strides = array<i32>} : memref<16x512xf32, #tpu.memory_space<vmem>>, vector<1x16xf32>,
          %parallel_loop3A_1373 = vector.shape_cast %parallel_loop3A_1372 : vector<1x16xf32> to vector<16xf32>
          %parallel_loop3A_1374 = vector.shape_cast %parallel_loop3A_1369 : vector<16xf32> to vector<1x16xf32>
          tpu.vector_store %arg13[%parallel_loop3A_1370, %parallel_loop3A_1371], %parallel_loop3A_1374 {strides = array<i32>} : memref<16x512xf32, #tpu.memory_space<vmem>>, vector<1x16xf32>,
          %parallel_loop3A_1375 = arith.constant 4 : i32
          %parallel_loop3A_1376 = arith.muli %parallel_loop3A_1375, %parallel_loop3A_349 : i32
          %parallel_loop3A_1377 = arith.index_cast %parallel_loop3A_1376 : i32 to index
          %parallel_loop3A_1378 = arith.constant 400 : index
          %parallel_loop3A_1379 = tpu.vector_load %arg10[%parallel_loop3A_1377, %parallel_loop3A_1378] {strides = array<i32>} : memref<64x512xf32, #tpu.memory_space<vmem>>, vector<1x16xf32>,
          %parallel_loop3A_1380 = vector.shape_cast %parallel_loop3A_1379 : vector<1x16xf32> to vector<16xf32>
          %parallel_loop3A_1381 = arith.constant 4 : i32
          %parallel_loop3A_1382 = arith.muli %parallel_loop3A_1381, %parallel_loop3A_349 : i32
          %parallel_loop3A_1383 = arith.constant 1 : i32
          %parallel_loop3A_1384 = arith.addi %parallel_loop3A_1382, %parallel_loop3A_1383 : i32
          %parallel_loop3A_1385 = arith.index_cast %parallel_loop3A_1384 : i32 to index
          %parallel_loop3A_1386 = arith.constant 400 : index
          %parallel_loop3A_1387 = tpu.vector_load %arg10[%parallel_loop3A_1385, %parallel_loop3A_1386] {strides = array<i32>} : memref<64x512xf32, #tpu.memory_space<vmem>>, vector<1x16xf32>,
          %parallel_loop3A_1388 = vector.shape_cast %parallel_loop3A_1387 : vector<1x16xf32> to vector<16xf32>
          %parallel_loop3A_1389 = arith.addf %parallel_loop3A_1380, %parallel_loop3A_1388 : vector<16xf32>
          %parallel_loop3A_1390 = arith.constant 4 : i32
          %parallel_loop3A_1391 = arith.muli %parallel_loop3A_1390, %parallel_loop3A_349 : i32
          %parallel_loop3A_1392 = arith.constant 2 : i32
          %parallel_loop3A_1393 = arith.addi %parallel_loop3A_1391, %parallel_loop3A_1392 : i32
          %parallel_loop3A_1394 = arith.index_cast %parallel_loop3A_1393 : i32 to index
          %parallel_loop3A_1395 = arith.constant 400 : index
          %parallel_loop3A_1396 = tpu.vector_load %arg10[%parallel_loop3A_1394, %parallel_loop3A_1395] {strides = array<i32>} : memref<64x512xf32, #tpu.memory_space<vmem>>, vector<1x16xf32>,
          %parallel_loop3A_1397 = vector.shape_cast %parallel_loop3A_1396 : vector<1x16xf32> to vector<16xf32>
          %parallel_loop3A_1398 = arith.addf %parallel_loop3A_1389, %parallel_loop3A_1397 : vector<16xf32>
          %parallel_loop3A_1399 = arith.constant 4 : i32
          %parallel_loop3A_1400 = arith.muli %parallel_loop3A_1399, %parallel_loop3A_349 : i32
          %parallel_loop3A_1401 = arith.constant 3 : i32
          %parallel_loop3A_1402 = arith.addi %parallel_loop3A_1400, %parallel_loop3A_1401 : i32
          %parallel_loop3A_1403 = arith.index_cast %parallel_loop3A_1402 : i32 to index
          %parallel_loop3A_1404 = arith.constant 400 : index
          %parallel_loop3A_1405 = tpu.vector_load %arg10[%parallel_loop3A_1403, %parallel_loop3A_1404] {strides = array<i32>} : memref<64x512xf32, #tpu.memory_space<vmem>>, vector<1x16xf32>,
          %parallel_loop3A_1406 = vector.shape_cast %parallel_loop3A_1405 : vector<1x16xf32> to vector<16xf32>
          %parallel_loop3A_1407 = arith.addf %parallel_loop3A_1398, %parallel_loop3A_1406 : vector<16xf32>
          %parallel_loop3A_1408 = arith.constant 2.500000e-01 : f32
          %parallel_loop3A_1409 = vector.broadcast %parallel_loop3A_1408 : f32 to vector<16xf32>
          %parallel_loop3A_1410 = arith.mulf %parallel_loop3A_1407, %parallel_loop3A_1409 : vector<16xf32>
          %parallel_loop3A_1411 = arith.index_cast %parallel_loop3A_349 : i32 to index
          %parallel_loop3A_1412 = arith.constant 400 : index
          %parallel_loop3A_1413 = tpu.vector_load %arg13[%parallel_loop3A_1411, %parallel_loop3A_1412] {strides = array<i32>} : memref<16x512xf32, #tpu.memory_space<vmem>>, vector<1x16xf32>,
          %parallel_loop3A_1414 = vector.shape_cast %parallel_loop3A_1413 : vector<1x16xf32> to vector<16xf32>
          %parallel_loop3A_1415 = vector.shape_cast %parallel_loop3A_1410 : vector<16xf32> to vector<1x16xf32>
          tpu.vector_store %arg13[%parallel_loop3A_1411, %parallel_loop3A_1412], %parallel_loop3A_1415 {strides = array<i32>} : memref<16x512xf32, #tpu.memory_space<vmem>>, vector<1x16xf32>,
          %parallel_loop3A_1416 = arith.constant 4 : i32
          %parallel_loop3A_1417 = arith.muli %parallel_loop3A_1416, %parallel_loop3A_349 : i32
          %parallel_loop3A_1418 = arith.index_cast %parallel_loop3A_1417 : i32 to index
          %parallel_loop3A_1419 = arith.constant 416 : index
          %parallel_loop3A_1420 = tpu.vector_load %arg10[%parallel_loop3A_1418, %parallel_loop3A_1419] {strides = array<i32>} : memref<64x512xf32, #tpu.memory_space<vmem>>, vector<1x16xf32>,
          %parallel_loop3A_1421 = vector.shape_cast %parallel_loop3A_1420 : vector<1x16xf32> to vector<16xf32>
          %parallel_loop3A_1422 = arith.constant 4 : i32
          %parallel_loop3A_1423 = arith.muli %parallel_loop3A_1422, %parallel_loop3A_349 : i32
          %parallel_loop3A_1424 = arith.constant 1 : i32
          %parallel_loop3A_1425 = arith.addi %parallel_loop3A_1423, %parallel_loop3A_1424 : i32
          %parallel_loop3A_1426 = arith.index_cast %parallel_loop3A_1425 : i32 to index
          %parallel_loop3A_1427 = arith.constant 416 : index
          %parallel_loop3A_1428 = tpu.vector_load %arg10[%parallel_loop3A_1426, %parallel_loop3A_1427] {strides = array<i32>} : memref<64x512xf32, #tpu.memory_space<vmem>>, vector<1x16xf32>,
          %parallel_loop3A_1429 = vector.shape_cast %parallel_loop3A_1428 : vector<1x16xf32> to vector<16xf32>
          %parallel_loop3A_1430 = arith.addf %parallel_loop3A_1421, %parallel_loop3A_1429 : vector<16xf32>
          %parallel_loop3A_1431 = arith.constant 4 : i32
          %parallel_loop3A_1432 = arith.muli %parallel_loop3A_1431, %parallel_loop3A_349 : i32
          %parallel_loop3A_1433 = arith.constant 2 : i32
          %parallel_loop3A_1434 = arith.addi %parallel_loop3A_1432, %parallel_loop3A_1433 : i32
          %parallel_loop3A_1435 = arith.index_cast %parallel_loop3A_1434 : i32 to index
          %parallel_loop3A_1436 = arith.constant 416 : index
          %parallel_loop3A_1437 = tpu.vector_load %arg10[%parallel_loop3A_1435, %parallel_loop3A_1436] {strides = array<i32>} : memref<64x512xf32, #tpu.memory_space<vmem>>, vector<1x16xf32>,
          %parallel_loop3A_1438 = vector.shape_cast %parallel_loop3A_1437 : vector<1x16xf32> to vector<16xf32>
          %parallel_loop3A_1439 = arith.addf %parallel_loop3A_1430, %parallel_loop3A_1438 : vector<16xf32>
          %parallel_loop3A_1440 = arith.constant 4 : i32
          %parallel_loop3A_1441 = arith.muli %parallel_loop3A_1440, %parallel_loop3A_349 : i32
          %parallel_loop3A_1442 = arith.constant 3 : i32
          %parallel_loop3A_1443 = arith.addi %parallel_loop3A_1441, %parallel_loop3A_1442 : i32
          %parallel_loop3A_1444 = arith.index_cast %parallel_loop3A_1443 : i32 to index
          %parallel_loop3A_1445 = arith.constant 416 : index
          %parallel_loop3A_1446 = tpu.vector_load %arg10[%parallel_loop3A_1444, %parallel_loop3A_1445] {strides = array<i32>} : memref<64x512xf32, #tpu.memory_space<vmem>>, vector<1x16xf32>,
          %parallel_loop3A_1447 = vector.shape_cast %parallel_loop3A_1446 : vector<1x16xf32> to vector<16xf32>
          %parallel_loop3A_1448 = arith.addf %parallel_loop3A_1439, %parallel_loop3A_1447 : vector<16xf32>
          %parallel_loop3A_1449 = arith.constant 2.500000e-01 : f32
          %parallel_loop3A_1450 = vector.broadcast %parallel_loop3A_1449 : f32 to vector<16xf32>
          %parallel_loop3A_1451 = arith.mulf %parallel_loop3A_1448, %parallel_loop3A_1450 : vector<16xf32>
          %parallel_loop3A_1452 = arith.index_cast %parallel_loop3A_349 : i32 to index
          %parallel_loop3A_1453 = arith.constant 416 : index
          %parallel_loop3A_1454 = tpu.vector_load %arg13[%parallel_loop3A_1452, %parallel_loop3A_1453] {strides = array<i32>} : memref<16x512xf32, #tpu.memory_space<vmem>>, vector<1x16xf32>,
          %parallel_loop3A_1455 = vector.shape_cast %parallel_loop3A_1454 : vector<1x16xf32> to vector<16xf32>
          %parallel_loop3A_1456 = vector.shape_cast %parallel_loop3A_1451 : vector<16xf32> to vector<1x16xf32>
          tpu.vector_store %arg13[%parallel_loop3A_1452, %parallel_loop3A_1453], %parallel_loop3A_1456 {strides = array<i32>} : memref<16x512xf32, #tpu.memory_space<vmem>>, vector<1x16xf32>,
          %parallel_loop3A_1457 = arith.constant 4 : i32
          %parallel_loop3A_1458 = arith.muli %parallel_loop3A_1457, %parallel_loop3A_349 : i32
          %parallel_loop3A_1459 = arith.index_cast %parallel_loop3A_1458 : i32 to index
          %parallel_loop3A_1460 = arith.constant 432 : index
          %parallel_loop3A_1461 = tpu.vector_load %arg10[%parallel_loop3A_1459, %parallel_loop3A_1460] {strides = array<i32>} : memref<64x512xf32, #tpu.memory_space<vmem>>, vector<1x16xf32>,
          %parallel_loop3A_1462 = vector.shape_cast %parallel_loop3A_1461 : vector<1x16xf32> to vector<16xf32>
          %parallel_loop3A_1463 = arith.constant 4 : i32
          %parallel_loop3A_1464 = arith.muli %parallel_loop3A_1463, %parallel_loop3A_349 : i32
          %parallel_loop3A_1465 = arith.constant 1 : i32
          %parallel_loop3A_1466 = arith.addi %parallel_loop3A_1464, %parallel_loop3A_1465 : i32
          %parallel_loop3A_1467 = arith.index_cast %parallel_loop3A_1466 : i32 to index
          %parallel_loop3A_1468 = arith.constant 432 : index
          %parallel_loop3A_1469 = tpu.vector_load %arg10[%parallel_loop3A_1467, %parallel_loop3A_1468] {strides = array<i32>} : memref<64x512xf32, #tpu.memory_space<vmem>>, vector<1x16xf32>,
          %parallel_loop3A_1470 = vector.shape_cast %parallel_loop3A_1469 : vector<1x16xf32> to vector<16xf32>
          %parallel_loop3A_1471 = arith.addf %parallel_loop3A_1462, %parallel_loop3A_1470 : vector<16xf32>
          %parallel_loop3A_1472 = arith.constant 4 : i32
          %parallel_loop3A_1473 = arith.muli %parallel_loop3A_1472, %parallel_loop3A_349 : i32
          %parallel_loop3A_1474 = arith.constant 2 : i32
          %parallel_loop3A_1475 = arith.addi %parallel_loop3A_1473, %parallel_loop3A_1474 : i32
          %parallel_loop3A_1476 = arith.index_cast %parallel_loop3A_1475 : i32 to index
          %parallel_loop3A_1477 = arith.constant 432 : index
          %parallel_loop3A_1478 = tpu.vector_load %arg10[%parallel_loop3A_1476, %parallel_loop3A_1477] {strides = array<i32>} : memref<64x512xf32, #tpu.memory_space<vmem>>, vector<1x16xf32>,
          %parallel_loop3A_1479 = vector.shape_cast %parallel_loop3A_1478 : vector<1x16xf32> to vector<16xf32>
          %parallel_loop3A_1480 = arith.addf %parallel_loop3A_1471, %parallel_loop3A_1479 : vector<16xf32>
          %parallel_loop3A_1481 = arith.constant 4 : i32
          %parallel_loop3A_1482 = arith.muli %parallel_loop3A_1481, %parallel_loop3A_349 : i32
          %parallel_loop3A_1483 = arith.constant 3 : i32
          %parallel_loop3A_1484 = arith.addi %parallel_loop3A_1482, %parallel_loop3A_1483 : i32
          %parallel_loop3A_1485 = arith.index_cast %parallel_loop3A_1484 : i32 to index
          %parallel_loop3A_1486 = arith.constant 432 : index
          %parallel_loop3A_1487 = tpu.vector_load %arg10[%parallel_loop3A_1485, %parallel_loop3A_1486] {strides = array<i32>} : memref<64x512xf32, #tpu.memory_space<vmem>>, vector<1x16xf32>,
          %parallel_loop3A_1488 = vector.shape_cast %parallel_loop3A_1487 : vector<1x16xf32> to vector<16xf32>
          %parallel_loop3A_1489 = arith.addf %parallel_loop3A_1480, %parallel_loop3A_1488 : vector<16xf32>
          %parallel_loop3A_1490 = arith.constant 2.500000e-01 : f32
          %parallel_loop3A_1491 = vector.broadcast %parallel_loop3A_1490 : f32 to vector<16xf32>
          %parallel_loop3A_1492 = arith.mulf %parallel_loop3A_1489, %parallel_loop3A_1491 : vector<16xf32>
          %parallel_loop3A_1493 = arith.index_cast %parallel_loop3A_349 : i32 to index
          %parallel_loop3A_1494 = arith.constant 432 : index
          %parallel_loop3A_1495 = tpu.vector_load %arg13[%parallel_loop3A_1493, %parallel_loop3A_1494] {strides = array<i32>} : memref<16x512xf32, #tpu.memory_space<vmem>>, vector<1x16xf32>,
          %parallel_loop3A_1496 = vector.shape_cast %parallel_loop3A_1495 : vector<1x16xf32> to vector<16xf32>
          %parallel_loop3A_1497 = vector.shape_cast %parallel_loop3A_1492 : vector<16xf32> to vector<1x16xf32>
          tpu.vector_store %arg13[%parallel_loop3A_1493, %parallel_loop3A_1494], %parallel_loop3A_1497 {strides = array<i32>} : memref<16x512xf32, #tpu.memory_space<vmem>>, vector<1x16xf32>,
          %parallel_loop3A_1498 = arith.constant 4 : i32
          %parallel_loop3A_1499 = arith.muli %parallel_loop3A_1498, %parallel_loop3A_349 : i32
          %parallel_loop3A_1500 = arith.index_cast %parallel_loop3A_1499 : i32 to index
          %parallel_loop3A_1501 = arith.constant 448 : index
          %parallel_loop3A_1502 = tpu.vector_load %arg10[%parallel_loop3A_1500, %parallel_loop3A_1501] {strides = array<i32>} : memref<64x512xf32, #tpu.memory_space<vmem>>, vector<1x16xf32>,
          %parallel_loop3A_1503 = vector.shape_cast %parallel_loop3A_1502 : vector<1x16xf32> to vector<16xf32>
          %parallel_loop3A_1504 = arith.constant 4 : i32
          %parallel_loop3A_1505 = arith.muli %parallel_loop3A_1504, %parallel_loop3A_349 : i32
          %parallel_loop3A_1506 = arith.constant 1 : i32
          %parallel_loop3A_1507 = arith.addi %parallel_loop3A_1505, %parallel_loop3A_1506 : i32
          %parallel_loop3A_1508 = arith.index_cast %parallel_loop3A_1507 : i32 to index
          %parallel_loop3A_1509 = arith.constant 448 : index
          %parallel_loop3A_1510 = tpu.vector_load %arg10[%parallel_loop3A_1508, %parallel_loop3A_1509] {strides = array<i32>} : memref<64x512xf32, #tpu.memory_space<vmem>>, vector<1x16xf32>,
          %parallel_loop3A_1511 = vector.shape_cast %parallel_loop3A_1510 : vector<1x16xf32> to vector<16xf32>
          %parallel_loop3A_1512 = arith.addf %parallel_loop3A_1503, %parallel_loop3A_1511 : vector<16xf32>
          %parallel_loop3A_1513 = arith.constant 4 : i32
          %parallel_loop3A_1514 = arith.muli %parallel_loop3A_1513, %parallel_loop3A_349 : i32
          %parallel_loop3A_1515 = arith.constant 2 : i32
          %parallel_loop3A_1516 = arith.addi %parallel_loop3A_1514, %parallel_loop3A_1515 : i32
          %parallel_loop3A_1517 = arith.index_cast %parallel_loop3A_1516 : i32 to index
          %parallel_loop3A_1518 = arith.constant 448 : index
          %parallel_loop3A_1519 = tpu.vector_load %arg10[%parallel_loop3A_1517, %parallel_loop3A_1518] {strides = array<i32>} : memref<64x512xf32, #tpu.memory_space<vmem>>, vector<1x16xf32>,
          %parallel_loop3A_1520 = vector.shape_cast %parallel_loop3A_1519 : vector<1x16xf32> to vector<16xf32>
          %parallel_loop3A_1521 = arith.addf %parallel_loop3A_1512, %parallel_loop3A_1520 : vector<16xf32>
          %parallel_loop3A_1522 = arith.constant 4 : i32
          %parallel_loop3A_1523 = arith.muli %parallel_loop3A_1522, %parallel_loop3A_349 : i32
          %parallel_loop3A_1524 = arith.constant 3 : i32
          %parallel_loop3A_1525 = arith.addi %parallel_loop3A_1523, %parallel_loop3A_1524 : i32
          %parallel_loop3A_1526 = arith.index_cast %parallel_loop3A_1525 : i32 to index
          %parallel_loop3A_1527 = arith.constant 448 : index
          %parallel_loop3A_1528 = tpu.vector_load %arg10[%parallel_loop3A_1526, %parallel_loop3A_1527] {strides = array<i32>} : memref<64x512xf32, #tpu.memory_space<vmem>>, vector<1x16xf32>,
          %parallel_loop3A_1529 = vector.shape_cast %parallel_loop3A_1528 : vector<1x16xf32> to vector<16xf32>
          %parallel_loop3A_1530 = arith.addf %parallel_loop3A_1521, %parallel_loop3A_1529 : vector<16xf32>
          %parallel_loop3A_1531 = arith.constant 2.500000e-01 : f32
          %parallel_loop3A_1532 = vector.broadcast %parallel_loop3A_1531 : f32 to vector<16xf32>
          %parallel_loop3A_1533 = arith.mulf %parallel_loop3A_1530, %parallel_loop3A_1532 : vector<16xf32>
          %parallel_loop3A_1534 = arith.index_cast %parallel_loop3A_349 : i32 to index
          %parallel_loop3A_1535 = arith.constant 448 : index
          %parallel_loop3A_1536 = tpu.vector_load %arg13[%parallel_loop3A_1534, %parallel_loop3A_1535] {strides = array<i32>} : memref<16x512xf32, #tpu.memory_space<vmem>>, vector<1x16xf32>,
          %parallel_loop3A_1537 = vector.shape_cast %parallel_loop3A_1536 : vector<1x16xf32> to vector<16xf32>
          %parallel_loop3A_1538 = vector.shape_cast %parallel_loop3A_1533 : vector<16xf32> to vector<1x16xf32>
          tpu.vector_store %arg13[%parallel_loop3A_1534, %parallel_loop3A_1535], %parallel_loop3A_1538 {strides = array<i32>} : memref<16x512xf32, #tpu.memory_space<vmem>>, vector<1x16xf32>,
          %parallel_loop3A_1539 = arith.constant 4 : i32
          %parallel_loop3A_1540 = arith.muli %parallel_loop3A_1539, %parallel_loop3A_349 : i32
          %parallel_loop3A_1541 = arith.index_cast %parallel_loop3A_1540 : i32 to index
          %parallel_loop3A_1542 = arith.constant 464 : index
          %parallel_loop3A_1543 = tpu.vector_load %arg10[%parallel_loop3A_1541, %parallel_loop3A_1542] {strides = array<i32>} : memref<64x512xf32, #tpu.memory_space<vmem>>, vector<1x16xf32>,
          %parallel_loop3A_1544 = vector.shape_cast %parallel_loop3A_1543 : vector<1x16xf32> to vector<16xf32>
          %parallel_loop3A_1545 = arith.constant 4 : i32
          %parallel_loop3A_1546 = arith.muli %parallel_loop3A_1545, %parallel_loop3A_349 : i32
          %parallel_loop3A_1547 = arith.constant 1 : i32
          %parallel_loop3A_1548 = arith.addi %parallel_loop3A_1546, %parallel_loop3A_1547 : i32
          %parallel_loop3A_1549 = arith.index_cast %parallel_loop3A_1548 : i32 to index
          %parallel_loop3A_1550 = arith.constant 464 : index
          %parallel_loop3A_1551 = tpu.vector_load %arg10[%parallel_loop3A_1549, %parallel_loop3A_1550] {strides = array<i32>} : memref<64x512xf32, #tpu.memory_space<vmem>>, vector<1x16xf32>,
          %parallel_loop3A_1552 = vector.shape_cast %parallel_loop3A_1551 : vector<1x16xf32> to vector<16xf32>
          %parallel_loop3A_1553 = arith.addf %parallel_loop3A_1544, %parallel_loop3A_1552 : vector<16xf32>
          %parallel_loop3A_1554 = arith.constant 4 : i32
          %parallel_loop3A_1555 = arith.muli %parallel_loop3A_1554, %parallel_loop3A_349 : i32
          %parallel_loop3A_1556 = arith.constant 2 : i32
          %parallel_loop3A_1557 = arith.addi %parallel_loop3A_1555, %parallel_loop3A_1556 : i32
          %parallel_loop3A_1558 = arith.index_cast %parallel_loop3A_1557 : i32 to index
          %parallel_loop3A_1559 = arith.constant 464 : index
          %parallel_loop3A_1560 = tpu.vector_load %arg10[%parallel_loop3A_1558, %parallel_loop3A_1559] {strides = array<i32>} : memref<64x512xf32, #tpu.memory_space<vmem>>, vector<1x16xf32>,
          %parallel_loop3A_1561 = vector.shape_cast %parallel_loop3A_1560 : vector<1x16xf32> to vector<16xf32>
          %parallel_loop3A_1562 = arith.addf %parallel_loop3A_1553, %parallel_loop3A_1561 : vector<16xf32>
          %parallel_loop3A_1563 = arith.constant 4 : i32
          %parallel_loop3A_1564 = arith.muli %parallel_loop3A_1563, %parallel_loop3A_349 : i32
          %parallel_loop3A_1565 = arith.constant 3 : i32
          %parallel_loop3A_1566 = arith.addi %parallel_loop3A_1564, %parallel_loop3A_1565 : i32
          %parallel_loop3A_1567 = arith.index_cast %parallel_loop3A_1566 : i32 to index
          %parallel_loop3A_1568 = arith.constant 464 : index
          %parallel_loop3A_1569 = tpu.vector_load %arg10[%parallel_loop3A_1567, %parallel_loop3A_1568] {strides = array<i32>} : memref<64x512xf32, #tpu.memory_space<vmem>>, vector<1x16xf32>,
          %parallel_loop3A_1570 = vector.shape_cast %parallel_loop3A_1569 : vector<1x16xf32> to vector<16xf32>
          %parallel_loop3A_1571 = arith.addf %parallel_loop3A_1562, %parallel_loop3A_1570 : vector<16xf32>
          %parallel_loop3A_1572 = arith.constant 2.500000e-01 : f32
          %parallel_loop3A_1573 = vector.broadcast %parallel_loop3A_1572 : f32 to vector<16xf32>
          %parallel_loop3A_1574 = arith.mulf %parallel_loop3A_1571, %parallel_loop3A_1573 : vector<16xf32>
          %parallel_loop3A_1575 = arith.index_cast %parallel_loop3A_349 : i32 to index
          %parallel_loop3A_1576 = arith.constant 464 : index
          %parallel_loop3A_1577 = tpu.vector_load %arg13[%parallel_loop3A_1575, %parallel_loop3A_1576] {strides = array<i32>} : memref<16x512xf32, #tpu.memory_space<vmem>>, vector<1x16xf32>,
          %parallel_loop3A_1578 = vector.shape_cast %parallel_loop3A_1577 : vector<1x16xf32> to vector<16xf32>
          %parallel_loop3A_1579 = vector.shape_cast %parallel_loop3A_1574 : vector<16xf32> to vector<1x16xf32>
          tpu.vector_store %arg13[%parallel_loop3A_1575, %parallel_loop3A_1576], %parallel_loop3A_1579 {strides = array<i32>} : memref<16x512xf32, #tpu.memory_space<vmem>>, vector<1x16xf32>,
          %parallel_loop3A_1580 = arith.constant 4 : i32
          %parallel_loop3A_1581 = arith.muli %parallel_loop3A_1580, %parallel_loop3A_349 : i32
          %parallel_loop3A_1582 = arith.index_cast %parallel_loop3A_1581 : i32 to index
          %parallel_loop3A_1583 = arith.constant 480 : index
          %parallel_loop3A_1584 = tpu.vector_load %arg10[%parallel_loop3A_1582, %parallel_loop3A_1583] {strides = array<i32>} : memref<64x512xf32, #tpu.memory_space<vmem>>, vector<1x16xf32>,
          %parallel_loop3A_1585 = vector.shape_cast %parallel_loop3A_1584 : vector<1x16xf32> to vector<16xf32>
          %parallel_loop3A_1586 = arith.constant 4 : i32
          %parallel_loop3A_1587 = arith.muli %parallel_loop3A_1586, %parallel_loop3A_349 : i32
          %parallel_loop3A_1588 = arith.constant 1 : i32
          %parallel_loop3A_1589 = arith.addi %parallel_loop3A_1587, %parallel_loop3A_1588 : i32
          %parallel_loop3A_1590 = arith.index_cast %parallel_loop3A_1589 : i32 to index
          %parallel_loop3A_1591 = arith.constant 480 : index
          %parallel_loop3A_1592 = tpu.vector_load %arg10[%parallel_loop3A_1590, %parallel_loop3A_1591] {strides = array<i32>} : memref<64x512xf32, #tpu.memory_space<vmem>>, vector<1x16xf32>,
          %parallel_loop3A_1593 = vector.shape_cast %parallel_loop3A_1592 : vector<1x16xf32> to vector<16xf32>
          %parallel_loop3A_1594 = arith.addf %parallel_loop3A_1585, %parallel_loop3A_1593 : vector<16xf32>
          %parallel_loop3A_1595 = arith.constant 4 : i32
          %parallel_loop3A_1596 = arith.muli %parallel_loop3A_1595, %parallel_loop3A_349 : i32
          %parallel_loop3A_1597 = arith.constant 2 : i32
          %parallel_loop3A_1598 = arith.addi %parallel_loop3A_1596, %parallel_loop3A_1597 : i32
          %parallel_loop3A_1599 = arith.index_cast %parallel_loop3A_1598 : i32 to index
          %parallel_loop3A_1600 = arith.constant 480 : index
          %parallel_loop3A_1601 = tpu.vector_load %arg10[%parallel_loop3A_1599, %parallel_loop3A_1600] {strides = array<i32>} : memref<64x512xf32, #tpu.memory_space<vmem>>, vector<1x16xf32>,
          %parallel_loop3A_1602 = vector.shape_cast %parallel_loop3A_1601 : vector<1x16xf32> to vector<16xf32>
          %parallel_loop3A_1603 = arith.addf %parallel_loop3A_1594, %parallel_loop3A_1602 : vector<16xf32>
          %parallel_loop3A_1604 = arith.constant 4 : i32
          %parallel_loop3A_1605 = arith.muli %parallel_loop3A_1604, %parallel_loop3A_349 : i32
          %parallel_loop3A_1606 = arith.constant 3 : i32
          %parallel_loop3A_1607 = arith.addi %parallel_loop3A_1605, %parallel_loop3A_1606 : i32
          %parallel_loop3A_1608 = arith.index_cast %parallel_loop3A_1607 : i32 to index
          %parallel_loop3A_1609 = arith.constant 480 : index
          %parallel_loop3A_1610 = tpu.vector_load %arg10[%parallel_loop3A_1608, %parallel_loop3A_1609] {strides = array<i32>} : memref<64x512xf32, #tpu.memory_space<vmem>>, vector<1x16xf32>,
          %parallel_loop3A_1611 = vector.shape_cast %parallel_loop3A_1610 : vector<1x16xf32> to vector<16xf32>
          %parallel_loop3A_1612 = arith.addf %parallel_loop3A_1603, %parallel_loop3A_1611 : vector<16xf32>
          %parallel_loop3A_1613 = arith.constant 2.500000e-01 : f32
          %parallel_loop3A_1614 = vector.broadcast %parallel_loop3A_1613 : f32 to vector<16xf32>
          %parallel_loop3A_1615 = arith.mulf %parallel_loop3A_1612, %parallel_loop3A_1614 : vector<16xf32>
          %parallel_loop3A_1616 = arith.index_cast %parallel_loop3A_349 : i32 to index
          %parallel_loop3A_1617 = arith.constant 480 : index
          %parallel_loop3A_1618 = tpu.vector_load %arg13[%parallel_loop3A_1616, %parallel_loop3A_1617] {strides = array<i32>} : memref<16x512xf32, #tpu.memory_space<vmem>>, vector<1x16xf32>,
          %parallel_loop3A_1619 = vector.shape_cast %parallel_loop3A_1618 : vector<1x16xf32> to vector<16xf32>
          %parallel_loop3A_1620 = vector.shape_cast %parallel_loop3A_1615 : vector<16xf32> to vector<1x16xf32>
          tpu.vector_store %arg13[%parallel_loop3A_1616, %parallel_loop3A_1617], %parallel_loop3A_1620 {strides = array<i32>} : memref<16x512xf32, #tpu.memory_space<vmem>>, vector<1x16xf32>,
          %parallel_loop3A_1621 = arith.constant 4 : i32
          %parallel_loop3A_1622 = arith.muli %parallel_loop3A_1621, %parallel_loop3A_349 : i32
          %parallel_loop3A_1623 = arith.index_cast %parallel_loop3A_1622 : i32 to index
          %parallel_loop3A_1624 = arith.constant 496 : index
          %parallel_loop3A_1625 = tpu.vector_load %arg10[%parallel_loop3A_1623, %parallel_loop3A_1624] {strides = array<i32>} : memref<64x512xf32, #tpu.memory_space<vmem>>, vector<1x16xf32>,
          %parallel_loop3A_1626 = vector.shape_cast %parallel_loop3A_1625 : vector<1x16xf32> to vector<16xf32>
          %parallel_loop3A_1627 = arith.constant 4 : i32
          %parallel_loop3A_1628 = arith.muli %parallel_loop3A_1627, %parallel_loop3A_349 : i32
          %parallel_loop3A_1629 = arith.constant 1 : i32
          %parallel_loop3A_1630 = arith.addi %parallel_loop3A_1628, %parallel_loop3A_1629 : i32
          %parallel_loop3A_1631 = arith.index_cast %parallel_loop3A_1630 : i32 to index
          %parallel_loop3A_1632 = arith.constant 496 : index
          %parallel_loop3A_1633 = tpu.vector_load %arg10[%parallel_loop3A_1631, %parallel_loop3A_1632] {strides = array<i32>} : memref<64x512xf32, #tpu.memory_space<vmem>>, vector<1x16xf32>,
          %parallel_loop3A_1634 = vector.shape_cast %parallel_loop3A_1633 : vector<1x16xf32> to vector<16xf32>
          %parallel_loop3A_1635 = arith.addf %parallel_loop3A_1626, %parallel_loop3A_1634 : vector<16xf32>
          %parallel_loop3A_1636 = arith.constant 4 : i32
          %parallel_loop3A_1637 = arith.muli %parallel_loop3A_1636, %parallel_loop3A_349 : i32
          %parallel_loop3A_1638 = arith.constant 2 : i32
          %parallel_loop3A_1639 = arith.addi %parallel_loop3A_1637, %parallel_loop3A_1638 : i32
          %parallel_loop3A_1640 = arith.index_cast %parallel_loop3A_1639 : i32 to index
          %parallel_loop3A_1641 = arith.constant 496 : index
          %parallel_loop3A_1642 = tpu.vector_load %arg10[%parallel_loop3A_1640, %parallel_loop3A_1641] {strides = array<i32>} : memref<64x512xf32, #tpu.memory_space<vmem>>, vector<1x16xf32>,
          %parallel_loop3A_1643 = vector.shape_cast %parallel_loop3A_1642 : vector<1x16xf32> to vector<16xf32>
          %parallel_loop3A_1644 = arith.addf %parallel_loop3A_1635, %parallel_loop3A_1643 : vector<16xf32>
          %parallel_loop3A_1645 = arith.constant 4 : i32
          %parallel_loop3A_1646 = arith.muli %parallel_loop3A_1645, %parallel_loop3A_349 : i32
          %parallel_loop3A_1647 = arith.constant 3 : i32
          %parallel_loop3A_1648 = arith.addi %parallel_loop3A_1646, %parallel_loop3A_1647 : i32
          %parallel_loop3A_1649 = arith.index_cast %parallel_loop3A_1648 : i32 to index
          %parallel_loop3A_1650 = arith.constant 496 : index
          %parallel_loop3A_1651 = tpu.vector_load %arg10[%parallel_loop3A_1649, %parallel_loop3A_1650] {strides = array<i32>} : memref<64x512xf32, #tpu.memory_space<vmem>>, vector<1x16xf32>,
          %parallel_loop3A_1652 = vector.shape_cast %parallel_loop3A_1651 : vector<1x16xf32> to vector<16xf32>
          %parallel_loop3A_1653 = arith.addf %parallel_loop3A_1644, %parallel_loop3A_1652 : vector<16xf32>
          %parallel_loop3A_1654 = arith.constant 2.500000e-01 : f32
          %parallel_loop3A_1655 = vector.broadcast %parallel_loop3A_1654 : f32 to vector<16xf32>
          %parallel_loop3A_1656 = arith.mulf %parallel_loop3A_1653, %parallel_loop3A_1655 : vector<16xf32>
          %parallel_loop3A_1657 = arith.index_cast %parallel_loop3A_349 : i32 to index
          %parallel_loop3A_1658 = arith.constant 496 : index
          %parallel_loop3A_1659 = tpu.vector_load %arg13[%parallel_loop3A_1657, %parallel_loop3A_1658] {strides = array<i32>} : memref<16x512xf32, #tpu.memory_space<vmem>>, vector<1x16xf32>,
          %parallel_loop3A_1660 = vector.shape_cast %parallel_loop3A_1659 : vector<1x16xf32> to vector<16xf32>
          %parallel_loop3A_1661 = vector.shape_cast %parallel_loop3A_1656 : vector<16xf32> to vector<1x16xf32>
          tpu.vector_store %arg13[%parallel_loop3A_1657, %parallel_loop3A_1658], %parallel_loop3A_1661 {strides = array<i32>} : memref<16x512xf32, #tpu.memory_space<vmem>>, vector<1x16xf32>,
        } {sc.loop_unroll_factor = 4 : i64, sc.parallel_access}
        %mul3A_340 = arith.constant 20000 : i32
        %mul3A_341 = arith.muli %select_n3A_264, %mul3A_340 : i32
        %add3A_342 = arith.constant 10000 : i32
        %add3A_343 = arith.addi %mul3A_341, %add3A_342 : i32
        %add3A_344 = arith.addi %add3A_343, %mul3A_269 : i32
        %dma_start3A_345 = arith.constant 0 : i32
        %dma_start3A_346 = tpu.memref_slice %arg4[%add3A_344, %dma_start3A_345] : memref<40000x512xf32, #tpu.memory_space<hbm>> -> memref<16x512xf32, #tpu.memory_space<hbm>>
        %dma_start3A_347 = arith.constant 0 : i32
        %dma_start3A_348 = tpu.memref_slice %arg4[%add3A_344, %dma_start3A_347] : memref<40000x512xf32, #tpu.memory_space<hbm>> -> memref<16x512xf32, #tpu.memory_space<hbm>>
        tpu.enqueue_dma source(%arg13 : memref<16x512xf32, #tpu.memory_space<vmem>>) target(%dma_start3A_348 : memref<16x512xf32, #tpu.memory_space<hbm>>) target_semaphore(%arg21 : memref<!tpu.dma_semaphore, #tpu.memory_space<semaphore_mem>>)
      } else {
      }
    }
    %scan3A_163 = arith.constant 20 : i32
    %dma_wait3A_164 = arith.constant 0 : i32
    %dma_wait3A_165 = arith.constant 0 : i32
    %dma_wait3A_166 = arith.constant 0 : i32
    %dma_wait3A_167 = tpu.memref_slice %arg4[%dma_wait3A_165, %dma_wait3A_166] : memref<40000x512xf32, #tpu.memory_space<hbm>> -> memref<16x512xf32, #tpu.memory_space<hbm>>
    %dma_wait3A_168 = arith.constant 0 : i32
    %dma_wait3A_169 = arith.constant 0 : i32
    %dma_wait3A_170 = tpu.memref_slice %arg11[%arg1, %dma_wait3A_164, %dma_wait3A_168, %dma_wait3A_169] : memref<16x2x16x512xf32, #tpu.memory_space<vmem_shared>> -> memref<1x1x16x512xf32, #tpu.memory_space<vmem_shared>>
    %dma_wait3A_171 = tpu.memref_squeeze %dma_wait3A_170 : memref<1x1x16x512xf32, #tpu.memory_space<vmem_shared>> -> memref<16x512xf32, #tpu.memory_space<vmem_shared>>
    tpu.wait_dma2 semaphore(%arg18 : memref<!tpu.dma_semaphore, #tpu.memory_space<semaphore_mem>>) src(%dma_wait3A_171 : memref<16x512xf32, #tpu.memory_space<vmem_shared>>) dst(%dma_wait3A_167 : memref<16x512xf32, #tpu.memory_space<hbm>>)
    %dma_wait3A_172 = arith.constant 0 : i32
    %dma_wait3A_173 = arith.constant 0 : i32
    %dma_wait3A_174 = tpu.memref_slice %arg4[%dma_wait3A_172, %dma_wait3A_173] : memref<40000x512xf32, #tpu.memory_space<hbm>> -> memref<16x512xf32, #tpu.memory_space<hbm>>
    %dma_wait3A_175 = arith.constant 0 : i32
    %dma_wait3A_176 = arith.constant 0 : i32
    %dma_wait3A_177 = tpu.memref_slice %arg4[%dma_wait3A_175, %dma_wait3A_176] : memref<40000x512xf32, #tpu.memory_space<hbm>> -> memref<16x512xf32, #tpu.memory_space<hbm>>
    tpu.wait_dma2 semaphore(%arg20 : memref<!tpu.dma_semaphore, #tpu.memory_space<semaphore_mem>>) src(%arg12 : memref<16x512xf32, #tpu.memory_space<vmem>>) dst(%dma_wait3A_177 : memref<16x512xf32, #tpu.memory_space<hbm>>)
    %dma_wait3A_178 = arith.constant 1 : i32
    %dma_wait3A_179 = arith.constant 0 : i32
    %dma_wait3A_180 = arith.constant 0 : i32
    %dma_wait3A_181 = tpu.memref_slice %arg4[%dma_wait3A_179, %dma_wait3A_180] : memref<40000x512xf32, #tpu.memory_space<hbm>> -> memref<16x512xf32, #tpu.memory_space<hbm>>
    %dma_wait3A_182 = arith.constant 0 : i32
    %dma_wait3A_183 = arith.constant 0 : i32
    %dma_wait3A_184 = tpu.memref_slice %arg11[%arg1, %dma_wait3A_178, %dma_wait3A_182, %dma_wait3A_183] : memref<16x2x16x512xf32, #tpu.memory_space<vmem_shared>> -> memref<1x1x16x512xf32, #tpu.memory_space<vmem_shared>>
    %dma_wait3A_185 = tpu.memref_squeeze %dma_wait3A_184 : memref<1x1x16x512xf32, #tpu.memory_space<vmem_shared>> -> memref<16x512xf32, #tpu.memory_space<vmem_shared>>
    tpu.wait_dma2 semaphore(%arg19 : memref<!tpu.dma_semaphore, #tpu.memory_space<semaphore_mem>>) src(%dma_wait3A_185 : memref<16x512xf32, #tpu.memory_space<vmem_shared>>) dst(%dma_wait3A_181 : memref<16x512xf32, #tpu.memory_space<hbm>>)
    %dma_wait3A_186 = arith.constant 0 : i32
    %dma_wait3A_187 = arith.constant 0 : i32
    %dma_wait3A_188 = tpu.memref_slice %arg4[%dma_wait3A_186, %dma_wait3A_187] : memref<40000x512xf32, #tpu.memory_space<hbm>> -> memref<16x512xf32, #tpu.memory_space<hbm>>
    %dma_wait3A_189 = arith.constant 0 : i32
    %dma_wait3A_190 = arith.constant 0 : i32
    %dma_wait3A_191 = tpu.memref_slice %arg4[%dma_wait3A_189, %dma_wait3A_190] : memref<40000x512xf32, #tpu.memory_space<hbm>> -> memref<16x512xf32, #tpu.memory_space<hbm>>
    tpu.wait_dma2 semaphore(%arg21 : memref<!tpu.dma_semaphore, #tpu.memory_space<semaphore_mem>>) src(%arg13 : memref<16x512xf32, #tpu.memory_space<vmem>>) dst(%dma_wait3A_191 : memref<16x512xf32, #tpu.memory_space<hbm>>)
    return
  }
}

</mosaic_0001>

<sc_bundles>
// kernel: kernel.3.cloned.1.call-start
scs
__scs_entry_jumppad:
0x0: {  	(pc) =	sbr.rel $0x88, $3  }
0x1: {  	(tag) =	ssettag $0x0;
	lr =	simm.s32 $0x1  }
0x2: {  	[smem:$0x3F9F] =	sst lr;
	_ =	strace $0xD0000000  }
0x3: {  	_ = 	snop  }
0x4: {  	_ = 	snop  }
0x5: {  	_ = 	snop  }
0x6: {  	_ = 	snop  }
0x7: {  	_ = 	snop  }
__scs_overlays_trampoline_lowered:
0x8: {  	[smem:$0x3FAE] =	sst s0  }
0x9: {  	[smem:$0x3FAF] =	sst s1  }
0xa: {  	[smem:$0x3FB0] =	sst s2  }
0xb: {  	[smem:$0x3FB1] =	sst s3  }
0xc: {  	[smem:$0x3FB2] =	sst s4  }
0xd: {  	[smem:$0x3FB3] =	sst s5  }
0xe: {  	[smem:$0x3FB4] =	sst s6  }
0xf: {  	[smem:$0x3FB5] =	sst s7  }
0x10: {  	[smem:$0x3FB6] =	sst s8  }
0x11: {  	[smem:$0x3FB7] =	sst s9;
	s0 =	simm.s32 @!p0 $0x0  }
0x12: {  	s1 =	sld [smem:$0x3F9D];
	s0 =	simm.s32 @p0 $0x1  }
0x13: {  	[smem:$0x3FB8] =	sst s0;
	s0 =	simm.s32 @!p1 $0x0  }
0x14: {  	s2 =	sld [smem:$0x3F9C];
	s0 =	simm.s32 @p1 $0x1  }
0x15: {  	[smem:$0x3FB9] =	sst s0;
	s0 =	simm.s32 @!p2 $0x0  }
0x16: {  	s3 =	sld [smem:$0x3FDB];
	s0 =	simm.s32 @p2 $0x1  }
0x17: {  	s4 =	simm.s32 $0x1BF5;
	[smem:$0x3FBB] =	sst s0  }
0x18: {  	s0 =	sld [smem:$0x3F9E];
	_ =	swait.ge [sflag:s4], $0x0  }
0x19: {  	s7 =	sld [smem:$0x3F9F]  }
0x1a: {  	s8 =	sadd.s32 $0xFFFFE003, lr  }
0x1b: {  	s9 =	sadd.s32 $0xFFFFFEF7, lr;
	s5 =	simm.s32 $0xFFFFFFFF;
	p2 =	slt.u32 s8, $0xFFFFF086  }
0x1c: {  	p1 =	slt.u32 s9, $0xF7A;
	s5 =	simm.s32 @!p2 $0x0  }
0x1d: {  	s5 =	simm.s32 @p1 $0x1;
	p0 =	seq.s32 s7, s2  }
0x1e: {  	s7 =	smul.u32 @!p0 $0xF7A, s2;
	p2 =	seq.s32 @!p0 s5, $0x0  }
0x1f: {  	s9 =	smul.u32 $0xF7A, s1;
	s8 =	simm.s32 @!p0 $0x1BF5;
	p2 =	por !p2, p0  }
0x20: {  	[sflag:s8] =	ssyncset.s32 @!p0 $0xFFFFF086;
	s6 =	sadd.s32 @!p0 s3, s7;
	s7 =	simm.s32 @!p0 $0x108  }
0x21: {  	s3 =	sadd.s32 s3, s9;
	s6 =	sadd.s32 @!p0 $0x88, s6;
	s7 =	simm.s32 @p2 $0x1082  }
0x22: {  	[simem:s7], [sflag:s8] =	dma.local @!p0 [hbm:s6], $0xF7A  }
0x23: {  	s9 =	sor.u32 $0xD0000000, s2;
	s6 =	simm.s32 $0x108;
	_ =	swait.ge @!p0 [sflag:s8], $0x0  }
0x24: {  	s3 =	sadd.s32 $0x88, s3;
	s6 =	simm.s32 @!p1 $0x1082;
	[sflag:s4] =	ssyncset.s32 $0xFFFFF086  }
0x25: {  	[simem:s6], [sflag:s4] =	dma.local [hbm:s3], $0xF7A  }
0x26: {  	[smem:$0x3F9F] =	sst s1;
	(tag) =	ssettag s2;
	_ =	strace s9  }
0x27: {  	s1 =	sld [smem:$0x3FAF]  }
0x28: {  	s2 =	sld [smem:$0x3FB0]  }
0x29: {  	s4 =	sld [smem:$0x3FB2]  }
0x2a: {  	p0 =	seq.s32 s5, $0x0;
	s5 =	sld [smem:$0x3FB3]  }
0x2b: {  	s6 =	sld [smem:$0x3FB4]  }
0x2c: {  	s7 =	sld [smem:$0x3FB5]  }
0x2d: {  	s3 =	simm.s32 $0x108;
	s8 =	sld [smem:$0x3FB6]  }
0x2e: {  	s3 =	simm.s32 @!p0 $0x1082;
	s9 =	sld [smem:$0x3FB7]  }
0x2f: {  	lr =	sadd.s32 s0, s3;
	s0 =	sld [smem:$0x3FAE]  }
0x30: {  	s3 =	sld [smem:$0x3FB1]  }
0x31: {  	[smem:$0x3FBA] =	sst s10  }
0x32: {  	s10 =	sld [smem:$0x3FB8];
	_ =	sdelay $0x3  }
0x33: {  	p0 =	seq.s32 s10, $0x1;
	s10 =	sld [smem:$0x3FBA];
	_ =	sdelay $0x3  }
0x34: {  	[smem:$0x3FBA] =	sst s10  }
0x35: {  	s10 =	sld [smem:$0x3FB9];
	_ =	sdelay $0x3  }
0x36: {  	p1 =	seq.s32 s10, $0x1;
	s10 =	sld [smem:$0x3FBA];
	_ =	sdelay $0x3  }
0x37: {  	[smem:$0x3FBA] =	sst s10  }
0x38: {  	s10 =	sld [smem:$0x3FBB]  }
0x39: {  	_ = 	snop;
	(pc) =	sbr.ind lr, $3  }
0x3a: {  	_ = 	snop  }
0x3b: {  	_ = 	snop  }
0x3c: {  	p2 =	seq.s32 s10, $0x1;
	s10 =	sld [smem:$0x3FBA]  }
0x3d: {  	_ =	shalt  }
0x3e: {  	_ =	shalt  }
0x3f: {  	_ =	shalt  }
0x40: {  	_ =	shalt  }
0x41: {  	_ =	shalt  }
0x42: {  	_ =	shalt  }
0x43: {  	_ =	shalt  }
0x44: {  	_ =	shalt  }
0x45: {  	_ =	shalt  }
0x46: {  	_ =	shalt  }
0x47: {  	_ =	shalt  }
0x48: {  	_ =	shalt  }
0x49: {  	_ =	shalt  }
0x4a: {  	_ =	shalt  }
0x4b: {  	_ =	shalt  }
0x4c: {  	_ =	shalt  }
0x4d: {  	_ =	shalt  }
0x4e: {  	_ =	shalt  }
0x4f: {  	_ =	shalt  }
0x50: {  	_ =	shalt  }
0x51: {  	_ =	shalt  }
0x52: {  	_ =	shalt  }
0x53: {  	_ =	shalt  }
0x54: {  	_ =	shalt  }
0x55: {  	_ =	shalt  }
0x56: {  	_ =	shalt  }
0x57: {  	_ =	shalt  }
0x58: {  	_ =	shalt  }
0x59: {  	_ =	shalt  }
0x5a: {  	_ =	shalt  }
0x5b: {  	_ =	shalt  }
0x5c: {  	_ =	shalt  }
0x5d: {  	_ =	shalt  }
0x5e: {  	_ =	shalt  }
0x5f: {  	_ =	shalt  }
0x60: {  	_ =	shalt  }
0x61: {  	_ =	shalt  }
0x62: {  	_ =	shalt  }
0x63: {  	_ =	shalt  }
0x64: {  	_ =	shalt  }
0x65: {  	_ =	shalt  }
0x66: {  	_ =	shalt  }
0x67: {  	_ =	shalt  }
0x68: {  	_ =	shalt  }
0x69: {  	_ =	shalt  }
0x6a: {  	_ =	shalt  }
0x6b: {  	_ =	shalt  }
0x6c: {  	_ =	shalt  }
0x6d: {  	_ =	shalt  }
0x6e: {  	_ =	shalt  }
0x6f: {  	_ =	shalt  }
0x70: {  	_ =	shalt  }
0x71: {  	_ =	shalt  }
0x72: {  	_ =	shalt  }
0x73: {  	_ =	shalt  }
0x74: {  	_ =	shalt  }
0x75: {  	_ =	shalt  }
0x76: {  	_ =	shalt  }
0x77: {  	_ =	shalt  }
0x78: {  	_ =	shalt  }
0x79: {  	_ =	shalt  }
0x7a: {  	_ =	shalt  }
0x7b: {  	_ =	shalt  }
0x7c: {  	_ =	shalt  }
0x7d: {  	_ =	shalt  }
0x7e: {  	_ =	shalt  }
0x7f: {  	_ =	shalt  }
0x80: {  	_ =	shalt  }
0x81: {  	_ =	shalt  }
0x82: {  	_ =	shalt  }
0x83: {  	_ =	shalt  }
0x84: {  	_ =	shalt  }
0x85: {  	_ =	shalt  }
0x86: {  	_ =	shalt  }
0x87: {  	_ =	shalt  }
.Lfunc_end0:
.L_simem_size_0:
called_computation_lowered:
.L_overlay_start_0:
0x88: {  	s2 =	sld [smem:$0x3FD9]  }
0x89: {  	s3 =	sld [smem:$0x3FFE];
	_ =	sdelay $0x1  }
0x8a: {  	s1 =	srdreg.scid  }
0x8b: {  	s0 =	sand.u32 $0x1, s1  }
0x8c: {  	s17 =	sshll.u32 s0, $0xA;
	s2 =	sadd.s32 s3, s2  }
0x8d: {  	s2 =	sadd.s32 s2, s17  }
0x8e: {  	[smem:$0x3FC6] =	sst s2  }
0x8f: {  	_ = 	snop  }
0x90: {  	s2 =	sld [smem:$0x3FC9]  }
0x91: {  	s18 =	sld [smem:$0x3FD0];
	(tm) =	ssettm $0x1  }
0x92: {  	s4 =	sld [smem:$0x3FFB];
	_ =	sdelay $0x3  }
0x93: {  	_ =	strace s4  }
0x94: {  	s4 =	sld [smem:$0x3FFC];
	_ =	sdelay $0x3  }
0x95: {  	_ =	strace s4  }
0x96: {  	s4 =	sld [smem:$0x3FFD];
	_ =	sdelay $0x3  }
0x97: {  	_ =	strace s4  }
0x98: {  	_ =	strace $0x8FFFFFFF  }
0x99: {  	s19 =	sld [smem:$0x3FDB];
	_ =	sdelay $0x1  }
0x9a: {  	s5 =	simm.s32 $_scs_section_size  }
0x9b: {  	s6 =	simm.s32 $_size__tile_overlayer_lowered;
	s7 =	simm.s32 $_tile_overlayer_lowered  }
0x9c: {  	s22 =	simm.s32 $0x1BFF;
	s21 =	sshll.u32 s7, $0x1;
	s4 =	sadd.s32 s5, s19  }
0x9d: {  	s8 =	simm.s32 $0x0;
	s20 =	sshll.u32 s6, $0x1;
	s6 =	sadd.s32 s21, s4  }
0x9e: {  	[timem:s8], [sflag:s22] =	dma.local [hbm:s6], s20  }
0x9f: {  	_ =	swait.ge [sflag:s22], s20  }
0xa0: {  	s5 =	ssub.s32 $0x0, s20;
	[sflag:s22] =	ssyncset.done $0x0  }
0xa1: {  	[sflag:s22] =	ssyncadd.s32 s5;
	_ =	sdelay $0x1  }
0xa2: {  	s23 =	simm.s32 $0x1B8B  }
0xa3: {  	_ =	swait.ge [sflag:s23], $0x1  }
0xa4: {  	[sflag:s23] =	ssyncset.done $0x0  }
0xa5: {  	s25 =	simm.s32 $0x1B8E;
	s24 =	sld [smem:$0x3FFE];
	[sflag:s23] =	ssyncadd.s32 $0xFFFFFFFF  }
0xa6: {  	s26 =	simm.s32 $execute0_lowered;
	[smem:$0x3FD2] =	sst s25  }
0xa7: {  	s6 =	sshll.u32 s26, $0x1;
	_ =	strace $0x80000046;
	[dreg:$0x1] =	wrdreg $0xFFFFFFFF  }
0xa8: {  	s28 =	simm.s32 $_size_execute0_lowered;
	s4 =	sadd.s32 s4, s6;
	[dreg:$0x0] =	wrdreg $0x0  }
0xa9: {  	s6 =	sshll.u32 s28, $0x1;
	[dreg:$0x2] =	wrdreg s4  }
0xaa: {  	[dreg:$0x3] =	wrdreg s6  }
0xab: {  	[dreg:$0x4] =	wrdreg $0xC0  }
0xac: {  	_ =	task [dreg:s8], $0x5FFFF  }
0xad: {  	[dreg:$0x1] =	wrdreg $0xFFFFFFFF  }
0xae: {  	[dreg:$0x0] =	wrdreg $0x60  }
0xaf: {  	[dreg:$0x2] =	wrdreg s2  }
0xb0: {  	[dreg:$0x3] =	wrdreg s24  }
0xb1: {  	[dreg:$0x4] =	wrdreg s18  }
0xb2: {  	[dreg:$0x5] =	wrdreg $0x102000  }
0xb3: {  	[dreg:$0x6] =	wrdreg $0x9  }
0xb4: {  	_ =	task.clear_ibuf [dreg:s8], $0x7FFFF;
	_ =	strace $0x90000046  }
0xb5: {  	s29 =	simm.s32 $0x9;
	_ =	strace $0x80000048  }
0xb6: {  	_ =	swait.ge [sflag:s29], $0x1  }
0xb7: {  	[sflag:s29] =	ssyncadd.s32 $0xFFFFFFFF  }
0xb8: {  	_ =	strace $0x90000048  }
0xb9: {  	_ =	sfence  }
0xba: {  	s30 =	sld [smem:$0x0];
	_ =	sdelay $0x2  }
0xbb: {  	s31 =	sshll.u32 s1, $0xD;
	s1 =	sshrl.u32 s1, $0x2  }
0xbc: {  	s3 =	sand.u32 $0x4000, s31;
	s1 =	sadd.s32 s1, s30  }
0xbd: {  	s0 =	sor.u32 s3, s0;
	s1 =	sshll.u32 s1, $0x11  }
0xbe: {  	s0 =	sor.u32 s1, s0  }
0xbf: {  	s0 =	sadd.s32 $0x8F2B, s0  }
0xc0: {  	[sflag:s0] =	ssyncadd.remote.s32 $0x1  }
0xc1: {  	_ =	sfence.sel $0xFFFF  }
0xc2: {  	[dreg:$0x0] =	wrdreg $0xFFFFFFFF;
	(pc) =	sbr.abs _section_cstart, $3  }
0xc3: {  	[dreg:$0x1] =	wrdreg $0xFFFFFFFF  }
0xc4: {  	_ =	task.clear_ibuf [dreg:s8], $0x2FFFF;
	_ =	strace $0x9FFFFFFF  }
0xc5: {  	(tm) =	ssettm $0x7FFFFFFF  }
tec
execute0_lowered:
.L_overlay_start_1:
0x0: {  	(tag) =	ssettag $0x1  }
0x1: {  	s1 =	rddreg [dreg:$0x0]  }
0x2: {  	s0 =	rddreg [dreg:$0x1]  }
0x3: {  	s3 =	rddreg [dreg:$0x2]  }
0x4: {  	s2 =	rddreg [dreg:$0x3];
	s5 =	srdreg.scid  }
0x5: {  	s9 =	stileid.u32;
	s4 =	simm.s32 $0x0;
	s30 =	simm.s32 $0x4  }
0x6: {  	s31 =	simm.s32 $0x2;
	s5 =	sand.u32 $0x1, s5;
	s6 =	sshll.u32 s9, $0x1  }
0x7: {  	[smem:$0x7FF] =	sst s4;
	s8 =	sadd.s32 $0x400, s0;
	s24 =	sshll.u32 s9, $0xE  }
0x8: {  	s7 =	ssub.s32 $0x2, s5;
	s5 =	sor.u32 s5, s6;
	_ =	strace $0x80000047  }
0x9: {  	s0 =	smov.u32 s8;
	s2 =	sadd.s32 s24, s2;
	s23 =	sshrl.u32 s7, $0x1  }
0xa: {  	s6 =	sshll.u32 s5, $0x3;
	s25 =	sshll.u32 s5, $0xA;
	[dreg:$0x6] =	wrdreg s2  }
.Ltmp0:
0xb: {  	s12 =	sadd.s32 $0x2000, s2;
	s26 =	sadd.s32 s1, s25;
	(pc) =	sbr.rel .LBB2_1-.Ltmp0, $4  }
0xc: {  	s10 =	ssub.s32 s7, s23;
	s11 =	sadd.s32 s8, s6;
	[dreg:$0x7] =	wrdreg s26  }
0xd: {  	v2 =	vlaneseq.u32;
	s8 =	sadd.s32 $0x100, s1;
	[dreg:$0x5] =	wrdreg s11;
	s28 =	sadd.s32 $0x100, s11  }
0xe: {  	vm0 =	vmmov $0xffff;
	v1 =	vshrl.u32 v2, $0x3;
	s25 =	simm.s32 $0x3;
	s29 =	smax.u32 s10, $0x1;
	[dreg:$0x8] =	wrdreg s28  }
0xf: {  	v0 =	vand.u32 $0x7, v2;
	v2 =	vor.u32 $0x8, v2;
	v1 =	vmul.u32 $0x8, v1;
	s7 =	simm.s32 $0x0;
	s26 =	simm.s32 $0x1;
	[dreg:$0x9] =	wrdreg s29  }
.LBB2_13:
0x10: {  	s2 =	simm.s32 $0x5  }
0x11: {  	_ =	swait.ge [sflag:s2], $0x400  }
0x12: {  	[sflag:s2] =	ssyncset.done $0x0  }
0x13: {  	s24 =	simm.s32 $0x7;
	[sflag:s2] =	ssyncadd.s32 $0xFFFFFC00  }
0x14: {  	_ =	swait.ge [sflag:s24], $0x2000  }
0x15: {  	[sflag:s24] =	ssyncset.done $0x0  }
0x16: {  	s28 =	simm.s32 $0x6;
	[sflag:s24] =	ssyncadd.s32 $0xFFFFE000  }
0x17: {  	_ =	swait.ge [sflag:s28], $0x400  }
0x18: {  	[sflag:s28] =	ssyncset.done $0x0  }
0x19: {  	s6 =	simm.s32 $0x8;
	[sflag:s28] =	ssyncadd.s32 $0xFFFFFC00  }
0x1a: {  	_ =	swait.ge [sflag:s6], $0x2000  }
0x1b: {  	s7 =	rddreg [dreg:$0xa]  }
0x1c: {  	s29 =	rddreg [dreg:$0x9];
	s7 =	sadd.s32 $0x1, s7  }
0x1d: {  	p0 =	sne.s32 s7, s29  }
.Ltmp1:
0x1e: {  	_ = 	snop;
	(pc) =	sbr.rel @!p0 .LBB2_14-.Ltmp1, $3  }
0x1f: {  	_ =	sdelay $0x1  }
0x20: {  	[sflag:s6] =	ssyncset.done $0x0  }
0x21: {  	[sflag:s6] =	ssyncadd.s32 $0xFFFFE000  }
.LBB2_1:
0x22: {  	[dreg:$0xa] =	wrdreg s7  }
0x23: {  	s2 =	rddreg [dreg:$0x5];
	s28 =	simm.s32 $0x9  }
0x24: {  	[tilespmem:s4], [sflag:$0x9] =	stream.linear.gather [hbm4b:s2+s4], $0x40, $0x38;
	[tilespmem:$0x18200] =	vst v63  }
0x25: {  	_ =	swait.ge [sflag:s28], $0x40  }
0x26: {  	[sflag:s28] =	ssyncset.done $0x0  }
0x27: {  	[sflag:s28] =	ssyncadd.s32 $0xFFFFFFC0  }
0x28: {  	v3 =	vld [tilespmem:$0x0];
	_ =	sdelay $0x4  }
0x29: {  	v4 =	vshll.u32 v3, $0x2  }
0x2a: {  	v5 =	vand.u32 $0x7, v3;
	v4 =	vand.u32 $0xFFFFFFE0, v4  }
0x2b: {  	v6 =	vld [tilespmem:$0x10];
	v4 =	vor.u32 v5, v4  }
0x2c: {  	v60 =	vld [tilespmem:$0x20];
	v7 =	vperm.xlane v4, v0  }
0x2d: {  	v8 =	vld [tilespmem:$0x30]  }
0x2e: {  	v7 =	vadd.s32 v1, v7  }
0x2f: {  	[tilespmem:$0x100] =	vst v3  }
0x30: {  	[tilespmem:$0x110] =	vst v6;
	v3 =	vperm.xlane v4, v2  }
0x31: {  	[tilespmem:$0x120] =	vst v60  }
0x32: {  	s29 =	simm.s32 $0x200;
	[tilespmem:$0x130] =	vst v8;
	v3 =	vadd.s32 v1, v3  }
0x33: {  	[tilespmem:s29], [sflag:$0x1] =	stream.indirect_vreg.gather [hbm4b:s1+s4], $0x80, v7, vm0, $0xb8;
	[tilespmem:$0x18200] =	vst v63  }
0x34: {  	s6 =	simm.s32 $0xA00  }
0x35: {  	[tilespmem:s6], [sflag:$0x1] =	stream.indirect_vreg.gather [hbm4b:s8+s4], $0x80, v7, vm0, $0xb8;
	[tilespmem:$0x18200] =	vst v63  }
0x36: {  	s7 =	simm.s32 $0x1200  }
0x37: {  	[tilespmem:s7], [sflag:$0x1] =	stream.indirect_vreg.gather [hbm4b:s1+s4], $0x80, v3, vm0, $0xb8;
	[tilespmem:$0x18200] =	vst v63  }
0x38: {  	s9 =	simm.s32 $0x1A00  }
0x39: {  	[tilespmem:s9], [sflag:$0x1] =	stream.indirect_vreg.gather [hbm4b:s8+s4], $0x80, v3, vm0, $0xb8;
	[tilespmem:$0x18200] =	vst v63  }
0x3a: {  	v3 =	vld [tilespmem:$0x110];
	_ =	sdelay $0x4  }
0x3b: {  	v61 =	vshll.u32 v3, $0x2  }
0x3c: {  	v3 =	vand.u32 $0x7, v3;
	v4 =	vand.u32 $0xFFFFFFE0, v61  }
0x3d: {  	v3 =	vor.u32 v3, v4  }
0x3e: {  	v4 =	vperm.xlane v3, v0;
	_ =	sdelay $0x1  }
0x3f: {  	v4 =	vadd.s32 v1, v4;
	_ =	sdelay $0x1  }
0x40: {  	v3 =	vperm.xlane v3, v2;
	_ =	sdelay $0x1  }
0x41: {  	s10 =	simm.s32 $0x2200;
	v3 =	vadd.s32 v1, v3  }
0x42: {  	[tilespmem:s10], [sflag:$0x1] =	stream.indirect_vreg.gather [hbm4b:s1+s4], $0x80, v4, vm0, $0xb8;
	[tilespmem:$0x18200] =	vst v63  }
0x43: {  	s11 =	simm.s32 $0x2A00  }
0x44: {  	[tilespmem:s11], [sflag:$0x1] =	stream.indirect_vreg.gather [hbm4b:s8+s4], $0x80, v4, vm0, $0xb8;
	[tilespmem:$0x18200] =	vst v63  }
0x45: {  	s13 =	simm.s32 $0x3200  }
0x46: {  	[tilespmem:s13], [sflag:$0x1] =	stream.indirect_vreg.gather [hbm4b:s1+s4], $0x80, v3, vm0, $0xb8;
	[tilespmem:$0x18200] =	vst v63  }
0x47: {  	s14 =	simm.s32 $0x3A00  }
0x48: {  	[tilespmem:s14], [sflag:$0x1] =	stream.indirect_vreg.gather [hbm4b:s8+s4], $0x80, v3, vm0, $0xb8;
	[tilespmem:$0x18200] =	vst v63  }
0x49: {  	v3 =	vld [tilespmem:$0x120];
	_ =	sdelay $0x4  }
0x4a: {  	v62 =	vshll.u32 v3, $0x2  }
0x4b: {  	v3 =	vand.u32 $0x7, v3;
	v4 =	vand.u32 $0xFFFFFFE0, v62  }
0x4c: {  	v3 =	vor.u32 v3, v4  }
0x4d: {  	v4 =	vperm.xlane v3, v0;
	_ =	sdelay $0x1  }
0x4e: {  	v4 =	vadd.s32 v1, v4;
	_ =	sdelay $0x1  }
0x4f: {  	v3 =	vperm.xlane v3, v2;
	_ =	sdelay $0x1  }
0x50: {  	s15 =	simm.s32 $0x4200;
	v3 =	vadd.s32 v1, v3  }
0x51: {  	[tilespmem:s15], [sflag:$0x1] =	stream.indirect_vreg.gather [hbm4b:s1+s4], $0x80, v4, vm0, $0xb8;
	[tilespmem:$0x18200] =	vst v63  }
0x52: {  	s16 =	simm.s32 $0x4A00  }
0x53: {  	[tilespmem:s16], [sflag:$0x1] =	stream.indirect_vreg.gather [hbm4b:s8+s4], $0x80, v4, vm0, $0xb8;
	[tilespmem:$0x18200] =	vst v63  }
0x54: {  	s17 =	simm.s32 $0x5200  }
0x55: {  	[tilespmem:s17], [sflag:$0x1] =	stream.indirect_vreg.gather [hbm4b:s1+s4], $0x80, v3, vm0, $0xb8;
	[tilespmem:$0x18200] =	vst v63  }
0x56: {  	s18 =	simm.s32 $0x5A00  }
0x57: {  	[tilespmem:s18], [sflag:$0x1] =	stream.indirect_vreg.gather [hbm4b:s8+s4], $0x80, v3, vm0, $0xb8;
	[tilespmem:$0x18200] =	vst v63  }
0x58: {  	v3 =	vld [tilespmem:$0x130];
	_ =	sdelay $0x4  }
0x59: {  	v63 =	vshll.u32 v3, $0x2  }
0x5a: {  	v3 =	vand.u32 $0x7, v3;
	v4 =	vand.u32 $0xFFFFFFE0, v63  }
0x5b: {  	v3 =	vor.u32 v3, v4  }
0x5c: {  	v4 =	vperm.xlane v3, v0;
	_ =	sdelay $0x1  }
0x5d: {  	v4 =	vadd.s32 v1, v4;
	_ =	sdelay $0x1  }
0x5e: {  	v3 =	vperm.xlane v3, v2;
	_ =	sdelay $0x1  }
0x5f: {  	s19 =	simm.s32 $0x6200;
	s20 =	simm.s32 $0x6A00;
	s23 =	stileid.u32;
	v3 =	vadd.s32 v1, v3  }
0x60: {  	[tilespmem:s19], [sflag:$0x1] =	stream.indirect_vreg.gather [hbm4b:s1+s4], $0x80, v4, vm0, $0xb8;
	[tilespmem:$0x18200] =	vst v63  }
0x61: {  	s21 =	simm.s32 $0x7200;
	s24 =	rddreg [dreg:$0x6];
	s10 =	sshll.u32 s23, $0x6  }
0x62: {  	[tilespmem:s20], [sflag:$0x1] =	stream.indirect_vreg.gather [hbm4b:s8+s4], $0x80, v4, vm0, $0xb8;
	[tilespmem:$0x18200] =	vst v63  }
0x63: {  	s22 =	simm.s32 $0x7A00;
	s28 =	rddreg [dreg:$0x7];
	s6 =	sor.u32 $0x1C03, s10  }
0x64: {  	[tilespmem:s21], [sflag:$0x1] =	stream.indirect_vreg.gather [hbm4b:s1+s4], $0x80, v3, vm0, $0xb8;
	[tilespmem:$0x18200] =	vst v63  }
.Ltmp2:
0x65: {  	[dreg:$0xb] =	wrdreg s6;
	s13 =	sshrl.u32 s24, $0x3;
	(pc) =	sbr.rel .LBB2_2-.Ltmp2, $4  }
0x66: {  	[tilespmem:s22], [sflag:$0x1] =	stream.indirect_vreg.gather [hbm4b:s8+s4], $0x80, v3, vm0, $0xb8;
	[tilespmem:$0x18200] =	vst v63  }
0x67: {  	[spmem:s13], [sflag:s6] =	dma.local [hbm:s28], $0x400  }
0x68: {  	s29 =	simm.s32 $0x80;
	s7 =	simm.s32 $0x0;
	s2 =	rddreg [dreg:$0x8]  }
0x69: {  	[tilespmem:s29], [sflag:$0xA] =	stream.linear.gather [hbm4b:s2+s4], $0x40, $0x38;
	[tilespmem:$0x18200] =	vst v63  }
.LBB2_12:
0x6a: {  	s7 =	sadd.s32 $0x1, s7  }
0x6b: {  	p0 =	sne.s32 s7, $0x14  }
.Ltmp3:
0x6c: {  	_ = 	snop;
	(pc) =	sbr.rel @!p0 .LBB2_13-.Ltmp3, $1  }
0x6d: {  	_ =	sdelay $0x3  }
.LBB2_2:
0x6e: {  	s2 =	sshll.u32 s7, $0x6  }
0x6f: {  	s15 =	sor.u32 s5, s2  }
0x70: {  	s9 =	sor.u32 $0x20, s15  }
0x71: {  	p1 =	sgt.u32 s9, $0x4E1  }
.Ltmp4:
0x72: {  	_ = 	snop;
	(pc) =	sbr.rel @p1 .LBB2_4-.Ltmp4, $2  }
0x73: {  	_ =	sdelay $0x2  }
0x74: {  	p0 =	seq.s32 s7, $0x0  }
0x75: {  	s2 =	simm.s32 @!p0 $0x6  }
0x76: {  	_ =	swait.ge @!p0 [sflag:s2], $0x400  }
0x77: {  	[sflag:s2] =	ssyncset.done @!p0 $0x0  }
0x78: {  	s23 =	simm.s32 $0xA;
	[sflag:s2] =	ssyncadd.s32 @!p0 $0xFFFFFC00  }
0x79: {  	_ =	swait.ge [sflag:s23], $0x40  }
0x7a: {  	[sflag:s23] =	ssyncset.done $0x0  }
0x7b: {  	[sflag:s23] =	ssyncadd.s32 $0xFFFFFFC0  }
0x7c: {  	v3 =	vld [tilespmem:$0x80];
	_ =	sdelay $0x2  }
0x7d: {  	p2 =	sgt.u32 s9, $0x270;
	s2 =	simm.s32 $0x2710  }
0x7e: {  	s2 =	simm.s32 @!p2 $0x0  }
0x7f: {  	v4 =	vadd.s32 s2, v3  }
0x80: {  	v5 =	vshll.u32 v4, $0x2  }
0x81: {  	v6 =	vld [tilespmem:$0x90];
	v3 =	vand.u32 $0x7, v3;
	v5 =	vand.u32 $0xFFFFFFE0, v5  }
0x82: {  	v7 =	vld [tilespmem:$0xA0];
	v3 =	vor.u32 v3, v5  }
0x83: {  	v57 =	vld [tilespmem:$0xB0];
	v8 =	vperm.xlane v3, v0;
	_ =	sdelay $0x1  }
0x84: {  	v8 =	vadd.s32 v1, v8  }
0x85: {  	v58 =	vadd.s32 s2, v6;
	[tilespmem:$0x180] =	vst v4  }
0x86: {  	v59 =	vadd.s32 s2, v7;
	[tilespmem:$0x190] =	vst v58;
	v3 =	vperm.xlane v3, v2  }
0x87: {  	v60 =	vadd.s32 s2, v57;
	[tilespmem:$0x1A0] =	vst v59  }
0x88: {  	s24 =	simm.s32 $0x8200;
	[tilespmem:$0x1B0] =	vst v60;
	v3 =	vadd.s32 v1, v3  }
0x89: {  	[tilespmem:s24], [sflag:$0x2] =	stream.indirect_vreg.gather [hbm4b:s1+s4], $0x80, v8, vm0, $0xb8;
	[tilespmem:$0x18200] =	vst v63  }
0x8a: {  	s28 =	simm.s32 $0x8A00  }
0x8b: {  	[tilespmem:s28], [sflag:$0x2] =	stream.indirect_vreg.gather [hbm4b:s8+s4], $0x80, v8, vm0, $0xb8;
	[tilespmem:$0x18200] =	vst v63  }
0x8c: {  	s29 =	simm.s32 $0x9200  }
0x8d: {  	[tilespmem:s29], [sflag:$0x2] =	stream.indirect_vreg.gather [hbm4b:s1+s4], $0x80, v3, vm0, $0xb8;
	[tilespmem:$0x18200] =	vst v63  }
0x8e: {  	s6 =	simm.s32 $0x9A00  }
0x8f: {  	[tilespmem:s6], [sflag:$0x2] =	stream.indirect_vreg.gather [hbm4b:s8+s4], $0x80, v3, vm0, $0xb8;
	[tilespmem:$0x18200] =	vst v63  }
0x90: {  	v3 =	vld [tilespmem:$0x190];
	_ =	sdelay $0x4  }
0x91: {  	v61 =	vshll.u32 v3, $0x2  }
0x92: {  	v3 =	vand.u32 $0x7, v3;
	v4 =	vand.u32 $0xFFFFFFE0, v61  }
0x93: {  	v3 =	vor.u32 v3, v4  }
0x94: {  	v4 =	vperm.xlane v3, v0;
	_ =	sdelay $0x1  }
0x95: {  	v4 =	vadd.s32 v1, v4;
	_ =	sdelay $0x1  }
0x96: {  	v3 =	vperm.xlane v3, v2;
	_ =	sdelay $0x1  }
0x97: {  	s11 =	simm.s32 $0xA200;
	v3 =	vadd.s32 v1, v3  }
0x98: {  	[tilespmem:s11], [sflag:$0x2] =	stream.indirect_vreg.gather [hbm4b:s1+s4], $0x80, v4, vm0, $0xb8;
	[tilespmem:$0x18200] =	vst v63  }
0x99: {  	s14 =	simm.s32 $0xAA00  }
0x9a: {  	[tilespmem:s14], [sflag:$0x2] =	stream.indirect_vreg.gather [hbm4b:s8+s4], $0x80, v4, vm0, $0xb8;
	[tilespmem:$0x18200] =	vst v63  }
0x9b: {  	s16 =	simm.s32 $0xB200  }
0x9c: {  	[tilespmem:s16], [sflag:$0x2] =	stream.indirect_vreg.gather [hbm4b:s1+s4], $0x80, v3, vm0, $0xb8;
	[tilespmem:$0x18200] =	vst v63  }
0x9d: {  	s17 =	simm.s32 $0xBA00  }
0x9e: {  	[tilespmem:s17], [sflag:$0x2] =	stream.indirect_vreg.gather [hbm4b:s8+s4], $0x80, v3, vm0, $0xb8;
	[tilespmem:$0x18200] =	vst v63  }
0x9f: {  	v3 =	vld [tilespmem:$0x1A0];
	_ =	sdelay $0x4  }
0xa0: {  	v62 =	vshll.u32 v3, $0x2  }
0xa1: {  	v3 =	vand.u32 $0x7, v3;
	v4 =	vand.u32 $0xFFFFFFE0, v62  }
0xa2: {  	v3 =	vor.u32 v3, v4  }
0xa3: {  	v4 =	vperm.xlane v3, v0;
	_ =	sdelay $0x1  }
0xa4: {  	v4 =	vadd.s32 v1, v4;
	_ =	sdelay $0x1  }
0xa5: {  	v3 =	vperm.xlane v3, v2;
	_ =	sdelay $0x1  }
0xa6: {  	s18 =	simm.s32 $0xC200;
	v3 =	vadd.s32 v1, v3  }
0xa7: {  	[tilespmem:s18], [sflag:$0x2] =	stream.indirect_vreg.gather [hbm4b:s1+s4], $0x80, v4, vm0, $0xb8;
	[tilespmem:$0x18200] =	vst v63  }
0xa8: {  	s19 =	simm.s32 $0xCA00  }
0xa9: {  	[tilespmem:s19], [sflag:$0x2] =	stream.indirect_vreg.gather [hbm4b:s8+s4], $0x80, v4, vm0, $0xb8;
	[tilespmem:$0x18200] =	vst v63  }
0xaa: {  	s20 =	simm.s32 $0xD200  }
0xab: {  	[tilespmem:s20], [sflag:$0x2] =	stream.indirect_vreg.gather [hbm4b:s1+s4], $0x80, v3, vm0, $0xb8;
	[tilespmem:$0x18200] =	vst v63  }
0xac: {  	s21 =	simm.s32 $0xDA00  }
0xad: {  	[tilespmem:s21], [sflag:$0x2] =	stream.indirect_vreg.gather [hbm4b:s8+s4], $0x80, v3, vm0, $0xb8;
	[tilespmem:$0x18200] =	vst v63  }
0xae: {  	v3 =	vld [tilespmem:$0x1B0];
	_ =	sdelay $0x4  }
0xaf: {  	v63 =	vshll.u32 v3, $0x2  }
0xb0: {  	v3 =	vand.u32 $0x7, v3;
	v4 =	vand.u32 $0xFFFFFFE0, v63  }
0xb1: {  	v3 =	vor.u32 v3, v4  }
0xb2: {  	v4 =	vperm.xlane v3, v0;
	_ =	sdelay $0x1  }
0xb3: {  	v4 =	vadd.s32 v1, v4  }
0xb4: {  	s2 =	simm.s32 $0x7FD8F  }
0xb5: {  	s2 =	simm.s32 @!p2 $0x0;
	v3 =	vperm.xlane v3, v2  }
0xb6: {  	s22 =	simm.s32 $0xE200;
	s2 =	sadd.s32 s9, s2;
	s6 =	simm.s32 $0x4E2000  }
0xb7: {  	s23 =	simm.s32 $0xEA00;
	s2 =	sshll.u32 s2, $0xD;
	s6 =	simm.s32 @!p2 $0x0;
	v3 =	vadd.s32 v1, v3  }
0xb8: {  	[tilespmem:s22], [sflag:$0x2] =	stream.indirect_vreg.gather [hbm4b:s1+s4], $0x80, v4, vm0, $0xb8;
	[tilespmem:$0x18200] =	vst v63  }
0xb9: {  	s24 =	simm.s32 $0xF200;
	s28 =	simm.s32 $0xFA00;
	s2 =	sadd.s32 s6, s2  }
0xba: {  	[tilespmem:s23], [sflag:$0x2] =	stream.indirect_vreg.gather [hbm4b:s8+s4], $0x80, v4, vm0, $0xb8;
	[tilespmem:$0x18200] =	vst v63  }
0xbb: {  	s29 =	sor.u32 $0x1C04, s10;
	p2 =	sgt.u32 s15, $0x4A1;
	s2 =	sshrl.u32 s2, $0x3  }
0xbc: {  	[tilespmem:s24], [sflag:$0x2] =	stream.indirect_vreg.gather [hbm4b:s1+s4], $0x80, v3, vm0, $0xb8;
	[tilespmem:$0x18200] =	vst v63  }
0xbd: {  	p3 =	sgt.u32 @!p2 s15, $0x230;
	s2 =	sadd.s32 s1, s2;
	s11 =	sshrl.u32 s12, $0x3  }
0xbe: {  	[tilespmem:s28], [sflag:$0x2] =	stream.indirect_vreg.gather [hbm4b:s8+s4], $0x80, v3, vm0, $0xb8;
	[tilespmem:$0x18200] =	vst v63  }
0xbf: {  	[spmem:s11], [sflag:s29] =	dma.local [hbm:s2], $0x400  }
0xc0: {  	p3 =	por !p3, p2;
	s2 =	simm.s32 @!p2 $0x3FFFD8F  }
0xc1: {  	s2 =	simm.s32 @p3 $0x0  }
0xc2: {  	s2 =	sadd.s32 @!p2 s2, s15  }
0xc3: {  	s2 =	sshll.u32 @!p2 s2, $0x3  }
0xc4: {  	s2 =	sadd.s32 @!p2 $0x200, s2  }
0xc5: {  	s2 =	sand.u32 @!p2 $0x1FFFFFF8, s2  }
0xc6: {  	s6 =	simm.s32 @!p2 $0x0;
	s2 =	sadd.s32 @!p2 s0, s2  }
0xc7: {  	[tilespmem:s6], [sflag:$0x9] =	stream.linear.gather @!p2 [hbm4b:s2+s6], $0x40, $0x38;
	[tilespmem:$0x18200] =	vst v63  }
.LBB2_4:
0xc8: {  	s2 =	smulhi.u32 $0x68DB8BAD, s15;
	_ =	sdelay $0x1  }
0xc9: {  	s2 =	sshrl.u32 s2, $0x8  }
0xca: {  	s6 =	smul.u32 $0xFFFFD8F, s2;
	_ =	sdelay $0x1  }
0xcb: {  	s16 =	smul.u32 $0x4E20, s2;
	s6 =	sadd.s32 s15, s6  }
0xcc: {  	s17 =	sshll.u32 s6, $0x4  }
0xcd: {  	_ =	swait.ge [sflag:s25], $0x400;
	s2 =	sadd.s32 s16, s17  }
0xce: {  	[sflag:s25] =	ssyncset.done $0x0;
	s2 =	sshll.u32 s2, $0x6  }
0xcf: {  	s29 =	sor.u32 $0x1C05, s10;
	[sflag:s25] =	ssyncadd.s32 $0xFFFFFC00;
	s2 =	sadd.s32 s3, s2  }
0xd0: {  	[hbm:s2], [sflag:s29] =	dma.local [spmem:s13], $0x400  }
0xd1: {  	_ =	swait.ge [sflag:s26], $0x8000  }
0xd2: {  	[sflag:s26] =	ssyncset.done $0x0  }
0xd3: {  	s2 =	simm.s32 @!p0 $0x7;
	[sflag:s26] =	ssyncadd.s32 $0xFFFF8000  }
0xd4: {  	_ =	swait.ge @!p0 [sflag:s2], $0x2000  }
0xd5: {  	[sflag:s2] =	ssyncset.done @!p0 $0x0  }
0xd6: {  	s18 =	simm.s32 $0x0;
	[sflag:s2] =	ssyncadd.s32 @!p0 $0xFFFFE000  }
.LBB2_5:
0xd7: {  	s2 =	sshll.u32 s18, $0xB  }
0xd8: {  	s19 =	sand.u32 $0x3FFFF800, s2  }
0xd9: {  	v3 =	vld [tilespmem:s19+$0x200]  }
0xda: {  	v4 =	vld [tilespmem:s19+$0x280];
	_ =	sdelay $0x1  }
0xdb: {  	v5 =	vld [tilespmem:s19+$0x300];
	_ =	sdelay $0x1  }
0xdc: {  	v6 =	vld [tilespmem:s19+$0x380]  }
0xdd: {  	v3 =	vadd.f32 v4, v3;
	_ =	sdelay $0x1  }
0xde: {  	v3 =	vadd.f32 v5, v3;
	_ =	sdelay $0x1  }
0xdf: {  	s23 =	sshll.u32 s18, $0x9;
	v3 =	vadd.f32 v6, v3  }
0xe0: {  	s24 =	sshll.u32 s18, $0x7;
	s6 =	sand.u32 $0x1000, s23  }
0xe1: {  	s2 =	sand.u32 $0x200, s24;
	s6 =	sor.u32 $0x14200, s6;
	v3 =	vmul.f32 $2.500000000e-01, v3  }
0xe2: {  	s11 =	sadd.s32 s2, s6  }
0xe3: {  	[tilespmem:s11+$0x0] =	vst v3  }
0xe4: {  	v3 =	vld [tilespmem:s19+$0x210]  }
0xe5: {  	v36 =	vld [tilespmem:s19+$0x290];
	_ =	sdelay $0x1  }
0xe6: {  	v37 =	vld [tilespmem:s19+$0x310];
	_ =	sdelay $0x1  }
0xe7: {  	v38 =	vld [tilespmem:s19+$0x390]  }
0xe8: {  	v3 =	vadd.f32 v36, v3;
	_ =	sdelay $0x1  }
0xe9: {  	v3 =	vadd.f32 v37, v3;
	_ =	sdelay $0x1  }
0xea: {  	v3 =	vadd.f32 v38, v3;
	_ =	sdelay $0x1  }
0xeb: {  	v3 =	vmul.f32 $2.500000000e-01, v3;
	_ =	sdelay $0x1  }
0xec: {  	[tilespmem:s11+$0x10] =	vst v3  }
0xed: {  	v3 =	vld [tilespmem:s19+$0x220]  }
0xee: {  	v39 =	vld [tilespmem:s19+$0x2A0];
	_ =	sdelay $0x1  }
0xef: {  	v40 =	vld [tilespmem:s19+$0x320];
	_ =	sdelay $0x1  }
0xf0: {  	v41 =	vld [tilespmem:s19+$0x3A0]  }
0xf1: {  	v3 =	vadd.f32 v39, v3;
	_ =	sdelay $0x1  }
0xf2: {  	v3 =	vadd.f32 v40, v3;
	_ =	sdelay $0x1  }
0xf3: {  	v3 =	vadd.f32 v41, v3;
	_ =	sdelay $0x1  }
0xf4: {  	v3 =	vmul.f32 $2.500000000e-01, v3;
	_ =	sdelay $0x1  }
0xf5: {  	[tilespmem:s11+$0x20] =	vst v3  }
0xf6: {  	v3 =	vld [tilespmem:s19+$0x230]  }
0xf7: {  	v42 =	vld [tilespmem:s19+$0x2B0];
	_ =	sdelay $0x1  }
0xf8: {  	v43 =	vld [tilespmem:s19+$0x330];
	_ =	sdelay $0x1  }
0xf9: {  	v44 =	vld [tilespmem:s19+$0x3B0]  }
0xfa: {  	v3 =	vadd.f32 v42, v3;
	_ =	sdelay $0x1  }
0xfb: {  	v3 =	vadd.f32 v43, v3;
	_ =	sdelay $0x1  }
0xfc: {  	v3 =	vadd.f32 v44, v3;
	_ =	sdelay $0x1  }
0xfd: {  	v3 =	vmul.f32 $2.500000000e-01, v3;
	_ =	sdelay $0x1  }
0xfe: {  	[tilespmem:s11+$0x30] =	vst v3  }
0xff: {  	v3 =	vld [tilespmem:s19+$0x240]  }
0x100: {  	v45 =	vld [tilespmem:s19+$0x2C0];
	_ =	sdelay $0x1  }
0x101: {  	v46 =	vld [tilespmem:s19+$0x340];
	_ =	sdelay $0x1  }
0x102: {  	v47 =	vld [tilespmem:s19+$0x3C0]  }
0x103: {  	v3 =	vadd.f32 v45, v3;
	_ =	sdelay $0x1  }
0x104: {  	v3 =	vadd.f32 v46, v3;
	_ =	sdelay $0x1  }
0x105: {  	v3 =	vadd.f32 v47, v3;
	_ =	sdelay $0x1  }
0x106: {  	v3 =	vmul.f32 $2.500000000e-01, v3;
	_ =	sdelay $0x1  }
0x107: {  	[tilespmem:s11+$0x40] =	vst v3  }
0x108: {  	v3 =	vld [tilespmem:s19+$0x250]  }
0x109: {  	v48 =	vld [tilespmem:s19+$0x2D0];
	_ =	sdelay $0x1  }
0x10a: {  	v49 =	vld [tilespmem:s19+$0x350];
	_ =	sdelay $0x1  }
0x10b: {  	v50 =	vld [tilespmem:s19+$0x3D0]  }
0x10c: {  	v3 =	vadd.f32 v48, v3;
	_ =	sdelay $0x1  }
0x10d: {  	v3 =	vadd.f32 v49, v3;
	_ =	sdelay $0x1  }
0x10e: {  	v3 =	vadd.f32 v50, v3;
	_ =	sdelay $0x1  }
0x10f: {  	v3 =	vmul.f32 $2.500000000e-01, v3;
	_ =	sdelay $0x1  }
0x110: {  	[tilespmem:s11+$0x50] =	vst v3  }
0x111: {  	v3 =	vld [tilespmem:s19+$0x260]  }
0x112: {  	v51 =	vld [tilespmem:s19+$0x2E0];
	_ =	sdelay $0x1  }
0x113: {  	v52 =	vld [tilespmem:s19+$0x360];
	_ =	sdelay $0x1  }
0x114: {  	v53 =	vld [tilespmem:s19+$0x3E0]  }
0x115: {  	v3 =	vadd.f32 v51, v3;
	_ =	sdelay $0x1  }
0x116: {  	v3 =	vadd.f32 v52, v3;
	_ =	sdelay $0x1  }
0x117: {  	v3 =	vadd.f32 v53, v3;
	_ =	sdelay $0x1  }
0x118: {  	v3 =	vmul.f32 $2.500000000e-01, v3;
	_ =	sdelay $0x1  }
0x119: {  	[tilespmem:s11+$0x60] =	vst v3  }
0x11a: {  	v3 =	vld [tilespmem:s19+$0x270]  }
0x11b: {  	v54 =	vld [tilespmem:s19+$0x2F0];
	_ =	sdelay $0x1  }
0x11c: {  	v55 =	vld [tilespmem:s19+$0x370];
	_ =	sdelay $0x1  }
0x11d: {  	v56 =	vld [tilespmem:s19+$0x3F0]  }
0x11e: {  	v3 =	vadd.f32 v54, v3;
	_ =	sdelay $0x1  }
0x11f: {  	v3 =	vadd.f32 v55, v3;
	_ =	sdelay $0x1  }
0x120: {  	v3 =	vadd.f32 v56, v3;
	_ =	sdelay $0x1  }
0x121: {  	v3 =	vmul.f32 $2.500000000e-01, v3;
	_ =	sdelay $0x1  }
0x122: {  	[tilespmem:s11+$0x70] =	vst v3  }
0x123: {  	v3 =	vld [tilespmem:s19+$0x600]  }
0x124: {  	v57 =	vld [tilespmem:s19+$0x680];
	_ =	sdelay $0x1  }
0x125: {  	v58 =	vld [tilespmem:s19+$0x700];
	_ =	sdelay $0x1  }
0x126: {  	v59 =	vld [tilespmem:s19+$0x780]  }
0x127: {  	v3 =	vadd.f32 v57, v3;
	_ =	sdelay $0x1  }
0x128: {  	v3 =	vadd.f32 v58, v3;
	_ =	sdelay $0x1  }
0x129: {  	v3 =	vadd.f32 v59, v3;
	_ =	sdelay $0x1  }
0x12a: {  	v3 =	vmul.f32 $2.500000000e-01, v3;
	_ =	sdelay $0x1  }
0x12b: {  	[tilespmem:s11+$0x400] =	vst v3  }
0x12c: {  	v3 =	vld [tilespmem:s19+$0x610]  }
0x12d: {  	v60 =	vld [tilespmem:s19+$0x690];
	_ =	sdelay $0x1  }
0x12e: {  	v61 =	vld [tilespmem:s19+$0x710];
	_ =	sdelay $0x1  }
0x12f: {  	v62 =	vld [tilespmem:s19+$0x790]  }
0x130: {  	v3 =	vadd.f32 v60, v3;
	_ =	sdelay $0x1  }
0x131: {  	v3 =	vadd.f32 v61, v3;
	_ =	sdelay $0x1  }
0x132: {  	v3 =	vadd.f32 v62, v3;
	_ =	sdelay $0x1  }
0x133: {  	v3 =	vmul.f32 $2.500000000e-01, v3;
	_ =	sdelay $0x1  }
0x134: {  	[tilespmem:s11+$0x410] =	vst v3  }
0x135: {  	v3 =	vld [tilespmem:s19+$0x620]  }
0x136: {  	v63 =	vld [tilespmem:s19+$0x6A0];
	_ =	sdelay $0x1  }
0x137: {  	v9 =	vld [tilespmem:s19+$0x720];
	_ =	sdelay $0x1  }
0x138: {  	v10 =	vld [tilespmem:s19+$0x7A0]  }
0x139: {  	v3 =	vadd.f32 v63, v3;
	_ =	sdelay $0x1  }
0x13a: {  	v3 =	vadd.f32 v9, v3;
	_ =	sdelay $0x1  }
0x13b: {  	v3 =	vadd.f32 v10, v3;
	_ =	sdelay $0x1  }
0x13c: {  	v3 =	vmul.f32 $2.500000000e-01, v3;
	_ =	sdelay $0x1  }
0x13d: {  	[tilespmem:s11+$0x420] =	vst v3  }
0x13e: {  	v3 =	vld [tilespmem:s19+$0x630]  }
0x13f: {  	v11 =	vld [tilespmem:s19+$0x6B0];
	_ =	sdelay $0x1  }
0x140: {  	v12 =	vld [tilespmem:s19+$0x730];
	_ =	sdelay $0x1  }
0x141: {  	v13 =	vld [tilespmem:s19+$0x7B0]  }
0x142: {  	v3 =	vadd.f32 v11, v3;
	_ =	sdelay $0x1  }
0x143: {  	v3 =	vadd.f32 v12, v3;
	_ =	sdelay $0x1  }
0x144: {  	v3 =	vadd.f32 v13, v3;
	_ =	sdelay $0x1  }
0x145: {  	v3 =	vmul.f32 $2.500000000e-01, v3;
	_ =	sdelay $0x1  }
0x146: {  	[tilespmem:s11+$0x430] =	vst v3  }
0x147: {  	v3 =	vld [tilespmem:s19+$0x640]  }
0x148: {  	v14 =	vld [tilespmem:s19+$0x6C0];
	_ =	sdelay $0x1  }
0x149: {  	v15 =	vld [tilespmem:s19+$0x740];
	_ =	sdelay $0x1  }
0x14a: {  	v16 =	vld [tilespmem:s19+$0x7C0]  }
0x14b: {  	v3 =	vadd.f32 v14, v3;
	_ =	sdelay $0x1  }
0x14c: {  	v3 =	vadd.f32 v15, v3;
	_ =	sdelay $0x1  }
0x14d: {  	v3 =	vadd.f32 v16, v3;
	_ =	sdelay $0x1  }
0x14e: {  	v3 =	vmul.f32 $2.500000000e-01, v3;
	_ =	sdelay $0x1  }
0x14f: {  	[tilespmem:s11+$0x440] =	vst v3  }
0x150: {  	v3 =	vld [tilespmem:s19+$0x650]  }
0x151: {  	v17 =	vld [tilespmem:s19+$0x6D0];
	_ =	sdelay $0x1  }
0x152: {  	v18 =	vld [tilespmem:s19+$0x750];
	_ =	sdelay $0x1  }
0x153: {  	v19 =	vld [tilespmem:s19+$0x7D0]  }
0x154: {  	v3 =	vadd.f32 v17, v3;
	_ =	sdelay $0x1  }
0x155: {  	v3 =	vadd.f32 v18, v3;
	_ =	sdelay $0x1  }
0x156: {  	v3 =	vadd.f32 v19, v3;
	_ =	sdelay $0x1  }
0x157: {  	v3 =	vmul.f32 $2.500000000e-01, v3;
	_ =	sdelay $0x1  }
0x158: {  	[tilespmem:s11+$0x450] =	vst v3  }
0x159: {  	v3 =	vld [tilespmem:s19+$0x660]  }
0x15a: {  	v20 =	vld [tilespmem:s19+$0x6E0];
	_ =	sdelay $0x1  }
0x15b: {  	v21 =	vld [tilespmem:s19+$0x760];
	_ =	sdelay $0x1  }
0x15c: {  	v22 =	vld [tilespmem:s19+$0x7E0]  }
0x15d: {  	v3 =	vadd.f32 v20, v3;
	_ =	sdelay $0x1  }
0x15e: {  	v3 =	vadd.f32 v21, v3;
	_ =	sdelay $0x1  }
0x15f: {  	v3 =	vadd.f32 v22, v3;
	_ =	sdelay $0x1  }
0x160: {  	v3 =	vmul.f32 $2.500000000e-01, v3;
	_ =	sdelay $0x1  }
0x161: {  	[tilespmem:s11+$0x460] =	vst v3  }
0x162: {  	v3 =	vld [tilespmem:s19+$0x670]  }
0x163: {  	v23 =	vld [tilespmem:s19+$0x6F0];
	_ =	sdelay $0x1  }
0x164: {  	v24 =	vld [tilespmem:s19+$0x770];
	_ =	sdelay $0x1  }
0x165: {  	v25 =	vld [tilespmem:s19+$0x7F0]  }
0x166: {  	v3 =	vadd.f32 v23, v3;
	_ =	sdelay $0x1  }
0x167: {  	v3 =	vadd.f32 v24, v3;
	_ =	sdelay $0x1  }
0x168: {  	v3 =	vadd.f32 v25, v3;
	_ =	sdelay $0x1  }
0x169: {  	v3 =	vmul.f32 $2.500000000e-01, v3;
	_ =	sdelay $0x1  }
0x16a: {  	[tilespmem:s11+$0x470] =	vst v3  }
0x16b: {  	v3 =	vld [tilespmem:s19+$0xA00]  }
0x16c: {  	v26 =	vld [tilespmem:s19+$0xA80];
	_ =	sdelay $0x1  }
0x16d: {  	v27 =	vld [tilespmem:s19+$0xB00];
	_ =	sdelay $0x1  }
0x16e: {  	v28 =	vld [tilespmem:s19+$0xB80]  }
0x16f: {  	v3 =	vadd.f32 v26, v3;
	_ =	sdelay $0x1  }
0x170: {  	v3 =	vadd.f32 v27, v3;
	_ =	sdelay $0x1  }
0x171: {  	v3 =	vadd.f32 v28, v3;
	_ =	sdelay $0x1  }
0x172: {  	s20 =	sor.u32 s23, s2;
	v3 =	vmul.f32 $2.500000000e-01, v3  }
0x173: {  	s28 =	sor.u32 $0x800, s20  }
0x174: {  	[tilespmem:s28+$0x14200] =	vst v3  }
0x175: {  	v3 =	vld [tilespmem:s19+$0xA10]  }
0x176: {  	v29 =	vld [tilespmem:s19+$0xA90];
	_ =	sdelay $0x1  }
0x177: {  	v30 =	vld [tilespmem:s19+$0xB10];
	_ =	sdelay $0x1  }
0x178: {  	v31 =	vld [tilespmem:s19+$0xB90]  }
0x179: {  	v3 =	vadd.f32 v29, v3;
	_ =	sdelay $0x1  }
0x17a: {  	v3 =	vadd.f32 v30, v3;
	_ =	sdelay $0x1  }
0x17b: {  	v3 =	vadd.f32 v31, v3;
	_ =	sdelay $0x1  }
0x17c: {  	v3 =	vmul.f32 $2.500000000e-01, v3  }
0x17d: {  	s29 =	sor.u32 $0x810, s20  }
0x17e: {  	[tilespmem:s29+$0x14200] =	vst v3  }
0x17f: {  	v3 =	vld [tilespmem:s19+$0xA20]  }
0x180: {  	v32 =	vld [tilespmem:s19+$0xAA0];
	_ =	sdelay $0x1  }
0x181: {  	v33 =	vld [tilespmem:s19+$0xB20];
	_ =	sdelay $0x1  }
0x182: {  	v34 =	vld [tilespmem:s19+$0xBA0]  }
0x183: {  	v3 =	vadd.f32 v32, v3;
	_ =	sdelay $0x1  }
0x184: {  	v3 =	vadd.f32 v33, v3;
	_ =	sdelay $0x1  }
0x185: {  	v3 =	vadd.f32 v34, v3;
	_ =	sdelay $0x1  }
0x186: {  	v3 =	vmul.f32 $2.500000000e-01, v3  }
0x187: {  	s14 =	sor.u32 $0x820, s20  }
0x188: {  	[tilespmem:s14+$0x14200] =	vst v3  }
0x189: {  	v3 =	vld [tilespmem:s19+$0xA30]  }
0x18a: {  	v35 =	vld [tilespmem:s19+$0xAB0];
	_ =	sdelay $0x1  }
0x18b: {  	v36 =	vld [tilespmem:s19+$0xB30];
	_ =	sdelay $0x1  }
0x18c: {  	v37 =	vld [tilespmem:s19+$0xBB0]  }
0x18d: {  	v3 =	vadd.f32 v35, v3;
	_ =	sdelay $0x1  }
0x18e: {  	v3 =	vadd.f32 v36, v3;
	_ =	sdelay $0x1  }
0x18f: {  	v3 =	vadd.f32 v37, v3;
	_ =	sdelay $0x1  }
0x190: {  	v3 =	vmul.f32 $2.500000000e-01, v3  }
0x191: {  	s21 =	sor.u32 $0x830, s20  }
0x192: {  	[tilespmem:s21+$0x14200] =	vst v3  }
0x193: {  	v3 =	vld [tilespmem:s19+$0xA40]  }
0x194: {  	v38 =	vld [tilespmem:s19+$0xAC0];
	_ =	sdelay $0x1  }
0x195: {  	v39 =	vld [tilespmem:s19+$0xB40];
	_ =	sdelay $0x1  }
0x196: {  	v40 =	vld [tilespmem:s19+$0xBC0]  }
0x197: {  	v3 =	vadd.f32 v38, v3;
	_ =	sdelay $0x1  }
0x198: {  	v3 =	vadd.f32 v39, v3;
	_ =	sdelay $0x1  }
0x199: {  	v3 =	vadd.f32 v40, v3;
	_ =	sdelay $0x1  }
0x19a: {  	v3 =	vmul.f32 $2.500000000e-01, v3  }
0x19b: {  	s22 =	sor.u32 $0x840, s20  }
0x19c: {  	[tilespmem:s22+$0x14200] =	vst v3  }
0x19d: {  	v3 =	vld [tilespmem:s19+$0xA50]  }
0x19e: {  	v41 =	vld [tilespmem:s19+$0xAD0];
	_ =	sdelay $0x1  }
0x19f: {  	v42 =	vld [tilespmem:s19+$0xB50];
	_ =	sdelay $0x1  }
0x1a0: {  	v43 =	vld [tilespmem:s19+$0xBD0]  }
0x1a1: {  	v3 =	vadd.f32 v41, v3;
	_ =	sdelay $0x1  }
0x1a2: {  	v3 =	vadd.f32 v42, v3;
	_ =	sdelay $0x1  }
0x1a3: {  	v3 =	vadd.f32 v43, v3;
	_ =	sdelay $0x1  }
0x1a4: {  	v3 =	vmul.f32 $2.500000000e-01, v3  }
0x1a5: {  	s24 =	sor.u32 $0x850, s20  }
0x1a6: {  	[tilespmem:s24+$0x14200] =	vst v3  }
0x1a7: {  	v3 =	vld [tilespmem:s19+$0xA60]  }
0x1a8: {  	v44 =	vld [tilespmem:s19+$0xAE0];
	_ =	sdelay $0x1  }
0x1a9: {  	v45 =	vld [tilespmem:s19+$0xB60];
	_ =	sdelay $0x1  }
0x1aa: {  	v46 =	vld [tilespmem:s19+$0xBE0]  }
0x1ab: {  	v3 =	vadd.f32 v44, v3;
	_ =	sdelay $0x1  }
0x1ac: {  	v3 =	vadd.f32 v45, v3;
	_ =	sdelay $0x1  }
0x1ad: {  	v3 =	vadd.f32 v46, v3;
	_ =	sdelay $0x1  }
0x1ae: {  	v3 =	vmul.f32 $2.500000000e-01, v3  }
0x1af: {  	s28 =	sor.u32 $0x860, s20  }
0x1b0: {  	[tilespmem:s28+$0x14200] =	vst v3  }
0x1b1: {  	v3 =	vld [tilespmem:s19+$0xA70]  }
0x1b2: {  	v47 =	vld [tilespmem:s19+$0xAF0];
	_ =	sdelay $0x1  }
0x1b3: {  	v48 =	vld [tilespmem:s19+$0xB70];
	_ =	sdelay $0x1  }
0x1b4: {  	v49 =	vld [tilespmem:s19+$0xBF0]  }
0x1b5: {  	v3 =	vadd.f32 v47, v3;
	_ =	sdelay $0x1  }
0x1b6: {  	v3 =	vadd.f32 v48, v3;
	_ =	sdelay $0x1  }
0x1b7: {  	v3 =	vadd.f32 v49, v3;
	_ =	sdelay $0x1  }
0x1b8: {  	v3 =	vmul.f32 $2.500000000e-01, v3  }
0x1b9: {  	s29 =	sor.u32 $0x870, s20  }
0x1ba: {  	[tilespmem:s29+$0x14200] =	vst v3  }
0x1bb: {  	v3 =	vld [tilespmem:s19+$0xE00]  }
0x1bc: {  	v50 =	vld [tilespmem:s19+$0xE80];
	_ =	sdelay $0x1  }
0x1bd: {  	v51 =	vld [tilespmem:s19+$0xF00];
	_ =	sdelay $0x1  }
0x1be: {  	v52 =	vld [tilespmem:s19+$0xF80]  }
0x1bf: {  	v3 =	vadd.f32 v50, v3;
	_ =	sdelay $0x1  }
0x1c0: {  	v3 =	vadd.f32 v51, v3;
	_ =	sdelay $0x1  }
0x1c1: {  	v3 =	vadd.f32 v52, v3;
	_ =	sdelay $0x1  }
0x1c2: {  	v3 =	vmul.f32 $2.500000000e-01, v3  }
0x1c3: {  	s14 =	sor.u32 $0xC00, s20  }
0x1c4: {  	[tilespmem:s14+$0x14200] =	vst v3  }
0x1c5: {  	v3 =	vld [tilespmem:s19+$0xE10]  }
0x1c6: {  	v53 =	vld [tilespmem:s19+$0xE90];
	_ =	sdelay $0x1  }
0x1c7: {  	v54 =	vld [tilespmem:s19+$0xF10];
	_ =	sdelay $0x1  }
0x1c8: {  	v55 =	vld [tilespmem:s19+$0xF90]  }
0x1c9: {  	v3 =	vadd.f32 v53, v3;
	_ =	sdelay $0x1  }
0x1ca: {  	v3 =	vadd.f32 v54, v3;
	_ =	sdelay $0x1  }
0x1cb: {  	v3 =	vadd.f32 v55, v3;
	_ =	sdelay $0x1  }
0x1cc: {  	v3 =	vmul.f32 $2.500000000e-01, v3  }
0x1cd: {  	s21 =	sor.u32 $0xC10, s20  }
0x1ce: {  	[tilespmem:s21+$0x14200] =	vst v3  }
0x1cf: {  	v3 =	vld [tilespmem:s19+$0xE20]  }
0x1d0: {  	v56 =	vld [tilespmem:s19+$0xEA0];
	_ =	sdelay $0x1  }
0x1d1: {  	v57 =	vld [tilespmem:s19+$0xF20];
	_ =	sdelay $0x1  }
0x1d2: {  	v58 =	vld [tilespmem:s19+$0xFA0]  }
0x1d3: {  	v3 =	vadd.f32 v56, v3;
	_ =	sdelay $0x1  }
0x1d4: {  	v3 =	vadd.f32 v57, v3;
	_ =	sdelay $0x1  }
0x1d5: {  	v3 =	vadd.f32 v58, v3;
	_ =	sdelay $0x1  }
0x1d6: {  	v3 =	vmul.f32 $2.500000000e-01, v3  }
0x1d7: {  	s22 =	sor.u32 $0xC20, s20  }
0x1d8: {  	[tilespmem:s22+$0x14200] =	vst v3  }
0x1d9: {  	v3 =	vld [tilespmem:s19+$0xE30]  }
0x1da: {  	v59 =	vld [tilespmem:s19+$0xEB0];
	_ =	sdelay $0x1  }
0x1db: {  	v60 =	vld [tilespmem:s19+$0xF30];
	_ =	sdelay $0x1  }
0x1dc: {  	v61 =	vld [tilespmem:s19+$0xFB0]  }
0x1dd: {  	v3 =	vadd.f32 v59, v3;
	_ =	sdelay $0x1  }
0x1de: {  	v3 =	vadd.f32 v60, v3;
	_ =	sdelay $0x1  }
0x1df: {  	v3 =	vadd.f32 v61, v3;
	_ =	sdelay $0x1  }
0x1e0: {  	v3 =	vmul.f32 $2.500000000e-01, v3  }
0x1e1: {  	s24 =	sor.u32 $0xC30, s20  }
0x1e2: {  	[tilespmem:s24+$0x14200] =	vst v3  }
0x1e3: {  	s28 =	sor.u32 $0x2, s18;
	v3 =	vld [tilespmem:s19+$0xE40]  }
0x1e4: {  	s14 =	sshll.u32 s28, $0xB;
	v62 =	vld [tilespmem:s19+$0x400]  }
0x1e5: {  	s21 =	sand.u32 $0x3FFFF800, s14;
	s14 =	sor.u32 $0x3, s18;
	v63 =	vld [tilespmem:s19+$0x480]  }
0x1e6: {  	s22 =	sshll.u32 s14, $0xB;
	v12 =	vld [tilespmem:s19+$0x500]  }
0x1e7: {  	s24 =	sand.u32 $0x7000, s22;
	v7 =	vld [tilespmem:s19+$0x580]  }
0x1e8: {  	v10 =	vld [tilespmem:s24+$0x400]  }
0x1e9: {  	v14 =	vld [tilespmem:s24+$0x480]  }
0x1ea: {  	v8 =	vld [tilespmem:s21+$0x200];
	v4 =	vadd.f32 v63, v62  }
0x1eb: {  	v16 =	vld [tilespmem:s24+$0x500]  }
0x1ec: {  	v9 =	vld [tilespmem:s21+$0x280];
	v4 =	vadd.f32 v12, v4  }
0x1ed: {  	v17 =	vld [tilespmem:s24+$0x580]  }
0x1ee: {  	v13 =	vld [tilespmem:s21+$0x300];
	v6 =	vadd.f32 v14, v10;
	v4 =	vadd.f32 v7, v4;
	_ =	sdelay $0x1  }
0x1ef: {  	s2 =	sor.u32 $0x80, s2;
	v11 =	vld [tilespmem:s21+$0x380];
	v6 =	vadd.f32 v16, v6;
	v4 =	vmul.f32 $2.500000000e-01, v4  }
0x1f0: {  	s29 =	sadd.s32 s2, s6;
	v15 =	vadd.f32 v9, v8  }
0x1f1: {  	v6 =	vadd.f32 v17, v6;
	[tilespmem:s29+$0x0] =	vst v4  }
0x1f2: {  	s11 =	sshll.u32 s28, $0x7;
	s14 =	sshll.u32 s14, $0x7;
	v5 =	vadd.f32 v13, v15;
	v19 =	vld [tilespmem:s19+$0x410]  }
0x1f3: {  	s11 =	sand.u32 $0x300, s11;
	s14 =	sand.u32 $0x380, s14;
	v6 =	vmul.f32 $2.500000000e-01, v6;
	v20 =	vld [tilespmem:s19+$0x490]  }
0x1f4: {  	s28 =	sadd.s32 s11, s6;
	s6 =	sadd.s32 s14, s6;
	v18 =	vadd.f32 v11, v5;
	v21 =	vld [tilespmem:s19+$0x510]  }
0x1f5: {  	[tilespmem:s6+$0x0] =	vst v6;
	v22 =	vld [tilespmem:s19+$0x590]  }
0x1f6: {  	v4 =	vmul.f32 $2.500000000e-01, v18;
	v6 =	vld [tilespmem:s24+$0x410]  }
0x1f7: {  	v25 =	vld [tilespmem:s24+$0x490]  }
0x1f8: {  	v27 =	vld [tilespmem:s24+$0x510];
	[tilespmem:s28+$0x0] =	vst v4;
	v5 =	vadd.f32 v20, v19  }
0x1f9: {  	v4 =	vld [tilespmem:s21+$0x210]  }
0x1fa: {  	v23 =	vld [tilespmem:s21+$0x290];
	v5 =	vadd.f32 v21, v5  }
0x1fb: {  	v28 =	vld [tilespmem:s24+$0x590]  }
0x1fc: {  	v24 =	vld [tilespmem:s21+$0x310];
	v6 =	vadd.f32 v25, v6;
	v5 =	vadd.f32 v22, v5;
	_ =	sdelay $0x1  }
0x1fd: {  	v26 =	vld [tilespmem:s21+$0x390];
	v6 =	vadd.f32 v27, v6;
	v5 =	vmul.f32 $2.500000000e-01, v5  }
0x1fe: {  	v4 =	vadd.f32 v23, v4  }
0x1ff: {  	v6 =	vadd.f32 v28, v6;
	[tilespmem:s29+$0x10] =	vst v5  }
0x200: {  	v4 =	vadd.f32 v24, v4;
	v5 =	vld [tilespmem:s19+$0x420]  }
0x201: {  	v6 =	vmul.f32 $2.500000000e-01, v6;
	v29 =	vld [tilespmem:s19+$0x4A0]  }
0x202: {  	v4 =	vadd.f32 v26, v4;
	v30 =	vld [tilespmem:s19+$0x520]  }
0x203: {  	[tilespmem:s6+$0x10] =	vst v6;
	v31 =	vld [tilespmem:s19+$0x5A0]  }
0x204: {  	v4 =	vmul.f32 $2.500000000e-01, v4;
	v6 =	vld [tilespmem:s24+$0x420]  }
0x205: {  	v34 =	vld [tilespmem:s24+$0x4A0]  }
0x206: {  	v36 =	vld [tilespmem:s24+$0x520];
	[tilespmem:s28+$0x10] =	vst v4;
	v5 =	vadd.f32 v29, v5  }
0x207: {  	v4 =	vld [tilespmem:s21+$0x220]  }
0x208: {  	v32 =	vld [tilespmem:s21+$0x2A0];
	v5 =	vadd.f32 v30, v5  }
0x209: {  	v37 =	vld [tilespmem:s24+$0x5A0]  }
0x20a: {  	v33 =	vld [tilespmem:s21+$0x320];
	v6 =	vadd.f32 v34, v6;
	v5 =	vadd.f32 v31, v5;
	_ =	sdelay $0x1  }
0x20b: {  	v35 =	vld [tilespmem:s21+$0x3A0];
	v6 =	vadd.f32 v36, v6;
	v5 =	vmul.f32 $2.500000000e-01, v5  }
0x20c: {  	v4 =	vadd.f32 v32, v4  }
0x20d: {  	v6 =	vadd.f32 v37, v6;
	[tilespmem:s29+$0x20] =	vst v5  }
0x20e: {  	v4 =	vadd.f32 v33, v4;
	v5 =	vld [tilespmem:s19+$0x430]  }
0x20f: {  	v6 =	vmul.f32 $2.500000000e-01, v6;
	v38 =	vld [tilespmem:s19+$0x4B0]  }
0x210: {  	v4 =	vadd.f32 v35, v4;
	v39 =	vld [tilespmem:s19+$0x530]  }
0x211: {  	[tilespmem:s6+$0x20] =	vst v6;
	v40 =	vld [tilespmem:s19+$0x5B0]  }
0x212: {  	v4 =	vmul.f32 $2.500000000e-01, v4;
	v6 =	vld [tilespmem:s24+$0x430]  }
0x213: {  	v43 =	vld [tilespmem:s24+$0x4B0]  }
0x214: {  	v45 =	vld [tilespmem:s24+$0x530];
	[tilespmem:s28+$0x20] =	vst v4;
	v5 =	vadd.f32 v38, v5  }
0x215: {  	v4 =	vld [tilespmem:s21+$0x230]  }
0x216: {  	v41 =	vld [tilespmem:s21+$0x2B0];
	v5 =	vadd.f32 v39, v5  }
0x217: {  	v46 =	vld [tilespmem:s24+$0x5B0]  }
0x218: {  	v42 =	vld [tilespmem:s21+$0x330];
	v6 =	vadd.f32 v43, v6;
	v5 =	vadd.f32 v40, v5;
	_ =	sdelay $0x1  }
0x219: {  	v44 =	vld [tilespmem:s21+$0x3B0];
	v6 =	vadd.f32 v45, v6;
	v5 =	vmul.f32 $2.500000000e-01, v5  }
0x21a: {  	v4 =	vadd.f32 v41, v4  }
0x21b: {  	v6 =	vadd.f32 v46, v6;
	[tilespmem:s29+$0x30] =	vst v5  }
0x21c: {  	v4 =	vadd.f32 v42, v4;
	v5 =	vld [tilespmem:s19+$0x440]  }
0x21d: {  	v6 =	vmul.f32 $2.500000000e-01, v6;
	v47 =	vld [tilespmem:s19+$0x4C0]  }
0x21e: {  	v4 =	vadd.f32 v44, v4;
	v48 =	vld [tilespmem:s19+$0x540]  }
0x21f: {  	[tilespmem:s6+$0x30] =	vst v6;
	v49 =	vld [tilespmem:s19+$0x5C0]  }
0x220: {  	v4 =	vmul.f32 $2.500000000e-01, v4;
	v6 =	vld [tilespmem:s24+$0x440]  }
0x221: {  	v52 =	vld [tilespmem:s24+$0x4C0]  }
0x222: {  	v54 =	vld [tilespmem:s24+$0x540];
	[tilespmem:s28+$0x30] =	vst v4;
	v5 =	vadd.f32 v47, v5  }
0x223: {  	v4 =	vld [tilespmem:s21+$0x240]  }
0x224: {  	v50 =	vld [tilespmem:s21+$0x2C0];
	v5 =	vadd.f32 v48, v5  }
0x225: {  	v55 =	vld [tilespmem:s24+$0x5C0]  }
0x226: {  	v51 =	vld [tilespmem:s21+$0x340];
	v6 =	vadd.f32 v52, v6;
	v5 =	vadd.f32 v49, v5;
	_ =	sdelay $0x1  }
0x227: {  	v53 =	vld [tilespmem:s21+$0x3C0];
	v6 =	vadd.f32 v54, v6;
	v5 =	vmul.f32 $2.500000000e-01, v5  }
0x228: {  	v4 =	vadd.f32 v50, v4  }
0x229: {  	v6 =	vadd.f32 v55, v6;
	[tilespmem:s29+$0x40] =	vst v5  }
0x22a: {  	v4 =	vadd.f32 v51, v4;
	v5 =	vld [tilespmem:s19+$0x450]  }
0x22b: {  	v6 =	vmul.f32 $2.500000000e-01, v6;
	v56 =	vld [tilespmem:s19+$0x4D0]  }
0x22c: {  	v4 =	vadd.f32 v53, v4;
	v57 =	vld [tilespmem:s19+$0x550]  }
0x22d: {  	[tilespmem:s6+$0x40] =	vst v6;
	v58 =	vld [tilespmem:s19+$0x5D0]  }
0x22e: {  	v4 =	vmul.f32 $2.500000000e-01, v4;
	v6 =	vld [tilespmem:s24+$0x450]  }
0x22f: {  	v61 =	vld [tilespmem:s24+$0x4D0]  }
0x230: {  	v63 =	vld [tilespmem:s24+$0x550];
	[tilespmem:s28+$0x40] =	vst v4;
	v5 =	vadd.f32 v56, v5  }
0x231: {  	v4 =	vld [tilespmem:s21+$0x250]  }
0x232: {  	v59 =	vld [tilespmem:s21+$0x2D0];
	v5 =	vadd.f32 v57, v5  }
0x233: {  	v12 =	vld [tilespmem:s24+$0x5D0]  }
0x234: {  	v60 =	vld [tilespmem:s21+$0x350];
	v6 =	vadd.f32 v61, v6;
	v5 =	vadd.f32 v58, v5;
	_ =	sdelay $0x1  }
0x235: {  	v62 =	vld [tilespmem:s21+$0x3D0];
	v6 =	vadd.f32 v63, v6;
	v5 =	vmul.f32 $2.500000000e-01, v5  }
0x236: {  	v4 =	vadd.f32 v59, v4  }
0x237: {  	v6 =	vadd.f32 v12, v6;
	[tilespmem:s29+$0x50] =	vst v5  }
0x238: {  	v4 =	vadd.f32 v60, v4;
	v5 =	vld [tilespmem:s19+$0x460]  }
0x239: {  	v6 =	vmul.f32 $2.500000000e-01, v6;
	v13 =	vld [tilespmem:s19+$0x4E0]  }
0x23a: {  	v4 =	vadd.f32 v62, v4;
	v14 =	vld [tilespmem:s19+$0x560]  }
0x23b: {  	[tilespmem:s6+$0x50] =	vst v6;
	v15 =	vld [tilespmem:s19+$0x5E0]  }
0x23c: {  	v4 =	vmul.f32 $2.500000000e-01, v4;
	v6 =	vld [tilespmem:s24+$0x460]  }
0x23d: {  	v18 =	vld [tilespmem:s24+$0x4E0]  }
0x23e: {  	v20 =	vld [tilespmem:s24+$0x560];
	[tilespmem:s28+$0x50] =	vst v4;
	v5 =	vadd.f32 v13, v5  }
0x23f: {  	v4 =	vld [tilespmem:s21+$0x260]  }
0x240: {  	v16 =	vld [tilespmem:s21+$0x2E0];
	v5 =	vadd.f32 v14, v5  }
0x241: {  	v21 =	vld [tilespmem:s24+$0x5E0]  }
0x242: {  	v17 =	vld [tilespmem:s21+$0x360];
	v6 =	vadd.f32 v18, v6;
	v5 =	vadd.f32 v15, v5;
	_ =	sdelay $0x1  }
0x243: {  	v19 =	vld [tilespmem:s21+$0x3E0];
	v6 =	vadd.f32 v20, v6;
	v5 =	vmul.f32 $2.500000000e-01, v5  }
0x244: {  	v4 =	vadd.f32 v16, v4  }
0x245: {  	v6 =	vadd.f32 v21, v6;
	[tilespmem:s29+$0x60] =	vst v5  }
0x246: {  	v4 =	vadd.f32 v17, v4;
	v5 =	vld [tilespmem:s19+$0x470]  }
0x247: {  	v6 =	vmul.f32 $2.500000000e-01, v6;
	v22 =	vld [tilespmem:s19+$0x4F0]  }
0x248: {  	v4 =	vadd.f32 v19, v4;
	v23 =	vld [tilespmem:s19+$0x570]  }
0x249: {  	[tilespmem:s6+$0x60] =	vst v6;
	v24 =	vld [tilespmem:s19+$0x5F0]  }
0x24a: {  	v4 =	vmul.f32 $2.500000000e-01, v4;
	v6 =	vld [tilespmem:s24+$0x470]  }
0x24b: {  	v27 =	vld [tilespmem:s24+$0x4F0]  }
0x24c: {  	v29 =	vld [tilespmem:s24+$0x570];
	[tilespmem:s28+$0x60] =	vst v4;
	v5 =	vadd.f32 v22, v5  }
0x24d: {  	v4 =	vld [tilespmem:s21+$0x270]  }
0x24e: {  	v25 =	vld [tilespmem:s21+$0x2F0];
	v5 =	vadd.f32 v23, v5  }
0x24f: {  	v30 =	vld [tilespmem:s24+$0x5F0]  }
0x250: {  	v26 =	vld [tilespmem:s21+$0x370];
	v6 =	vadd.f32 v27, v6;
	v5 =	vadd.f32 v24, v5;
	_ =	sdelay $0x1  }
0x251: {  	v28 =	vld [tilespmem:s21+$0x3F0];
	v6 =	vadd.f32 v29, v6;
	v5 =	vmul.f32 $2.500000000e-01, v5  }
0x252: {  	v4 =	vadd.f32 v25, v4  }
0x253: {  	v6 =	vadd.f32 v30, v6;
	[tilespmem:s29+$0x70] =	vst v5  }
0x254: {  	v4 =	vadd.f32 v26, v4;
	v5 =	vld [tilespmem:s19+$0x800]  }
0x255: {  	v6 =	vmul.f32 $2.500000000e-01, v6;
	v31 =	vld [tilespmem:s19+$0x880]  }
0x256: {  	v4 =	vadd.f32 v28, v4;
	v32 =	vld [tilespmem:s19+$0x900]  }
0x257: {  	[tilespmem:s6+$0x70] =	vst v6;
	v33 =	vld [tilespmem:s19+$0x980]  }
0x258: {  	v4 =	vmul.f32 $2.500000000e-01, v4;
	v6 =	vld [tilespmem:s24+$0x800]  }
0x259: {  	v36 =	vld [tilespmem:s24+$0x880]  }
0x25a: {  	v38 =	vld [tilespmem:s24+$0x900];
	[tilespmem:s28+$0x70] =	vst v4;
	v5 =	vadd.f32 v31, v5  }
0x25b: {  	v4 =	vld [tilespmem:s21+$0x600]  }
0x25c: {  	v34 =	vld [tilespmem:s21+$0x680];
	v5 =	vadd.f32 v32, v5  }
0x25d: {  	v39 =	vld [tilespmem:s24+$0x980]  }
0x25e: {  	v35 =	vld [tilespmem:s21+$0x700];
	v6 =	vadd.f32 v36, v6;
	v5 =	vadd.f32 v33, v5;
	_ =	sdelay $0x1  }
0x25f: {  	v37 =	vld [tilespmem:s21+$0x780];
	v6 =	vadd.f32 v38, v6;
	v5 =	vmul.f32 $2.500000000e-01, v5  }
0x260: {  	v4 =	vadd.f32 v34, v4  }
0x261: {  	v6 =	vadd.f32 v39, v6;
	[tilespmem:s29+$0x400] =	vst v5  }
0x262: {  	v4 =	vadd.f32 v35, v4;
	v5 =	vld [tilespmem:s19+$0x810]  }
0x263: {  	v6 =	vmul.f32 $2.500000000e-01, v6;
	v40 =	vld [tilespmem:s19+$0x890]  }
0x264: {  	v4 =	vadd.f32 v37, v4;
	v41 =	vld [tilespmem:s19+$0x910]  }
0x265: {  	[tilespmem:s6+$0x400] =	vst v6;
	v42 =	vld [tilespmem:s19+$0x990]  }
0x266: {  	v4 =	vmul.f32 $2.500000000e-01, v4;
	v6 =	vld [tilespmem:s24+$0x810]  }
0x267: {  	v45 =	vld [tilespmem:s24+$0x890]  }
0x268: {  	v47 =	vld [tilespmem:s24+$0x910];
	[tilespmem:s28+$0x400] =	vst v4;
	v5 =	vadd.f32 v40, v5  }
0x269: {  	v4 =	vld [tilespmem:s21+$0x610]  }
0x26a: {  	v43 =	vld [tilespmem:s21+$0x690];
	v5 =	vadd.f32 v41, v5  }
0x26b: {  	v48 =	vld [tilespmem:s24+$0x990]  }
0x26c: {  	v44 =	vld [tilespmem:s21+$0x710];
	v6 =	vadd.f32 v45, v6;
	v5 =	vadd.f32 v42, v5;
	_ =	sdelay $0x1  }
0x26d: {  	v46 =	vld [tilespmem:s21+$0x790];
	v6 =	vadd.f32 v47, v6;
	v5 =	vmul.f32 $2.500000000e-01, v5  }
0x26e: {  	v4 =	vadd.f32 v43, v4  }
0x26f: {  	v6 =	vadd.f32 v48, v6;
	[tilespmem:s29+$0x410] =	vst v5  }
0x270: {  	v4 =	vadd.f32 v44, v4;
	v5 =	vld [tilespmem:s19+$0x820]  }
0x271: {  	v6 =	vmul.f32 $2.500000000e-01, v6;
	v49 =	vld [tilespmem:s19+$0x8A0]  }
0x272: {  	v4 =	vadd.f32 v46, v4;
	v50 =	vld [tilespmem:s19+$0x920]  }
0x273: {  	[tilespmem:s6+$0x410] =	vst v6;
	v51 =	vld [tilespmem:s19+$0x9A0]  }
0x274: {  	v4 =	vmul.f32 $2.500000000e-01, v4;
	v6 =	vld [tilespmem:s24+$0x820]  }
0x275: {  	v54 =	vld [tilespmem:s24+$0x8A0]  }
0x276: {  	v56 =	vld [tilespmem:s24+$0x920];
	[tilespmem:s28+$0x410] =	vst v4;
	v5 =	vadd.f32 v49, v5  }
0x277: {  	v4 =	vld [tilespmem:s21+$0x620]  }
0x278: {  	v52 =	vld [tilespmem:s21+$0x6A0];
	v5 =	vadd.f32 v50, v5  }
0x279: {  	v57 =	vld [tilespmem:s24+$0x9A0]  }
0x27a: {  	v53 =	vld [tilespmem:s21+$0x720];
	v6 =	vadd.f32 v54, v6;
	v5 =	vadd.f32 v51, v5;
	_ =	sdelay $0x1  }
0x27b: {  	v55 =	vld [tilespmem:s21+$0x7A0];
	v6 =	vadd.f32 v56, v6;
	v5 =	vmul.f32 $2.500000000e-01, v5  }
0x27c: {  	v4 =	vadd.f32 v52, v4  }
0x27d: {  	v6 =	vadd.f32 v57, v6;
	[tilespmem:s29+$0x420] =	vst v5  }
0x27e: {  	v4 =	vadd.f32 v53, v4;
	v5 =	vld [tilespmem:s19+$0x830]  }
0x27f: {  	v6 =	vmul.f32 $2.500000000e-01, v6;
	v58 =	vld [tilespmem:s19+$0x8B0]  }
0x280: {  	v4 =	vadd.f32 v55, v4;
	v59 =	vld [tilespmem:s19+$0x930]  }
0x281: {  	[tilespmem:s6+$0x420] =	vst v6;
	v60 =	vld [tilespmem:s19+$0x9B0]  }
0x282: {  	v4 =	vmul.f32 $2.500000000e-01, v4;
	v6 =	vld [tilespmem:s24+$0x830]  }
0x283: {  	v63 =	vld [tilespmem:s24+$0x8B0]  }
0x284: {  	v13 =	vld [tilespmem:s24+$0x930];
	[tilespmem:s28+$0x420] =	vst v4;
	v5 =	vadd.f32 v58, v5  }
0x285: {  	v4 =	vld [tilespmem:s21+$0x630]  }
0x286: {  	v61 =	vld [tilespmem:s21+$0x6B0];
	v5 =	vadd.f32 v59, v5  }
0x287: {  	v14 =	vld [tilespmem:s24+$0x9B0]  }
0x288: {  	v62 =	vld [tilespmem:s21+$0x730];
	v6 =	vadd.f32 v63, v6;
	v5 =	vadd.f32 v60, v5;
	_ =	sdelay $0x1  }
0x289: {  	v12 =	vld [tilespmem:s21+$0x7B0];
	v6 =	vadd.f32 v13, v6;
	v5 =	vmul.f32 $2.500000000e-01, v5  }
0x28a: {  	v4 =	vadd.f32 v61, v4  }
0x28b: {  	v6 =	vadd.f32 v14, v6;
	[tilespmem:s29+$0x430] =	vst v5  }
0x28c: {  	v4 =	vadd.f32 v62, v4;
	v5 =	vld [tilespmem:s19+$0x840]  }
0x28d: {  	v6 =	vmul.f32 $2.500000000e-01, v6;
	v15 =	vld [tilespmem:s19+$0x8C0]  }
0x28e: {  	v4 =	vadd.f32 v12, v4;
	v16 =	vld [tilespmem:s19+$0x940]  }
0x28f: {  	[tilespmem:s6+$0x430] =	vst v6;
	v17 =	vld [tilespmem:s19+$0x9C0]  }
0x290: {  	v4 =	vmul.f32 $2.500000000e-01, v4;
	v6 =	vld [tilespmem:s24+$0x840]  }
0x291: {  	v20 =	vld [tilespmem:s24+$0x8C0]  }
0x292: {  	v22 =	vld [tilespmem:s24+$0x940];
	[tilespmem:s28+$0x430] =	vst v4;
	v5 =	vadd.f32 v15, v5  }
0x293: {  	v4 =	vld [tilespmem:s21+$0x640]  }
0x294: {  	v18 =	vld [tilespmem:s21+$0x6C0];
	v5 =	vadd.f32 v16, v5  }
0x295: {  	v23 =	vld [tilespmem:s24+$0x9C0]  }
0x296: {  	v19 =	vld [tilespmem:s21+$0x740];
	v6 =	vadd.f32 v20, v6;
	v5 =	vadd.f32 v17, v5;
	_ =	sdelay $0x1  }
0x297: {  	v21 =	vld [tilespmem:s21+$0x7C0];
	v6 =	vadd.f32 v22, v6;
	v5 =	vmul.f32 $2.500000000e-01, v5  }
0x298: {  	v4 =	vadd.f32 v18, v4  }
0x299: {  	v6 =	vadd.f32 v23, v6;
	[tilespmem:s29+$0x440] =	vst v5  }
0x29a: {  	v4 =	vadd.f32 v19, v4;
	v5 =	vld [tilespmem:s19+$0x850]  }
0x29b: {  	v6 =	vmul.f32 $2.500000000e-01, v6;
	v24 =	vld [tilespmem:s19+$0x8D0]  }
0x29c: {  	v4 =	vadd.f32 v21, v4;
	v25 =	vld [tilespmem:s19+$0x950]  }
0x29d: {  	[tilespmem:s6+$0x440] =	vst v6;
	v26 =	vld [tilespmem:s19+$0x9D0]  }
0x29e: {  	v4 =	vmul.f32 $2.500000000e-01, v4;
	v6 =	vld [tilespmem:s24+$0x850]  }
0x29f: {  	v29 =	vld [tilespmem:s24+$0x8D0]  }
0x2a0: {  	v31 =	vld [tilespmem:s24+$0x950];
	[tilespmem:s28+$0x440] =	vst v4  }
0x2a1: {  	v4 =	vld [tilespmem:s21+$0x650];
	v5 =	vadd.f32 v24, v5  }
0x2a2: {  	v27 =	vld [tilespmem:s21+$0x6D0]  }
0x2a3: {  	v32 =	vld [tilespmem:s24+$0x9D0];
	v5 =	vadd.f32 v25, v5  }
0x2a4: {  	v28 =	vld [tilespmem:s21+$0x750]  }
0x2a5: {  	v6 =	vadd.f32 v29, v6;
	v5 =	vadd.f32 v26, v5  }
0x2a6: {  	v30 =	vld [tilespmem:s21+$0x7D0]  }
0x2a7: {  	v4 =	vadd.f32 v27, v4;
	v6 =	vadd.f32 v31, v6;
	v5 =	vmul.f32 $2.500000000e-01, v5;
	_ =	sdelay $0x1  }
0x2a8: {  	v4 =	vadd.f32 v28, v4;
	v6 =	vadd.f32 v32, v6;
	[tilespmem:s29+$0x450] =	vst v5  }
0x2a9: {  	v5 =	vld [tilespmem:s19+$0x860]  }
0x2aa: {  	v4 =	vadd.f32 v30, v4;
	v6 =	vmul.f32 $2.500000000e-01, v6;
	v33 =	vld [tilespmem:s19+$0x8E0]  }
0x2ab: {  	v34 =	vld [tilespmem:s19+$0x960]  }
0x2ac: {  	v4 =	vmul.f32 $2.500000000e-01, v4;
	[tilespmem:s6+$0x450] =	vst v6;
	v35 =	vld [tilespmem:s19+$0x9E0]  }
0x2ad: {  	v6 =	vld [tilespmem:s24+$0x860]  }
0x2ae: {  	v38 =	vld [tilespmem:s24+$0x8E0];
	[tilespmem:s28+$0x450] =	vst v4  }
0x2af: {  	v4 =	vld [tilespmem:s21+$0x660]  }
0x2b0: {  	v36 =	vld [tilespmem:s21+$0x6E0];
	v5 =	vadd.f32 v33, v5  }
0x2b1: {  	v40 =	vld [tilespmem:s24+$0x960]  }
0x2b2: {  	v37 =	vld [tilespmem:s21+$0x760];
	v5 =	vadd.f32 v34, v5  }
0x2b3: {  	v41 =	vld [tilespmem:s24+$0x9E0]  }
0x2b4: {  	v39 =	vld [tilespmem:s21+$0x7E0];
	v6 =	vadd.f32 v38, v6;
	v5 =	vadd.f32 v35, v5  }
0x2b5: {  	v4 =	vadd.f32 v36, v4  }
0x2b6: {  	v6 =	vadd.f32 v40, v6;
	v5 =	vmul.f32 $2.500000000e-01, v5  }
0x2b7: {  	v4 =	vadd.f32 v37, v4  }
0x2b8: {  	v6 =	vadd.f32 v41, v6;
	[tilespmem:s29+$0x460] =	vst v5  }
0x2b9: {  	v4 =	vadd.f32 v39, v4;
	v5 =	vld [tilespmem:s19+$0x870]  }
0x2ba: {  	v6 =	vmul.f32 $2.500000000e-01, v6;
	v42 =	vld [tilespmem:s19+$0x8F0]  }
0x2bb: {  	v4 =	vmul.f32 $2.500000000e-01, v4;
	v43 =	vld [tilespmem:s19+$0x970]  }
0x2bc: {  	[tilespmem:s6+$0x460] =	vst v6;
	v44 =	vld [tilespmem:s19+$0x9F0]  }
0x2bd: {  	v6 =	vld [tilespmem:s24+$0x870];
	[tilespmem:s28+$0x460] =	vst v4  }
0x2be: {  	v4 =	vld [tilespmem:s21+$0x670]  }
0x2bf: {  	v45 =	vld [tilespmem:s21+$0x6F0]  }
0x2c0: {  	v47 =	vld [tilespmem:s24+$0x8F0];
	v5 =	vadd.f32 v42, v5  }
0x2c1: {  	v46 =	vld [tilespmem:s21+$0x770]  }
0x2c2: {  	v49 =	vld [tilespmem:s24+$0x970];
	v5 =	vadd.f32 v43, v5  }
0x2c3: {  	v48 =	vld [tilespmem:s21+$0x7F0]  }
0x2c4: {  	v4 =	vadd.f32 v45, v4;
	v5 =	vadd.f32 v44, v5  }
0x2c5: {  	v50 =	vld [tilespmem:s24+$0x9F0]  }
0x2c6: {  	v6 =	vadd.f32 v47, v6;
	v4 =	vadd.f32 v46, v4;
	v5 =	vmul.f32 $2.500000000e-01, v5;
	_ =	sdelay $0x1  }
0x2c7: {  	v6 =	vadd.f32 v49, v6;
	v4 =	vadd.f32 v48, v4;
	[tilespmem:s29+$0x470] =	vst v5  }
0x2c8: {  	v5 =	vld [tilespmem:s19+$0xC00]  }
0x2c9: {  	v6 =	vadd.f32 v50, v6;
	v4 =	vmul.f32 $2.500000000e-01, v4;
	v51 =	vld [tilespmem:s19+$0xC80]  }
0x2ca: {  	v52 =	vld [tilespmem:s19+$0xD00]  }
0x2cb: {  	v6 =	vmul.f32 $2.500000000e-01, v6;
	v53 =	vld [tilespmem:s19+$0xD80];
	[tilespmem:s28+$0x470] =	vst v4  }
0x2cc: {  	v54 =	vld [tilespmem:s21+$0xA00]  }
0x2cd: {  	[tilespmem:s6+$0x470] =	vst v6;
	v55 =	vld [tilespmem:s21+$0xA80]  }
0x2ce: {  	v6 =	vld [tilespmem:s22+$0x400];
	v5 =	vadd.f32 v51, v5  }
0x2cf: {  	v56 =	vld [tilespmem:s21+$0xB00]  }
0x2d0: {  	v57 =	vld [tilespmem:s22+$0x480];
	v5 =	vadd.f32 v52, v5  }
0x2d1: {  	v58 =	vld [tilespmem:s21+$0xB80]  }
0x2d2: {  	v60 =	vld [tilespmem:s22+$0x500];
	v59 =	vadd.f32 v55, v54;
	v4 =	vadd.f32 v53, v5;
	_ =	sdelay $0x1  }
0x2d3: {  	s24 =	sor.u32 s23, s2;
	v61 =	vld [tilespmem:s22+$0x580];
	v5 =	vadd.f32 v56, v59;
	v4 =	vmul.f32 $2.500000000e-01, v4  }
0x2d4: {  	s2 =	sor.u32 $0x800, s24;
	v6 =	vadd.f32 v57, v6  }
0x2d5: {  	v62 =	vadd.f32 v58, v5;
	[tilespmem:s2+$0x14200] =	vst v4  }
0x2d6: {  	v6 =	vadd.f32 v60, v6;
	v63 =	vld [tilespmem:s19+$0xC10]  }
0x2d7: {  	v4 =	vmul.f32 $2.500000000e-01, v62;
	s2 =	sor.u32 s23, s11;
	v12 =	vld [tilespmem:s19+$0xC90]  }
0x2d8: {  	v6 =	vadd.f32 v61, v6;
	v13 =	vld [tilespmem:s19+$0xD10];
	s11 =	sor.u32 $0x800, s2  }
0x2d9: {  	v14 =	vld [tilespmem:s19+$0xD90];
	[tilespmem:s11+$0x14200] =	vst v4  }
0x2da: {  	v6 =	vmul.f32 $2.500000000e-01, v6;
	s23 =	sor.u32 s23, s14;
	v4 =	vld [tilespmem:s21+$0xA10]  }
0x2db: {  	s28 =	sor.u32 $0x800, s23;
	v15 =	vld [tilespmem:s21+$0xA90]  }
0x2dc: {  	[tilespmem:s28+$0x14200] =	vst v6;
	v16 =	vld [tilespmem:s21+$0xB10];
	v5 =	vadd.f32 v12, v63  }
0x2dd: {  	v6 =	vld [tilespmem:s22+$0x410]  }
0x2de: {  	v17 =	vld [tilespmem:s22+$0x490];
	v5 =	vadd.f32 v13, v5  }
0x2df: {  	v18 =	vld [tilespmem:s21+$0xB90]  }
0x2e0: {  	v19 =	vld [tilespmem:s22+$0x510];
	v4 =	vadd.f32 v15, v4;
	v5 =	vadd.f32 v14, v5;
	_ =	sdelay $0x1  }
0x2e1: {  	v20 =	vld [tilespmem:s22+$0x590];
	v4 =	vadd.f32 v16, v4;
	v5 =	vmul.f32 $2.500000000e-01, v5  }
0x2e2: {  	s29 =	sor.u32 $0x810, s24;
	v6 =	vadd.f32 v17, v6  }
0x2e3: {  	v4 =	vadd.f32 v18, v4;
	[tilespmem:s29+$0x14200] =	vst v5  }
0x2e4: {  	v6 =	vadd.f32 v19, v6;
	v5 =	vld [tilespmem:s19+$0xC20]  }
0x2e5: {  	v4 =	vmul.f32 $2.500000000e-01, v4;
	v21 =	vld [tilespmem:s19+$0xCA0]  }
0x2e6: {  	s11 =	sor.u32 $0x810, s2;
	v6 =	vadd.f32 v20, v6;
	v22 =	vld [tilespmem:s19+$0xD20]  }
0x2e7: {  	v23 =	vld [tilespmem:s19+$0xDA0];
	[tilespmem:s11+$0x14200] =	vst v4  }
0x2e8: {  	v6 =	vmul.f32 $2.500000000e-01, v6;
	v4 =	vld [tilespmem:s21+$0xA20]  }
0x2e9: {  	s14 =	sor.u32 $0x810, s23;
	v24 =	vld [tilespmem:s21+$0xAA0]  }
0x2ea: {  	[tilespmem:s14+$0x14200] =	vst v6;
	v25 =	vld [tilespmem:s21+$0xB20];
	v5 =	vadd.f32 v21, v5  }
0x2eb: {  	v6 =	vld [tilespmem:s22+$0x420]  }
0x2ec: {  	v26 =	vld [tilespmem:s22+$0x4A0];
	v5 =	vadd.f32 v22, v5  }
0x2ed: {  	v27 =	vld [tilespmem:s21+$0xBA0]  }
0x2ee: {  	v28 =	vld [tilespmem:s22+$0x520];
	v4 =	vadd.f32 v24, v4;
	v5 =	vadd.f32 v23, v5;
	_ =	sdelay $0x1  }
0x2ef: {  	v29 =	vld [tilespmem:s22+$0x5A0];
	v4 =	vadd.f32 v25, v4;
	v5 =	vmul.f32 $2.500000000e-01, v5  }
0x2f0: {  	s28 =	sor.u32 $0x820, s24;
	v6 =	vadd.f32 v26, v6  }
0x2f1: {  	v4 =	vadd.f32 v27, v4;
	[tilespmem:s28+$0x14200] =	vst v5  }
0x2f2: {  	v6 =	vadd.f32 v28, v6;
	v5 =	vld [tilespmem:s19+$0xC30]  }
0x2f3: {  	v4 =	vmul.f32 $2.500000000e-01, v4;
	v30 =	vld [tilespmem:s19+$0xCB0]  }
0x2f4: {  	s29 =	sor.u32 $0x820, s2;
	v6 =	vadd.f32 v29, v6;
	v31 =	vld [tilespmem:s19+$0xD30]  }
0x2f5: {  	v32 =	vld [tilespmem:s19+$0xDB0];
	[tilespmem:s29+$0x14200] =	vst v4  }
0x2f6: {  	v6 =	vmul.f32 $2.500000000e-01, v6;
	v4 =	vld [tilespmem:s21+$0xA30]  }
0x2f7: {  	s11 =	sor.u32 $0x820, s23;
	v33 =	vld [tilespmem:s21+$0xAB0]  }
0x2f8: {  	[tilespmem:s11+$0x14200] =	vst v6;
	v34 =	vld [tilespmem:s21+$0xB30];
	v5 =	vadd.f32 v30, v5  }
0x2f9: {  	v6 =	vld [tilespmem:s22+$0x430]  }
0x2fa: {  	v35 =	vld [tilespmem:s22+$0x4B0];
	v5 =	vadd.f32 v31, v5  }
0x2fb: {  	v36 =	vld [tilespmem:s21+$0xBB0]  }
0x2fc: {  	v37 =	vld [tilespmem:s22+$0x530];
	v4 =	vadd.f32 v33, v4;
	v5 =	vadd.f32 v32, v5;
	_ =	sdelay $0x1  }
0x2fd: {  	v38 =	vld [tilespmem:s22+$0x5B0];
	v4 =	vadd.f32 v34, v4;
	v5 =	vmul.f32 $2.500000000e-01, v5  }
0x2fe: {  	s14 =	sor.u32 $0x830, s24;
	v6 =	vadd.f32 v35, v6  }
0x2ff: {  	v4 =	vadd.f32 v36, v4;
	[tilespmem:s14+$0x14200] =	vst v5  }
0x300: {  	v6 =	vadd.f32 v37, v6;
	v5 =	vld [tilespmem:s19+$0xC40]  }
0x301: {  	v4 =	vmul.f32 $2.500000000e-01, v4;
	v39 =	vld [tilespmem:s19+$0xCC0]  }
0x302: {  	s28 =	sor.u32 $0x830, s2;
	v6 =	vadd.f32 v38, v6;
	v40 =	vld [tilespmem:s19+$0xD40]  }
0x303: {  	v41 =	vld [tilespmem:s19+$0xDC0];
	[tilespmem:s28+$0x14200] =	vst v4  }
0x304: {  	v6 =	vmul.f32 $2.500000000e-01, v6;
	v4 =	vld [tilespmem:s21+$0xA40]  }
0x305: {  	s29 =	sor.u32 $0x830, s23;
	v42 =	vld [tilespmem:s21+$0xAC0]  }
0x306: {  	[tilespmem:s29+$0x14200] =	vst v6;
	v43 =	vld [tilespmem:s21+$0xB40];
	v5 =	vadd.f32 v39, v5  }
0x307: {  	v6 =	vld [tilespmem:s22+$0x440]  }
0x308: {  	v44 =	vld [tilespmem:s22+$0x4C0];
	v5 =	vadd.f32 v40, v5  }
0x309: {  	v45 =	vld [tilespmem:s21+$0xBC0]  }
0x30a: {  	v46 =	vld [tilespmem:s22+$0x540];
	v4 =	vadd.f32 v42, v4;
	v5 =	vadd.f32 v41, v5;
	_ =	sdelay $0x1  }
0x30b: {  	v47 =	vld [tilespmem:s22+$0x5C0];
	v4 =	vadd.f32 v43, v4;
	v5 =	vmul.f32 $2.500000000e-01, v5  }
0x30c: {  	s11 =	sor.u32 $0x840, s24;
	v6 =	vadd.f32 v44, v6  }
0x30d: {  	v4 =	vadd.f32 v45, v4;
	[tilespmem:s11+$0x14200] =	vst v5  }
0x30e: {  	v6 =	vadd.f32 v46, v6;
	v5 =	vld [tilespmem:s19+$0xC50]  }
0x30f: {  	v4 =	vmul.f32 $2.500000000e-01, v4;
	v48 =	vld [tilespmem:s19+$0xCD0]  }
0x310: {  	s14 =	sor.u32 $0x840, s2;
	v6 =	vadd.f32 v47, v6;
	v49 =	vld [tilespmem:s19+$0xD50]  }
0x311: {  	v50 =	vld [tilespmem:s19+$0xDD0];
	[tilespmem:s14+$0x14200] =	vst v4  }
0x312: {  	v6 =	vmul.f32 $2.500000000e-01, v6;
	v4 =	vld [tilespmem:s21+$0xA50]  }
0x313: {  	s28 =	sor.u32 $0x840, s23;
	v51 =	vld [tilespmem:s21+$0xAD0]  }
0x314: {  	[tilespmem:s28+$0x14200] =	vst v6;
	v52 =	vld [tilespmem:s21+$0xB50];
	v5 =	vadd.f32 v48, v5  }
0x315: {  	v6 =	vld [tilespmem:s22+$0x450]  }
0x316: {  	v53 =	vld [tilespmem:s22+$0x4D0];
	v5 =	vadd.f32 v49, v5  }
0x317: {  	v54 =	vld [tilespmem:s21+$0xBD0]  }
0x318: {  	v55 =	vld [tilespmem:s22+$0x550];
	v4 =	vadd.f32 v51, v4;
	v5 =	vadd.f32 v50, v5;
	_ =	sdelay $0x1  }
0x319: {  	v56 =	vld [tilespmem:s22+$0x5D0];
	v4 =	vadd.f32 v52, v4;
	v5 =	vmul.f32 $2.500000000e-01, v5  }
0x31a: {  	s29 =	sor.u32 $0x850, s24;
	v6 =	vadd.f32 v53, v6  }
0x31b: {  	v4 =	vadd.f32 v54, v4;
	[tilespmem:s29+$0x14200] =	vst v5  }
0x31c: {  	v6 =	vadd.f32 v55, v6;
	v5 =	vld [tilespmem:s19+$0xC60]  }
0x31d: {  	v4 =	vmul.f32 $2.500000000e-01, v4;
	v57 =	vld [tilespmem:s19+$0xCE0]  }
0x31e: {  	s11 =	sor.u32 $0x850, s2;
	v6 =	vadd.f32 v56, v6;
	v58 =	vld [tilespmem:s19+$0xD60]  }
0x31f: {  	v59 =	vld [tilespmem:s19+$0xDE0];
	[tilespmem:s11+$0x14200] =	vst v4  }
0x320: {  	v6 =	vmul.f32 $2.500000000e-01, v6;
	v4 =	vld [tilespmem:s21+$0xA60]  }
0x321: {  	s14 =	sor.u32 $0x850, s23;
	v60 =	vld [tilespmem:s21+$0xAE0]  }
0x322: {  	[tilespmem:s14+$0x14200] =	vst v6;
	v61 =	vld [tilespmem:s21+$0xB60];
	v5 =	vadd.f32 v57, v5  }
0x323: {  	v6 =	vld [tilespmem:s22+$0x460]  }
0x324: {  	v62 =	vld [tilespmem:s22+$0x4E0];
	v5 =	vadd.f32 v58, v5  }
0x325: {  	v63 =	vld [tilespmem:s21+$0xBE0]  }
0x326: {  	v12 =	vld [tilespmem:s22+$0x560];
	v4 =	vadd.f32 v60, v4;
	v5 =	vadd.f32 v59, v5;
	_ =	sdelay $0x1  }
0x327: {  	v13 =	vld [tilespmem:s22+$0x5E0];
	v4 =	vadd.f32 v61, v4;
	v5 =	vmul.f32 $2.500000000e-01, v5  }
0x328: {  	s28 =	sor.u32 $0x860, s24;
	v6 =	vadd.f32 v62, v6  }
0x329: {  	v4 =	vadd.f32 v63, v4;
	[tilespmem:s28+$0x14200] =	vst v5  }
0x32a: {  	v6 =	vadd.f32 v12, v6;
	v5 =	vld [tilespmem:s19+$0xC70]  }
0x32b: {  	v4 =	vmul.f32 $2.500000000e-01, v4;
	v14 =	vld [tilespmem:s19+$0xCF0]  }
0x32c: {  	s29 =	sor.u32 $0x860, s2;
	v6 =	vadd.f32 v13, v6;
	v15 =	vld [tilespmem:s19+$0xD70]  }
0x32d: {  	v16 =	vld [tilespmem:s19+$0xDF0];
	[tilespmem:s29+$0x14200] =	vst v4  }
0x32e: {  	v6 =	vmul.f32 $2.500000000e-01, v6;
	v4 =	vld [tilespmem:s21+$0xA70]  }
0x32f: {  	s11 =	sor.u32 $0x860, s23;
	v17 =	vld [tilespmem:s21+$0xAF0]  }
0x330: {  	[tilespmem:s11+$0x14200] =	vst v6;
	v18 =	vld [tilespmem:s21+$0xB70];
	v5 =	vadd.f32 v14, v5  }
0x331: {  	v6 =	vld [tilespmem:s22+$0x470]  }
0x332: {  	v19 =	vld [tilespmem:s22+$0x4F0];
	v5 =	vadd.f32 v15, v5  }
0x333: {  	v20 =	vld [tilespmem:s21+$0xBF0]  }
0x334: {  	v21 =	vld [tilespmem:s22+$0x570];
	v4 =	vadd.f32 v17, v4;
	v5 =	vadd.f32 v16, v5;
	_ =	sdelay $0x1  }
0x335: {  	v22 =	vld [tilespmem:s22+$0x5F0];
	v4 =	vadd.f32 v18, v4;
	v5 =	vmul.f32 $2.500000000e-01, v5  }
0x336: {  	s14 =	sor.u32 $0x870, s24;
	v6 =	vadd.f32 v19, v6  }
0x337: {  	v4 =	vadd.f32 v20, v4;
	[tilespmem:s14+$0x14200] =	vst v5  }
0x338: {  	v6 =	vadd.f32 v21, v6;
	v5 =	vld [tilespmem:s19+$0x1000]  }
0x339: {  	v4 =	vmul.f32 $2.500000000e-01, v4;
	v23 =	vld [tilespmem:s19+$0x1080]  }
0x33a: {  	s28 =	sor.u32 $0x870, s2;
	v6 =	vadd.f32 v22, v6;
	v24 =	vld [tilespmem:s19+$0x1100]  }
0x33b: {  	v25 =	vld [tilespmem:s19+$0x1180];
	[tilespmem:s28+$0x14200] =	vst v4  }
0x33c: {  	v6 =	vmul.f32 $2.500000000e-01, v6;
	v4 =	vld [tilespmem:s21+$0xE00]  }
0x33d: {  	s29 =	sor.u32 $0x870, s23;
	v26 =	vld [tilespmem:s21+$0xE80]  }
0x33e: {  	s11 =	sor.u32 $0xE00, s22;
	[tilespmem:s29+$0x14200] =	vst v6;
	v27 =	vld [tilespmem:s21+$0xF00];
	v5 =	vadd.f32 v23, v5  }
0x33f: {  	s14 =	sor.u32 $0xE80, s22;
	v6 =	vld [tilespmem:s11+$0x200]  }
0x340: {  	v28 =	vld [tilespmem:s14+$0x200];
	v5 =	vadd.f32 v24, v5  }
0x341: {  	s28 =	sor.u32 $0xF00, s22;
	v29 =	vld [tilespmem:s21+$0xF80]  }
0x342: {  	v30 =	vld [tilespmem:s28+$0x200];
	v4 =	vadd.f32 v26, v4;
	v5 =	vadd.f32 v25, v5  }
0x343: {  	s29 =	sor.u32 $0xF80, s22  }
0x344: {  	v31 =	vld [tilespmem:s29+$0x200];
	v4 =	vadd.f32 v27, v4;
	v5 =	vmul.f32 $2.500000000e-01, v5  }
0x345: {  	s11 =	sor.u32 $0xC00, s24;
	v6 =	vadd.f32 v28, v6  }
0x346: {  	v4 =	vadd.f32 v29, v4;
	[tilespmem:s11+$0x14200] =	vst v5  }
0x347: {  	v6 =	vadd.f32 v30, v6;
	v5 =	vld [tilespmem:s19+$0x1010]  }
0x348: {  	v4 =	vmul.f32 $2.500000000e-01, v4;
	v32 =	vld [tilespmem:s19+$0x1090]  }
0x349: {  	s14 =	sor.u32 $0xC00, s2;
	v6 =	vadd.f32 v31, v6;
	v33 =	vld [tilespmem:s19+$0x1110]  }
0x34a: {  	v34 =	vld [tilespmem:s19+$0x1190];
	[tilespmem:s14+$0x14200] =	vst v4  }
0x34b: {  	v6 =	vmul.f32 $2.500000000e-01, v6;
	v4 =	vld [tilespmem:s21+$0xE10]  }
0x34c: {  	s28 =	sor.u32 $0xC00, s23;
	v35 =	vld [tilespmem:s21+$0xE90]  }
0x34d: {  	s29 =	sor.u32 $0xE10, s22;
	[tilespmem:s28+$0x14200] =	vst v6;
	v36 =	vld [tilespmem:s21+$0xF10];
	v5 =	vadd.f32 v32, v5  }
0x34e: {  	s11 =	sor.u32 $0xE90, s22;
	v6 =	vld [tilespmem:s29+$0x200]  }
0x34f: {  	v37 =	vld [tilespmem:s11+$0x200];
	v5 =	vadd.f32 v33, v5  }
0x350: {  	s14 =	sor.u32 $0xF10, s22;
	v38 =	vld [tilespmem:s21+$0xF90]  }
0x351: {  	v39 =	vld [tilespmem:s14+$0x200];
	v4 =	vadd.f32 v35, v4;
	v5 =	vadd.f32 v34, v5  }
0x352: {  	v40 =	vld [tilespmem:s19+$0xEC0];
	s28 =	sor.u32 $0xF90, s22  }
0x353: {  	v41 =	vld [tilespmem:s28+$0x200];
	v4 =	vadd.f32 v36, v4;
	v5 =	vmul.f32 $2.500000000e-01, v5  }
0x354: {  	v42 =	vld [tilespmem:s19+$0xFC0];
	s29 =	sor.u32 $0xC10, s24;
	v6 =	vadd.f32 v37, v6  }
0x355: {  	v12 =	vld [tilespmem:s19+$0xF40];
	v4 =	vadd.f32 v38, v4;
	[tilespmem:s29+$0x14200] =	vst v5  }
0x356: {  	v6 =	vadd.f32 v39, v6;
	v5 =	vld [tilespmem:s19+$0x1020]  }
0x357: {  	v4 =	vmul.f32 $2.500000000e-01, v4;
	v43 =	vld [tilespmem:s19+$0x10A0]  }
0x358: {  	s11 =	sor.u32 $0xC10, s2;
	v6 =	vadd.f32 v41, v6;
	v44 =	vld [tilespmem:s19+$0x1120]  }
0x359: {  	v45 =	vld [tilespmem:s19+$0x11A0];
	[tilespmem:s11+$0x14200] =	vst v4  }
0x35a: {  	v6 =	vmul.f32 $2.500000000e-01, v6;
	v4 =	vld [tilespmem:s21+$0xE20]  }
0x35b: {  	v3 =	vadd.f32 v40, v3;
	s14 =	sor.u32 $0xC10, s23;
	v46 =	vld [tilespmem:s21+$0xEA0]  }
0x35c: {  	s28 =	sor.u32 $0xE20, s22;
	[tilespmem:s14+$0x14200] =	vst v6;
	v47 =	vld [tilespmem:s21+$0xF20];
	v5 =	vadd.f32 v43, v5  }
0x35d: {  	v3 =	vadd.f32 v12, v3;
	s29 =	sor.u32 $0xEA0, s22;
	v6 =	vld [tilespmem:s28+$0x200]  }
0x35e: {  	v48 =	vld [tilespmem:s29+$0x200];
	v5 =	vadd.f32 v44, v5  }
0x35f: {  	v3 =	vadd.f32 v42, v3;
	s11 =	sor.u32 $0xF20, s22;
	v49 =	vld [tilespmem:s21+$0xFA0]  }
0x360: {  	v50 =	vld [tilespmem:s11+$0x200];
	v4 =	vadd.f32 v46, v4;
	v5 =	vadd.f32 v45, v5  }
0x361: {  	v3 =	vmul.f32 $2.500000000e-01, v3;
	s14 =	sor.u32 $0xFA0, s22  }
0x362: {  	s28 =	sor.u32 $0xC40, s20;
	v51 =	vld [tilespmem:s14+$0x200];
	v4 =	vadd.f32 v47, v4;
	v5 =	vmul.f32 $2.500000000e-01, v5  }
0x363: {  	s29 =	sor.u32 $0xC20, s24;
	[tilespmem:s28+$0x14200] =	vst v3;
	v3 =	vadd.f32 v48, v6  }
0x364: {  	v52 =	vld [tilespmem:s19+$0xE50];
	v4 =	vadd.f32 v49, v4;
	[tilespmem:s29+$0x14200] =	vst v5  }
0x365: {  	v3 =	vadd.f32 v50, v3;
	v5 =	vld [tilespmem:s19+$0x1030]  }
0x366: {  	v4 =	vmul.f32 $2.500000000e-01, v4;
	v53 =	vld [tilespmem:s19+$0x10B0]  }
0x367: {  	s11 =	sor.u32 $0xC20, s2;
	v3 =	vadd.f32 v51, v3;
	v54 =	vld [tilespmem:s19+$0x1130]  }
0x368: {  	v55 =	vld [tilespmem:s19+$0x11B0];
	[tilespmem:s11+$0x14200] =	vst v4  }
0x369: {  	v3 =	vmul.f32 $2.500000000e-01, v3;
	v4 =	vld [tilespmem:s21+$0xE30]  }
0x36a: {  	s14 =	sor.u32 $0xC20, s23;
	v56 =	vld [tilespmem:s21+$0xEB0]  }
0x36b: {  	s28 =	sor.u32 $0xE30, s22;
	[tilespmem:s14+$0x14200] =	vst v3;
	v57 =	vld [tilespmem:s21+$0xF30];
	v5 =	vadd.f32 v53, v5  }
0x36c: {  	s29 =	sor.u32 $0xEB0, s22;
	v3 =	vld [tilespmem:s28+$0x200]  }
0x36d: {  	v58 =	vld [tilespmem:s29+$0x200];
	v5 =	vadd.f32 v54, v5  }
0x36e: {  	s11 =	sor.u32 $0xF30, s22;
	v59 =	vld [tilespmem:s21+$0xFB0]  }
0x36f: {  	v60 =	vld [tilespmem:s11+$0x200];
	v4 =	vadd.f32 v56, v4;
	v5 =	vadd.f32 v55, v5  }
0x370: {  	v61 =	vld [tilespmem:s19+$0xED0];
	s14 =	sor.u32 $0xFB0, s22  }
0x371: {  	v62 =	vld [tilespmem:s14+$0x200];
	v4 =	vadd.f32 v57, v4;
	v5 =	vmul.f32 $2.500000000e-01, v5  }
0x372: {  	v63 =	vld [tilespmem:s19+$0xF50];
	s28 =	sor.u32 $0xC30, s24;
	v3 =	vadd.f32 v58, v3  }
0x373: {  	v16 =	vld [tilespmem:s19+$0xFD0];
	v4 =	vadd.f32 v59, v4;
	[tilespmem:s28+$0x14200] =	vst v5  }
0x374: {  	v3 =	vadd.f32 v60, v3;
	v5 =	vld [tilespmem:s19+$0x1040]  }
0x375: {  	v4 =	vmul.f32 $2.500000000e-01, v4;
	v17 =	vld [tilespmem:s19+$0x10C0]  }
0x376: {  	s29 =	sor.u32 $0xC30, s2;
	v3 =	vadd.f32 v62, v3;
	v18 =	vld [tilespmem:s19+$0x1140]  }
0x377: {  	v19 =	vld [tilespmem:s19+$0x11C0];
	[tilespmem:s29+$0x14200] =	vst v4  }
0x378: {  	v3 =	vmul.f32 $2.500000000e-01, v3;
	v4 =	vld [tilespmem:s21+$0xE40]  }
0x379: {  	v6 =	vadd.f32 v61, v52;
	s11 =	sor.u32 $0xC30, s23;
	v20 =	vld [tilespmem:s21+$0xEC0]  }
0x37a: {  	s14 =	sor.u32 $0xE40, s22;
	[tilespmem:s11+$0x14200] =	vst v3;
	v21 =	vld [tilespmem:s21+$0xF40];
	v5 =	vadd.f32 v17, v5  }
0x37b: {  	s28 =	sor.u32 $0xEC0, s22;
	v3 =	vadd.f32 v63, v6;
	v22 =	vld [tilespmem:s14+$0x200]  }
0x37c: {  	v23 =	vld [tilespmem:s28+$0x200];
	v5 =	vadd.f32 v18, v5  }
0x37d: {  	s29 =	sor.u32 $0xF40, s22;
	v24 =	vld [tilespmem:s21+$0xFC0];
	v3 =	vadd.f32 v16, v3  }
0x37e: {  	v25 =	vld [tilespmem:s29+$0x200];
	v4 =	vadd.f32 v20, v4;
	v5 =	vadd.f32 v19, v5  }
0x37f: {  	s11 =	sor.u32 $0xFC0, s22;
	v3 =	vmul.f32 $2.500000000e-01, v3  }
0x380: {  	s14 =	sor.u32 $0xC50, s20;
	v26 =	vld [tilespmem:s11+$0x200];
	v4 =	vadd.f32 v21, v4;
	v5 =	vmul.f32 $2.500000000e-01, v5  }
0x381: {  	s28 =	sor.u32 $0xC40, s24;
	[tilespmem:s14+$0x14200] =	vst v3;
	v3 =	vadd.f32 v23, v22  }
0x382: {  	v27 =	vld [tilespmem:s19+$0xE60];
	v4 =	vadd.f32 v24, v4;
	[tilespmem:s28+$0x14200] =	vst v5  }
0x383: {  	v3 =	vadd.f32 v25, v3;
	v5 =	vld [tilespmem:s19+$0x1050]  }
0x384: {  	v4 =	vmul.f32 $2.500000000e-01, v4;
	v28 =	vld [tilespmem:s19+$0x10D0]  }
0x385: {  	s29 =	sor.u32 $0xC40, s2;
	v3 =	vadd.f32 v26, v3;
	v29 =	vld [tilespmem:s19+$0x1150]  }
0x386: {  	v30 =	vld [tilespmem:s19+$0x11D0];
	[tilespmem:s29+$0x14200] =	vst v4  }
0x387: {  	v3 =	vmul.f32 $2.500000000e-01, v3;
	v4 =	vld [tilespmem:s21+$0xE50]  }
0x388: {  	s11 =	sor.u32 $0xC40, s23;
	v31 =	vld [tilespmem:s21+$0xED0]  }
0x389: {  	s14 =	sor.u32 $0xE50, s22;
	[tilespmem:s11+$0x14200] =	vst v3;
	v32 =	vld [tilespmem:s21+$0xF50];
	v5 =	vadd.f32 v28, v5  }
0x38a: {  	s28 =	sor.u32 $0xED0, s22;
	v3 =	vld [tilespmem:s14+$0x200]  }
0x38b: {  	v33 =	vld [tilespmem:s28+$0x200];
	v5 =	vadd.f32 v29, v5  }
0x38c: {  	s29 =	sor.u32 $0xF50, s22;
	v34 =	vld [tilespmem:s21+$0xFD0]  }
0x38d: {  	v35 =	vld [tilespmem:s29+$0x200];
	v4 =	vadd.f32 v31, v4;
	v5 =	vadd.f32 v30, v5  }
0x38e: {  	v36 =	vld [tilespmem:s19+$0xEE0];
	s11 =	sor.u32 $0xFD0, s22  }
0x38f: {  	v37 =	vld [tilespmem:s11+$0x200];
	v4 =	vadd.f32 v32, v4;
	v5 =	vmul.f32 $2.500000000e-01, v5  }
0x390: {  	v38 =	vld [tilespmem:s19+$0xF60];
	s14 =	sor.u32 $0xC50, s24;
	v3 =	vadd.f32 v33, v3  }
0x391: {  	v39 =	vld [tilespmem:s19+$0xFE0];
	v4 =	vadd.f32 v34, v4;
	[tilespmem:s14+$0x14200] =	vst v5  }
0x392: {  	v3 =	vadd.f32 v35, v3;
	v5 =	vld [tilespmem:s19+$0x1060]  }
0x393: {  	v4 =	vmul.f32 $2.500000000e-01, v4;
	v40 =	vld [tilespmem:s19+$0x10E0]  }
0x394: {  	s28 =	sor.u32 $0xC50, s2;
	v3 =	vadd.f32 v37, v3;
	v41 =	vld [tilespmem:s19+$0x1160]  }
0x395: {  	v6 =	vadd.f32 v36, v27;
	v42 =	vld [tilespmem:s19+$0x11E0];
	[tilespmem:s28+$0x14200] =	vst v4  }
0x396: {  	v3 =	vmul.f32 $2.500000000e-01, v3;
	v44 =	vld [tilespmem:s21+$0xE60]  }
0x397: {  	v43 =	vadd.f32 v38, v6;
	s29 =	sor.u32 $0xC50, s23;
	v45 =	vld [tilespmem:s21+$0xEE0]  }
0x398: {  	s11 =	sor.u32 $0xE60, s22;
	[tilespmem:s29+$0x14200] =	vst v3;
	v46 =	vld [tilespmem:s21+$0xF60]  }
0x399: {  	s14 =	sor.u32 $0xEE0, s22;
	v4 =	vadd.f32 v39, v43;
	v47 =	vld [tilespmem:s11+$0x200];
	v3 =	vadd.f32 v40, v5  }
0x39a: {  	v48 =	vld [tilespmem:s14+$0x200]  }
0x39b: {  	s29 =	sor.u32 $0xF60, s22;
	v49 =	vld [tilespmem:s21+$0xFE0];
	v4 =	vmul.f32 $2.500000000e-01, v4;
	v3 =	vadd.f32 v41, v3  }
0x39c: {  	s28 =	sor.u32 $0xC60, s20;
	v50 =	vld [tilespmem:s29+$0x200];
	s11 =	sor.u32 $0xFE0, s22  }
0x39d: {  	v52 =	vld [tilespmem:s11+$0x200];
	[tilespmem:s28+$0x14200] =	vst v4;
	v6 =	vadd.f32 v45, v44;
	v3 =	vadd.f32 v42, v3  }
0x39e: {  	v51 =	vld [tilespmem:s19+$0xE70]  }
0x39f: {  	v53 =	vld [tilespmem:s19+$0xEF0];
	v5 =	vadd.f32 v48, v47;
	v6 =	vadd.f32 v46, v6;
	v3 =	vmul.f32 $2.500000000e-01, v3  }
0x3a0: {  	s14 =	sor.u32 $0xC60, s24;
	v54 =	vld [tilespmem:s19+$0xF70]  }
0x3a1: {  	v55 =	vld [tilespmem:s19+$0xFF0];
	v4 =	vadd.f32 v50, v5;
	[tilespmem:s14+$0x14200] =	vst v3;
	v3 =	vadd.f32 v49, v6  }
0x3a2: {  	v56 =	vld [tilespmem:s19+$0x1070]  }
0x3a3: {  	v4 =	vadd.f32 v52, v4;
	v57 =	vld [tilespmem:s19+$0x10F0];
	v3 =	vmul.f32 $2.500000000e-01, v3  }
0x3a4: {  	s28 =	sor.u32 $0xC60, s2;
	v58 =	vld [tilespmem:s19+$0x1170]  }
0x3a5: {  	v59 =	vld [tilespmem:s19+$0x11F0];
	[tilespmem:s28+$0x14200] =	vst v3;
	v3 =	vmul.f32 $2.500000000e-01, v4  }
0x3a6: {  	s29 =	sor.u32 $0xC60, s23;
	v60 =	vld [tilespmem:s21+$0xE70]  }
0x3a7: {  	s11 =	sor.u32 $0xE70, s22;
	v13 =	vld [tilespmem:s21+$0xEF0];
	[tilespmem:s29+$0x14200] =	vst v3  }
0x3a8: {  	s14 =	sor.u32 $0xEF0, s22;
	v3 =	vld [tilespmem:s11+$0x200]  }
0x3a9: {  	v14 =	vld [tilespmem:s14+$0x200]  }
0x3aa: {  	s19 =	sor.u32 $0xF70, s22;
	v15 =	vld [tilespmem:s21+$0xF70]  }
0x3ab: {  	v11 =	vadd.f32 v53, v51;
	v16 =	vld [tilespmem:s19+$0x200]  }
0x3ac: {  	v61 =	vld [tilespmem:s21+$0xFF0];
	s21 =	sor.u32 $0xFF0, s22;
	v5 =	vadd.f32 v57, v56  }
0x3ad: {  	v7 =	vadd.f32 v54, v11;
	v62 =	vld [tilespmem:s21+$0x200];
	v4 =	vadd.f32 v13, v60  }
0x3ae: {  	v5 =	vadd.f32 v58, v5;
	v3 =	vadd.f32 v14, v3  }
0x3af: {  	v7 =	vadd.f32 v55, v7;
	v4 =	vadd.f32 v15, v4  }
0x3b0: {  	v5 =	vadd.f32 v59, v5;
	v3 =	vadd.f32 v16, v3  }
0x3b1: {  	p2 =	slt.u32 s18, $0xC;
	v63 =	vmul.f32 $2.500000000e-01, v7;
	v4 =	vadd.f32 v61, v4  }
.Ltmp5:
0x3b2: {  	s22 =	sor.u32 $0xC70, s20;
	v5 =	vmul.f32 $2.500000000e-01, v5;
	v3 =	vadd.f32 v62, v3;
	(pc) =	sbr.rel @p2 .LBB2_5-.Ltmp5, $4  }
0x3b3: {  	s24 =	sor.u32 $0xC70, s24;
	[tilespmem:s22+$0x14200] =	vst v63;
	v4 =	vmul.f32 $2.500000000e-01, v4  }
0x3b4: {  	s2 =	sor.u32 $0xC70, s2;
	[tilespmem:s24+$0x14200] =	vst v5;
	v3 =	vmul.f32 $2.500000000e-01, v3  }
0x3b5: {  	s28 =	sor.u32 $0xC70, s23;
	s29 =	sadd.s32 $0x4, s18;
	[tilespmem:s2+$0x14200] =	vst v4  }
0x3b6: {  	s18 =	smov.u32 s29;
	[tilespmem:s28+$0x14200] =	vst v3  }
.Ltmp6:
0x3b7: {  	s2 =	sadd.s32 s17, s16;
	(pc) =	sbr.rel @p1 .LBB2_12-.Ltmp6, $4  }
0x3b8: {  	s2 =	sshll.u32 s2, $0x6  }
0x3b9: {  	s2 =	sadd.s32 s3, s2  }
0x3ba: {  	s6 =	simm.s32 $0x14200;
	s2 =	sadd.s32 $0x9C400, s2  }
0x3bb: {  	[hbm4b:s2+s4] =	stream.linear.scatter [tilespmem:s6], [sflag:$0x7], $0x2000, $0x38;
	[tilespmem:$0x18200] =	vst v63  }
0x3bc: {  	p1 =	sgt.u32 s9, $0x4C1  }
.Ltmp7:
0x3bd: {  	_ = 	snop;
	(pc) =	sbr.rel @p1 .LBB2_9-.Ltmp7, $1  }
0x3be: {  	_ =	sdelay $0x3  }
0x3bf: {  	s2 =	simm.s32 $0x5  }
0x3c0: {  	_ =	swait.ge [sflag:s2], $0x400  }
0x3c1: {  	[sflag:s2] =	ssyncset.done $0x0  }
0x3c2: {  	s24 =	simm.s32 $0x9;
	[sflag:s2] =	ssyncadd.s32 $0xFFFFFC00  }
0x3c3: {  	_ =	swait.ge [sflag:s24], $0x40  }
0x3c4: {  	[sflag:s24] =	ssyncset.done $0x0  }
0x3c5: {  	[sflag:s24] =	ssyncadd.s32 $0xFFFFFFC0  }
0x3c6: {  	v3 =	vld [tilespmem:$0x0];
	_ =	sdelay $0x2  }
0x3c7: {  	p1 =	sgt.u32 s9, $0x250;
	s2 =	simm.s32 $0x2710  }
0x3c8: {  	s2 =	simm.s32 @!p1 $0x0  }
0x3c9: {  	v4 =	vadd.s32 s2, v3  }
0x3ca: {  	v5 =	vshll.u32 v4, $0x2  }
0x3cb: {  	v6 =	vld [tilespmem:$0x10];
	v3 =	vand.u32 $0x7, v3;
	v5 =	vand.u32 $0xFFFFFFE0, v5  }
0x3cc: {  	v7 =	vld [tilespmem:$0x20];
	v3 =	vor.u32 v3, v5  }
0x3cd: {  	v57 =	vld [tilespmem:$0x30];
	v8 =	vperm.xlane v3, v0;
	_ =	sdelay $0x1  }
0x3ce: {  	v8 =	vadd.s32 v1, v8  }
0x3cf: {  	v58 =	vadd.s32 s2, v6;
	[tilespmem:$0x100] =	vst v4  }
0x3d0: {  	v59 =	vadd.s32 s2, v7;
	[tilespmem:$0x110] =	vst v58;
	v3 =	vperm.xlane v3, v2  }
0x3d1: {  	v60 =	vadd.s32 s2, v57;
	[tilespmem:$0x120] =	vst v59  }
0x3d2: {  	s28 =	simm.s32 $0x200;
	[tilespmem:$0x130] =	vst v60;
	v3 =	vadd.s32 v1, v3  }
0x3d3: {  	[tilespmem:s28], [sflag:$0x1] =	stream.indirect_vreg.gather [hbm4b:s1+s4], $0x80, v8, vm0, $0xb8;
	[tilespmem:$0x18200] =	vst v63  }
0x3d4: {  	s29 =	simm.s32 $0xA00  }
0x3d5: {  	[tilespmem:s29], [sflag:$0x1] =	stream.indirect_vreg.gather [hbm4b:s8+s4], $0x80, v8, vm0, $0xb8;
	[tilespmem:$0x18200] =	vst v63  }
0x3d6: {  	s6 =	simm.s32 $0x1200  }
0x3d7: {  	[tilespmem:s6], [sflag:$0x1] =	stream.indirect_vreg.gather [hbm4b:s1+s4], $0x80, v3, vm0, $0xb8;
	[tilespmem:$0x18200] =	vst v63  }
0x3d8: {  	s11 =	simm.s32 $0x1A00  }
0x3d9: {  	[tilespmem:s11], [sflag:$0x1] =	stream.indirect_vreg.gather [hbm4b:s8+s4], $0x80, v3, vm0, $0xb8;
	[tilespmem:$0x18200] =	vst v63  }
0x3da: {  	v3 =	vld [tilespmem:$0x110];
	_ =	sdelay $0x4  }
0x3db: {  	v61 =	vshll.u32 v3, $0x2  }
0x3dc: {  	v3 =	vand.u32 $0x7, v3;
	v4 =	vand.u32 $0xFFFFFFE0, v61  }
0x3dd: {  	v3 =	vor.u32 v3, v4  }
0x3de: {  	v4 =	vperm.xlane v3, v0;
	_ =	sdelay $0x1  }
0x3df: {  	v4 =	vadd.s32 v1, v4;
	_ =	sdelay $0x1  }
0x3e0: {  	v3 =	vperm.xlane v3, v2;
	_ =	sdelay $0x1  }
0x3e1: {  	s14 =	simm.s32 $0x2200;
	v3 =	vadd.s32 v1, v3  }
0x3e2: {  	[tilespmem:s14], [sflag:$0x1] =	stream.indirect_vreg.gather [hbm4b:s1+s4], $0x80, v4, vm0, $0xb8;
	[tilespmem:$0x18200] =	vst v63  }
0x3e3: {  	s16 =	simm.s32 $0x2A00  }
0x3e4: {  	[tilespmem:s16], [sflag:$0x1] =	stream.indirect_vreg.gather [hbm4b:s8+s4], $0x80, v4, vm0, $0xb8;
	[tilespmem:$0x18200] =	vst v63  }
0x3e5: {  	s17 =	simm.s32 $0x3200  }
0x3e6: {  	[tilespmem:s17], [sflag:$0x1] =	stream.indirect_vreg.gather [hbm4b:s1+s4], $0x80, v3, vm0, $0xb8;
	[tilespmem:$0x18200] =	vst v63  }
0x3e7: {  	s18 =	simm.s32 $0x3A00  }
0x3e8: {  	[tilespmem:s18], [sflag:$0x1] =	stream.indirect_vreg.gather [hbm4b:s8+s4], $0x80, v3, vm0, $0xb8;
	[tilespmem:$0x18200] =	vst v63  }
0x3e9: {  	v3 =	vld [tilespmem:$0x120];
	_ =	sdelay $0x4  }
0x3ea: {  	v62 =	vshll.u32 v3, $0x2  }
0x3eb: {  	v3 =	vand.u32 $0x7, v3;
	v4 =	vand.u32 $0xFFFFFFE0, v62  }
0x3ec: {  	v3 =	vor.u32 v3, v4  }
0x3ed: {  	v4 =	vperm.xlane v3, v0;
	_ =	sdelay $0x1  }
0x3ee: {  	v4 =	vadd.s32 v1, v4;
	_ =	sdelay $0x1  }
0x3ef: {  	v3 =	vperm.xlane v3, v2;
	_ =	sdelay $0x1  }
0x3f0: {  	s19 =	simm.s32 $0x4200;
	v3 =	vadd.s32 v1, v3  }
0x3f1: {  	[tilespmem:s19], [sflag:$0x1] =	stream.indirect_vreg.gather [hbm4b:s1+s4], $0x80, v4, vm0, $0xb8;
	[tilespmem:$0x18200] =	vst v63  }
0x3f2: {  	s20 =	simm.s32 $0x4A00  }
0x3f3: {  	[tilespmem:s20], [sflag:$0x1] =	stream.indirect_vreg.gather [hbm4b:s8+s4], $0x80, v4, vm0, $0xb8;
	[tilespmem:$0x18200] =	vst v63  }
0x3f4: {  	s21 =	simm.s32 $0x5200  }
0x3f5: {  	[tilespmem:s21], [sflag:$0x1] =	stream.indirect_vreg.gather [hbm4b:s1+s4], $0x80, v3, vm0, $0xb8;
	[tilespmem:$0x18200] =	vst v63  }
0x3f6: {  	s22 =	simm.s32 $0x5A00  }
0x3f7: {  	[tilespmem:s22], [sflag:$0x1] =	stream.indirect_vreg.gather [hbm4b:s8+s4], $0x80, v3, vm0, $0xb8;
	[tilespmem:$0x18200] =	vst v63  }
0x3f8: {  	v3 =	vld [tilespmem:$0x130];
	_ =	sdelay $0x4  }
0x3f9: {  	v63 =	vshll.u32 v3, $0x2  }
0x3fa: {  	v3 =	vand.u32 $0x7, v3;
	v4 =	vand.u32 $0xFFFFFFE0, v63  }
0x3fb: {  	v3 =	vor.u32 v3, v4  }
0x3fc: {  	v4 =	vperm.xlane v3, v0;
	_ =	sdelay $0x1  }
0x3fd: {  	v4 =	vadd.s32 v1, v4;
	_ =	sdelay $0x1  }
0x3fe: {  	v3 =	vperm.xlane v3, v2;
	_ =	sdelay $0x1  }
0x3ff: {  	s23 =	simm.s32 $0x6200;
	v3 =	vadd.s32 v1, v3  }
0x400: {  	[tilespmem:s23], [sflag:$0x1] =	stream.indirect_vreg.gather [hbm4b:s1+s4], $0x80, v4, vm0, $0xb8;
	[tilespmem:$0x18200] =	vst v63  }
0x401: {  	s24 =	simm.s32 $0x6A00;
	s2 =	simm.s32 $0x7FD8F  }
0x402: {  	[tilespmem:s24], [sflag:$0x1] =	stream.indirect_vreg.gather [hbm4b:s8+s4], $0x80, v4, vm0, $0xb8;
	[tilespmem:$0x18200] =	vst v63  }
0x403: {  	s2 =	simm.s32 @!p1 $0x0;
	s6 =	simm.s32 $0x7200  }
0x404: {  	[tilespmem:s6], [sflag:$0x1] =	stream.indirect_vreg.gather [hbm4b:s1+s4], $0x80, v3, vm0, $0xb8;
	[tilespmem:$0x18200] =	vst v63  }
0x405: {  	s2 =	sadd.s32 s2, s15;
	s6 =	simm.s32 $0x4E2000  }
0x406: {  	s2 =	sshll.u32 s2, $0xD;
	s28 =	simm.s32 $0x7A00;
	s6 =	simm.s32 @!p1 $0x0  }
0x407: {  	[tilespmem:s28], [sflag:$0x1] =	stream.indirect_vreg.gather [hbm4b:s8+s4], $0x80, v3, vm0, $0xb8;
	[tilespmem:$0x18200] =	vst v63  }
0x408: {  	s2 =	sadd.s32 s6, s2  }
0x409: {  	s2 =	sadd.s32 $0x80000, s2  }
0x40a: {  	p1 =	sgt.u32 s9, $0x4A1;
	s2 =	sshrl.u32 s2, $0x3  }
0x40b: {  	s29 =	rddreg [dreg:$0xb];
	p2 =	sgt.u32 @!p1 s9, $0x230;
	s2 =	sadd.s32 s1, s2  }
0x40c: {  	[spmem:s13], [sflag:s29] =	dma.local [hbm:s2], $0x400  }
0x40d: {  	p2 =	por !p2, p1;
	s2 =	simm.s32 @!p1 $0x3FFFD8F  }
0x40e: {  	s2 =	simm.s32 @p2 $0x0  }
0x40f: {  	s2 =	sadd.s32 @!p1 s2, s15  }
0x410: {  	s2 =	sshll.u32 @!p1 s2, $0x3  }
0x411: {  	s2 =	sadd.s32 @!p1 $0x300, s2  }
0x412: {  	s2 =	sand.u32 @!p1 $0x1FFFFFF8, s2  }
0x413: {  	s6 =	simm.s32 @!p1 $0x0;
	s11 =	simm.s32 @!p1 $0x80;
	s2 =	sadd.s32 @!p1 s0, s2  }
0x414: {  	[tilespmem:s11], [sflag:$0xA] =	stream.linear.gather @!p1 [hbm4b:s2+s6], $0x40, $0x38;
	[tilespmem:$0x18200] =	vst v63  }
.LBB2_9:
0x415: {  	s2 =	smulhi.u32 $0x68DB8BAD, s9;
	_ =	sdelay $0x1  }
0x416: {  	s2 =	sshrl.u32 s2, $0x8  }
0x417: {  	s6 =	smul.u32 $0xFFFFD8F, s2;
	_ =	sdelay $0x1  }
0x418: {  	s6 =	sadd.s32 s9, s6;
	s9 =	smul.u32 $0x4E20, s2  }
0x419: {  	s15 =	sshll.u32 s6, $0x4  }
0x41a: {  	_ =	swait.ge [sflag:s30], $0x400;
	s2 =	sadd.s32 s9, s15  }
0x41b: {  	s29 =	sor.u32 $0x1C06, s10;
	[sflag:s30] =	ssyncset.done $0x0;
	s2 =	sshll.u32 s2, $0x6  }
0x41c: {  	s11 =	sshrl.u32 s12, $0x3;
	[sflag:s30] =	ssyncadd.s32 $0xFFFFFC00;
	s2 =	sadd.s32 s3, s2  }
0x41d: {  	[hbm:s2], [sflag:s29] =	dma.local [spmem:s11], $0x400  }
0x41e: {  	_ =	swait.ge [sflag:s31], $0x8000  }
0x41f: {  	[sflag:s31] =	ssyncset.done $0x0  }
0x420: {  	s2 =	simm.s32 @!p0 $0x8;
	[sflag:s31] =	ssyncadd.s32 $0xFFFF8000  }
0x421: {  	_ =	swait.ge @!p0 [sflag:s2], $0x2000  }
0x422: {  	[sflag:s2] =	ssyncset.done @!p0 $0x0  }
0x423: {  	s16 =	simm.s32 $0x0;
	[sflag:s2] =	ssyncadd.s32 @!p0 $0xFFFFE000  }
.LBB2_10:
0x424: {  	s2 =	sshll.u32 s16, $0xB  }
0x425: {  	s17 =	sand.u32 $0x3FFFF800, s2  }
0x426: {  	v3 =	vld [tilespmem:s17+$0x8200]  }
0x427: {  	v4 =	vld [tilespmem:s17+$0x8280];
	_ =	sdelay $0x1  }
0x428: {  	v5 =	vld [tilespmem:s17+$0x8300];
	_ =	sdelay $0x1  }
0x429: {  	v6 =	vld [tilespmem:s17+$0x8380]  }
0x42a: {  	v3 =	vadd.f32 v4, v3;
	_ =	sdelay $0x1  }
0x42b: {  	v3 =	vadd.f32 v5, v3;
	_ =	sdelay $0x1  }
0x42c: {  	s21 =	sshll.u32 s16, $0x9;
	v3 =	vadd.f32 v6, v3  }
0x42d: {  	s19 =	sshll.u32 s16, $0x7;
	s6 =	sand.u32 $0x1000, s21  }
0x42e: {  	s2 =	sand.u32 $0x200, s19;
	s6 =	sor.u32 $0x16200, s6;
	v3 =	vmul.f32 $2.500000000e-01, v3  }
0x42f: {  	s11 =	sadd.s32 s2, s6  }
0x430: {  	[tilespmem:s11+$0x0] =	vst v3  }
0x431: {  	v3 =	vld [tilespmem:s17+$0x8210]  }
0x432: {  	v36 =	vld [tilespmem:s17+$0x8290];
	_ =	sdelay $0x1  }
0x433: {  	v37 =	vld [tilespmem:s17+$0x8310];
	_ =	sdelay $0x1  }
0x434: {  	v38 =	vld [tilespmem:s17+$0x8390]  }
0x435: {  	v3 =	vadd.f32 v36, v3;
	_ =	sdelay $0x1  }
0x436: {  	v3 =	vadd.f32 v37, v3;
	_ =	sdelay $0x1  }
0x437: {  	v3 =	vadd.f32 v38, v3;
	_ =	sdelay $0x1  }
0x438: {  	v3 =	vmul.f32 $2.500000000e-01, v3;
	_ =	sdelay $0x1  }
0x439: {  	[tilespmem:s11+$0x10] =	vst v3  }
0x43a: {  	v3 =	vld [tilespmem:s17+$0x8220]  }
0x43b: {  	v39 =	vld [tilespmem:s17+$0x82A0];
	_ =	sdelay $0x1  }
0x43c: {  	v40 =	vld [tilespmem:s17+$0x8320];
	_ =	sdelay $0x1  }
0x43d: {  	v41 =	vld [tilespmem:s17+$0x83A0]  }
0x43e: {  	v3 =	vadd.f32 v39, v3;
	_ =	sdelay $0x1  }
0x43f: {  	v3 =	vadd.f32 v40, v3;
	_ =	sdelay $0x1  }
0x440: {  	v3 =	vadd.f32 v41, v3;
	_ =	sdelay $0x1  }
0x441: {  	v3 =	vmul.f32 $2.500000000e-01, v3;
	_ =	sdelay $0x1  }
0x442: {  	[tilespmem:s11+$0x20] =	vst v3  }
0x443: {  	v3 =	vld [tilespmem:s17+$0x8230]  }
0x444: {  	v42 =	vld [tilespmem:s17+$0x82B0];
	_ =	sdelay $0x1  }
0x445: {  	v43 =	vld [tilespmem:s17+$0x8330];
	_ =	sdelay $0x1  }
0x446: {  	v44 =	vld [tilespmem:s17+$0x83B0]  }
0x447: {  	v3 =	vadd.f32 v42, v3;
	_ =	sdelay $0x1  }
0x448: {  	v3 =	vadd.f32 v43, v3;
	_ =	sdelay $0x1  }
0x449: {  	v3 =	vadd.f32 v44, v3;
	_ =	sdelay $0x1  }
0x44a: {  	v3 =	vmul.f32 $2.500000000e-01, v3;
	_ =	sdelay $0x1  }
0x44b: {  	[tilespmem:s11+$0x30] =	vst v3  }
0x44c: {  	v3 =	vld [tilespmem:s17+$0x8240]  }
0x44d: {  	v45 =	vld [tilespmem:s17+$0x82C0];
	_ =	sdelay $0x1  }
0x44e: {  	v46 =	vld [tilespmem:s17+$0x8340];
	_ =	sdelay $0x1  }
0x44f: {  	v47 =	vld [tilespmem:s17+$0x83C0]  }
0x450: {  	v3 =	vadd.f32 v45, v3;
	_ =	sdelay $0x1  }
0x451: {  	v3 =	vadd.f32 v46, v3;
	_ =	sdelay $0x1  }
0x452: {  	v3 =	vadd.f32 v47, v3;
	_ =	sdelay $0x1  }
0x453: {  	v3 =	vmul.f32 $2.500000000e-01, v3;
	_ =	sdelay $0x1  }
0x454: {  	[tilespmem:s11+$0x40] =	vst v3  }
0x455: {  	v3 =	vld [tilespmem:s17+$0x8250]  }
0x456: {  	v48 =	vld [tilespmem:s17+$0x82D0];
	_ =	sdelay $0x1  }
0x457: {  	v49 =	vld [tilespmem:s17+$0x8350];
	_ =	sdelay $0x1  }
0x458: {  	v50 =	vld [tilespmem:s17+$0x83D0]  }
0x459: {  	v3 =	vadd.f32 v48, v3;
	_ =	sdelay $0x1  }
0x45a: {  	v3 =	vadd.f32 v49, v3;
	_ =	sdelay $0x1  }
0x45b: {  	v3 =	vadd.f32 v50, v3;
	_ =	sdelay $0x1  }
0x45c: {  	v3 =	vmul.f32 $2.500000000e-01, v3;
	_ =	sdelay $0x1  }
0x45d: {  	[tilespmem:s11+$0x50] =	vst v3  }
0x45e: {  	v3 =	vld [tilespmem:s17+$0x8260]  }
0x45f: {  	v51 =	vld [tilespmem:s17+$0x82E0];
	_ =	sdelay $0x1  }
0x460: {  	v52 =	vld [tilespmem:s17+$0x8360];
	_ =	sdelay $0x1  }
0x461: {  	v53 =	vld [tilespmem:s17+$0x83E0]  }
0x462: {  	v3 =	vadd.f32 v51, v3;
	_ =	sdelay $0x1  }
0x463: {  	v3 =	vadd.f32 v52, v3;
	_ =	sdelay $0x1  }
0x464: {  	v3 =	vadd.f32 v53, v3;
	_ =	sdelay $0x1  }
0x465: {  	v3 =	vmul.f32 $2.500000000e-01, v3;
	_ =	sdelay $0x1  }
0x466: {  	[tilespmem:s11+$0x60] =	vst v3  }
0x467: {  	v3 =	vld [tilespmem:s17+$0x8270]  }
0x468: {  	v54 =	vld [tilespmem:s17+$0x82F0];
	_ =	sdelay $0x1  }
0x469: {  	v55 =	vld [tilespmem:s17+$0x8370];
	_ =	sdelay $0x1  }
0x46a: {  	v56 =	vld [tilespmem:s17+$0x83F0]  }
0x46b: {  	v3 =	vadd.f32 v54, v3;
	_ =	sdelay $0x1  }
0x46c: {  	v3 =	vadd.f32 v55, v3;
	_ =	sdelay $0x1  }
0x46d: {  	v3 =	vadd.f32 v56, v3;
	_ =	sdelay $0x1  }
0x46e: {  	v3 =	vmul.f32 $2.500000000e-01, v3;
	_ =	sdelay $0x1  }
0x46f: {  	[tilespmem:s11+$0x70] =	vst v3  }
0x470: {  	v3 =	vld [tilespmem:s17+$0x8600]  }
0x471: {  	v57 =	vld [tilespmem:s17+$0x8680];
	_ =	sdelay $0x1  }
0x472: {  	v58 =	vld [tilespmem:s17+$0x8700];
	_ =	sdelay $0x1  }
0x473: {  	v59 =	vld [tilespmem:s17+$0x8780]  }
0x474: {  	v3 =	vadd.f32 v57, v3;
	_ =	sdelay $0x1  }
0x475: {  	v3 =	vadd.f32 v58, v3;
	_ =	sdelay $0x1  }
0x476: {  	v3 =	vadd.f32 v59, v3;
	_ =	sdelay $0x1  }
0x477: {  	v3 =	vmul.f32 $2.500000000e-01, v3;
	_ =	sdelay $0x1  }
0x478: {  	[tilespmem:s11+$0x400] =	vst v3  }
0x479: {  	v3 =	vld [tilespmem:s17+$0x8610]  }
0x47a: {  	v60 =	vld [tilespmem:s17+$0x8690];
	_ =	sdelay $0x1  }
0x47b: {  	v61 =	vld [tilespmem:s17+$0x8710];
	_ =	sdelay $0x1  }
0x47c: {  	v62 =	vld [tilespmem:s17+$0x8790]  }
0x47d: {  	v3 =	vadd.f32 v60, v3;
	_ =	sdelay $0x1  }
0x47e: {  	v3 =	vadd.f32 v61, v3;
	_ =	sdelay $0x1  }
0x47f: {  	v3 =	vadd.f32 v62, v3;
	_ =	sdelay $0x1  }
0x480: {  	v3 =	vmul.f32 $2.500000000e-01, v3;
	_ =	sdelay $0x1  }
0x481: {  	[tilespmem:s11+$0x410] =	vst v3  }
0x482: {  	v3 =	vld [tilespmem:s17+$0x8620]  }
0x483: {  	v63 =	vld [tilespmem:s17+$0x86A0];
	_ =	sdelay $0x1  }
0x484: {  	v9 =	vld [tilespmem:s17+$0x8720];
	_ =	sdelay $0x1  }
0x485: {  	v10 =	vld [tilespmem:s17+$0x87A0]  }
0x486: {  	v3 =	vadd.f32 v63, v3;
	_ =	sdelay $0x1  }
0x487: {  	v3 =	vadd.f32 v9, v3;
	_ =	sdelay $0x1  }
0x488: {  	v3 =	vadd.f32 v10, v3;
	_ =	sdelay $0x1  }
0x489: {  	v3 =	vmul.f32 $2.500000000e-01, v3;
	_ =	sdelay $0x1  }
0x48a: {  	[tilespmem:s11+$0x420] =	vst v3  }
0x48b: {  	v3 =	vld [tilespmem:s17+$0x8630]  }
0x48c: {  	v11 =	vld [tilespmem:s17+$0x86B0];
	_ =	sdelay $0x1  }
0x48d: {  	v12 =	vld [tilespmem:s17+$0x8730];
	_ =	sdelay $0x1  }
0x48e: {  	v13 =	vld [tilespmem:s17+$0x87B0]  }
0x48f: {  	v3 =	vadd.f32 v11, v3;
	_ =	sdelay $0x1  }
0x490: {  	v3 =	vadd.f32 v12, v3;
	_ =	sdelay $0x1  }
0x491: {  	v3 =	vadd.f32 v13, v3;
	_ =	sdelay $0x1  }
0x492: {  	v3 =	vmul.f32 $2.500000000e-01, v3;
	_ =	sdelay $0x1  }
0x493: {  	[tilespmem:s11+$0x430] =	vst v3  }
0x494: {  	v3 =	vld [tilespmem:s17+$0x8640]  }
0x495: {  	v14 =	vld [tilespmem:s17+$0x86C0];
	_ =	sdelay $0x1  }
0x496: {  	v15 =	vld [tilespmem:s17+$0x8740];
	_ =	sdelay $0x1  }
0x497: {  	v16 =	vld [tilespmem:s17+$0x87C0]  }
0x498: {  	v3 =	vadd.f32 v14, v3;
	_ =	sdelay $0x1  }
0x499: {  	v3 =	vadd.f32 v15, v3;
	_ =	sdelay $0x1  }
0x49a: {  	v3 =	vadd.f32 v16, v3;
	_ =	sdelay $0x1  }
0x49b: {  	v3 =	vmul.f32 $2.500000000e-01, v3;
	_ =	sdelay $0x1  }
0x49c: {  	[tilespmem:s11+$0x440] =	vst v3  }
0x49d: {  	v3 =	vld [tilespmem:s17+$0x8650]  }
0x49e: {  	v17 =	vld [tilespmem:s17+$0x86D0];
	_ =	sdelay $0x1  }
0x49f: {  	v18 =	vld [tilespmem:s17+$0x8750];
	_ =	sdelay $0x1  }
0x4a0: {  	v19 =	vld [tilespmem:s17+$0x87D0]  }
0x4a1: {  	v3 =	vadd.f32 v17, v3;
	_ =	sdelay $0x1  }
0x4a2: {  	v3 =	vadd.f32 v18, v3;
	_ =	sdelay $0x1  }
0x4a3: {  	v3 =	vadd.f32 v19, v3;
	_ =	sdelay $0x1  }
0x4a4: {  	v3 =	vmul.f32 $2.500000000e-01, v3;
	_ =	sdelay $0x1  }
0x4a5: {  	[tilespmem:s11+$0x450] =	vst v3  }
0x4a6: {  	v3 =	vld [tilespmem:s17+$0x8660]  }
0x4a7: {  	v20 =	vld [tilespmem:s17+$0x86E0];
	_ =	sdelay $0x1  }
0x4a8: {  	v21 =	vld [tilespmem:s17+$0x8760];
	_ =	sdelay $0x1  }
0x4a9: {  	v22 =	vld [tilespmem:s17+$0x87E0]  }
0x4aa: {  	v3 =	vadd.f32 v20, v3;
	_ =	sdelay $0x1  }
0x4ab: {  	v3 =	vadd.f32 v21, v3;
	_ =	sdelay $0x1  }
0x4ac: {  	v3 =	vadd.f32 v22, v3;
	_ =	sdelay $0x1  }
0x4ad: {  	v3 =	vmul.f32 $2.500000000e-01, v3;
	_ =	sdelay $0x1  }
0x4ae: {  	[tilespmem:s11+$0x460] =	vst v3  }
0x4af: {  	v3 =	vld [tilespmem:s17+$0x8670]  }
0x4b0: {  	v23 =	vld [tilespmem:s17+$0x86F0];
	_ =	sdelay $0x1  }
0x4b1: {  	v24 =	vld [tilespmem:s17+$0x8770];
	_ =	sdelay $0x1  }
0x4b2: {  	v25 =	vld [tilespmem:s17+$0x87F0]  }
0x4b3: {  	v3 =	vadd.f32 v23, v3;
	_ =	sdelay $0x1  }
0x4b4: {  	v3 =	vadd.f32 v24, v3;
	_ =	sdelay $0x1  }
0x4b5: {  	v3 =	vadd.f32 v25, v3;
	_ =	sdelay $0x1  }
0x4b6: {  	v3 =	vmul.f32 $2.500000000e-01, v3;
	_ =	sdelay $0x1  }
0x4b7: {  	[tilespmem:s11+$0x470] =	vst v3  }
0x4b8: {  	v3 =	vld [tilespmem:s17+$0x8A00]  }
0x4b9: {  	v26 =	vld [tilespmem:s17+$0x8A80];
	_ =	sdelay $0x1  }
0x4ba: {  	v27 =	vld [tilespmem:s17+$0x8B00];
	_ =	sdelay $0x1  }
0x4bb: {  	v28 =	vld [tilespmem:s17+$0x8B80]  }
0x4bc: {  	v3 =	vadd.f32 v26, v3;
	_ =	sdelay $0x1  }
0x4bd: {  	v3 =	vadd.f32 v27, v3;
	_ =	sdelay $0x1  }
0x4be: {  	v3 =	vadd.f32 v28, v3;
	_ =	sdelay $0x1  }
0x4bf: {  	s18 =	sor.u32 s21, s2;
	v3 =	vmul.f32 $2.500000000e-01, v3  }
0x4c0: {  	s20 =	sor.u32 $0x800, s18  }
0x4c1: {  	[tilespmem:s20+$0x16200] =	vst v3  }
0x4c2: {  	v3 =	vld [tilespmem:s17+$0x8A10]  }
0x4c3: {  	v29 =	vld [tilespmem:s17+$0x8A90];
	_ =	sdelay $0x1  }
0x4c4: {  	v30 =	vld [tilespmem:s17+$0x8B10];
	_ =	sdelay $0x1  }
0x4c5: {  	v31 =	vld [tilespmem:s17+$0x8B90]  }
0x4c6: {  	v3 =	vadd.f32 v29, v3;
	_ =	sdelay $0x1  }
0x4c7: {  	v3 =	vadd.f32 v30, v3;
	_ =	sdelay $0x1  }
0x4c8: {  	v3 =	vadd.f32 v31, v3;
	_ =	sdelay $0x1  }
0x4c9: {  	v3 =	vmul.f32 $2.500000000e-01, v3  }
0x4ca: {  	s22 =	sor.u32 $0x810, s18  }
0x4cb: {  	[tilespmem:s22+$0x16200] =	vst v3  }
0x4cc: {  	v3 =	vld [tilespmem:s17+$0x8A20]  }
0x4cd: {  	v32 =	vld [tilespmem:s17+$0x8AA0];
	_ =	sdelay $0x1  }
0x4ce: {  	v33 =	vld [tilespmem:s17+$0x8B20];
	_ =	sdelay $0x1  }
0x4cf: {  	v34 =	vld [tilespmem:s17+$0x8BA0]  }
0x4d0: {  	v3 =	vadd.f32 v32, v3;
	_ =	sdelay $0x1  }
0x4d1: {  	v3 =	vadd.f32 v33, v3;
	_ =	sdelay $0x1  }
0x4d2: {  	v3 =	vadd.f32 v34, v3;
	_ =	sdelay $0x1  }
0x4d3: {  	v3 =	vmul.f32 $2.500000000e-01, v3  }
0x4d4: {  	s23 =	sor.u32 $0x820, s18  }
0x4d5: {  	[tilespmem:s23+$0x16200] =	vst v3  }
0x4d6: {  	v3 =	vld [tilespmem:s17+$0x8A30]  }
0x4d7: {  	v35 =	vld [tilespmem:s17+$0x8AB0];
	_ =	sdelay $0x1  }
0x4d8: {  	v36 =	vld [tilespmem:s17+$0x8B30];
	_ =	sdelay $0x1  }
0x4d9: {  	v37 =	vld [tilespmem:s17+$0x8BB0]  }
0x4da: {  	v3 =	vadd.f32 v35, v3;
	_ =	sdelay $0x1  }
0x4db: {  	v3 =	vadd.f32 v36, v3;
	_ =	sdelay $0x1  }
0x4dc: {  	v3 =	vadd.f32 v37, v3;
	_ =	sdelay $0x1  }
0x4dd: {  	v3 =	vmul.f32 $2.500000000e-01, v3  }
0x4de: {  	s24 =	sor.u32 $0x830, s18  }
0x4df: {  	[tilespmem:s24+$0x16200] =	vst v3  }
0x4e0: {  	v3 =	vld [tilespmem:s17+$0x8A40]  }
0x4e1: {  	v38 =	vld [tilespmem:s17+$0x8AC0];
	_ =	sdelay $0x1  }
0x4e2: {  	v39 =	vld [tilespmem:s17+$0x8B40];
	_ =	sdelay $0x1  }
0x4e3: {  	v40 =	vld [tilespmem:s17+$0x8BC0]  }
0x4e4: {  	v3 =	vadd.f32 v38, v3;
	_ =	sdelay $0x1  }
0x4e5: {  	v3 =	vadd.f32 v39, v3;
	_ =	sdelay $0x1  }
0x4e6: {  	v3 =	vadd.f32 v40, v3;
	_ =	sdelay $0x1  }
0x4e7: {  	v3 =	vmul.f32 $2.500000000e-01, v3  }
0x4e8: {  	s28 =	sor.u32 $0x840, s18  }
0x4e9: {  	[tilespmem:s28+$0x16200] =	vst v3  }
0x4ea: {  	v3 =	vld [tilespmem:s17+$0x8A50]  }
0x4eb: {  	v41 =	vld [tilespmem:s17+$0x8AD0];
	_ =	sdelay $0x1  }
0x4ec: {  	v42 =	vld [tilespmem:s17+$0x8B50];
	_ =	sdelay $0x1  }
0x4ed: {  	v43 =	vld [tilespmem:s17+$0x8BD0]  }
0x4ee: {  	v3 =	vadd.f32 v41, v3;
	_ =	sdelay $0x1  }
0x4ef: {  	v3 =	vadd.f32 v42, v3;
	_ =	sdelay $0x1  }
0x4f0: {  	v3 =	vadd.f32 v43, v3;
	_ =	sdelay $0x1  }
0x4f1: {  	v3 =	vmul.f32 $2.500000000e-01, v3  }
0x4f2: {  	s29 =	sor.u32 $0x850, s18  }
0x4f3: {  	[tilespmem:s29+$0x16200] =	vst v3  }
0x4f4: {  	v3 =	vld [tilespmem:s17+$0x8A60]  }
0x4f5: {  	v44 =	vld [tilespmem:s17+$0x8AE0];
	_ =	sdelay $0x1  }
0x4f6: {  	v45 =	vld [tilespmem:s17+$0x8B60];
	_ =	sdelay $0x1  }
0x4f7: {  	v46 =	vld [tilespmem:s17+$0x8BE0]  }
0x4f8: {  	v3 =	vadd.f32 v44, v3;
	_ =	sdelay $0x1  }
0x4f9: {  	v3 =	vadd.f32 v45, v3;
	_ =	sdelay $0x1  }
0x4fa: {  	v3 =	vadd.f32 v46, v3;
	_ =	sdelay $0x1  }
0x4fb: {  	v3 =	vmul.f32 $2.500000000e-01, v3  }
0x4fc: {  	s14 =	sor.u32 $0x860, s18  }
0x4fd: {  	[tilespmem:s14+$0x16200] =	vst v3  }
0x4fe: {  	v3 =	vld [tilespmem:s17+$0x8A70]  }
0x4ff: {  	v47 =	vld [tilespmem:s17+$0x8AF0];
	_ =	sdelay $0x1  }
0x500: {  	v48 =	vld [tilespmem:s17+$0x8B70];
	_ =	sdelay $0x1  }
0x501: {  	v49 =	vld [tilespmem:s17+$0x8BF0]  }
0x502: {  	v3 =	vadd.f32 v47, v3;
	_ =	sdelay $0x1  }
0x503: {  	v3 =	vadd.f32 v48, v3;
	_ =	sdelay $0x1  }
0x504: {  	v3 =	vadd.f32 v49, v3;
	_ =	sdelay $0x1  }
0x505: {  	v3 =	vmul.f32 $2.500000000e-01, v3  }
0x506: {  	s19 =	sor.u32 $0x870, s18  }
0x507: {  	[tilespmem:s19+$0x16200] =	vst v3  }
0x508: {  	v3 =	vld [tilespmem:s17+$0x8E00]  }
0x509: {  	v50 =	vld [tilespmem:s17+$0x8E80];
	_ =	sdelay $0x1  }
0x50a: {  	v51 =	vld [tilespmem:s17+$0x8F00];
	_ =	sdelay $0x1  }
0x50b: {  	v52 =	vld [tilespmem:s17+$0x8F80]  }
0x50c: {  	v3 =	vadd.f32 v50, v3;
	_ =	sdelay $0x1  }
0x50d: {  	v3 =	vadd.f32 v51, v3;
	_ =	sdelay $0x1  }
0x50e: {  	v3 =	vadd.f32 v52, v3;
	_ =	sdelay $0x1  }
0x50f: {  	v3 =	vmul.f32 $2.500000000e-01, v3  }
0x510: {  	s20 =	sor.u32 $0xC00, s18  }
0x511: {  	[tilespmem:s20+$0x16200] =	vst v3  }
0x512: {  	v3 =	vld [tilespmem:s17+$0x8E10]  }
0x513: {  	v53 =	vld [tilespmem:s17+$0x8E90];
	_ =	sdelay $0x1  }
0x514: {  	v54 =	vld [tilespmem:s17+$0x8F10];
	_ =	sdelay $0x1  }
0x515: {  	v55 =	vld [tilespmem:s17+$0x8F90]  }
0x516: {  	v3 =	vadd.f32 v53, v3;
	_ =	sdelay $0x1  }
0x517: {  	v3 =	vadd.f32 v54, v3;
	_ =	sdelay $0x1  }
0x518: {  	v3 =	vadd.f32 v55, v3;
	_ =	sdelay $0x1  }
0x519: {  	v3 =	vmul.f32 $2.500000000e-01, v3  }
0x51a: {  	s22 =	sor.u32 $0xC10, s18  }
0x51b: {  	[tilespmem:s22+$0x16200] =	vst v3  }
0x51c: {  	v3 =	vld [tilespmem:s17+$0x8E20]  }
0x51d: {  	v56 =	vld [tilespmem:s17+$0x8EA0];
	_ =	sdelay $0x1  }
0x51e: {  	v57 =	vld [tilespmem:s17+$0x8F20];
	_ =	sdelay $0x1  }
0x51f: {  	v58 =	vld [tilespmem:s17+$0x8FA0]  }
0x520: {  	v3 =	vadd.f32 v56, v3;
	_ =	sdelay $0x1  }
0x521: {  	v3 =	vadd.f32 v57, v3;
	_ =	sdelay $0x1  }
0x522: {  	v3 =	vadd.f32 v58, v3;
	_ =	sdelay $0x1  }
0x523: {  	v3 =	vmul.f32 $2.500000000e-01, v3  }
0x524: {  	s23 =	sor.u32 $0xC20, s18  }
0x525: {  	[tilespmem:s23+$0x16200] =	vst v3  }
0x526: {  	v3 =	vld [tilespmem:s17+$0x8E30]  }
0x527: {  	v59 =	vld [tilespmem:s17+$0x8EB0];
	_ =	sdelay $0x1  }
0x528: {  	v60 =	vld [tilespmem:s17+$0x8F30];
	_ =	sdelay $0x1  }
0x529: {  	v61 =	vld [tilespmem:s17+$0x8FB0]  }
0x52a: {  	v3 =	vadd.f32 v59, v3;
	_ =	sdelay $0x1  }
0x52b: {  	v3 =	vadd.f32 v60, v3;
	_ =	sdelay $0x1  }
0x52c: {  	v3 =	vadd.f32 v61, v3;
	_ =	sdelay $0x1  }
0x52d: {  	v3 =	vmul.f32 $2.500000000e-01, v3  }
0x52e: {  	s24 =	sor.u32 $0xC30, s18  }
0x52f: {  	[tilespmem:s24+$0x16200] =	vst v3  }
0x530: {  	v3 =	vld [tilespmem:s17+$0x8E40]  }
0x531: {  	v62 =	vld [tilespmem:s17+$0x8400]  }
0x532: {  	s29 =	sor.u32 $0x3, s16;
	v63 =	vld [tilespmem:s17+$0x8480]  }
0x533: {  	s20 =	sshll.u32 s29, $0xB;
	v12 =	vld [tilespmem:s17+$0x8500]  }
0x534: {  	s28 =	sor.u32 $0x2, s16;
	s22 =	sand.u32 $0x7000, s20;
	v7 =	vld [tilespmem:s17+$0x8580]  }
0x535: {  	s14 =	sshll.u32 s28, $0xB;
	v10 =	vld [tilespmem:s22+$0x8400]  }
0x536: {  	s19 =	sand.u32 $0x3FFFF800, s14;
	v14 =	vld [tilespmem:s22+$0x8480]  }
0x537: {  	v8 =	vld [tilespmem:s19+$0x8200];
	v4 =	vadd.f32 v63, v62  }
0x538: {  	v16 =	vld [tilespmem:s22+$0x8500]  }
0x539: {  	v9 =	vld [tilespmem:s19+$0x8280];
	v4 =	vadd.f32 v12, v4  }
0x53a: {  	v17 =	vld [tilespmem:s22+$0x8580]  }
0x53b: {  	v13 =	vld [tilespmem:s19+$0x8300];
	v6 =	vadd.f32 v14, v10;
	v4 =	vadd.f32 v7, v4;
	_ =	sdelay $0x1  }
0x53c: {  	s2 =	sor.u32 $0x80, s2;
	v11 =	vld [tilespmem:s19+$0x8380];
	v6 =	vadd.f32 v16, v6;
	v4 =	vmul.f32 $2.500000000e-01, v4  }
0x53d: {  	s23 =	sadd.s32 s2, s6;
	v15 =	vadd.f32 v9, v8  }
0x53e: {  	v6 =	vadd.f32 v17, v6;
	[tilespmem:s23+$0x0] =	vst v4  }
0x53f: {  	s11 =	sshll.u32 s28, $0x7;
	s14 =	sshll.u32 s29, $0x7;
	v5 =	vadd.f32 v13, v15;
	v19 =	vld [tilespmem:s17+$0x8410]  }
0x540: {  	s11 =	sand.u32 $0x300, s11;
	s14 =	sand.u32 $0x380, s14;
	v6 =	vmul.f32 $2.500000000e-01, v6;
	v20 =	vld [tilespmem:s17+$0x8490]  }
0x541: {  	s24 =	sadd.s32 s11, s6;
	s6 =	sadd.s32 s14, s6;
	v18 =	vadd.f32 v11, v5;
	v21 =	vld [tilespmem:s17+$0x8510]  }
0x542: {  	[tilespmem:s6+$0x0] =	vst v6;
	v22 =	vld [tilespmem:s17+$0x8590]  }
0x543: {  	v4 =	vmul.f32 $2.500000000e-01, v18;
	v6 =	vld [tilespmem:s22+$0x8410]  }
0x544: {  	v25 =	vld [tilespmem:s22+$0x8490]  }
0x545: {  	v27 =	vld [tilespmem:s22+$0x8510];
	[tilespmem:s24+$0x0] =	vst v4;
	v5 =	vadd.f32 v20, v19  }
0x546: {  	v4 =	vld [tilespmem:s19+$0x8210]  }
0x547: {  	v23 =	vld [tilespmem:s19+$0x8290];
	v5 =	vadd.f32 v21, v5  }
0x548: {  	v28 =	vld [tilespmem:s22+$0x8590]  }
0x549: {  	v24 =	vld [tilespmem:s19+$0x8310];
	v6 =	vadd.f32 v25, v6;
	v5 =	vadd.f32 v22, v5;
	_ =	sdelay $0x1  }
0x54a: {  	v26 =	vld [tilespmem:s19+$0x8390];
	v6 =	vadd.f32 v27, v6;
	v5 =	vmul.f32 $2.500000000e-01, v5  }
0x54b: {  	v4 =	vadd.f32 v23, v4  }
0x54c: {  	v6 =	vadd.f32 v28, v6;
	[tilespmem:s23+$0x10] =	vst v5  }
0x54d: {  	v4 =	vadd.f32 v24, v4;
	v5 =	vld [tilespmem:s17+$0x8420]  }
0x54e: {  	v6 =	vmul.f32 $2.500000000e-01, v6;
	v29 =	vld [tilespmem:s17+$0x84A0]  }
0x54f: {  	v4 =	vadd.f32 v26, v4;
	v30 =	vld [tilespmem:s17+$0x8520]  }
0x550: {  	[tilespmem:s6+$0x10] =	vst v6;
	v31 =	vld [tilespmem:s17+$0x85A0]  }
0x551: {  	v4 =	vmul.f32 $2.500000000e-01, v4;
	v6 =	vld [tilespmem:s22+$0x8420]  }
0x552: {  	v34 =	vld [tilespmem:s22+$0x84A0]  }
0x553: {  	v36 =	vld [tilespmem:s22+$0x8520];
	[tilespmem:s24+$0x10] =	vst v4;
	v5 =	vadd.f32 v29, v5  }
0x554: {  	v4 =	vld [tilespmem:s19+$0x8220]  }
0x555: {  	v32 =	vld [tilespmem:s19+$0x82A0];
	v5 =	vadd.f32 v30, v5  }
0x556: {  	v37 =	vld [tilespmem:s22+$0x85A0]  }
0x557: {  	v33 =	vld [tilespmem:s19+$0x8320];
	v6 =	vadd.f32 v34, v6;
	v5 =	vadd.f32 v31, v5;
	_ =	sdelay $0x1  }
0x558: {  	v35 =	vld [tilespmem:s19+$0x83A0];
	v6 =	vadd.f32 v36, v6;
	v5 =	vmul.f32 $2.500000000e-01, v5  }
0x559: {  	v4 =	vadd.f32 v32, v4  }
0x55a: {  	v6 =	vadd.f32 v37, v6;
	[tilespmem:s23+$0x20] =	vst v5  }
0x55b: {  	v4 =	vadd.f32 v33, v4;
	v5 =	vld [tilespmem:s17+$0x8430]  }
0x55c: {  	v6 =	vmul.f32 $2.500000000e-01, v6;
	v38 =	vld [tilespmem:s17+$0x84B0]  }
0x55d: {  	v4 =	vadd.f32 v35, v4;
	v39 =	vld [tilespmem:s17+$0x8530]  }
0x55e: {  	[tilespmem:s6+$0x20] =	vst v6;
	v40 =	vld [tilespmem:s17+$0x85B0]  }
0x55f: {  	v4 =	vmul.f32 $2.500000000e-01, v4;
	v6 =	vld [tilespmem:s22+$0x8430]  }
0x560: {  	v43 =	vld [tilespmem:s22+$0x84B0]  }
0x561: {  	v45 =	vld [tilespmem:s22+$0x8530];
	[tilespmem:s24+$0x20] =	vst v4;
	v5 =	vadd.f32 v38, v5  }
0x562: {  	v4 =	vld [tilespmem:s19+$0x8230]  }
0x563: {  	v41 =	vld [tilespmem:s19+$0x82B0];
	v5 =	vadd.f32 v39, v5  }
0x564: {  	v46 =	vld [tilespmem:s22+$0x85B0]  }
0x565: {  	v42 =	vld [tilespmem:s19+$0x8330];
	v6 =	vadd.f32 v43, v6;
	v5 =	vadd.f32 v40, v5;
	_ =	sdelay $0x1  }
0x566: {  	v44 =	vld [tilespmem:s19+$0x83B0];
	v6 =	vadd.f32 v45, v6;
	v5 =	vmul.f32 $2.500000000e-01, v5  }
0x567: {  	v4 =	vadd.f32 v41, v4  }
0x568: {  	v6 =	vadd.f32 v46, v6;
	[tilespmem:s23+$0x30] =	vst v5  }
0x569: {  	v4 =	vadd.f32 v42, v4;
	v5 =	vld [tilespmem:s17+$0x8440]  }
0x56a: {  	v6 =	vmul.f32 $2.500000000e-01, v6;
	v47 =	vld [tilespmem:s17+$0x84C0]  }
0x56b: {  	v4 =	vadd.f32 v44, v4;
	v48 =	vld [tilespmem:s17+$0x8540]  }
0x56c: {  	[tilespmem:s6+$0x30] =	vst v6;
	v49 =	vld [tilespmem:s17+$0x85C0]  }
0x56d: {  	v4 =	vmul.f32 $2.500000000e-01, v4;
	v6 =	vld [tilespmem:s22+$0x8440]  }
0x56e: {  	v52 =	vld [tilespmem:s22+$0x84C0]  }
0x56f: {  	v54 =	vld [tilespmem:s22+$0x8540];
	[tilespmem:s24+$0x30] =	vst v4;
	v5 =	vadd.f32 v47, v5  }
0x570: {  	v4 =	vld [tilespmem:s19+$0x8240]  }
0x571: {  	v50 =	vld [tilespmem:s19+$0x82C0];
	v5 =	vadd.f32 v48, v5  }
0x572: {  	v55 =	vld [tilespmem:s22+$0x85C0]  }
0x573: {  	v51 =	vld [tilespmem:s19+$0x8340];
	v6 =	vadd.f32 v52, v6;
	v5 =	vadd.f32 v49, v5;
	_ =	sdelay $0x1  }
0x574: {  	v53 =	vld [tilespmem:s19+$0x83C0];
	v6 =	vadd.f32 v54, v6;
	v5 =	vmul.f32 $2.500000000e-01, v5  }
0x575: {  	v4 =	vadd.f32 v50, v4  }
0x576: {  	v6 =	vadd.f32 v55, v6;
	[tilespmem:s23+$0x40] =	vst v5  }
0x577: {  	v4 =	vadd.f32 v51, v4;
	v5 =	vld [tilespmem:s17+$0x8450]  }
0x578: {  	v6 =	vmul.f32 $2.500000000e-01, v6;
	v56 =	vld [tilespmem:s17+$0x84D0]  }
0x579: {  	v4 =	vadd.f32 v53, v4;
	v57 =	vld [tilespmem:s17+$0x8550]  }
0x57a: {  	[tilespmem:s6+$0x40] =	vst v6;
	v58 =	vld [tilespmem:s17+$0x85D0]  }
0x57b: {  	v4 =	vmul.f32 $2.500000000e-01, v4;
	v6 =	vld [tilespmem:s22+$0x8450]  }
0x57c: {  	v61 =	vld [tilespmem:s22+$0x84D0]  }
0x57d: {  	v63 =	vld [tilespmem:s22+$0x8550];
	[tilespmem:s24+$0x40] =	vst v4;
	v5 =	vadd.f32 v56, v5  }
0x57e: {  	v4 =	vld [tilespmem:s19+$0x8250]  }
0x57f: {  	v59 =	vld [tilespmem:s19+$0x82D0];
	v5 =	vadd.f32 v57, v5  }
0x580: {  	v12 =	vld [tilespmem:s22+$0x85D0]  }
0x581: {  	v60 =	vld [tilespmem:s19+$0x8350];
	v6 =	vadd.f32 v61, v6;
	v5 =	vadd.f32 v58, v5;
	_ =	sdelay $0x1  }
0x582: {  	v62 =	vld [tilespmem:s19+$0x83D0];
	v6 =	vadd.f32 v63, v6;
	v5 =	vmul.f32 $2.500000000e-01, v5  }
0x583: {  	v4 =	vadd.f32 v59, v4  }
0x584: {  	v6 =	vadd.f32 v12, v6;
	[tilespmem:s23+$0x50] =	vst v5  }
0x585: {  	v4 =	vadd.f32 v60, v4;
	v5 =	vld [tilespmem:s17+$0x8460]  }
0x586: {  	v6 =	vmul.f32 $2.500000000e-01, v6;
	v13 =	vld [tilespmem:s17+$0x84E0]  }
0x587: {  	v4 =	vadd.f32 v62, v4;
	v14 =	vld [tilespmem:s17+$0x8560]  }
0x588: {  	[tilespmem:s6+$0x50] =	vst v6;
	v15 =	vld [tilespmem:s17+$0x85E0]  }
0x589: {  	v4 =	vmul.f32 $2.500000000e-01, v4;
	v6 =	vld [tilespmem:s22+$0x8460]  }
0x58a: {  	v18 =	vld [tilespmem:s22+$0x84E0]  }
0x58b: {  	v20 =	vld [tilespmem:s22+$0x8560];
	[tilespmem:s24+$0x50] =	vst v4;
	v5 =	vadd.f32 v13, v5  }
0x58c: {  	v4 =	vld [tilespmem:s19+$0x8260]  }
0x58d: {  	v16 =	vld [tilespmem:s19+$0x82E0];
	v5 =	vadd.f32 v14, v5  }
0x58e: {  	v21 =	vld [tilespmem:s22+$0x85E0]  }
0x58f: {  	v17 =	vld [tilespmem:s19+$0x8360];
	v6 =	vadd.f32 v18, v6;
	v5 =	vadd.f32 v15, v5;
	_ =	sdelay $0x1  }
0x590: {  	v19 =	vld [tilespmem:s19+$0x83E0];
	v6 =	vadd.f32 v20, v6;
	v5 =	vmul.f32 $2.500000000e-01, v5  }
0x591: {  	v4 =	vadd.f32 v16, v4  }
0x592: {  	v6 =	vadd.f32 v21, v6;
	[tilespmem:s23+$0x60] =	vst v5  }
0x593: {  	v4 =	vadd.f32 v17, v4;
	v5 =	vld [tilespmem:s17+$0x8470]  }
0x594: {  	v6 =	vmul.f32 $2.500000000e-01, v6;
	v22 =	vld [tilespmem:s17+$0x84F0]  }
0x595: {  	v4 =	vadd.f32 v19, v4;
	v23 =	vld [tilespmem:s17+$0x8570]  }
0x596: {  	[tilespmem:s6+$0x60] =	vst v6;
	v24 =	vld [tilespmem:s17+$0x85F0]  }
0x597: {  	v4 =	vmul.f32 $2.500000000e-01, v4;
	v6 =	vld [tilespmem:s22+$0x8470]  }
0x598: {  	v27 =	vld [tilespmem:s22+$0x84F0]  }
0x599: {  	v29 =	vld [tilespmem:s22+$0x8570];
	[tilespmem:s24+$0x60] =	vst v4;
	v5 =	vadd.f32 v22, v5  }
0x59a: {  	v4 =	vld [tilespmem:s19+$0x8270]  }
0x59b: {  	v25 =	vld [tilespmem:s19+$0x82F0];
	v5 =	vadd.f32 v23, v5  }
0x59c: {  	v30 =	vld [tilespmem:s22+$0x85F0]  }
0x59d: {  	v26 =	vld [tilespmem:s19+$0x8370];
	v6 =	vadd.f32 v27, v6;
	v5 =	vadd.f32 v24, v5;
	_ =	sdelay $0x1  }
0x59e: {  	v28 =	vld [tilespmem:s19+$0x83F0];
	v6 =	vadd.f32 v29, v6;
	v5 =	vmul.f32 $2.500000000e-01, v5  }
0x59f: {  	v4 =	vadd.f32 v25, v4  }
0x5a0: {  	v6 =	vadd.f32 v30, v6;
	[tilespmem:s23+$0x70] =	vst v5  }
0x5a1: {  	v4 =	vadd.f32 v26, v4;
	v5 =	vld [tilespmem:s17+$0x8800]  }
0x5a2: {  	v6 =	vmul.f32 $2.500000000e-01, v6;
	v31 =	vld [tilespmem:s17+$0x8880]  }
0x5a3: {  	v4 =	vadd.f32 v28, v4;
	v32 =	vld [tilespmem:s17+$0x8900]  }
0x5a4: {  	[tilespmem:s6+$0x70] =	vst v6;
	v33 =	vld [tilespmem:s17+$0x8980]  }
0x5a5: {  	v4 =	vmul.f32 $2.500000000e-01, v4;
	v6 =	vld [tilespmem:s22+$0x8800]  }
0x5a6: {  	v36 =	vld [tilespmem:s22+$0x8880]  }
0x5a7: {  	v38 =	vld [tilespmem:s22+$0x8900];
	[tilespmem:s24+$0x70] =	vst v4;
	v5 =	vadd.f32 v31, v5  }
0x5a8: {  	v4 =	vld [tilespmem:s19+$0x8600]  }
0x5a9: {  	v34 =	vld [tilespmem:s19+$0x8680];
	v5 =	vadd.f32 v32, v5  }
0x5aa: {  	v39 =	vld [tilespmem:s22+$0x8980]  }
0x5ab: {  	v35 =	vld [tilespmem:s19+$0x8700];
	v6 =	vadd.f32 v36, v6;
	v5 =	vadd.f32 v33, v5;
	_ =	sdelay $0x1  }
0x5ac: {  	v37 =	vld [tilespmem:s19+$0x8780];
	v6 =	vadd.f32 v38, v6;
	v5 =	vmul.f32 $2.500000000e-01, v5  }
0x5ad: {  	v4 =	vadd.f32 v34, v4  }
0x5ae: {  	v6 =	vadd.f32 v39, v6;
	[tilespmem:s23+$0x400] =	vst v5  }
0x5af: {  	v4 =	vadd.f32 v35, v4;
	v5 =	vld [tilespmem:s17+$0x8810]  }
0x5b0: {  	v6 =	vmul.f32 $2.500000000e-01, v6;
	v40 =	vld [tilespmem:s17+$0x8890]  }
0x5b1: {  	v4 =	vadd.f32 v37, v4;
	v41 =	vld [tilespmem:s17+$0x8910]  }
0x5b2: {  	[tilespmem:s6+$0x400] =	vst v6;
	v42 =	vld [tilespmem:s17+$0x8990]  }
0x5b3: {  	v4 =	vmul.f32 $2.500000000e-01, v4;
	v6 =	vld [tilespmem:s22+$0x8810]  }
0x5b4: {  	v45 =	vld [tilespmem:s22+$0x8890]  }
0x5b5: {  	v47 =	vld [tilespmem:s22+$0x8910];
	[tilespmem:s24+$0x400] =	vst v4;
	v5 =	vadd.f32 v40, v5  }
0x5b6: {  	v4 =	vld [tilespmem:s19+$0x8610]  }
0x5b7: {  	v43 =	vld [tilespmem:s19+$0x8690];
	v5 =	vadd.f32 v41, v5  }
0x5b8: {  	v48 =	vld [tilespmem:s22+$0x8990]  }
0x5b9: {  	v44 =	vld [tilespmem:s19+$0x8710];
	v6 =	vadd.f32 v45, v6;
	v5 =	vadd.f32 v42, v5;
	_ =	sdelay $0x1  }
0x5ba: {  	v46 =	vld [tilespmem:s19+$0x8790];
	v6 =	vadd.f32 v47, v6;
	v5 =	vmul.f32 $2.500000000e-01, v5  }
0x5bb: {  	v4 =	vadd.f32 v43, v4  }
0x5bc: {  	v6 =	vadd.f32 v48, v6;
	[tilespmem:s23+$0x410] =	vst v5  }
0x5bd: {  	v4 =	vadd.f32 v44, v4;
	v5 =	vld [tilespmem:s17+$0x8820]  }
0x5be: {  	v6 =	vmul.f32 $2.500000000e-01, v6;
	v49 =	vld [tilespmem:s17+$0x88A0]  }
0x5bf: {  	v4 =	vadd.f32 v46, v4;
	v50 =	vld [tilespmem:s17+$0x8920]  }
0x5c0: {  	[tilespmem:s6+$0x410] =	vst v6;
	v51 =	vld [tilespmem:s17+$0x89A0]  }
0x5c1: {  	v4 =	vmul.f32 $2.500000000e-01, v4;
	v6 =	vld [tilespmem:s22+$0x8820]  }
0x5c2: {  	v54 =	vld [tilespmem:s22+$0x88A0]  }
0x5c3: {  	v56 =	vld [tilespmem:s22+$0x8920];
	[tilespmem:s24+$0x410] =	vst v4;
	v5 =	vadd.f32 v49, v5  }
0x5c4: {  	v4 =	vld [tilespmem:s19+$0x8620]  }
0x5c5: {  	v52 =	vld [tilespmem:s19+$0x86A0];
	v5 =	vadd.f32 v50, v5  }
0x5c6: {  	v57 =	vld [tilespmem:s22+$0x89A0]  }
0x5c7: {  	v53 =	vld [tilespmem:s19+$0x8720];
	v6 =	vadd.f32 v54, v6;
	v5 =	vadd.f32 v51, v5;
	_ =	sdelay $0x1  }
0x5c8: {  	v55 =	vld [tilespmem:s19+$0x87A0];
	v6 =	vadd.f32 v56, v6;
	v5 =	vmul.f32 $2.500000000e-01, v5  }
0x5c9: {  	v4 =	vadd.f32 v52, v4  }
0x5ca: {  	v6 =	vadd.f32 v57, v6;
	[tilespmem:s23+$0x420] =	vst v5  }
0x5cb: {  	v4 =	vadd.f32 v53, v4;
	v5 =	vld [tilespmem:s17+$0x8830]  }
0x5cc: {  	v6 =	vmul.f32 $2.500000000e-01, v6;
	v58 =	vld [tilespmem:s17+$0x88B0]  }
0x5cd: {  	v4 =	vadd.f32 v55, v4;
	v59 =	vld [tilespmem:s17+$0x8930]  }
0x5ce: {  	[tilespmem:s6+$0x420] =	vst v6;
	v60 =	vld [tilespmem:s17+$0x89B0]  }
0x5cf: {  	v4 =	vmul.f32 $2.500000000e-01, v4;
	v6 =	vld [tilespmem:s22+$0x8830]  }
0x5d0: {  	v63 =	vld [tilespmem:s22+$0x88B0]  }
0x5d1: {  	v13 =	vld [tilespmem:s22+$0x8930];
	[tilespmem:s24+$0x420] =	vst v4;
	v5 =	vadd.f32 v58, v5  }
0x5d2: {  	v4 =	vld [tilespmem:s19+$0x8630]  }
0x5d3: {  	v61 =	vld [tilespmem:s19+$0x86B0];
	v5 =	vadd.f32 v59, v5  }
0x5d4: {  	v14 =	vld [tilespmem:s22+$0x89B0]  }
0x5d5: {  	v62 =	vld [tilespmem:s19+$0x8730];
	v6 =	vadd.f32 v63, v6;
	v5 =	vadd.f32 v60, v5;
	_ =	sdelay $0x1  }
0x5d6: {  	v12 =	vld [tilespmem:s19+$0x87B0];
	v6 =	vadd.f32 v13, v6;
	v5 =	vmul.f32 $2.500000000e-01, v5  }
0x5d7: {  	v4 =	vadd.f32 v61, v4  }
0x5d8: {  	v6 =	vadd.f32 v14, v6;
	[tilespmem:s23+$0x430] =	vst v5  }
0x5d9: {  	v4 =	vadd.f32 v62, v4;
	v5 =	vld [tilespmem:s17+$0x8840]  }
0x5da: {  	v6 =	vmul.f32 $2.500000000e-01, v6;
	v15 =	vld [tilespmem:s17+$0x88C0]  }
0x5db: {  	v4 =	vadd.f32 v12, v4;
	v16 =	vld [tilespmem:s17+$0x8940]  }
0x5dc: {  	[tilespmem:s6+$0x430] =	vst v6;
	v17 =	vld [tilespmem:s17+$0x89C0]  }
0x5dd: {  	v4 =	vmul.f32 $2.500000000e-01, v4;
	v6 =	vld [tilespmem:s22+$0x8840]  }
0x5de: {  	v20 =	vld [tilespmem:s22+$0x88C0]  }
0x5df: {  	v22 =	vld [tilespmem:s22+$0x8940];
	[tilespmem:s24+$0x430] =	vst v4;
	v5 =	vadd.f32 v15, v5  }
0x5e0: {  	v4 =	vld [tilespmem:s19+$0x8640]  }
0x5e1: {  	v18 =	vld [tilespmem:s19+$0x86C0];
	v5 =	vadd.f32 v16, v5  }
0x5e2: {  	v23 =	vld [tilespmem:s22+$0x89C0]  }
0x5e3: {  	v19 =	vld [tilespmem:s19+$0x8740];
	v6 =	vadd.f32 v20, v6;
	v5 =	vadd.f32 v17, v5;
	_ =	sdelay $0x1  }
0x5e4: {  	v21 =	vld [tilespmem:s19+$0x87C0];
	v6 =	vadd.f32 v22, v6;
	v5 =	vmul.f32 $2.500000000e-01, v5  }
0x5e5: {  	v4 =	vadd.f32 v18, v4  }
0x5e6: {  	v6 =	vadd.f32 v23, v6;
	[tilespmem:s23+$0x440] =	vst v5  }
0x5e7: {  	v4 =	vadd.f32 v19, v4;
	v5 =	vld [tilespmem:s17+$0x8850]  }
0x5e8: {  	v6 =	vmul.f32 $2.500000000e-01, v6;
	v24 =	vld [tilespmem:s17+$0x88D0]  }
0x5e9: {  	v4 =	vadd.f32 v21, v4;
	v25 =	vld [tilespmem:s17+$0x8950]  }
0x5ea: {  	[tilespmem:s6+$0x440] =	vst v6;
	v26 =	vld [tilespmem:s17+$0x89D0]  }
0x5eb: {  	v4 =	vmul.f32 $2.500000000e-01, v4;
	v6 =	vld [tilespmem:s22+$0x8850]  }
0x5ec: {  	v29 =	vld [tilespmem:s22+$0x88D0]  }
0x5ed: {  	v31 =	vld [tilespmem:s22+$0x8950];
	[tilespmem:s24+$0x440] =	vst v4  }
0x5ee: {  	v4 =	vld [tilespmem:s19+$0x8650];
	v5 =	vadd.f32 v24, v5  }
0x5ef: {  	v27 =	vld [tilespmem:s19+$0x86D0]  }
0x5f0: {  	v32 =	vld [tilespmem:s22+$0x89D0];
	v5 =	vadd.f32 v25, v5  }
0x5f1: {  	v28 =	vld [tilespmem:s19+$0x8750]  }
0x5f2: {  	v6 =	vadd.f32 v29, v6;
	v5 =	vadd.f32 v26, v5  }
0x5f3: {  	v30 =	vld [tilespmem:s19+$0x87D0]  }
0x5f4: {  	v4 =	vadd.f32 v27, v4;
	v6 =	vadd.f32 v31, v6;
	v5 =	vmul.f32 $2.500000000e-01, v5;
	_ =	sdelay $0x1  }
0x5f5: {  	v4 =	vadd.f32 v28, v4;
	v6 =	vadd.f32 v32, v6;
	[tilespmem:s23+$0x450] =	vst v5  }
0x5f6: {  	v5 =	vld [tilespmem:s17+$0x8860]  }
0x5f7: {  	v4 =	vadd.f32 v30, v4;
	v6 =	vmul.f32 $2.500000000e-01, v6;
	v33 =	vld [tilespmem:s17+$0x88E0]  }
0x5f8: {  	v34 =	vld [tilespmem:s17+$0x8960]  }
0x5f9: {  	v4 =	vmul.f32 $2.500000000e-01, v4;
	[tilespmem:s6+$0x450] =	vst v6;
	v35 =	vld [tilespmem:s17+$0x89E0]  }
0x5fa: {  	v6 =	vld [tilespmem:s22+$0x8860]  }
0x5fb: {  	v38 =	vld [tilespmem:s22+$0x88E0];
	[tilespmem:s24+$0x450] =	vst v4  }
0x5fc: {  	v4 =	vld [tilespmem:s19+$0x8660]  }
0x5fd: {  	v36 =	vld [tilespmem:s19+$0x86E0];
	v5 =	vadd.f32 v33, v5  }
0x5fe: {  	v40 =	vld [tilespmem:s22+$0x8960]  }
0x5ff: {  	v37 =	vld [tilespmem:s19+$0x8760];
	v5 =	vadd.f32 v34, v5  }
0x600: {  	v41 =	vld [tilespmem:s22+$0x89E0]  }
0x601: {  	v39 =	vld [tilespmem:s19+$0x87E0];
	v6 =	vadd.f32 v38, v6;
	v5 =	vadd.f32 v35, v5  }
0x602: {  	v4 =	vadd.f32 v36, v4  }
0x603: {  	v6 =	vadd.f32 v40, v6;
	v5 =	vmul.f32 $2.500000000e-01, v5  }
0x604: {  	v4 =	vadd.f32 v37, v4  }
0x605: {  	v6 =	vadd.f32 v41, v6;
	[tilespmem:s23+$0x460] =	vst v5  }
0x606: {  	v4 =	vadd.f32 v39, v4;
	v5 =	vld [tilespmem:s17+$0x8870]  }
0x607: {  	v6 =	vmul.f32 $2.500000000e-01, v6;
	v42 =	vld [tilespmem:s17+$0x88F0]  }
0x608: {  	v4 =	vmul.f32 $2.500000000e-01, v4;
	v43 =	vld [tilespmem:s17+$0x8970]  }
0x609: {  	[tilespmem:s6+$0x460] =	vst v6;
	v44 =	vld [tilespmem:s17+$0x89F0]  }
0x60a: {  	v6 =	vld [tilespmem:s22+$0x8870];
	[tilespmem:s24+$0x460] =	vst v4  }
0x60b: {  	v4 =	vld [tilespmem:s19+$0x8670]  }
0x60c: {  	v45 =	vld [tilespmem:s19+$0x86F0]  }
0x60d: {  	v47 =	vld [tilespmem:s22+$0x88F0];
	v5 =	vadd.f32 v42, v5  }
0x60e: {  	v46 =	vld [tilespmem:s19+$0x8770]  }
0x60f: {  	v49 =	vld [tilespmem:s22+$0x8970];
	v5 =	vadd.f32 v43, v5  }
0x610: {  	v48 =	vld [tilespmem:s19+$0x87F0]  }
0x611: {  	v4 =	vadd.f32 v45, v4;
	v5 =	vadd.f32 v44, v5  }
0x612: {  	v50 =	vld [tilespmem:s22+$0x89F0]  }
0x613: {  	v6 =	vadd.f32 v47, v6;
	v4 =	vadd.f32 v46, v4;
	v5 =	vmul.f32 $2.500000000e-01, v5;
	_ =	sdelay $0x1  }
0x614: {  	v6 =	vadd.f32 v49, v6;
	v4 =	vadd.f32 v48, v4;
	[tilespmem:s23+$0x470] =	vst v5  }
0x615: {  	v5 =	vld [tilespmem:s17+$0x8C00]  }
0x616: {  	v6 =	vadd.f32 v50, v6;
	v4 =	vmul.f32 $2.500000000e-01, v4;
	v51 =	vld [tilespmem:s17+$0x8C80]  }
0x617: {  	v52 =	vld [tilespmem:s17+$0x8D00]  }
0x618: {  	v6 =	vmul.f32 $2.500000000e-01, v6;
	v53 =	vld [tilespmem:s17+$0x8D80];
	[tilespmem:s24+$0x470] =	vst v4  }
0x619: {  	v54 =	vld [tilespmem:s19+$0x8A00]  }
0x61a: {  	[tilespmem:s6+$0x470] =	vst v6;
	v55 =	vld [tilespmem:s19+$0x8A80]  }
0x61b: {  	v6 =	vld [tilespmem:s20+$0x8400];
	v5 =	vadd.f32 v51, v5  }
0x61c: {  	v56 =	vld [tilespmem:s19+$0x8B00]  }
0x61d: {  	v57 =	vld [tilespmem:s20+$0x8480];
	v5 =	vadd.f32 v52, v5  }
0x61e: {  	v58 =	vld [tilespmem:s19+$0x8B80]  }
0x61f: {  	v60 =	vld [tilespmem:s20+$0x8500];
	v59 =	vadd.f32 v55, v54;
	v4 =	vadd.f32 v53, v5;
	_ =	sdelay $0x1  }
0x620: {  	s22 =	sor.u32 s21, s2;
	v61 =	vld [tilespmem:s20+$0x8580];
	v5 =	vadd.f32 v56, v59;
	v4 =	vmul.f32 $2.500000000e-01, v4  }
0x621: {  	s2 =	sor.u32 $0x800, s22;
	v6 =	vadd.f32 v57, v6  }
0x622: {  	v62 =	vadd.f32 v58, v5;
	[tilespmem:s2+$0x16200] =	vst v4  }
0x623: {  	v6 =	vadd.f32 v60, v6;
	v63 =	vld [tilespmem:s17+$0x8C10]  }
0x624: {  	v4 =	vmul.f32 $2.500000000e-01, v62;
	s2 =	sor.u32 s21, s11;
	v12 =	vld [tilespmem:s17+$0x8C90]  }
0x625: {  	v6 =	vadd.f32 v61, v6;
	v13 =	vld [tilespmem:s17+$0x8D10];
	s24 =	sor.u32 $0x800, s2  }
0x626: {  	v14 =	vld [tilespmem:s17+$0x8D90];
	[tilespmem:s24+$0x16200] =	vst v4  }
0x627: {  	v6 =	vmul.f32 $2.500000000e-01, v6;
	s21 =	sor.u32 s21, s14;
	v4 =	vld [tilespmem:s19+$0x8A10]  }
0x628: {  	s28 =	sor.u32 $0x800, s21;
	v15 =	vld [tilespmem:s19+$0x8A90]  }
0x629: {  	[tilespmem:s28+$0x16200] =	vst v6;
	v16 =	vld [tilespmem:s19+$0x8B10];
	v5 =	vadd.f32 v12, v63  }
0x62a: {  	v6 =	vld [tilespmem:s20+$0x8410]  }
0x62b: {  	v17 =	vld [tilespmem:s20+$0x8490];
	v5 =	vadd.f32 v13, v5  }
0x62c: {  	v18 =	vld [tilespmem:s19+$0x8B90]  }
0x62d: {  	v19 =	vld [tilespmem:s20+$0x8510];
	v4 =	vadd.f32 v15, v4;
	v5 =	vadd.f32 v14, v5;
	_ =	sdelay $0x1  }
0x62e: {  	v20 =	vld [tilespmem:s20+$0x8590];
	v4 =	vadd.f32 v16, v4;
	v5 =	vmul.f32 $2.500000000e-01, v5  }
0x62f: {  	s29 =	sor.u32 $0x810, s22;
	v6 =	vadd.f32 v17, v6  }
0x630: {  	v4 =	vadd.f32 v18, v4;
	[tilespmem:s29+$0x16200] =	vst v5  }
0x631: {  	v6 =	vadd.f32 v19, v6;
	v5 =	vld [tilespmem:s17+$0x8C20]  }
0x632: {  	v4 =	vmul.f32 $2.500000000e-01, v4;
	v21 =	vld [tilespmem:s17+$0x8CA0]  }
0x633: {  	s11 =	sor.u32 $0x810, s2;
	v6 =	vadd.f32 v20, v6;
	v22 =	vld [tilespmem:s17+$0x8D20]  }
0x634: {  	v23 =	vld [tilespmem:s17+$0x8DA0];
	[tilespmem:s11+$0x16200] =	vst v4  }
0x635: {  	v6 =	vmul.f32 $2.500000000e-01, v6;
	v4 =	vld [tilespmem:s19+$0x8A20]  }
0x636: {  	s14 =	sor.u32 $0x810, s21;
	v24 =	vld [tilespmem:s19+$0x8AA0]  }
0x637: {  	[tilespmem:s14+$0x16200] =	vst v6;
	v25 =	vld [tilespmem:s19+$0x8B20];
	v5 =	vadd.f32 v21, v5  }
0x638: {  	v6 =	vld [tilespmem:s20+$0x8420]  }
0x639: {  	v26 =	vld [tilespmem:s20+$0x84A0];
	v5 =	vadd.f32 v22, v5  }
0x63a: {  	v27 =	vld [tilespmem:s19+$0x8BA0]  }
0x63b: {  	v28 =	vld [tilespmem:s20+$0x8520];
	v4 =	vadd.f32 v24, v4;
	v5 =	vadd.f32 v23, v5;
	_ =	sdelay $0x1  }
0x63c: {  	v29 =	vld [tilespmem:s20+$0x85A0];
	v4 =	vadd.f32 v25, v4;
	v5 =	vmul.f32 $2.500000000e-01, v5  }
0x63d: {  	s23 =	sor.u32 $0x820, s22;
	v6 =	vadd.f32 v26, v6  }
0x63e: {  	v4 =	vadd.f32 v27, v4;
	[tilespmem:s23+$0x16200] =	vst v5  }
0x63f: {  	v6 =	vadd.f32 v28, v6;
	v5 =	vld [tilespmem:s17+$0x8C30]  }
0x640: {  	v4 =	vmul.f32 $2.500000000e-01, v4;
	v30 =	vld [tilespmem:s17+$0x8CB0]  }
0x641: {  	s24 =	sor.u32 $0x820, s2;
	v6 =	vadd.f32 v29, v6;
	v31 =	vld [tilespmem:s17+$0x8D30]  }
0x642: {  	v32 =	vld [tilespmem:s17+$0x8DB0];
	[tilespmem:s24+$0x16200] =	vst v4  }
0x643: {  	v6 =	vmul.f32 $2.500000000e-01, v6;
	v4 =	vld [tilespmem:s19+$0x8A30]  }
0x644: {  	s28 =	sor.u32 $0x820, s21;
	v33 =	vld [tilespmem:s19+$0x8AB0]  }
0x645: {  	[tilespmem:s28+$0x16200] =	vst v6;
	v34 =	vld [tilespmem:s19+$0x8B30];
	v5 =	vadd.f32 v30, v5  }
0x646: {  	v6 =	vld [tilespmem:s20+$0x8430]  }
0x647: {  	v35 =	vld [tilespmem:s20+$0x84B0];
	v5 =	vadd.f32 v31, v5  }
0x648: {  	v36 =	vld [tilespmem:s19+$0x8BB0]  }
0x649: {  	v37 =	vld [tilespmem:s20+$0x8530];
	v4 =	vadd.f32 v33, v4;
	v5 =	vadd.f32 v32, v5;
	_ =	sdelay $0x1  }
0x64a: {  	v38 =	vld [tilespmem:s20+$0x85B0];
	v4 =	vadd.f32 v34, v4;
	v5 =	vmul.f32 $2.500000000e-01, v5  }
0x64b: {  	s29 =	sor.u32 $0x830, s22;
	v6 =	vadd.f32 v35, v6  }
0x64c: {  	v4 =	vadd.f32 v36, v4;
	[tilespmem:s29+$0x16200] =	vst v5  }
0x64d: {  	v6 =	vadd.f32 v37, v6;
	v5 =	vld [tilespmem:s17+$0x8C40]  }
0x64e: {  	v4 =	vmul.f32 $2.500000000e-01, v4;
	v39 =	vld [tilespmem:s17+$0x8CC0]  }
0x64f: {  	s11 =	sor.u32 $0x830, s2;
	v6 =	vadd.f32 v38, v6;
	v40 =	vld [tilespmem:s17+$0x8D40]  }
0x650: {  	v41 =	vld [tilespmem:s17+$0x8DC0];
	[tilespmem:s11+$0x16200] =	vst v4  }
0x651: {  	v6 =	vmul.f32 $2.500000000e-01, v6;
	v4 =	vld [tilespmem:s19+$0x8A40]  }
0x652: {  	s14 =	sor.u32 $0x830, s21;
	v42 =	vld [tilespmem:s19+$0x8AC0]  }
0x653: {  	[tilespmem:s14+$0x16200] =	vst v6;
	v43 =	vld [tilespmem:s19+$0x8B40];
	v5 =	vadd.f32 v39, v5  }
0x654: {  	v6 =	vld [tilespmem:s20+$0x8440]  }
0x655: {  	v44 =	vld [tilespmem:s20+$0x84C0];
	v5 =	vadd.f32 v40, v5  }
0x656: {  	v45 =	vld [tilespmem:s19+$0x8BC0]  }
0x657: {  	v46 =	vld [tilespmem:s20+$0x8540];
	v4 =	vadd.f32 v42, v4;
	v5 =	vadd.f32 v41, v5;
	_ =	sdelay $0x1  }
0x658: {  	v47 =	vld [tilespmem:s20+$0x85C0];
	v4 =	vadd.f32 v43, v4;
	v5 =	vmul.f32 $2.500000000e-01, v5  }
0x659: {  	s23 =	sor.u32 $0x840, s22;
	v6 =	vadd.f32 v44, v6  }
0x65a: {  	v4 =	vadd.f32 v45, v4;
	[tilespmem:s23+$0x16200] =	vst v5  }
0x65b: {  	v6 =	vadd.f32 v46, v6;
	v5 =	vld [tilespmem:s17+$0x8C50]  }
0x65c: {  	v4 =	vmul.f32 $2.500000000e-01, v4;
	v48 =	vld [tilespmem:s17+$0x8CD0]  }
0x65d: {  	s24 =	sor.u32 $0x840, s2;
	v6 =	vadd.f32 v47, v6;
	v49 =	vld [tilespmem:s17+$0x8D50]  }
0x65e: {  	v50 =	vld [tilespmem:s17+$0x8DD0];
	[tilespmem:s24+$0x16200] =	vst v4  }
0x65f: {  	v6 =	vmul.f32 $2.500000000e-01, v6;
	v4 =	vld [tilespmem:s19+$0x8A50]  }
0x660: {  	s28 =	sor.u32 $0x840, s21;
	v51 =	vld [tilespmem:s19+$0x8AD0]  }
0x661: {  	[tilespmem:s28+$0x16200] =	vst v6;
	v52 =	vld [tilespmem:s19+$0x8B50];
	v5 =	vadd.f32 v48, v5  }
0x662: {  	v6 =	vld [tilespmem:s20+$0x8450]  }
0x663: {  	v53 =	vld [tilespmem:s20+$0x84D0];
	v5 =	vadd.f32 v49, v5  }
0x664: {  	v54 =	vld [tilespmem:s19+$0x8BD0]  }
0x665: {  	v55 =	vld [tilespmem:s20+$0x8550];
	v4 =	vadd.f32 v51, v4;
	v5 =	vadd.f32 v50, v5;
	_ =	sdelay $0x1  }
0x666: {  	v56 =	vld [tilespmem:s20+$0x85D0];
	v4 =	vadd.f32 v52, v4;
	v5 =	vmul.f32 $2.500000000e-01, v5  }
0x667: {  	s29 =	sor.u32 $0x850, s22;
	v6 =	vadd.f32 v53, v6  }
0x668: {  	v4 =	vadd.f32 v54, v4;
	[tilespmem:s29+$0x16200] =	vst v5  }
0x669: {  	v6 =	vadd.f32 v55, v6;
	v5 =	vld [tilespmem:s17+$0x8C60]  }
0x66a: {  	v4 =	vmul.f32 $2.500000000e-01, v4;
	v57 =	vld [tilespmem:s17+$0x8CE0]  }
0x66b: {  	s11 =	sor.u32 $0x850, s2;
	v6 =	vadd.f32 v56, v6;
	v58 =	vld [tilespmem:s17+$0x8D60]  }
0x66c: {  	v59 =	vld [tilespmem:s17+$0x8DE0];
	[tilespmem:s11+$0x16200] =	vst v4  }
0x66d: {  	v6 =	vmul.f32 $2.500000000e-01, v6;
	v4 =	vld [tilespmem:s19+$0x8A60]  }
0x66e: {  	s14 =	sor.u32 $0x850, s21;
	v60 =	vld [tilespmem:s19+$0x8AE0]  }
0x66f: {  	[tilespmem:s14+$0x16200] =	vst v6;
	v61 =	vld [tilespmem:s19+$0x8B60];
	v5 =	vadd.f32 v57, v5  }
0x670: {  	v6 =	vld [tilespmem:s20+$0x8460]  }
0x671: {  	v62 =	vld [tilespmem:s20+$0x84E0];
	v5 =	vadd.f32 v58, v5  }
0x672: {  	v63 =	vld [tilespmem:s19+$0x8BE0]  }
0x673: {  	v12 =	vld [tilespmem:s20+$0x8560];
	v4 =	vadd.f32 v60, v4;
	v5 =	vadd.f32 v59, v5;
	_ =	sdelay $0x1  }
0x674: {  	v13 =	vld [tilespmem:s20+$0x85E0];
	v4 =	vadd.f32 v61, v4;
	v5 =	vmul.f32 $2.500000000e-01, v5  }
0x675: {  	s23 =	sor.u32 $0x860, s22;
	v6 =	vadd.f32 v62, v6  }
0x676: {  	v4 =	vadd.f32 v63, v4;
	[tilespmem:s23+$0x16200] =	vst v5  }
0x677: {  	v6 =	vadd.f32 v12, v6;
	v5 =	vld [tilespmem:s17+$0x8C70]  }
0x678: {  	v4 =	vmul.f32 $2.500000000e-01, v4;
	v14 =	vld [tilespmem:s17+$0x8CF0]  }
0x679: {  	s24 =	sor.u32 $0x860, s2;
	v6 =	vadd.f32 v13, v6;
	v15 =	vld [tilespmem:s17+$0x8D70]  }
0x67a: {  	v16 =	vld [tilespmem:s17+$0x8DF0];
	[tilespmem:s24+$0x16200] =	vst v4  }
0x67b: {  	v6 =	vmul.f32 $2.500000000e-01, v6;
	v4 =	vld [tilespmem:s19+$0x8A70]  }
0x67c: {  	s28 =	sor.u32 $0x860, s21;
	v17 =	vld [tilespmem:s19+$0x8AF0]  }
0x67d: {  	[tilespmem:s28+$0x16200] =	vst v6;
	v18 =	vld [tilespmem:s19+$0x8B70];
	v5 =	vadd.f32 v14, v5  }
0x67e: {  	v6 =	vld [tilespmem:s20+$0x8470]  }
0x67f: {  	v19 =	vld [tilespmem:s20+$0x84F0];
	v5 =	vadd.f32 v15, v5  }
0x680: {  	v20 =	vld [tilespmem:s19+$0x8BF0]  }
0x681: {  	v21 =	vld [tilespmem:s20+$0x8570];
	v4 =	vadd.f32 v17, v4;
	v5 =	vadd.f32 v16, v5;
	_ =	sdelay $0x1  }
0x682: {  	v22 =	vld [tilespmem:s20+$0x85F0];
	v4 =	vadd.f32 v18, v4;
	v5 =	vmul.f32 $2.500000000e-01, v5  }
0x683: {  	s29 =	sor.u32 $0x870, s22;
	v6 =	vadd.f32 v19, v6  }
0x684: {  	v4 =	vadd.f32 v20, v4;
	[tilespmem:s29+$0x16200] =	vst v5  }
0x685: {  	v6 =	vadd.f32 v21, v6;
	v5 =	vld [tilespmem:s17+$0x9000]  }
0x686: {  	v4 =	vmul.f32 $2.500000000e-01, v4;
	v23 =	vld [tilespmem:s17+$0x9080]  }
0x687: {  	s11 =	sor.u32 $0x870, s2;
	v6 =	vadd.f32 v22, v6;
	v24 =	vld [tilespmem:s17+$0x9100]  }
0x688: {  	v25 =	vld [tilespmem:s17+$0x9180];
	[tilespmem:s11+$0x16200] =	vst v4  }
0x689: {  	v6 =	vmul.f32 $2.500000000e-01, v6;
	v4 =	vld [tilespmem:s19+$0x8E00]  }
0x68a: {  	s14 =	sor.u32 $0x870, s21;
	v26 =	vld [tilespmem:s19+$0x8E80]  }
0x68b: {  	s23 =	sor.u32 $0xE00, s20;
	[tilespmem:s14+$0x16200] =	vst v6;
	v27 =	vld [tilespmem:s19+$0x8F00];
	v5 =	vadd.f32 v23, v5  }
0x68c: {  	s24 =	sor.u32 $0xE80, s20;
	v6 =	vld [tilespmem:s23+$0x8200]  }
0x68d: {  	v28 =	vld [tilespmem:s24+$0x8200];
	v5 =	vadd.f32 v24, v5  }
0x68e: {  	s28 =	sor.u32 $0xF00, s20;
	v29 =	vld [tilespmem:s19+$0x8F80]  }
0x68f: {  	v30 =	vld [tilespmem:s28+$0x8200];
	v4 =	vadd.f32 v26, v4;
	v5 =	vadd.f32 v25, v5  }
0x690: {  	s29 =	sor.u32 $0xF80, s20  }
0x691: {  	v31 =	vld [tilespmem:s29+$0x8200];
	v4 =	vadd.f32 v27, v4;
	v5 =	vmul.f32 $2.500000000e-01, v5  }
0x692: {  	s11 =	sor.u32 $0xC00, s22;
	v6 =	vadd.f32 v28, v6  }
0x693: {  	v4 =	vadd.f32 v29, v4;
	[tilespmem:s11+$0x16200] =	vst v5  }
0x694: {  	v6 =	vadd.f32 v30, v6;
	v5 =	vld [tilespmem:s17+$0x9010]  }
0x695: {  	v4 =	vmul.f32 $2.500000000e-01, v4;
	v32 =	vld [tilespmem:s17+$0x9090]  }
0x696: {  	s14 =	sor.u32 $0xC00, s2;
	v6 =	vadd.f32 v31, v6;
	v33 =	vld [tilespmem:s17+$0x9110]  }
0x697: {  	v34 =	vld [tilespmem:s17+$0x9190];
	[tilespmem:s14+$0x16200] =	vst v4  }
0x698: {  	v6 =	vmul.f32 $2.500000000e-01, v6;
	v4 =	vld [tilespmem:s19+$0x8E10]  }
0x699: {  	s23 =	sor.u32 $0xC00, s21;
	v35 =	vld [tilespmem:s19+$0x8E90]  }
0x69a: {  	s24 =	sor.u32 $0xE10, s20;
	[tilespmem:s23+$0x16200] =	vst v6;
	v36 =	vld [tilespmem:s19+$0x8F10];
	v5 =	vadd.f32 v32, v5  }
0x69b: {  	s28 =	sor.u32 $0xE90, s20;
	v6 =	vld [tilespmem:s24+$0x8200]  }
0x69c: {  	v37 =	vld [tilespmem:s28+$0x8200];
	v5 =	vadd.f32 v33, v5  }
0x69d: {  	s29 =	sor.u32 $0xF10, s20;
	v38 =	vld [tilespmem:s19+$0x8F90]  }
0x69e: {  	v39 =	vld [tilespmem:s29+$0x8200];
	v4 =	vadd.f32 v35, v4;
	v5 =	vadd.f32 v34, v5  }
0x69f: {  	v40 =	vld [tilespmem:s17+$0x8EC0];
	s11 =	sor.u32 $0xF90, s20  }
0x6a0: {  	v41 =	vld [tilespmem:s11+$0x8200];
	v4 =	vadd.f32 v36, v4;
	v5 =	vmul.f32 $2.500000000e-01, v5  }
0x6a1: {  	v42 =	vld [tilespmem:s17+$0x8FC0];
	s14 =	sor.u32 $0xC10, s22;
	v6 =	vadd.f32 v37, v6  }
0x6a2: {  	v12 =	vld [tilespmem:s17+$0x8F40];
	v4 =	vadd.f32 v38, v4;
	[tilespmem:s14+$0x16200] =	vst v5  }
0x6a3: {  	v6 =	vadd.f32 v39, v6;
	v5 =	vld [tilespmem:s17+$0x9020]  }
0x6a4: {  	v4 =	vmul.f32 $2.500000000e-01, v4;
	v43 =	vld [tilespmem:s17+$0x90A0]  }
0x6a5: {  	s23 =	sor.u32 $0xC10, s2;
	v6 =	vadd.f32 v41, v6;
	v44 =	vld [tilespmem:s17+$0x9120]  }
0x6a6: {  	v45 =	vld [tilespmem:s17+$0x91A0];
	[tilespmem:s23+$0x16200] =	vst v4  }
0x6a7: {  	v6 =	vmul.f32 $2.500000000e-01, v6;
	v4 =	vld [tilespmem:s19+$0x8E20]  }
0x6a8: {  	v3 =	vadd.f32 v40, v3;
	s24 =	sor.u32 $0xC10, s21;
	v46 =	vld [tilespmem:s19+$0x8EA0]  }
0x6a9: {  	s28 =	sor.u32 $0xE20, s20;
	[tilespmem:s24+$0x16200] =	vst v6;
	v47 =	vld [tilespmem:s19+$0x8F20];
	v5 =	vadd.f32 v43, v5  }
0x6aa: {  	v3 =	vadd.f32 v12, v3;
	s29 =	sor.u32 $0xEA0, s20;
	v6 =	vld [tilespmem:s28+$0x8200]  }
0x6ab: {  	v48 =	vld [tilespmem:s29+$0x8200];
	v5 =	vadd.f32 v44, v5  }
0x6ac: {  	v3 =	vadd.f32 v42, v3;
	s11 =	sor.u32 $0xF20, s20;
	v49 =	vld [tilespmem:s19+$0x8FA0]  }
0x6ad: {  	v50 =	vld [tilespmem:s11+$0x8200];
	v4 =	vadd.f32 v46, v4;
	v5 =	vadd.f32 v45, v5  }
0x6ae: {  	v3 =	vmul.f32 $2.500000000e-01, v3;
	s14 =	sor.u32 $0xFA0, s20  }
0x6af: {  	s23 =	sor.u32 $0xC40, s18;
	v51 =	vld [tilespmem:s14+$0x8200];
	v4 =	vadd.f32 v47, v4;
	v5 =	vmul.f32 $2.500000000e-01, v5  }
0x6b0: {  	s24 =	sor.u32 $0xC20, s22;
	[tilespmem:s23+$0x16200] =	vst v3;
	v3 =	vadd.f32 v48, v6  }
0x6b1: {  	v52 =	vld [tilespmem:s17+$0x8E50];
	v4 =	vadd.f32 v49, v4;
	[tilespmem:s24+$0x16200] =	vst v5  }
0x6b2: {  	v3 =	vadd.f32 v50, v3;
	v5 =	vld [tilespmem:s17+$0x9030]  }
0x6b3: {  	v4 =	vmul.f32 $2.500000000e-01, v4;
	v53 =	vld [tilespmem:s17+$0x90B0]  }
0x6b4: {  	s28 =	sor.u32 $0xC20, s2;
	v3 =	vadd.f32 v51, v3;
	v54 =	vld [tilespmem:s17+$0x9130]  }
0x6b5: {  	v55 =	vld [tilespmem:s17+$0x91B0];
	[tilespmem:s28+$0x16200] =	vst v4  }
0x6b6: {  	v3 =	vmul.f32 $2.500000000e-01, v3;
	v4 =	vld [tilespmem:s19+$0x8E30]  }
0x6b7: {  	s29 =	sor.u32 $0xC20, s21;
	v56 =	vld [tilespmem:s19+$0x8EB0]  }
0x6b8: {  	s11 =	sor.u32 $0xE30, s20;
	[tilespmem:s29+$0x16200] =	vst v3;
	v57 =	vld [tilespmem:s19+$0x8F30];
	v5 =	vadd.f32 v53, v5  }
0x6b9: {  	s14 =	sor.u32 $0xEB0, s20;
	v3 =	vld [tilespmem:s11+$0x8200]  }
0x6ba: {  	v58 =	vld [tilespmem:s14+$0x8200];
	v5 =	vadd.f32 v54, v5  }
0x6bb: {  	s23 =	sor.u32 $0xF30, s20;
	v59 =	vld [tilespmem:s19+$0x8FB0]  }
0x6bc: {  	v60 =	vld [tilespmem:s23+$0x8200];
	v4 =	vadd.f32 v56, v4;
	v5 =	vadd.f32 v55, v5  }
0x6bd: {  	v61 =	vld [tilespmem:s17+$0x8ED0];
	s24 =	sor.u32 $0xFB0, s20  }
0x6be: {  	v62 =	vld [tilespmem:s24+$0x8200];
	v4 =	vadd.f32 v57, v4;
	v5 =	vmul.f32 $2.500000000e-01, v5  }
0x6bf: {  	v63 =	vld [tilespmem:s17+$0x8F50];
	s28 =	sor.u32 $0xC30, s22;
	v3 =	vadd.f32 v58, v3  }
0x6c0: {  	v16 =	vld [tilespmem:s17+$0x8FD0];
	v4 =	vadd.f32 v59, v4;
	[tilespmem:s28+$0x16200] =	vst v5  }
0x6c1: {  	v3 =	vadd.f32 v60, v3;
	v5 =	vld [tilespmem:s17+$0x9040]  }
0x6c2: {  	v4 =	vmul.f32 $2.500000000e-01, v4;
	v17 =	vld [tilespmem:s17+$0x90C0]  }
0x6c3: {  	s29 =	sor.u32 $0xC30, s2;
	v3 =	vadd.f32 v62, v3;
	v18 =	vld [tilespmem:s17+$0x9140]  }
0x6c4: {  	v19 =	vld [tilespmem:s17+$0x91C0];
	[tilespmem:s29+$0x16200] =	vst v4  }
0x6c5: {  	v3 =	vmul.f32 $2.500000000e-01, v3;
	v4 =	vld [tilespmem:s19+$0x8E40]  }
0x6c6: {  	v6 =	vadd.f32 v61, v52;
	s11 =	sor.u32 $0xC30, s21;
	v20 =	vld [tilespmem:s19+$0x8EC0]  }
0x6c7: {  	s14 =	sor.u32 $0xE40, s20;
	[tilespmem:s11+$0x16200] =	vst v3;
	v21 =	vld [tilespmem:s19+$0x8F40];
	v5 =	vadd.f32 v17, v5  }
0x6c8: {  	s23 =	sor.u32 $0xEC0, s20;
	v3 =	vadd.f32 v63, v6;
	v22 =	vld [tilespmem:s14+$0x8200]  }
0x6c9: {  	v23 =	vld [tilespmem:s23+$0x8200];
	v5 =	vadd.f32 v18, v5  }
0x6ca: {  	s24 =	sor.u32 $0xF40, s20;
	v24 =	vld [tilespmem:s19+$0x8FC0];
	v3 =	vadd.f32 v16, v3  }
0x6cb: {  	v25 =	vld [tilespmem:s24+$0x8200];
	v4 =	vadd.f32 v20, v4;
	v5 =	vadd.f32 v19, v5  }
0x6cc: {  	s28 =	sor.u32 $0xFC0, s20;
	v3 =	vmul.f32 $2.500000000e-01, v3  }
0x6cd: {  	s29 =	sor.u32 $0xC50, s18;
	v26 =	vld [tilespmem:s28+$0x8200];
	v4 =	vadd.f32 v21, v4;
	v5 =	vmul.f32 $2.500000000e-01, v5  }
0x6ce: {  	s11 =	sor.u32 $0xC40, s22;
	[tilespmem:s29+$0x16200] =	vst v3;
	v3 =	vadd.f32 v23, v22  }
0x6cf: {  	v27 =	vld [tilespmem:s17+$0x8E60];
	v4 =	vadd.f32 v24, v4;
	[tilespmem:s11+$0x16200] =	vst v5  }
0x6d0: {  	v3 =	vadd.f32 v25, v3;
	v5 =	vld [tilespmem:s17+$0x9050]  }
0x6d1: {  	v4 =	vmul.f32 $2.500000000e-01, v4;
	v28 =	vld [tilespmem:s17+$0x90D0]  }
0x6d2: {  	s14 =	sor.u32 $0xC40, s2;
	v3 =	vadd.f32 v26, v3;
	v29 =	vld [tilespmem:s17+$0x9150]  }
0x6d3: {  	v30 =	vld [tilespmem:s17+$0x91D0];
	[tilespmem:s14+$0x16200] =	vst v4  }
0x6d4: {  	v3 =	vmul.f32 $2.500000000e-01, v3;
	v4 =	vld [tilespmem:s19+$0x8E50]  }
0x6d5: {  	s23 =	sor.u32 $0xC40, s21;
	v31 =	vld [tilespmem:s19+$0x8ED0]  }
0x6d6: {  	s24 =	sor.u32 $0xE50, s20;
	[tilespmem:s23+$0x16200] =	vst v3;
	v32 =	vld [tilespmem:s19+$0x8F50];
	v5 =	vadd.f32 v28, v5  }
0x6d7: {  	s28 =	sor.u32 $0xED0, s20;
	v3 =	vld [tilespmem:s24+$0x8200]  }
0x6d8: {  	v33 =	vld [tilespmem:s28+$0x8200];
	v5 =	vadd.f32 v29, v5  }
0x6d9: {  	s29 =	sor.u32 $0xF50, s20;
	v34 =	vld [tilespmem:s19+$0x8FD0]  }
0x6da: {  	v35 =	vld [tilespmem:s29+$0x8200];
	v4 =	vadd.f32 v31, v4;
	v5 =	vadd.f32 v30, v5  }
0x6db: {  	v36 =	vld [tilespmem:s17+$0x8EE0];
	s11 =	sor.u32 $0xFD0, s20  }
0x6dc: {  	v37 =	vld [tilespmem:s11+$0x8200];
	v4 =	vadd.f32 v32, v4;
	v5 =	vmul.f32 $2.500000000e-01, v5  }
0x6dd: {  	v38 =	vld [tilespmem:s17+$0x8F60];
	s14 =	sor.u32 $0xC50, s22;
	v3 =	vadd.f32 v33, v3  }
0x6de: {  	v39 =	vld [tilespmem:s17+$0x8FE0];
	v4 =	vadd.f32 v34, v4;
	[tilespmem:s14+$0x16200] =	vst v5  }
0x6df: {  	v3 =	vadd.f32 v35, v3;
	v5 =	vld [tilespmem:s17+$0x9060]  }
0x6e0: {  	v4 =	vmul.f32 $2.500000000e-01, v4;
	v40 =	vld [tilespmem:s17+$0x90E0]  }
0x6e1: {  	s23 =	sor.u32 $0xC50, s2;
	v3 =	vadd.f32 v37, v3;
	v41 =	vld [tilespmem:s17+$0x9160]  }
0x6e2: {  	v6 =	vadd.f32 v36, v27;
	v42 =	vld [tilespmem:s17+$0x91E0];
	[tilespmem:s23+$0x16200] =	vst v4  }
0x6e3: {  	v3 =	vmul.f32 $2.500000000e-01, v3;
	v44 =	vld [tilespmem:s19+$0x8E60]  }
0x6e4: {  	v43 =	vadd.f32 v38, v6;
	s24 =	sor.u32 $0xC50, s21;
	v45 =	vld [tilespmem:s19+$0x8EE0]  }
0x6e5: {  	s28 =	sor.u32 $0xE60, s20;
	[tilespmem:s24+$0x16200] =	vst v3;
	v46 =	vld [tilespmem:s19+$0x8F60]  }
0x6e6: {  	s29 =	sor.u32 $0xEE0, s20;
	v4 =	vadd.f32 v39, v43;
	v47 =	vld [tilespmem:s28+$0x8200];
	v3 =	vadd.f32 v40, v5  }
0x6e7: {  	v48 =	vld [tilespmem:s29+$0x8200]  }
0x6e8: {  	s14 =	sor.u32 $0xF60, s20;
	v49 =	vld [tilespmem:s19+$0x8FE0];
	v4 =	vmul.f32 $2.500000000e-01, v4;
	v3 =	vadd.f32 v41, v3  }
0x6e9: {  	s11 =	sor.u32 $0xC60, s18;
	s23 =	sor.u32 $0xFE0, s20;
	v50 =	vld [tilespmem:s14+$0x8200]  }
0x6ea: {  	v52 =	vld [tilespmem:s23+$0x8200];
	[tilespmem:s11+$0x16200] =	vst v4;
	v6 =	vadd.f32 v45, v44;
	v3 =	vadd.f32 v42, v3  }
0x6eb: {  	v51 =	vld [tilespmem:s17+$0x8E70]  }
0x6ec: {  	v53 =	vld [tilespmem:s17+$0x8EF0];
	v5 =	vadd.f32 v48, v47;
	v6 =	vadd.f32 v46, v6;
	v3 =	vmul.f32 $2.500000000e-01, v3  }
0x6ed: {  	s24 =	sor.u32 $0xC60, s22;
	v54 =	vld [tilespmem:s17+$0x8F70]  }
0x6ee: {  	v55 =	vld [tilespmem:s17+$0x8FF0];
	v4 =	vadd.f32 v50, v5;
	[tilespmem:s24+$0x16200] =	vst v3;
	v3 =	vadd.f32 v49, v6  }
0x6ef: {  	v56 =	vld [tilespmem:s17+$0x9070]  }
0x6f0: {  	v4 =	vadd.f32 v52, v4;
	v57 =	vld [tilespmem:s17+$0x90F0];
	v3 =	vmul.f32 $2.500000000e-01, v3  }
0x6f1: {  	s28 =	sor.u32 $0xC60, s2;
	v58 =	vld [tilespmem:s17+$0x9170]  }
0x6f2: {  	v59 =	vld [tilespmem:s17+$0x91F0];
	[tilespmem:s28+$0x16200] =	vst v3;
	v3 =	vmul.f32 $2.500000000e-01, v4  }
0x6f3: {  	s29 =	sor.u32 $0xC60, s21;
	v60 =	vld [tilespmem:s19+$0x8E70]  }
0x6f4: {  	s11 =	sor.u32 $0xE70, s20;
	v13 =	vld [tilespmem:s19+$0x8EF0];
	[tilespmem:s29+$0x16200] =	vst v3  }
0x6f5: {  	s14 =	sor.u32 $0xEF0, s20;
	v3 =	vld [tilespmem:s11+$0x8200]  }
0x6f6: {  	v14 =	vld [tilespmem:s14+$0x8200]  }
0x6f7: {  	s17 =	sor.u32 $0xF70, s20;
	v15 =	vld [tilespmem:s19+$0x8F70]  }
0x6f8: {  	v11 =	vadd.f32 v53, v51;
	v16 =	vld [tilespmem:s17+$0x8200]  }
0x6f9: {  	s20 =	sor.u32 $0xFF0, s20;
	v61 =	vld [tilespmem:s19+$0x8FF0];
	v5 =	vadd.f32 v57, v56  }
0x6fa: {  	v7 =	vadd.f32 v54, v11;
	v62 =	vld [tilespmem:s20+$0x8200];
	v4 =	vadd.f32 v13, v60  }
0x6fb: {  	v5 =	vadd.f32 v58, v5;
	v3 =	vadd.f32 v14, v3  }
0x6fc: {  	v7 =	vadd.f32 v55, v7;
	v4 =	vadd.f32 v15, v4  }
0x6fd: {  	v5 =	vadd.f32 v59, v5;
	v3 =	vadd.f32 v16, v3  }
0x6fe: {  	p0 =	slt.u32 s16, $0xC;
	v63 =	vmul.f32 $2.500000000e-01, v7;
	v4 =	vadd.f32 v61, v4  }
.Ltmp8:
0x6ff: {  	s23 =	sor.u32 $0xC70, s18;
	v5 =	vmul.f32 $2.500000000e-01, v5;
	v3 =	vadd.f32 v62, v3;
	(pc) =	sbr.rel @p0 .LBB2_10-.Ltmp8, $4  }
0x700: {  	s24 =	sor.u32 $0xC70, s22;
	[tilespmem:s23+$0x16200] =	vst v63;
	v4 =	vmul.f32 $2.500000000e-01, v4  }
0x701: {  	s2 =	sor.u32 $0xC70, s2;
	[tilespmem:s24+$0x16200] =	vst v5;
	v3 =	vmul.f32 $2.500000000e-01, v3  }
0x702: {  	s28 =	sor.u32 $0xC70, s21;
	s29 =	sadd.s32 $0x4, s16;
	[tilespmem:s2+$0x16200] =	vst v4  }
0x703: {  	s16 =	smov.u32 s29;
	[tilespmem:s28+$0x16200] =	vst v3  }
.Ltmp9:
0x704: {  	s2 =	sadd.s32 s15, s9;
	(pc) =	sbr.rel .LBB2_12-.Ltmp9, $4  }
0x705: {  	s2 =	sshll.u32 s2, $0x6  }
0x706: {  	s2 =	sadd.s32 s3, s2  }
0x707: {  	s6 =	simm.s32 $0x16200;
	s2 =	sadd.s32 $0x9C400, s2  }
0x708: {  	[hbm4b:s2+s4] =	stream.linear.scatter [tilespmem:s6], [sflag:$0x8], $0x2000, $0x38;
	[tilespmem:$0x18200] =	vst v63  }
.LBB2_14:
0x709: {  	_ =	sfence.sel $0x180000  }
0x70a: {  	[bflag:$0x0] =	sbarrier.arrive $0xFFFF  }
0x70b: {  	_ =	strace $0x90000047  }
0x70c: {  	s0 =	stileid.u32;
	[bflag:$0x2] =	sbarrier.arrive $0xFFFF  }
0x70d: {  	p0 =	sne.s32 s0, $0x0;
	s0 =	rddreg [dreg:$0x4]  }
0x70e: {  	s0 =	sadd.s32 @!p0 $0x100000, s0  }
0x70f: {  	[sflag:s0] =	ssyncadd.tile.s32 @!p0 $0x1;
	_ =	shalt  }
.Lfunc_end2:
_tile_overlayer_lowered:
.L_overlay_start_2:
0x710: {  	(tag) =	ssettag $0x2  }
0x711: {  	s0 =	rddreg [dreg:$0x0];
	s2 =	stileid.u32  }
0x712: {  	s1 =	rddreg [dreg:$0x1];
	p0 =	sne.s32 s2, $0x0  }
0x713: {  	s3 =	rddreg [dreg:$0x2];
	[bflag:$0x3] =	sbarrier.arrive $0xFFFF;
	s2 =	simm.s32 @!p0 $0x1C0B  }
0x714: {  	[timem:s3], [sflag:s2] =	dma.local @!p0 [hbm:s0], s1  }
0x715: {  	s0 =	simm.s32 @!p0 $0xB  }
0x716: {  	_ =	swait.ge @!p0 [sflag:s0], s1  }
0x717: {  	s1 =	ssub.s32 @!p0 $0x0, s1;
	[sflag:s0] =	ssyncset.done @!p0 $0x0  }
0x718: {  	[sflag:s0] =	ssyncadd.s32 @!p0 s1  }
0x719: {  	[bflag:$0x3] =	sbarrier.arrive $0xFFFF  }
0x71a: {  	_ =	shalt  }

</sc_bundles>
